<compile_context>
chip_gen: v7x
topology: tpu7x:2x2x1
jax: 0.10.2.dev20260603
libtpu: 0.0.44.dev20260713+nightly
codegen_flags: <defaults>
</compile_context>

<pallas_src>
import functools

import jax
import jax.numpy as jnp
from jax import lax
from jax.experimental import pallas as pl
from jax.experimental.pallas import tpu as pltpu
from jax.experimental.pallas import tpu_sc as plsc

VOCAB = 1000000
DIM = 64
B = 16384
CTX = 10
NEG = 20
NT = 1 + NEG

NC = 2
NS = 16
NW = NC * NS
L = 16
DCH = DIM // L

EPW = B // NW
CE = 16
NCHUNK = EPW // CE
CTX_I = CE * CTX
OUT_I = CE * NT

PD = 2 * DIM
TWB = 512
OFF = 500224
OFFB = OFF // TWB

LN2 = 0.6931471805599453
_LOG2P = (5.0603279536654e-06, 1.4423955889439504, -0.7169875678728092,
          0.4538582052898957, -0.272355827037999, 0.11790686114989256,
          -0.024825984442586733)


def _ln(v):
    bits = plsc.bitcast(v, jnp.int32)
    e = (bits >> 23) - 127
    m = plsc.bitcast((bits & 0x007FFFFF) | 0x3F800000, jnp.float32)
    t = m - 1.0
    p = jnp.full((L,), _LOG2P[-1], dtype=jnp.float32)
    for c in reversed(_LOG2P[:-1]):
        p = p * t + c
    return (e.astype(jnp.float32) + p) * LN2


def _pack_body(a_ref, b_ref, o_ref):
    o_ref[:, 0:DIM] = a_ref[...].T
    o_ref[:, DIM:PD] = b_ref[...].T


_pack = pl.pallas_call(
    _pack_body,
    grid=(OFFB,),
    in_specs=[pl.BlockSpec((DIM, TWB), lambda i: (0, i)),
              pl.BlockSpec((DIM, TWB), lambda i: (0, i + OFFB))],
    out_specs=pl.BlockSpec((TWB, PD), lambda i: (i, 0)),
    out_shape=jax.ShapeDtypeStruct((OFF, PD), jnp.float32),
)


def _sc_body(ctx_hbm, oidx_hbm, in_emb, out_emb, loss_hbm,
             ctx_idx_v, out_idx_v, ctx_sh_v, ctx_rows_v, out_rows_v,
             scores_v, acc_v, sem):
    wid = lax.axis_index("s") * NC + lax.axis_index("c")
    base = wid * EPW
    acc_v[...] = jnp.zeros((L,), jnp.float32)

    @pl.loop(0, NCHUNK)
    def _chunk(c):
        e0 = base + c * CE

        pltpu.sync_copy(ctx_hbm.at[pl.ds(e0 * CTX, CTX_I)], ctx_idx_v)
        pltpu.sync_copy(oidx_hbm.at[pl.ds(e0 * NT, OUT_I)], out_idx_v)
        for g in range(CTX_I // L):
            v = ctx_idx_v[pl.ds(g * L, L)]
            ctx_sh_v[pl.ds(g * L, L)] = \
                v - (v >= OFF).astype(jnp.int32) * OFF

        cps = []
        for g in range(2):
            cps.append(pltpu.async_copy(
                in_emb.at[ctx_sh_v.at[pl.ds(g * 80, 80)]],
                ctx_rows_v.at[pl.ds(g * 80, 80)], sem))
        for g in range(3):
            cps.append(pltpu.async_copy(
                out_emb.at[out_idx_v.at[pl.ds(g * 112, 112)]],
                out_rows_v.at[pl.ds(g * 112, 112)], sem))
        for cp in cps:
            cp.wait()

        @pl.loop(0, CE)
        def _elem(i):
            cbase = i * CTX
            cpar = (ctx_idx_v[pl.ds(cbase, L)] >= OFF).astype(jnp.int32) * DIM
            cm = []
            for j in range(DCH):
                a = ctx_rows_v[cbase, pl.ds(cpar[0] + j * L, L)]
                for r in range(1, CTX):
                    a = a + ctx_rows_v[cbase + r, pl.ds(cpar[r] + j * L, L)]
                cm.append(a * (1.0 / CTX))
            obase = i * NT
            for t in range(NT):
                p = cm[0] * out_rows_v[obase + t, pl.ds(0, L)]
                for j in range(1, DCH):
                    p = p + cm[j] * out_rows_v[obase + t, pl.ds(j * L, L)]
                scores_v[obase + t, pl.ds(0, L)] = p

        riota = lax.iota(jnp.int32, L)
        tot = None
        for t in range(NT):
            rows = riota * NT + t
            s = plsc.load_gather(scores_v, [rows, jnp.zeros((L,), jnp.int32)])
            for l in range(1, L):
                s = s + plsc.load_gather(
                    scores_v, [rows, jnp.full((L,), l, jnp.int32)])
            sg = 1.0 / (1.0 + jnp.exp(-s))
            if t == 0:
                tot = _ln(sg + 1e-10)
            else:
                tot = tot + _ln((1.0 - sg) + 1e-10)
        acc_v[...] += tot

    pltpu.sync_copy(acc_v, loss_hbm.at[wid])


_sc_loss = functools.partial(
    pl.kernel,
    out_type=jax.ShapeDtypeStruct((NW, L), jnp.float32),
    mesh=plsc.VectorSubcoreMesh(core_axis_name="c", subcore_axis_name="s"),
    scratch_types=[
        pltpu.VMEM((CTX_I,), jnp.int32),
        pltpu.VMEM((OUT_I,), jnp.int32),
        pltpu.VMEM((CTX_I,), jnp.int32),
        pltpu.VMEM((CTX_I, PD), jnp.float32),
        pltpu.VMEM((OUT_I, DIM), jnp.float32),
        pltpu.VMEM((OUT_I, L + 1), jnp.float32),
        pltpu.VMEM((L,), jnp.float32),
        pltpu.SemaphoreType.DMA,
    ],
    compiler_params=pltpu.CompilerParams(use_tc_tiling_on_sc=False,
                                         needs_layout_passes=False),
)(_sc_body)


def _tc_body(part_ref, o_ref):
    o_ref[0, 0] = -jnp.sum(part_ref[...]) * (1.0 / B)


_tc_sum = pl.pallas_call(
    _tc_body,
    out_specs=pl.BlockSpec(memory_space=pltpu.SMEM),
    out_shape=jax.ShapeDtypeStruct((1, 1), jnp.float32),
)


@jax.jit
def kernel(context_idxs, target_idx, negative_idxs, in_embed, out_embed):
    ctx_flat = context_idxs.astype(jnp.int32).reshape(B * CTX)
    out_idx = jnp.concatenate(
        [target_idx.astype(jnp.int32)[:, None],
         negative_idxs.astype(jnp.int32)], axis=1).reshape(B * NT)
    in_rm = _pack(in_embed.T, in_embed.T)
    part = _sc_loss(ctx_flat, out_idx, in_rm, out_embed)
    return _tc_sum(part)[0, 0]

# --- scband reference (transcript-rebuilt; emitter-appended) ---
"""Pipeline reference for scband-cbowmodel-90263032693057 (READ-ONLY COPY).

The authoritative reference and input builder live on the scoring server;
editing this copy changes nothing except your own understanding.
"""

import jax, jax.numpy as jnp
import numpy as np

VOCAB = 1000000
DIM = 64
B = 16384
CTX = 10
NEG = 20

def setup_inputs(seed: int = 0) -> dict:
    key = jax.random.key(seed)
    k1, k2, k3, k4, k5 = jax.random.split(key, 5)
    context_idxs = jax.random.randint(k1, (B, CTX), 0, VOCAB, dtype=jnp.int64)
    target_idx = jax.random.randint(k2, (B,), 0, VOCAB, dtype=jnp.int64)
    negative_idxs = jax.random.randint(k3, (B, NEG), 0, VOCAB, dtype=jnp.int64)
    in_embed = jax.random.normal(k4, (VOCAB, DIM), dtype=jnp.float32) * 0.1
    out_embed = jax.random.normal(k5, (VOCAB, DIM), dtype=jnp.float32) * 0.1
    return {"context_idxs": context_idxs, "target_idx": target_idx,
            "negative_idxs": negative_idxs, "in_embed": in_embed,
            "out_embed": out_embed}

def reference(context_idxs, target_idx, negative_idxs, in_embed, out_embed):
    # context embeddings: gather [B, CTX, D] then mean over context window
    context_embeds = jnp.take(in_embed, context_idxs, axis=0)
    context_mean = context_embeds.mean(axis=1)  # [B, D]
    # positive target
    target_embed = jnp.take(out_embed, target_idx, axis=0)  # [B, D]
    pos_score = jnp.sum(context_mean * target_embed, axis=1)  # [B]
    pos_loss = jnp.log(jax.nn.sigmoid(pos_score) + 1e-10)
    # negatives: [B, NEG, D] bmm with [B, D, 1] -> [B, NEG]
    neg_embed = jnp.take(out_embed, negative_idxs, axis=0)
    neg_score = jnp.einsum('bkd,bd->bk', neg_embed, context_mean)
    neg_loss = jnp.sum(jnp.log(1.0 - jax.nn.sigmoid(neg_score) + 1e-10), axis=1)
    loss = -(pos_loss + neg_loss)
    return loss.mean()

if __name__ == "__main__":
    import jax
    _d = setup_inputs()
    print(jax.jit(kernel)(*tuple(_d.values())))

</pallas_src>

<mosaic_0001>
#map = affine_map<(d0, d1) -> (0)>
#map1 = affine_map<(d0, d1) -> (0, 0)>
module attributes {stable_mosaic.version = 14 : i64} {
  func.func @_sc_body(%arg0: i32, %arg1: i32, %arg2: memref<163840xi32, #tpu.memory_space<hbm>>, %arg3: memref<344064xi32, #tpu.memory_space<hbm>>, %arg4: memref<500224x128xf32, #tpu.memory_space<hbm>>, %arg5: memref<1000000x64xf32, #tpu.memory_space<hbm>>, %arg6: memref<32x16xf32, #tpu.memory_space<hbm>>, %arg7: memref<160xi32, #tpu.memory_space<vmem>>, %arg8: memref<336xi32, #tpu.memory_space<vmem>>, %arg9: memref<160xi32, #tpu.memory_space<vmem>>, %arg10: memref<160x128xf32, #tpu.memory_space<vmem>>, %arg11: memref<336x64xf32, #tpu.memory_space<vmem>>, %arg12: memref<336x17xf32, #tpu.memory_space<vmem>>, %arg13: memref<16xf32, #tpu.memory_space<vmem>>, %arg14: memref<!tpu.dma_semaphore, #tpu.memory_space<semaphore_mem>>) attributes {dimension_semantics = [#tpu.dimension_semantics<core_parallel>, #tpu.dimension_semantics<subcore_parallel>], iteration_bounds = array<i64: 2, 16>, scalar_prefetch = 0 : i64, scratch_operands = 8 : i64, tpu.core_type = #tpu.core_type<sc_vector_subcore>, window_params = [{transform_indices = #map}, {transform_indices = #map}, {transform_indices = #map1}, {transform_indices = #map1}, {transform_indices = #map1}]} {
    %mul3A = arith.constant 2 : i32
    %mul3A_0 = arith.muli %arg1, %mul3A : i32
    %add3A = arith.addi %mul3A_0, %arg0 : i32
    %mul3A_1 = arith.constant 512 : i32
    %mul3A_2 = arith.muli %add3A, %mul3A_1 : i32
    %broadcast_in_dim3A = arith.constant 0.000000e+00 : f32
    %broadcast_in_dim3A_3 = vector.broadcast %broadcast_in_dim3A : f32 to vector<16xf32>
    %swap3A = arith.constant 0 : index
    %swap3A_4 = tpu.vector_load %arg13[%swap3A] {strides = array<i32>} : memref<16xf32, #tpu.memory_space<vmem>>, vector<16xf32>,
    tpu.vector_store %arg13[%swap3A], %broadcast_in_dim3A_3 {strides = array<i32>} : memref<16xf32, #tpu.memory_space<vmem>>, vector<16xf32>,
    %scan3A = arith.constant 0 : i32
    %scan3A_5 = arith.constant 32 : i32
    %scan3A_6 = arith.addi %scan3A, %scan3A_5 : i32
    %scan3A_7 = arith.constant 1 : i32
    scf.for %scan3A_9 = %scan3A to %scan3A_6 step %scan3A_7  : i32 {
      %mul3A_10 = arith.constant 1 : i32
      %mul3A_11 = arith.muli %scan3A_9, %mul3A_10 : i32
      %add3A_12 = arith.constant 0 : i32
      %add3A_13 = arith.addi %add3A_12, %mul3A_11 : i32
      %mul3A_14 = arith.constant 16 : i32
      %mul3A_15 = arith.muli %add3A_13, %mul3A_14 : i32
      %add3A_16 = arith.addi %mul3A_2, %mul3A_15 : i32
      %mul3A_17 = arith.constant 10 : i32
      %mul3A_18 = arith.muli %add3A_16, %mul3A_17 : i32
      "tpu.region"() ({
        %run_scoped3A = tpu.sem_alloc : memref<!tpu.dma_semaphore, #tpu.memory_space<semaphore_mem>>
        %dma_start3A_3027 = tpu.memref_slice %arg2[%mul3A_18] : memref<163840xi32, #tpu.memory_space<hbm>> -> memref<160xi32, #tpu.memory_space<hbm>>
        %dma_start3A_3028 = tpu.memref_slice %arg2[%mul3A_18] : memref<163840xi32, #tpu.memory_space<hbm>> -> memref<160xi32, #tpu.memory_space<hbm>>
        tpu.enqueue_dma source(%dma_start3A_3028 : memref<160xi32, #tpu.memory_space<hbm>>) target(%arg7 : memref<160xi32, #tpu.memory_space<vmem>>) target_semaphore(%run_scoped3A : memref<!tpu.dma_semaphore, #tpu.memory_space<semaphore_mem>>)
        %dma_wait3A_3029 = tpu.memref_slice %arg2[%mul3A_18] : memref<163840xi32, #tpu.memory_space<hbm>> -> memref<160xi32, #tpu.memory_space<hbm>>
        %dma_wait3A_3030 = tpu.memref_slice %arg2[%mul3A_18] : memref<163840xi32, #tpu.memory_space<hbm>> -> memref<160xi32, #tpu.memory_space<hbm>>
        tpu.wait_dma2 semaphore(%run_scoped3A : memref<!tpu.dma_semaphore, #tpu.memory_space<semaphore_mem>>) src(%dma_wait3A_3030 : memref<160xi32, #tpu.memory_space<hbm>>) dst(%arg7 : memref<160xi32, #tpu.memory_space<vmem>>)
        tpu.yield
      }) : () -> ()
      %mul3A_19 = arith.constant 21 : i32
      %mul3A_20 = arith.muli %add3A_16, %mul3A_19 : i32
      "tpu.region"() ({
        %run_scoped3A = tpu.sem_alloc : memref<!tpu.dma_semaphore, #tpu.memory_space<semaphore_mem>>
        %dma_start3A_3027 = tpu.memref_slice %arg3[%mul3A_20] : memref<344064xi32, #tpu.memory_space<hbm>> -> memref<336xi32, #tpu.memory_space<hbm>>
        %dma_start3A_3028 = tpu.memref_slice %arg3[%mul3A_20] : memref<344064xi32, #tpu.memory_space<hbm>> -> memref<336xi32, #tpu.memory_space<hbm>>
        tpu.enqueue_dma source(%dma_start3A_3028 : memref<336xi32, #tpu.memory_space<hbm>>) target(%arg8 : memref<336xi32, #tpu.memory_space<vmem>>) target_semaphore(%run_scoped3A : memref<!tpu.dma_semaphore, #tpu.memory_space<semaphore_mem>>)
        %dma_wait3A_3029 = tpu.memref_slice %arg3[%mul3A_20] : memref<344064xi32, #tpu.memory_space<hbm>> -> memref<336xi32, #tpu.memory_space<hbm>>
        %dma_wait3A_3030 = tpu.memref_slice %arg3[%mul3A_20] : memref<344064xi32, #tpu.memory_space<hbm>> -> memref<336xi32, #tpu.memory_space<hbm>>
        tpu.wait_dma2 semaphore(%run_scoped3A : memref<!tpu.dma_semaphore, #tpu.memory_space<semaphore_mem>>) src(%dma_wait3A_3030 : memref<336xi32, #tpu.memory_space<hbm>>) dst(%arg8 : memref<336xi32, #tpu.memory_space<vmem>>)
        tpu.yield
      }) : () -> ()
      %get3A = arith.constant 0 : index
      %get3A_21 = tpu.vector_load %arg7[%get3A] {strides = array<i32>} : memref<160xi32, #tpu.memory_space<vmem>>, vector<16xi32>,
      %ge3A = arith.constant 500224 : i32
      %ge3A_22 = vector.broadcast %ge3A : i32 to vector<16xi32>
      %ge3A_23 = arith.cmpi sge, %get3A_21, %ge3A_22 : vector<16xi32>
      %convert_element_type3A = arith.extui %ge3A_23 : vector<16xi1> to vector<16xi32>
      %mul3A_24 = arith.constant 500224 : i32
      %mul3A_25 = vector.broadcast %mul3A_24 : i32 to vector<16xi32>
      %mul3A_26 = arith.muli %convert_element_type3A, %mul3A_25 : vector<16xi32>
      %sub3A = arith.subi %get3A_21, %mul3A_26 : vector<16xi32>
      %swap3A_27 = arith.constant 0 : index
      %swap3A_28 = tpu.vector_load %arg9[%swap3A_27] {strides = array<i32>} : memref<160xi32, #tpu.memory_space<vmem>>, vector<16xi32>,
      tpu.vector_store %arg9[%swap3A_27], %sub3A {strides = array<i32>} : memref<160xi32, #tpu.memory_space<vmem>>, vector<16xi32>,
      %get3A_29 = arith.constant 16 : index
      %get3A_30 = tpu.vector_load %arg7[%get3A_29] {strides = array<i32>} : memref<160xi32, #tpu.memory_space<vmem>>, vector<16xi32>,
      %ge3A_31 = arith.constant 500224 : i32
      %ge3A_32 = vector.broadcast %ge3A_31 : i32 to vector<16xi32>
      %ge3A_33 = arith.cmpi sge, %get3A_30, %ge3A_32 : vector<16xi32>
      %convert_element_type3A_34 = arith.extui %ge3A_33 : vector<16xi1> to vector<16xi32>
      %mul3A_35 = arith.constant 500224 : i32
      %mul3A_36 = vector.broadcast %mul3A_35 : i32 to vector<16xi32>
      %mul3A_37 = arith.muli %convert_element_type3A_34, %mul3A_36 : vector<16xi32>
      %sub3A_38 = arith.subi %get3A_30, %mul3A_37 : vector<16xi32>
      %swap3A_39 = arith.constant 16 : index
      %swap3A_40 = tpu.vector_load %arg9[%swap3A_39] {strides = array<i32>} : memref<160xi32, #tpu.memory_space<vmem>>, vector<16xi32>,
      tpu.vector_store %arg9[%swap3A_39], %sub3A_38 {strides = array<i32>} : memref<160xi32, #tpu.memory_space<vmem>>, vector<16xi32>,
      %get3A_41 = arith.constant 32 : index
      %get3A_42 = tpu.vector_load %arg7[%get3A_41] {strides = array<i32>} : memref<160xi32, #tpu.memory_space<vmem>>, vector<16xi32>,
      %ge3A_43 = arith.constant 500224 : i32
      %ge3A_44 = vector.broadcast %ge3A_43 : i32 to vector<16xi32>
      %ge3A_45 = arith.cmpi sge, %get3A_42, %ge3A_44 : vector<16xi32>
      %convert_element_type3A_46 = arith.extui %ge3A_45 : vector<16xi1> to vector<16xi32>
      %mul3A_47 = arith.constant 500224 : i32
      %mul3A_48 = vector.broadcast %mul3A_47 : i32 to vector<16xi32>
      %mul3A_49 = arith.muli %convert_element_type3A_46, %mul3A_48 : vector<16xi32>
      %sub3A_50 = arith.subi %get3A_42, %mul3A_49 : vector<16xi32>
      %swap3A_51 = arith.constant 32 : index
      %swap3A_52 = tpu.vector_load %arg9[%swap3A_51] {strides = array<i32>} : memref<160xi32, #tpu.memory_space<vmem>>, vector<16xi32>,
      tpu.vector_store %arg9[%swap3A_51], %sub3A_50 {strides = array<i32>} : memref<160xi32, #tpu.memory_space<vmem>>, vector<16xi32>,
      %get3A_53 = arith.constant 48 : index
      %get3A_54 = tpu.vector_load %arg7[%get3A_53] {strides = array<i32>} : memref<160xi32, #tpu.memory_space<vmem>>, vector<16xi32>,
      %ge3A_55 = arith.constant 500224 : i32
      %ge3A_56 = vector.broadcast %ge3A_55 : i32 to vector<16xi32>
      %ge3A_57 = arith.cmpi sge, %get3A_54, %ge3A_56 : vector<16xi32>
      %convert_element_type3A_58 = arith.extui %ge3A_57 : vector<16xi1> to vector<16xi32>
      %mul3A_59 = arith.constant 500224 : i32
      %mul3A_60 = vector.broadcast %mul3A_59 : i32 to vector<16xi32>
      %mul3A_61 = arith.muli %convert_element_type3A_58, %mul3A_60 : vector<16xi32>
      %sub3A_62 = arith.subi %get3A_54, %mul3A_61 : vector<16xi32>
      %swap3A_63 = arith.constant 48 : index
      %swap3A_64 = tpu.vector_load %arg9[%swap3A_63] {strides = array<i32>} : memref<160xi32, #tpu.memory_space<vmem>>, vector<16xi32>,
      tpu.vector_store %arg9[%swap3A_63], %sub3A_62 {strides = array<i32>} : memref<160xi32, #tpu.memory_space<vmem>>, vector<16xi32>,
      %get3A_65 = arith.constant 64 : index
      %get3A_66 = tpu.vector_load %arg7[%get3A_65] {strides = array<i32>} : memref<160xi32, #tpu.memory_space<vmem>>, vector<16xi32>,
      %ge3A_67 = arith.constant 500224 : i32
      %ge3A_68 = vector.broadcast %ge3A_67 : i32 to vector<16xi32>
      %ge3A_69 = arith.cmpi sge, %get3A_66, %ge3A_68 : vector<16xi32>
      %convert_element_type3A_70 = arith.extui %ge3A_69 : vector<16xi1> to vector<16xi32>
      %mul3A_71 = arith.constant 500224 : i32
      %mul3A_72 = vector.broadcast %mul3A_71 : i32 to vector<16xi32>
      %mul3A_73 = arith.muli %convert_element_type3A_70, %mul3A_72 : vector<16xi32>
      %sub3A_74 = arith.subi %get3A_66, %mul3A_73 : vector<16xi32>
      %swap3A_75 = arith.constant 64 : index
      %swap3A_76 = tpu.vector_load %arg9[%swap3A_75] {strides = array<i32>} : memref<160xi32, #tpu.memory_space<vmem>>, vector<16xi32>,
      tpu.vector_store %arg9[%swap3A_75], %sub3A_74 {strides = array<i32>} : memref<160xi32, #tpu.memory_space<vmem>>, vector<16xi32>,
      %get3A_77 = arith.constant 80 : index
      %get3A_78 = tpu.vector_load %arg7[%get3A_77] {strides = array<i32>} : memref<160xi32, #tpu.memory_space<vmem>>, vector<16xi32>,
      %ge3A_79 = arith.constant 500224 : i32
      %ge3A_80 = vector.broadcast %ge3A_79 : i32 to vector<16xi32>
      %ge3A_81 = arith.cmpi sge, %get3A_78, %ge3A_80 : vector<16xi32>
      %convert_element_type3A_82 = arith.extui %ge3A_81 : vector<16xi1> to vector<16xi32>
      %mul3A_83 = arith.constant 500224 : i32
      %mul3A_84 = vector.broadcast %mul3A_83 : i32 to vector<16xi32>
      %mul3A_85 = arith.muli %convert_element_type3A_82, %mul3A_84 : vector<16xi32>
      %sub3A_86 = arith.subi %get3A_78, %mul3A_85 : vector<16xi32>
      %swap3A_87 = arith.constant 80 : index
      %swap3A_88 = tpu.vector_load %arg9[%swap3A_87] {strides = array<i32>} : memref<160xi32, #tpu.memory_space<vmem>>, vector<16xi32>,
      tpu.vector_store %arg9[%swap3A_87], %sub3A_86 {strides = array<i32>} : memref<160xi32, #tpu.memory_space<vmem>>, vector<16xi32>,
      %get3A_89 = arith.constant 96 : index
      %get3A_90 = tpu.vector_load %arg7[%get3A_89] {strides = array<i32>} : memref<160xi32, #tpu.memory_space<vmem>>, vector<16xi32>,
      %ge3A_91 = arith.constant 500224 : i32
      %ge3A_92 = vector.broadcast %ge3A_91 : i32 to vector<16xi32>
      %ge3A_93 = arith.cmpi sge, %get3A_90, %ge3A_92 : vector<16xi32>
      %convert_element_type3A_94 = arith.extui %ge3A_93 : vector<16xi1> to vector<16xi32>
      %mul3A_95 = arith.constant 500224 : i32
      %mul3A_96 = vector.broadcast %mul3A_95 : i32 to vector<16xi32>
      %mul3A_97 = arith.muli %convert_element_type3A_94, %mul3A_96 : vector<16xi32>
      %sub3A_98 = arith.subi %get3A_90, %mul3A_97 : vector<16xi32>
      %swap3A_99 = arith.constant 96 : index
      %swap3A_100 = tpu.vector_load %arg9[%swap3A_99] {strides = array<i32>} : memref<160xi32, #tpu.memory_space<vmem>>, vector<16xi32>,
      tpu.vector_store %arg9[%swap3A_99], %sub3A_98 {strides = array<i32>} : memref<160xi32, #tpu.memory_space<vmem>>, vector<16xi32>,
      %get3A_101 = arith.constant 112 : index
      %get3A_102 = tpu.vector_load %arg7[%get3A_101] {strides = array<i32>} : memref<160xi32, #tpu.memory_space<vmem>>, vector<16xi32>,
      %ge3A_103 = arith.constant 500224 : i32
      %ge3A_104 = vector.broadcast %ge3A_103 : i32 to vector<16xi32>
      %ge3A_105 = arith.cmpi sge, %get3A_102, %ge3A_104 : vector<16xi32>
      %convert_element_type3A_106 = arith.extui %ge3A_105 : vector<16xi1> to vector<16xi32>
      %mul3A_107 = arith.constant 500224 : i32
      %mul3A_108 = vector.broadcast %mul3A_107 : i32 to vector<16xi32>
      %mul3A_109 = arith.muli %convert_element_type3A_106, %mul3A_108 : vector<16xi32>
      %sub3A_110 = arith.subi %get3A_102, %mul3A_109 : vector<16xi32>
      %swap3A_111 = arith.constant 112 : index
      %swap3A_112 = tpu.vector_load %arg9[%swap3A_111] {strides = array<i32>} : memref<160xi32, #tpu.memory_space<vmem>>, vector<16xi32>,
      tpu.vector_store %arg9[%swap3A_111], %sub3A_110 {strides = array<i32>} : memref<160xi32, #tpu.memory_space<vmem>>, vector<16xi32>,
      %get3A_113 = arith.constant 128 : index
      %get3A_114 = tpu.vector_load %arg7[%get3A_113] {strides = array<i32>} : memref<160xi32, #tpu.memory_space<vmem>>, vector<16xi32>,
      %ge3A_115 = arith.constant 500224 : i32
      %ge3A_116 = vector.broadcast %ge3A_115 : i32 to vector<16xi32>
      %ge3A_117 = arith.cmpi sge, %get3A_114, %ge3A_116 : vector<16xi32>
      %convert_element_type3A_118 = arith.extui %ge3A_117 : vector<16xi1> to vector<16xi32>
      %mul3A_119 = arith.constant 500224 : i32
      %mul3A_120 = vector.broadcast %mul3A_119 : i32 to vector<16xi32>
      %mul3A_121 = arith.muli %convert_element_type3A_118, %mul3A_120 : vector<16xi32>
      %sub3A_122 = arith.subi %get3A_114, %mul3A_121 : vector<16xi32>
      %swap3A_123 = arith.constant 128 : index
      %swap3A_124 = tpu.vector_load %arg9[%swap3A_123] {strides = array<i32>} : memref<160xi32, #tpu.memory_space<vmem>>, vector<16xi32>,
      tpu.vector_store %arg9[%swap3A_123], %sub3A_122 {strides = array<i32>} : memref<160xi32, #tpu.memory_space<vmem>>, vector<16xi32>,
      %get3A_125 = arith.constant 144 : index
      %get3A_126 = tpu.vector_load %arg7[%get3A_125] {strides = array<i32>} : memref<160xi32, #tpu.memory_space<vmem>>, vector<16xi32>,
      %ge3A_127 = arith.constant 500224 : i32
      %ge3A_128 = vector.broadcast %ge3A_127 : i32 to vector<16xi32>
      %ge3A_129 = arith.cmpi sge, %get3A_126, %ge3A_128 : vector<16xi32>
      %convert_element_type3A_130 = arith.extui %ge3A_129 : vector<16xi1> to vector<16xi32>
      %mul3A_131 = arith.constant 500224 : i32
      %mul3A_132 = vector.broadcast %mul3A_131 : i32 to vector<16xi32>
      %mul3A_133 = arith.muli %convert_element_type3A_130, %mul3A_132 : vector<16xi32>
      %sub3A_134 = arith.subi %get3A_126, %mul3A_133 : vector<16xi32>
      %swap3A_135 = arith.constant 144 : index
      %swap3A_136 = tpu.vector_load %arg9[%swap3A_135] {strides = array<i32>} : memref<160xi32, #tpu.memory_space<vmem>>, vector<16xi32>,
      tpu.vector_store %arg9[%swap3A_135], %sub3A_134 {strides = array<i32>} : memref<160xi32, #tpu.memory_space<vmem>>, vector<16xi32>,
      %dma_start3A = arith.constant 0 : i32
      %dma_start3A_137 = arith.constant 0 : i32
      %dma_start3A_138 = tpu.memref_slice %arg10[%dma_start3A, %dma_start3A_137] : memref<160x128xf32, #tpu.memory_space<vmem>> -> memref<80x128xf32, #tpu.memory_space<vmem>>
      %dma_start3A_139 = arith.constant 0 : i32
      %dma_start3A_140 = tpu.memref_slice %arg9[%dma_start3A_139] : memref<160xi32, #tpu.memory_space<vmem>> -> memref<80xi32, #tpu.memory_space<vmem>>
      %dma_start3A_141 = arith.constant 0 : i32
      %dma_start3A_142 = arith.constant 0 : i32
      %dma_start3A_143 = tpu.memref_slice %arg4[%dma_start3A_141, %dma_start3A_142] : memref<500224x128xf32, #tpu.memory_space<hbm>> -> memref<500224x128xf32, #tpu.memory_space<hbm>>
      tpu.enqueue_indirect_dma source(%dma_start3A_143 : memref<500224x128xf32, #tpu.memory_space<hbm>>) target(%dma_start3A_138 : memref<80x128xf32, #tpu.memory_space<vmem>>) offsets(%dma_start3A_140 : memref<80xi32, #tpu.memory_space<vmem>>) semaphore(%arg14 : memref<!tpu.dma_semaphore, #tpu.memory_space<semaphore_mem>>)
      %dma_start3A_144 = arith.constant 80 : i32
      %dma_start3A_145 = arith.constant 0 : i32
      %dma_start3A_146 = tpu.memref_slice %arg10[%dma_start3A_144, %dma_start3A_145] : memref<160x128xf32, #tpu.memory_space<vmem>> -> memref<80x128xf32, #tpu.memory_space<vmem>>
      %dma_start3A_147 = arith.constant 80 : i32
      %dma_start3A_148 = tpu.memref_slice %arg9[%dma_start3A_147] : memref<160xi32, #tpu.memory_space<vmem>> -> memref<80xi32, #tpu.memory_space<vmem>>
      %dma_start3A_149 = arith.constant 0 : i32
      %dma_start3A_150 = arith.constant 0 : i32
      %dma_start3A_151 = tpu.memref_slice %arg4[%dma_start3A_149, %dma_start3A_150] : memref<500224x128xf32, #tpu.memory_space<hbm>> -> memref<500224x128xf32, #tpu.memory_space<hbm>>
      tpu.enqueue_indirect_dma source(%dma_start3A_151 : memref<500224x128xf32, #tpu.memory_space<hbm>>) target(%dma_start3A_146 : memref<80x128xf32, #tpu.memory_space<vmem>>) offsets(%dma_start3A_148 : memref<80xi32, #tpu.memory_space<vmem>>) semaphore(%arg14 : memref<!tpu.dma_semaphore, #tpu.memory_space<semaphore_mem>>)
      %dma_start3A_152 = arith.constant 0 : i32
      %dma_start3A_153 = arith.constant 0 : i32
      %dma_start3A_154 = tpu.memref_slice %arg11[%dma_start3A_152, %dma_start3A_153] : memref<336x64xf32, #tpu.memory_space<vmem>> -> memref<112x64xf32, #tpu.memory_space<vmem>>
      %dma_start3A_155 = arith.constant 0 : i32
      %dma_start3A_156 = tpu.memref_slice %arg8[%dma_start3A_155] : memref<336xi32, #tpu.memory_space<vmem>> -> memref<112xi32, #tpu.memory_space<vmem>>
      %dma_start3A_157 = arith.constant 0 : i32
      %dma_start3A_158 = arith.constant 0 : i32
      %dma_start3A_159 = tpu.memref_slice %arg5[%dma_start3A_157, %dma_start3A_158] : memref<1000000x64xf32, #tpu.memory_space<hbm>> -> memref<1000000x64xf32, #tpu.memory_space<hbm>>
      tpu.enqueue_indirect_dma source(%dma_start3A_159 : memref<1000000x64xf32, #tpu.memory_space<hbm>>) target(%dma_start3A_154 : memref<112x64xf32, #tpu.memory_space<vmem>>) offsets(%dma_start3A_156 : memref<112xi32, #tpu.memory_space<vmem>>) semaphore(%arg14 : memref<!tpu.dma_semaphore, #tpu.memory_space<semaphore_mem>>)
      %dma_start3A_160 = arith.constant 112 : i32
      %dma_start3A_161 = arith.constant 0 : i32
      %dma_start3A_162 = tpu.memref_slice %arg11[%dma_start3A_160, %dma_start3A_161] : memref<336x64xf32, #tpu.memory_space<vmem>> -> memref<112x64xf32, #tpu.memory_space<vmem>>
      %dma_start3A_163 = arith.constant 112 : i32
      %dma_start3A_164 = tpu.memref_slice %arg8[%dma_start3A_163] : memref<336xi32, #tpu.memory_space<vmem>> -> memref<112xi32, #tpu.memory_space<vmem>>
      %dma_start3A_165 = arith.constant 0 : i32
      %dma_start3A_166 = arith.constant 0 : i32
      %dma_start3A_167 = tpu.memref_slice %arg5[%dma_start3A_165, %dma_start3A_166] : memref<1000000x64xf32, #tpu.memory_space<hbm>> -> memref<1000000x64xf32, #tpu.memory_space<hbm>>
      tpu.enqueue_indirect_dma source(%dma_start3A_167 : memref<1000000x64xf32, #tpu.memory_space<hbm>>) target(%dma_start3A_162 : memref<112x64xf32, #tpu.memory_space<vmem>>) offsets(%dma_start3A_164 : memref<112xi32, #tpu.memory_space<vmem>>) semaphore(%arg14 : memref<!tpu.dma_semaphore, #tpu.memory_space<semaphore_mem>>)
      %dma_start3A_168 = arith.constant 224 : i32
      %dma_start3A_169 = arith.constant 0 : i32
      %dma_start3A_170 = tpu.memref_slice %arg11[%dma_start3A_168, %dma_start3A_169] : memref<336x64xf32, #tpu.memory_space<vmem>> -> memref<112x64xf32, #tpu.memory_space<vmem>>
      %dma_start3A_171 = arith.constant 224 : i32
      %dma_start3A_172 = tpu.memref_slice %arg8[%dma_start3A_171] : memref<336xi32, #tpu.memory_space<vmem>> -> memref<112xi32, #tpu.memory_space<vmem>>
      %dma_start3A_173 = arith.constant 0 : i32
      %dma_start3A_174 = arith.constant 0 : i32
      %dma_start3A_175 = tpu.memref_slice %arg5[%dma_start3A_173, %dma_start3A_174] : memref<1000000x64xf32, #tpu.memory_space<hbm>> -> memref<1000000x64xf32, #tpu.memory_space<hbm>>
      tpu.enqueue_indirect_dma source(%dma_start3A_175 : memref<1000000x64xf32, #tpu.memory_space<hbm>>) target(%dma_start3A_170 : memref<112x64xf32, #tpu.memory_space<vmem>>) offsets(%dma_start3A_172 : memref<112xi32, #tpu.memory_space<vmem>>) semaphore(%arg14 : memref<!tpu.dma_semaphore, #tpu.memory_space<semaphore_mem>>)
      %dma_wait3A = arith.constant 0 : i32
      %dma_wait3A_176 = arith.constant 0 : i32
      %dma_wait3A_177 = tpu.memref_slice %arg10[%dma_wait3A, %dma_wait3A_176] : memref<160x128xf32, #tpu.memory_space<vmem>> -> memref<80x128xf32, #tpu.memory_space<vmem>>
      %dma_wait3A_178 = arith.constant 0 : i32
      %dma_wait3A_179 = tpu.memref_slice %arg9[%dma_wait3A_178] : memref<160xi32, #tpu.memory_space<vmem>> -> memref<80xi32, #tpu.memory_space<vmem>>
      %dma_wait3A_180 = arith.constant 0 : i32
      %dma_wait3A_181 = arith.constant 0 : i32
      %dma_wait3A_182 = tpu.memref_slice %arg4[%dma_wait3A_180, %dma_wait3A_181] : memref<500224x128xf32, #tpu.memory_space<hbm>> -> memref<500224x128xf32, #tpu.memory_space<hbm>>
      tpu.wait_indirect_dma semaphore(%arg14 : memref<!tpu.dma_semaphore, #tpu.memory_space<semaphore_mem>>) src(%dma_wait3A_182 : memref<500224x128xf32, #tpu.memory_space<hbm>>) dst(%dma_wait3A_177 : memref<80x128xf32, #tpu.memory_space<vmem>>)
      %dma_wait3A_183 = arith.constant 80 : i32
      %dma_wait3A_184 = arith.constant 0 : i32
      %dma_wait3A_185 = tpu.memref_slice %arg10[%dma_wait3A_183, %dma_wait3A_184] : memref<160x128xf32, #tpu.memory_space<vmem>> -> memref<80x128xf32, #tpu.memory_space<vmem>>
      %dma_wait3A_186 = arith.constant 80 : i32
      %dma_wait3A_187 = tpu.memref_slice %arg9[%dma_wait3A_186] : memref<160xi32, #tpu.memory_space<vmem>> -> memref<80xi32, #tpu.memory_space<vmem>>
      %dma_wait3A_188 = arith.constant 0 : i32
      %dma_wait3A_189 = arith.constant 0 : i32
      %dma_wait3A_190 = tpu.memref_slice %arg4[%dma_wait3A_188, %dma_wait3A_189] : memref<500224x128xf32, #tpu.memory_space<hbm>> -> memref<500224x128xf32, #tpu.memory_space<hbm>>
      tpu.wait_indirect_dma semaphore(%arg14 : memref<!tpu.dma_semaphore, #tpu.memory_space<semaphore_mem>>) src(%dma_wait3A_190 : memref<500224x128xf32, #tpu.memory_space<hbm>>) dst(%dma_wait3A_185 : memref<80x128xf32, #tpu.memory_space<vmem>>)
      %dma_wait3A_191 = arith.constant 0 : i32
      %dma_wait3A_192 = arith.constant 0 : i32
      %dma_wait3A_193 = tpu.memref_slice %arg11[%dma_wait3A_191, %dma_wait3A_192] : memref<336x64xf32, #tpu.memory_space<vmem>> -> memref<112x64xf32, #tpu.memory_space<vmem>>
      %dma_wait3A_194 = arith.constant 0 : i32
      %dma_wait3A_195 = tpu.memref_slice %arg8[%dma_wait3A_194] : memref<336xi32, #tpu.memory_space<vmem>> -> memref<112xi32, #tpu.memory_space<vmem>>
      %dma_wait3A_196 = arith.constant 0 : i32
      %dma_wait3A_197 = arith.constant 0 : i32
      %dma_wait3A_198 = tpu.memref_slice %arg5[%dma_wait3A_196, %dma_wait3A_197] : memref<1000000x64xf32, #tpu.memory_space<hbm>> -> memref<1000000x64xf32, #tpu.memory_space<hbm>>
      tpu.wait_indirect_dma semaphore(%arg14 : memref<!tpu.dma_semaphore, #tpu.memory_space<semaphore_mem>>) src(%dma_wait3A_198 : memref<1000000x64xf32, #tpu.memory_space<hbm>>) dst(%dma_wait3A_193 : memref<112x64xf32, #tpu.memory_space<vmem>>)
      %dma_wait3A_199 = arith.constant 112 : i32
      %dma_wait3A_200 = arith.constant 0 : i32
      %dma_wait3A_201 = tpu.memref_slice %arg11[%dma_wait3A_199, %dma_wait3A_200] : memref<336x64xf32, #tpu.memory_space<vmem>> -> memref<112x64xf32, #tpu.memory_space<vmem>>
      %dma_wait3A_202 = arith.constant 112 : i32
      %dma_wait3A_203 = tpu.memref_slice %arg8[%dma_wait3A_202] : memref<336xi32, #tpu.memory_space<vmem>> -> memref<112xi32, #tpu.memory_space<vmem>>
      %dma_wait3A_204 = arith.constant 0 : i32
      %dma_wait3A_205 = arith.constant 0 : i32
      %dma_wait3A_206 = tpu.memref_slice %arg5[%dma_wait3A_204, %dma_wait3A_205] : memref<1000000x64xf32, #tpu.memory_space<hbm>> -> memref<1000000x64xf32, #tpu.memory_space<hbm>>
      tpu.wait_indirect_dma semaphore(%arg14 : memref<!tpu.dma_semaphore, #tpu.memory_space<semaphore_mem>>) src(%dma_wait3A_206 : memref<1000000x64xf32, #tpu.memory_space<hbm>>) dst(%dma_wait3A_201 : memref<112x64xf32, #tpu.memory_space<vmem>>)
      %dma_wait3A_207 = arith.constant 224 : i32
      %dma_wait3A_208 = arith.constant 0 : i32
      %dma_wait3A_209 = tpu.memref_slice %arg11[%dma_wait3A_207, %dma_wait3A_208] : memref<336x64xf32, #tpu.memory_space<vmem>> -> memref<112x64xf32, #tpu.memory_space<vmem>>
      %dma_wait3A_210 = arith.constant 224 : i32
      %dma_wait3A_211 = tpu.memref_slice %arg8[%dma_wait3A_210] : memref<336xi32, #tpu.memory_space<vmem>> -> memref<112xi32, #tpu.memory_space<vmem>>
      %dma_wait3A_212 = arith.constant 0 : i32
      %dma_wait3A_213 = arith.constant 0 : i32
      %dma_wait3A_214 = tpu.memref_slice %arg5[%dma_wait3A_212, %dma_wait3A_213] : memref<1000000x64xf32, #tpu.memory_space<hbm>> -> memref<1000000x64xf32, #tpu.memory_space<hbm>>
      tpu.wait_indirect_dma semaphore(%arg14 : memref<!tpu.dma_semaphore, #tpu.memory_space<semaphore_mem>>) src(%dma_wait3A_214 : memref<1000000x64xf32, #tpu.memory_space<hbm>>) dst(%dma_wait3A_209 : memref<112x64xf32, #tpu.memory_space<vmem>>)
      %scan3A_215 = arith.constant 0 : i32
      %scan3A_216 = arith.constant 16 : i32
      %scan3A_217 = arith.addi %scan3A_215, %scan3A_216 : i32
      %scan3A_218 = arith.constant 1 : i32
      scf.for %scan3A_3027 = %scan3A_215 to %scan3A_217 step %scan3A_218  : i32 {
        %mul3A_3028 = arith.constant 1 : i32
        %mul3A_3029 = arith.muli %scan3A_3027, %mul3A_3028 : i32
        %add3A_3030 = arith.constant 0 : i32
        %add3A_3031 = arith.addi %add3A_3030, %mul3A_3029 : i32
        %mul3A_3032 = arith.constant 10 : i32
        %mul3A_3033 = arith.muli %add3A_3031, %mul3A_3032 : i32
        %get3A_3034 = arith.index_cast %mul3A_3033 : i32 to index
        %get3A_3035 = tpu.vector_load %arg7[%get3A_3034] {strides = array<i32>} : memref<160xi32, #tpu.memory_space<vmem>>, vector<16xi32>,
        %ge3A_3036 = arith.constant 500224 : i32
        %ge3A_3037 = vector.broadcast %ge3A_3036 : i32 to vector<16xi32>
        %ge3A_3038 = arith.cmpi sge, %get3A_3035, %ge3A_3037 : vector<16xi32>
        %convert_element_type3A_3039 = arith.extui %ge3A_3038 : vector<16xi1> to vector<16xi32>
        %mul3A_3040 = arith.constant 64 : i32
        %mul3A_3041 = vector.broadcast %mul3A_3040 : i32 to vector<16xi32>
        %mul3A_3042 = arith.muli %convert_element_type3A_3039, %mul3A_3041 : vector<16xi32>
        %slice3A = vector.extract_strided_slice %mul3A_3042 {offsets = [0], sizes = [1], strides = [1]} : vector<16xi32> to vector<1xi32>
        %squeeze3A = vector.extract %slice3A[0] : i32 from vector<1xi32>
        %add3A_3043 = arith.constant 0 : i32
        %add3A_3044 = arith.addi %squeeze3A, %add3A_3043 : i32
        %get3A_3045 = arith.index_cast %mul3A_3033 : i32 to index
        %get3A_3046 = arith.index_cast %add3A_3044 : i32 to index
        %get3A_3047 = tpu.vector_load %arg10[%get3A_3045, %get3A_3046] {strides = array<i32>} : memref<160x128xf32, #tpu.memory_space<vmem>>, vector<16xf32>,
        %add3A_3048 = arith.constant 1 : i32
        %add3A_3049 = arith.addi %mul3A_3033, %add3A_3048 : i32
        %slice3A_3050 = vector.extract_strided_slice %mul3A_3042 {offsets = [1], sizes = [1], strides = [1]} : vector<16xi32> to vector<1xi32>
        %squeeze3A_3051 = vector.extract %slice3A_3050[0] : i32 from vector<1xi32>
        %add3A_3052 = arith.constant 0 : i32
        %add3A_3053 = arith.addi %squeeze3A_3051, %add3A_3052 : i32
        %get3A_3054 = arith.index_cast %add3A_3049 : i32 to index
        %get3A_3055 = arith.index_cast %add3A_3053 : i32 to index
        %get3A_3056 = tpu.vector_load %arg10[%get3A_3054, %get3A_3055] {strides = array<i32>} : memref<160x128xf32, #tpu.memory_space<vmem>>, vector<16xf32>,
        %add3A_3057 = arith.addf %get3A_3047, %get3A_3056 : vector<16xf32>
        %add3A_3058 = arith.constant 2 : i32
        %add3A_3059 = arith.addi %mul3A_3033, %add3A_3058 : i32
        %slice3A_3060 = vector.extract_strided_slice %mul3A_3042 {offsets = [2], sizes = [1], strides = [1]} : vector<16xi32> to vector<1xi32>
        %squeeze3A_3061 = vector.extract %slice3A_3060[0] : i32 from vector<1xi32>
        %add3A_3062 = arith.constant 0 : i32
        %add3A_3063 = arith.addi %squeeze3A_3061, %add3A_3062 : i32
        %get3A_3064 = arith.index_cast %add3A_3059 : i32 to index
        %get3A_3065 = arith.index_cast %add3A_3063 : i32 to index
        %get3A_3066 = tpu.vector_load %arg10[%get3A_3064, %get3A_3065] {strides = array<i32>} : memref<160x128xf32, #tpu.memory_space<vmem>>, vector<16xf32>,
        %add3A_3067 = arith.addf %add3A_3057, %get3A_3066 : vector<16xf32>
        %add3A_3068 = arith.constant 3 : i32
        %add3A_3069 = arith.addi %mul3A_3033, %add3A_3068 : i32
        %slice3A_3070 = vector.extract_strided_slice %mul3A_3042 {offsets = [3], sizes = [1], strides = [1]} : vector<16xi32> to vector<1xi32>
        %squeeze3A_3071 = vector.extract %slice3A_3070[0] : i32 from vector<1xi32>
        %add3A_3072 = arith.constant 0 : i32
        %add3A_3073 = arith.addi %squeeze3A_3071, %add3A_3072 : i32
        %get3A_3074 = arith.index_cast %add3A_3069 : i32 to index
        %get3A_3075 = arith.index_cast %add3A_3073 : i32 to index
        %get3A_3076 = tpu.vector_load %arg10[%get3A_3074, %get3A_3075] {strides = array<i32>} : memref<160x128xf32, #tpu.memory_space<vmem>>, vector<16xf32>,
        %add3A_3077 = arith.addf %add3A_3067, %get3A_3076 : vector<16xf32>
        %add3A_3078 = arith.constant 4 : i32
        %add3A_3079 = arith.addi %mul3A_3033, %add3A_3078 : i32
        %slice3A_3080 = vector.extract_strided_slice %mul3A_3042 {offsets = [4], sizes = [1], strides = [1]} : vector<16xi32> to vector<1xi32>
        %squeeze3A_3081 = vector.extract %slice3A_3080[0] : i32 from vector<1xi32>
        %add3A_3082 = arith.constant 0 : i32
        %add3A_3083 = arith.addi %squeeze3A_3081, %add3A_3082 : i32
        %get3A_3084 = arith.index_cast %add3A_3079 : i32 to index
        %get3A_3085 = arith.index_cast %add3A_3083 : i32 to index
        %get3A_3086 = tpu.vector_load %arg10[%get3A_3084, %get3A_3085] {strides = array<i32>} : memref<160x128xf32, #tpu.memory_space<vmem>>, vector<16xf32>,
        %add3A_3087 = arith.addf %add3A_3077, %get3A_3086 : vector<16xf32>
        %add3A_3088 = arith.constant 5 : i32
        %add3A_3089 = arith.addi %mul3A_3033, %add3A_3088 : i32
        %slice3A_3090 = vector.extract_strided_slice %mul3A_3042 {offsets = [5], sizes = [1], strides = [1]} : vector<16xi32> to vector<1xi32>
        %squeeze3A_3091 = vector.extract %slice3A_3090[0] : i32 from vector<1xi32>
        %add3A_3092 = arith.constant 0 : i32
        %add3A_3093 = arith.addi %squeeze3A_3091, %add3A_3092 : i32
        %get3A_3094 = arith.index_cast %add3A_3089 : i32 to index
        %get3A_3095 = arith.index_cast %add3A_3093 : i32 to index
        %get3A_3096 = tpu.vector_load %arg10[%get3A_3094, %get3A_3095] {strides = array<i32>} : memref<160x128xf32, #tpu.memory_space<vmem>>, vector<16xf32>,
        %add3A_3097 = arith.addf %add3A_3087, %get3A_3096 : vector<16xf32>
        %add3A_3098 = arith.constant 6 : i32
        %add3A_3099 = arith.addi %mul3A_3033, %add3A_3098 : i32
        %slice3A_3100 = vector.extract_strided_slice %mul3A_3042 {offsets = [6], sizes = [1], strides = [1]} : vector<16xi32> to vector<1xi32>
        %squeeze3A_3101 = vector.extract %slice3A_3100[0] : i32 from vector<1xi32>
        %add3A_3102 = arith.constant 0 : i32
        %add3A_3103 = arith.addi %squeeze3A_3101, %add3A_3102 : i32
        %get3A_3104 = arith.index_cast %add3A_3099 : i32 to index
        %get3A_3105 = arith.index_cast %add3A_3103 : i32 to index
        %get3A_3106 = tpu.vector_load %arg10[%get3A_3104, %get3A_3105] {strides = array<i32>} : memref<160x128xf32, #tpu.memory_space<vmem>>, vector<16xf32>,
        %add3A_3107 = arith.addf %add3A_3097, %get3A_3106 : vector<16xf32>
        %add3A_3108 = arith.constant 7 : i32
        %add3A_3109 = arith.addi %mul3A_3033, %add3A_3108 : i32
        %slice3A_3110 = vector.extract_strided_slice %mul3A_3042 {offsets = [7], sizes = [1], strides = [1]} : vector<16xi32> to vector<1xi32>
        %squeeze3A_3111 = vector.extract %slice3A_3110[0] : i32 from vector<1xi32>
        %add3A_3112 = arith.constant 0 : i32
        %add3A_3113 = arith.addi %squeeze3A_3111, %add3A_3112 : i32
        %get3A_3114 = arith.index_cast %add3A_3109 : i32 to index
        %get3A_3115 = arith.index_cast %add3A_3113 : i32 to index
        %get3A_3116 = tpu.vector_load %arg10[%get3A_3114, %get3A_3115] {strides = array<i32>} : memref<160x128xf32, #tpu.memory_space<vmem>>, vector<16xf32>,
        %add3A_3117 = arith.addf %add3A_3107, %get3A_3116 : vector<16xf32>
        %add3A_3118 = arith.constant 8 : i32
        %add3A_3119 = arith.addi %mul3A_3033, %add3A_3118 : i32
        %slice3A_3120 = vector.extract_strided_slice %mul3A_3042 {offsets = [8], sizes = [1], strides = [1]} : vector<16xi32> to vector<1xi32>
        %squeeze3A_3121 = vector.extract %slice3A_3120[0] : i32 from vector<1xi32>
        %add3A_3122 = arith.constant 0 : i32
        %add3A_3123 = arith.addi %squeeze3A_3121, %add3A_3122 : i32
        %get3A_3124 = arith.index_cast %add3A_3119 : i32 to index
        %get3A_3125 = arith.index_cast %add3A_3123 : i32 to index
        %get3A_3126 = tpu.vector_load %arg10[%get3A_3124, %get3A_3125] {strides = array<i32>} : memref<160x128xf32, #tpu.memory_space<vmem>>, vector<16xf32>,
        %add3A_3127 = arith.addf %add3A_3117, %get3A_3126 : vector<16xf32>
        %add3A_3128 = arith.constant 9 : i32
        %add3A_3129 = arith.addi %mul3A_3033, %add3A_3128 : i32
        %slice3A_3130 = vector.extract_strided_slice %mul3A_3042 {offsets = [9], sizes = [1], strides = [1]} : vector<16xi32> to vector<1xi32>
        %squeeze3A_3131 = vector.extract %slice3A_3130[0] : i32 from vector<1xi32>
        %add3A_3132 = arith.constant 0 : i32
        %add3A_3133 = arith.addi %squeeze3A_3131, %add3A_3132 : i32
        %get3A_3134 = arith.index_cast %add3A_3129 : i32 to index
        %get3A_3135 = arith.index_cast %add3A_3133 : i32 to index
        %get3A_3136 = tpu.vector_load %arg10[%get3A_3134, %get3A_3135] {strides = array<i32>} : memref<160x128xf32, #tpu.memory_space<vmem>>, vector<16xf32>,
        %add3A_3137 = arith.addf %add3A_3127, %get3A_3136 : vector<16xf32>
        %mul3A_3138 = arith.constant 1.000000e-01 : f32
        %mul3A_3139 = vector.broadcast %mul3A_3138 : f32 to vector<16xf32>
        %mul3A_3140 = arith.mulf %add3A_3137, %mul3A_3139 : vector<16xf32>
        %slice3A_3141 = vector.extract_strided_slice %mul3A_3042 {offsets = [0], sizes = [1], strides = [1]} : vector<16xi32> to vector<1xi32>
        %squeeze3A_3142 = vector.extract %slice3A_3141[0] : i32 from vector<1xi32>
        %add3A_3143 = arith.constant 16 : i32
        %add3A_3144 = arith.addi %squeeze3A_3142, %add3A_3143 : i32
        %get3A_3145 = arith.index_cast %mul3A_3033 : i32 to index
        %get3A_3146 = arith.index_cast %add3A_3144 : i32 to index
        %get3A_3147 = tpu.vector_load %arg10[%get3A_3145, %get3A_3146] {strides = array<i32>} : memref<160x128xf32, #tpu.memory_space<vmem>>, vector<16xf32>,
        %add3A_3148 = arith.constant 1 : i32
        %add3A_3149 = arith.addi %mul3A_3033, %add3A_3148 : i32
        %slice3A_3150 = vector.extract_strided_slice %mul3A_3042 {offsets = [1], sizes = [1], strides = [1]} : vector<16xi32> to vector<1xi32>
        %squeeze3A_3151 = vector.extract %slice3A_3150[0] : i32 from vector<1xi32>
        %add3A_3152 = arith.constant 16 : i32
        %add3A_3153 = arith.addi %squeeze3A_3151, %add3A_3152 : i32
        %get3A_3154 = arith.index_cast %add3A_3149 : i32 to index
        %get3A_3155 = arith.index_cast %add3A_3153 : i32 to index
        %get3A_3156 = tpu.vector_load %arg10[%get3A_3154, %get3A_3155] {strides = array<i32>} : memref<160x128xf32, #tpu.memory_space<vmem>>, vector<16xf32>,
        %add3A_3157 = arith.addf %get3A_3147, %get3A_3156 : vector<16xf32>
        %add3A_3158 = arith.constant 2 : i32
        %add3A_3159 = arith.addi %mul3A_3033, %add3A_3158 : i32
        %slice3A_3160 = vector.extract_strided_slice %mul3A_3042 {offsets = [2], sizes = [1], strides = [1]} : vector<16xi32> to vector<1xi32>
        %squeeze3A_3161 = vector.extract %slice3A_3160[0] : i32 from vector<1xi32>
        %add3A_3162 = arith.constant 16 : i32
        %add3A_3163 = arith.addi %squeeze3A_3161, %add3A_3162 : i32
        %get3A_3164 = arith.index_cast %add3A_3159 : i32 to index
        %get3A_3165 = arith.index_cast %add3A_3163 : i32 to index
        %get3A_3166 = tpu.vector_load %arg10[%get3A_3164, %get3A_3165] {strides = array<i32>} : memref<160x128xf32, #tpu.memory_space<vmem>>, vector<16xf32>,
        %add3A_3167 = arith.addf %add3A_3157, %get3A_3166 : vector<16xf32>
        %add3A_3168 = arith.constant 3 : i32
        %add3A_3169 = arith.addi %mul3A_3033, %add3A_3168 : i32
        %slice3A_3170 = vector.extract_strided_slice %mul3A_3042 {offsets = [3], sizes = [1], strides = [1]} : vector<16xi32> to vector<1xi32>
        %squeeze3A_3171 = vector.extract %slice3A_3170[0] : i32 from vector<1xi32>
        %add3A_3172 = arith.constant 16 : i32
        %add3A_3173 = arith.addi %squeeze3A_3171, %add3A_3172 : i32
        %get3A_3174 = arith.index_cast %add3A_3169 : i32 to index
        %get3A_3175 = arith.index_cast %add3A_3173 : i32 to index
        %get3A_3176 = tpu.vector_load %arg10[%get3A_3174, %get3A_3175] {strides = array<i32>} : memref<160x128xf32, #tpu.memory_space<vmem>>, vector<16xf32>,
        %add3A_3177 = arith.addf %add3A_3167, %get3A_3176 : vector<16xf32>
        %add3A_3178 = arith.constant 4 : i32
        %add3A_3179 = arith.addi %mul3A_3033, %add3A_3178 : i32
        %slice3A_3180 = vector.extract_strided_slice %mul3A_3042 {offsets = [4], sizes = [1], strides = [1]} : vector<16xi32> to vector<1xi32>
        %squeeze3A_3181 = vector.extract %slice3A_3180[0] : i32 from vector<1xi32>
        %add3A_3182 = arith.constant 16 : i32
        %add3A_3183 = arith.addi %squeeze3A_3181, %add3A_3182 : i32
        %get3A_3184 = arith.index_cast %add3A_3179 : i32 to index
        %get3A_3185 = arith.index_cast %add3A_3183 : i32 to index
        %get3A_3186 = tpu.vector_load %arg10[%get3A_3184, %get3A_3185] {strides = array<i32>} : memref<160x128xf32, #tpu.memory_space<vmem>>, vector<16xf32>,
        %add3A_3187 = arith.addf %add3A_3177, %get3A_3186 : vector<16xf32>
        %add3A_3188 = arith.constant 5 : i32
        %add3A_3189 = arith.addi %mul3A_3033, %add3A_3188 : i32
        %slice3A_3190 = vector.extract_strided_slice %mul3A_3042 {offsets = [5], sizes = [1], strides = [1]} : vector<16xi32> to vector<1xi32>
        %squeeze3A_3191 = vector.extract %slice3A_3190[0] : i32 from vector<1xi32>
        %add3A_3192 = arith.constant 16 : i32
        %add3A_3193 = arith.addi %squeeze3A_3191, %add3A_3192 : i32
        %get3A_3194 = arith.index_cast %add3A_3189 : i32 to index
        %get3A_3195 = arith.index_cast %add3A_3193 : i32 to index
        %get3A_3196 = tpu.vector_load %arg10[%get3A_3194, %get3A_3195] {strides = array<i32>} : memref<160x128xf32, #tpu.memory_space<vmem>>, vector<16xf32>,
        %add3A_3197 = arith.addf %add3A_3187, %get3A_3196 : vector<16xf32>
        %add3A_3198 = arith.constant 6 : i32
        %add3A_3199 = arith.addi %mul3A_3033, %add3A_3198 : i32
        %slice3A_3200 = vector.extract_strided_slice %mul3A_3042 {offsets = [6], sizes = [1], strides = [1]} : vector<16xi32> to vector<1xi32>
        %squeeze3A_3201 = vector.extract %slice3A_3200[0] : i32 from vector<1xi32>
        %add3A_3202 = arith.constant 16 : i32
        %add3A_3203 = arith.addi %squeeze3A_3201, %add3A_3202 : i32
        %get3A_3204 = arith.index_cast %add3A_3199 : i32 to index
        %get3A_3205 = arith.index_cast %add3A_3203 : i32 to index
        %get3A_3206 = tpu.vector_load %arg10[%get3A_3204, %get3A_3205] {strides = array<i32>} : memref<160x128xf32, #tpu.memory_space<vmem>>, vector<16xf32>,
        %add3A_3207 = arith.addf %add3A_3197, %get3A_3206 : vector<16xf32>
        %add3A_3208 = arith.constant 7 : i32
        %add3A_3209 = arith.addi %mul3A_3033, %add3A_3208 : i32
        %slice3A_3210 = vector.extract_strided_slice %mul3A_3042 {offsets = [7], sizes = [1], strides = [1]} : vector<16xi32> to vector<1xi32>
        %squeeze3A_3211 = vector.extract %slice3A_3210[0] : i32 from vector<1xi32>
        %add3A_3212 = arith.constant 16 : i32
        %add3A_3213 = arith.addi %squeeze3A_3211, %add3A_3212 : i32
        %get3A_3214 = arith.index_cast %add3A_3209 : i32 to index
        %get3A_3215 = arith.index_cast %add3A_3213 : i32 to index
        %get3A_3216 = tpu.vector_load %arg10[%get3A_3214, %get3A_3215] {strides = array<i32>} : memref<160x128xf32, #tpu.memory_space<vmem>>, vector<16xf32>,
        %add3A_3217 = arith.addf %add3A_3207, %get3A_3216 : vector<16xf32>
        %add3A_3218 = arith.constant 8 : i32
        %add3A_3219 = arith.addi %mul3A_3033, %add3A_3218 : i32
        %slice3A_3220 = vector.extract_strided_slice %mul3A_3042 {offsets = [8], sizes = [1], strides = [1]} : vector<16xi32> to vector<1xi32>
        %squeeze3A_3221 = vector.extract %slice3A_3220[0] : i32 from vector<1xi32>
        %add3A_3222 = arith.constant 16 : i32
        %add3A_3223 = arith.addi %squeeze3A_3221, %add3A_3222 : i32
        %get3A_3224 = arith.index_cast %add3A_3219 : i32 to index
        %get3A_3225 = arith.index_cast %add3A_3223 : i32 to index
        %get3A_3226 = tpu.vector_load %arg10[%get3A_3224, %get3A_3225] {strides = array<i32>} : memref<160x128xf32, #tpu.memory_space<vmem>>, vector<16xf32>,
        %add3A_3227 = arith.addf %add3A_3217, %get3A_3226 : vector<16xf32>
        %add3A_3228 = arith.constant 9 : i32
        %add3A_3229 = arith.addi %mul3A_3033, %add3A_3228 : i32
        %slice3A_3230 = vector.extract_strided_slice %mul3A_3042 {offsets = [9], sizes = [1], strides = [1]} : vector<16xi32> to vector<1xi32>
        %squeeze3A_3231 = vector.extract %slice3A_3230[0] : i32 from vector<1xi32>
        %add3A_3232 = arith.constant 16 : i32
        %add3A_3233 = arith.addi %squeeze3A_3231, %add3A_3232 : i32
        %get3A_3234 = arith.index_cast %add3A_3229 : i32 to index
        %get3A_3235 = arith.index_cast %add3A_3233 : i32 to index
        %get3A_3236 = tpu.vector_load %arg10[%get3A_3234, %get3A_3235] {strides = array<i32>} : memref<160x128xf32, #tpu.memory_space<vmem>>, vector<16xf32>,
        %add3A_3237 = arith.addf %add3A_3227, %get3A_3236 : vector<16xf32>
        %mul3A_3238 = arith.constant 1.000000e-01 : f32
        %mul3A_3239 = vector.broadcast %mul3A_3238 : f32 to vector<16xf32>
        %mul3A_3240 = arith.mulf %add3A_3237, %mul3A_3239 : vector<16xf32>
        %slice3A_3241 = vector.extract_strided_slice %mul3A_3042 {offsets = [0], sizes = [1], strides = [1]} : vector<16xi32> to vector<1xi32>
        %squeeze3A_3242 = vector.extract %slice3A_3241[0] : i32 from vector<1xi32>
        %add3A_3243 = arith.constant 32 : i32
        %add3A_3244 = arith.addi %squeeze3A_3242, %add3A_3243 : i32
        %get3A_3245 = arith.index_cast %mul3A_3033 : i32 to index
        %get3A_3246 = arith.index_cast %add3A_3244 : i32 to index
        %get3A_3247 = tpu.vector_load %arg10[%get3A_3245, %get3A_3246] {strides = array<i32>} : memref<160x128xf32, #tpu.memory_space<vmem>>, vector<16xf32>,
        %add3A_3248 = arith.constant 1 : i32
        %add3A_3249 = arith.addi %mul3A_3033, %add3A_3248 : i32
        %slice3A_3250 = vector.extract_strided_slice %mul3A_3042 {offsets = [1], sizes = [1], strides = [1]} : vector<16xi32> to vector<1xi32>
        %squeeze3A_3251 = vector.extract %slice3A_3250[0] : i32 from vector<1xi32>
        %add3A_3252 = arith.constant 32 : i32
        %add3A_3253 = arith.addi %squeeze3A_3251, %add3A_3252 : i32
        %get3A_3254 = arith.index_cast %add3A_3249 : i32 to index
        %get3A_3255 = arith.index_cast %add3A_3253 : i32 to index
        %get3A_3256 = tpu.vector_load %arg10[%get3A_3254, %get3A_3255] {strides = array<i32>} : memref<160x128xf32, #tpu.memory_space<vmem>>, vector<16xf32>,
        %add3A_3257 = arith.addf %get3A_3247, %get3A_3256 : vector<16xf32>
        %add3A_3258 = arith.constant 2 : i32
        %add3A_3259 = arith.addi %mul3A_3033, %add3A_3258 : i32
        %slice3A_3260 = vector.extract_strided_slice %mul3A_3042 {offsets = [2], sizes = [1], strides = [1]} : vector<16xi32> to vector<1xi32>
        %squeeze3A_3261 = vector.extract %slice3A_3260[0] : i32 from vector<1xi32>
        %add3A_3262 = arith.constant 32 : i32
        %add3A_3263 = arith.addi %squeeze3A_3261, %add3A_3262 : i32
        %get3A_3264 = arith.index_cast %add3A_3259 : i32 to index
        %get3A_3265 = arith.index_cast %add3A_3263 : i32 to index
        %get3A_3266 = tpu.vector_load %arg10[%get3A_3264, %get3A_3265] {strides = array<i32>} : memref<160x128xf32, #tpu.memory_space<vmem>>, vector<16xf32>,
        %add3A_3267 = arith.addf %add3A_3257, %get3A_3266 : vector<16xf32>
        %add3A_3268 = arith.constant 3 : i32
        %add3A_3269 = arith.addi %mul3A_3033, %add3A_3268 : i32
        %slice3A_3270 = vector.extract_strided_slice %mul3A_3042 {offsets = [3], sizes = [1], strides = [1]} : vector<16xi32> to vector<1xi32>
        %squeeze3A_3271 = vector.extract %slice3A_3270[0] : i32 from vector<1xi32>
        %add3A_3272 = arith.constant 32 : i32
        %add3A_3273 = arith.addi %squeeze3A_3271, %add3A_3272 : i32
        %get3A_3274 = arith.index_cast %add3A_3269 : i32 to index
        %get3A_3275 = arith.index_cast %add3A_3273 : i32 to index
        %get3A_3276 = tpu.vector_load %arg10[%get3A_3274, %get3A_3275] {strides = array<i32>} : memref<160x128xf32, #tpu.memory_space<vmem>>, vector<16xf32>,
        %add3A_3277 = arith.addf %add3A_3267, %get3A_3276 : vector<16xf32>
        %add3A_3278 = arith.constant 4 : i32
        %add3A_3279 = arith.addi %mul3A_3033, %add3A_3278 : i32
        %slice3A_3280 = vector.extract_strided_slice %mul3A_3042 {offsets = [4], sizes = [1], strides = [1]} : vector<16xi32> to vector<1xi32>
        %squeeze3A_3281 = vector.extract %slice3A_3280[0] : i32 from vector<1xi32>
        %add3A_3282 = arith.constant 32 : i32
        %add3A_3283 = arith.addi %squeeze3A_3281, %add3A_3282 : i32
        %get3A_3284 = arith.index_cast %add3A_3279 : i32 to index
        %get3A_3285 = arith.index_cast %add3A_3283 : i32 to index
        %get3A_3286 = tpu.vector_load %arg10[%get3A_3284, %get3A_3285] {strides = array<i32>} : memref<160x128xf32, #tpu.memory_space<vmem>>, vector<16xf32>,
        %add3A_3287 = arith.addf %add3A_3277, %get3A_3286 : vector<16xf32>
        %add3A_3288 = arith.constant 5 : i32
        %add3A_3289 = arith.addi %mul3A_3033, %add3A_3288 : i32
        %slice3A_3290 = vector.extract_strided_slice %mul3A_3042 {offsets = [5], sizes = [1], strides = [1]} : vector<16xi32> to vector<1xi32>
        %squeeze3A_3291 = vector.extract %slice3A_3290[0] : i32 from vector<1xi32>
        %add3A_3292 = arith.constant 32 : i32
        %add3A_3293 = arith.addi %squeeze3A_3291, %add3A_3292 : i32
        %get3A_3294 = arith.index_cast %add3A_3289 : i32 to index
        %get3A_3295 = arith.index_cast %add3A_3293 : i32 to index
        %get3A_3296 = tpu.vector_load %arg10[%get3A_3294, %get3A_3295] {strides = array<i32>} : memref<160x128xf32, #tpu.memory_space<vmem>>, vector<16xf32>,
        %add3A_3297 = arith.addf %add3A_3287, %get3A_3296 : vector<16xf32>
        %add3A_3298 = arith.constant 6 : i32
        %add3A_3299 = arith.addi %mul3A_3033, %add3A_3298 : i32
        %slice3A_3300 = vector.extract_strided_slice %mul3A_3042 {offsets = [6], sizes = [1], strides = [1]} : vector<16xi32> to vector<1xi32>
        %squeeze3A_3301 = vector.extract %slice3A_3300[0] : i32 from vector<1xi32>
        %add3A_3302 = arith.constant 32 : i32
        %add3A_3303 = arith.addi %squeeze3A_3301, %add3A_3302 : i32
        %get3A_3304 = arith.index_cast %add3A_3299 : i32 to index
        %get3A_3305 = arith.index_cast %add3A_3303 : i32 to index
        %get3A_3306 = tpu.vector_load %arg10[%get3A_3304, %get3A_3305] {strides = array<i32>} : memref<160x128xf32, #tpu.memory_space<vmem>>, vector<16xf32>,
        %add3A_3307 = arith.addf %add3A_3297, %get3A_3306 : vector<16xf32>
        %add3A_3308 = arith.constant 7 : i32
        %add3A_3309 = arith.addi %mul3A_3033, %add3A_3308 : i32
        %slice3A_3310 = vector.extract_strided_slice %mul3A_3042 {offsets = [7], sizes = [1], strides = [1]} : vector<16xi32> to vector<1xi32>
        %squeeze3A_3311 = vector.extract %slice3A_3310[0] : i32 from vector<1xi32>
        %add3A_3312 = arith.constant 32 : i32
        %add3A_3313 = arith.addi %squeeze3A_3311, %add3A_3312 : i32
        %get3A_3314 = arith.index_cast %add3A_3309 : i32 to index
        %get3A_3315 = arith.index_cast %add3A_3313 : i32 to index
        %get3A_3316 = tpu.vector_load %arg10[%get3A_3314, %get3A_3315] {strides = array<i32>} : memref<160x128xf32, #tpu.memory_space<vmem>>, vector<16xf32>,
        %add3A_3317 = arith.addf %add3A_3307, %get3A_3316 : vector<16xf32>
        %add3A_3318 = arith.constant 8 : i32
        %add3A_3319 = arith.addi %mul3A_3033, %add3A_3318 : i32
        %slice3A_3320 = vector.extract_strided_slice %mul3A_3042 {offsets = [8], sizes = [1], strides = [1]} : vector<16xi32> to vector<1xi32>
        %squeeze3A_3321 = vector.extract %slice3A_3320[0] : i32 from vector<1xi32>
        %add3A_3322 = arith.constant 32 : i32
        %add3A_3323 = arith.addi %squeeze3A_3321, %add3A_3322 : i32
        %get3A_3324 = arith.index_cast %add3A_3319 : i32 to index
        %get3A_3325 = arith.index_cast %add3A_3323 : i32 to index
        %get3A_3326 = tpu.vector_load %arg10[%get3A_3324, %get3A_3325] {strides = array<i32>} : memref<160x128xf32, #tpu.memory_space<vmem>>, vector<16xf32>,
        %add3A_3327 = arith.addf %add3A_3317, %get3A_3326 : vector<16xf32>
        %add3A_3328 = arith.constant 9 : i32
        %add3A_3329 = arith.addi %mul3A_3033, %add3A_3328 : i32
        %slice3A_3330 = vector.extract_strided_slice %mul3A_3042 {offsets = [9], sizes = [1], strides = [1]} : vector<16xi32> to vector<1xi32>
        %squeeze3A_3331 = vector.extract %slice3A_3330[0] : i32 from vector<1xi32>
        %add3A_3332 = arith.constant 32 : i32
        %add3A_3333 = arith.addi %squeeze3A_3331, %add3A_3332 : i32
        %get3A_3334 = arith.index_cast %add3A_3329 : i32 to index
        %get3A_3335 = arith.index_cast %add3A_3333 : i32 to index
        %get3A_3336 = tpu.vector_load %arg10[%get3A_3334, %get3A_3335] {strides = array<i32>} : memref<160x128xf32, #tpu.memory_space<vmem>>, vector<16xf32>,
        %add3A_3337 = arith.addf %add3A_3327, %get3A_3336 : vector<16xf32>
        %mul3A_3338 = arith.constant 1.000000e-01 : f32
        %mul3A_3339 = vector.broadcast %mul3A_3338 : f32 to vector<16xf32>
        %mul3A_3340 = arith.mulf %add3A_3337, %mul3A_3339 : vector<16xf32>
        %slice3A_3341 = vector.extract_strided_slice %mul3A_3042 {offsets = [0], sizes = [1], strides = [1]} : vector<16xi32> to vector<1xi32>
        %squeeze3A_3342 = vector.extract %slice3A_3341[0] : i32 from vector<1xi32>
        %add3A_3343 = arith.constant 48 : i32
        %add3A_3344 = arith.addi %squeeze3A_3342, %add3A_3343 : i32
        %get3A_3345 = arith.index_cast %mul3A_3033 : i32 to index
        %get3A_3346 = arith.index_cast %add3A_3344 : i32 to index
        %get3A_3347 = tpu.vector_load %arg10[%get3A_3345, %get3A_3346] {strides = array<i32>} : memref<160x128xf32, #tpu.memory_space<vmem>>, vector<16xf32>,
        %add3A_3348 = arith.constant 1 : i32
        %add3A_3349 = arith.addi %mul3A_3033, %add3A_3348 : i32
        %slice3A_3350 = vector.extract_strided_slice %mul3A_3042 {offsets = [1], sizes = [1], strides = [1]} : vector<16xi32> to vector<1xi32>
        %squeeze3A_3351 = vector.extract %slice3A_3350[0] : i32 from vector<1xi32>
        %add3A_3352 = arith.constant 48 : i32
        %add3A_3353 = arith.addi %squeeze3A_3351, %add3A_3352 : i32
        %get3A_3354 = arith.index_cast %add3A_3349 : i32 to index
        %get3A_3355 = arith.index_cast %add3A_3353 : i32 to index
        %get3A_3356 = tpu.vector_load %arg10[%get3A_3354, %get3A_3355] {strides = array<i32>} : memref<160x128xf32, #tpu.memory_space<vmem>>, vector<16xf32>,
        %add3A_3357 = arith.addf %get3A_3347, %get3A_3356 : vector<16xf32>
        %add3A_3358 = arith.constant 2 : i32
        %add3A_3359 = arith.addi %mul3A_3033, %add3A_3358 : i32
        %slice3A_3360 = vector.extract_strided_slice %mul3A_3042 {offsets = [2], sizes = [1], strides = [1]} : vector<16xi32> to vector<1xi32>
        %squeeze3A_3361 = vector.extract %slice3A_3360[0] : i32 from vector<1xi32>
        %add3A_3362 = arith.constant 48 : i32
        %add3A_3363 = arith.addi %squeeze3A_3361, %add3A_3362 : i32
        %get3A_3364 = arith.index_cast %add3A_3359 : i32 to index
        %get3A_3365 = arith.index_cast %add3A_3363 : i32 to index
        %get3A_3366 = tpu.vector_load %arg10[%get3A_3364, %get3A_3365] {strides = array<i32>} : memref<160x128xf32, #tpu.memory_space<vmem>>, vector<16xf32>,
        %add3A_3367 = arith.addf %add3A_3357, %get3A_3366 : vector<16xf32>
        %add3A_3368 = arith.constant 3 : i32
        %add3A_3369 = arith.addi %mul3A_3033, %add3A_3368 : i32
        %slice3A_3370 = vector.extract_strided_slice %mul3A_3042 {offsets = [3], sizes = [1], strides = [1]} : vector<16xi32> to vector<1xi32>
        %squeeze3A_3371 = vector.extract %slice3A_3370[0] : i32 from vector<1xi32>
        %add3A_3372 = arith.constant 48 : i32
        %add3A_3373 = arith.addi %squeeze3A_3371, %add3A_3372 : i32
        %get3A_3374 = arith.index_cast %add3A_3369 : i32 to index
        %get3A_3375 = arith.index_cast %add3A_3373 : i32 to index
        %get3A_3376 = tpu.vector_load %arg10[%get3A_3374, %get3A_3375] {strides = array<i32>} : memref<160x128xf32, #tpu.memory_space<vmem>>, vector<16xf32>,
        %add3A_3377 = arith.addf %add3A_3367, %get3A_3376 : vector<16xf32>
        %add3A_3378 = arith.constant 4 : i32
        %add3A_3379 = arith.addi %mul3A_3033, %add3A_3378 : i32
        %slice3A_3380 = vector.extract_strided_slice %mul3A_3042 {offsets = [4], sizes = [1], strides = [1]} : vector<16xi32> to vector<1xi32>
        %squeeze3A_3381 = vector.extract %slice3A_3380[0] : i32 from vector<1xi32>
        %add3A_3382 = arith.constant 48 : i32
        %add3A_3383 = arith.addi %squeeze3A_3381, %add3A_3382 : i32
        %get3A_3384 = arith.index_cast %add3A_3379 : i32 to index
        %get3A_3385 = arith.index_cast %add3A_3383 : i32 to index
        %get3A_3386 = tpu.vector_load %arg10[%get3A_3384, %get3A_3385] {strides = array<i32>} : memref<160x128xf32, #tpu.memory_space<vmem>>, vector<16xf32>,
        %add3A_3387 = arith.addf %add3A_3377, %get3A_3386 : vector<16xf32>
        %add3A_3388 = arith.constant 5 : i32
        %add3A_3389 = arith.addi %mul3A_3033, %add3A_3388 : i32
        %slice3A_3390 = vector.extract_strided_slice %mul3A_3042 {offsets = [5], sizes = [1], strides = [1]} : vector<16xi32> to vector<1xi32>
        %squeeze3A_3391 = vector.extract %slice3A_3390[0] : i32 from vector<1xi32>
        %add3A_3392 = arith.constant 48 : i32
        %add3A_3393 = arith.addi %squeeze3A_3391, %add3A_3392 : i32
        %get3A_3394 = arith.index_cast %add3A_3389 : i32 to index
        %get3A_3395 = arith.index_cast %add3A_3393 : i32 to index
        %get3A_3396 = tpu.vector_load %arg10[%get3A_3394, %get3A_3395] {strides = array<i32>} : memref<160x128xf32, #tpu.memory_space<vmem>>, vector<16xf32>,
        %add3A_3397 = arith.addf %add3A_3387, %get3A_3396 : vector<16xf32>
        %add3A_3398 = arith.constant 6 : i32
        %add3A_3399 = arith.addi %mul3A_3033, %add3A_3398 : i32
        %slice3A_3400 = vector.extract_strided_slice %mul3A_3042 {offsets = [6], sizes = [1], strides = [1]} : vector<16xi32> to vector<1xi32>
        %squeeze3A_3401 = vector.extract %slice3A_3400[0] : i32 from vector<1xi32>
        %add3A_3402 = arith.constant 48 : i32
        %add3A_3403 = arith.addi %squeeze3A_3401, %add3A_3402 : i32
        %get3A_3404 = arith.index_cast %add3A_3399 : i32 to index
        %get3A_3405 = arith.index_cast %add3A_3403 : i32 to index
        %get3A_3406 = tpu.vector_load %arg10[%get3A_3404, %get3A_3405] {strides = array<i32>} : memref<160x128xf32, #tpu.memory_space<vmem>>, vector<16xf32>,
        %add3A_3407 = arith.addf %add3A_3397, %get3A_3406 : vector<16xf32>
        %add3A_3408 = arith.constant 7 : i32
        %add3A_3409 = arith.addi %mul3A_3033, %add3A_3408 : i32
        %slice3A_3410 = vector.extract_strided_slice %mul3A_3042 {offsets = [7], sizes = [1], strides = [1]} : vector<16xi32> to vector<1xi32>
        %squeeze3A_3411 = vector.extract %slice3A_3410[0] : i32 from vector<1xi32>
        %add3A_3412 = arith.constant 48 : i32
        %add3A_3413 = arith.addi %squeeze3A_3411, %add3A_3412 : i32
        %get3A_3414 = arith.index_cast %add3A_3409 : i32 to index
        %get3A_3415 = arith.index_cast %add3A_3413 : i32 to index
        %get3A_3416 = tpu.vector_load %arg10[%get3A_3414, %get3A_3415] {strides = array<i32>} : memref<160x128xf32, #tpu.memory_space<vmem>>, vector<16xf32>,
        %add3A_3417 = arith.addf %add3A_3407, %get3A_3416 : vector<16xf32>
        %add3A_3418 = arith.constant 8 : i32
        %add3A_3419 = arith.addi %mul3A_3033, %add3A_3418 : i32
        %slice3A_3420 = vector.extract_strided_slice %mul3A_3042 {offsets = [8], sizes = [1], strides = [1]} : vector<16xi32> to vector<1xi32>
        %squeeze3A_3421 = vector.extract %slice3A_3420[0] : i32 from vector<1xi32>
        %add3A_3422 = arith.constant 48 : i32
        %add3A_3423 = arith.addi %squeeze3A_3421, %add3A_3422 : i32
        %get3A_3424 = arith.index_cast %add3A_3419 : i32 to index
        %get3A_3425 = arith.index_cast %add3A_3423 : i32 to index
        %get3A_3426 = tpu.vector_load %arg10[%get3A_3424, %get3A_3425] {strides = array<i32>} : memref<160x128xf32, #tpu.memory_space<vmem>>, vector<16xf32>,
        %add3A_3427 = arith.addf %add3A_3417, %get3A_3426 : vector<16xf32>
        %add3A_3428 = arith.constant 9 : i32
        %add3A_3429 = arith.addi %mul3A_3033, %add3A_3428 : i32
        %slice3A_3430 = vector.extract_strided_slice %mul3A_3042 {offsets = [9], sizes = [1], strides = [1]} : vector<16xi32> to vector<1xi32>
        %squeeze3A_3431 = vector.extract %slice3A_3430[0] : i32 from vector<1xi32>
        %add3A_3432 = arith.constant 48 : i32
        %add3A_3433 = arith.addi %squeeze3A_3431, %add3A_3432 : i32
        %get3A_3434 = arith.index_cast %add3A_3429 : i32 to index
        %get3A_3435 = arith.index_cast %add3A_3433 : i32 to index
        %get3A_3436 = tpu.vector_load %arg10[%get3A_3434, %get3A_3435] {strides = array<i32>} : memref<160x128xf32, #tpu.memory_space<vmem>>, vector<16xf32>,
        %add3A_3437 = arith.addf %add3A_3427, %get3A_3436 : vector<16xf32>
        %mul3A_3438 = arith.constant 1.000000e-01 : f32
        %mul3A_3439 = vector.broadcast %mul3A_3438 : f32 to vector<16xf32>
        %mul3A_3440 = arith.mulf %add3A_3437, %mul3A_3439 : vector<16xf32>
        %mul3A_3441 = arith.constant 21 : i32
        %mul3A_3442 = arith.muli %add3A_3031, %mul3A_3441 : i32
        %add3A_3443 = arith.constant 0 : i32
        %add3A_3444 = arith.addi %mul3A_3442, %add3A_3443 : i32
        %get3A_3445 = arith.index_cast %add3A_3444 : i32 to index
        %get3A_3446 = arith.constant 0 : index
        %get3A_3447 = tpu.vector_load %arg11[%get3A_3445, %get3A_3446] {strides = array<i32>} : memref<336x64xf32, #tpu.memory_space<vmem>>, vector<16xf32>,
        %mul3A_3448 = arith.mulf %mul3A_3140, %get3A_3447 : vector<16xf32>
        %add3A_3449 = arith.constant 0 : i32
        %add3A_3450 = arith.addi %mul3A_3442, %add3A_3449 : i32
        %get3A_3451 = arith.index_cast %add3A_3450 : i32 to index
        %get3A_3452 = arith.constant 16 : index
        %get3A_3453 = tpu.vector_load %arg11[%get3A_3451, %get3A_3452] {strides = array<i32>} : memref<336x64xf32, #tpu.memory_space<vmem>>, vector<16xf32>,
        %mul3A_3454 = arith.mulf %mul3A_3240, %get3A_3453 : vector<16xf32>
        %add3A_3455 = arith.addf %mul3A_3448, %mul3A_3454 : vector<16xf32>
        %add3A_3456 = arith.constant 0 : i32
        %add3A_3457 = arith.addi %mul3A_3442, %add3A_3456 : i32
        %get3A_3458 = arith.index_cast %add3A_3457 : i32 to index
        %get3A_3459 = arith.constant 32 : index
        %get3A_3460 = tpu.vector_load %arg11[%get3A_3458, %get3A_3459] {strides = array<i32>} : memref<336x64xf32, #tpu.memory_space<vmem>>, vector<16xf32>,
        %mul3A_3461 = arith.mulf %mul3A_3340, %get3A_3460 : vector<16xf32>
        %add3A_3462 = arith.addf %add3A_3455, %mul3A_3461 : vector<16xf32>
        %add3A_3463 = arith.constant 0 : i32
        %add3A_3464 = arith.addi %mul3A_3442, %add3A_3463 : i32
        %get3A_3465 = arith.index_cast %add3A_3464 : i32 to index
        %get3A_3466 = arith.constant 48 : index
        %get3A_3467 = tpu.vector_load %arg11[%get3A_3465, %get3A_3466] {strides = array<i32>} : memref<336x64xf32, #tpu.memory_space<vmem>>, vector<16xf32>,
        %mul3A_3468 = arith.mulf %mul3A_3440, %get3A_3467 : vector<16xf32>
        %add3A_3469 = arith.addf %add3A_3462, %mul3A_3468 : vector<16xf32>
        %add3A_3470 = arith.constant 0 : i32
        %add3A_3471 = arith.addi %mul3A_3442, %add3A_3470 : i32
        %swap3A_3472 = arith.index_cast %add3A_3471 : i32 to index
        %swap3A_3473 = arith.constant 0 : index
        %swap3A_3474 = tpu.vector_load %arg12[%swap3A_3472, %swap3A_3473] {strides = array<i32>} : memref<336x17xf32, #tpu.memory_space<vmem>>, vector<16xf32>,
        tpu.vector_store %arg12[%swap3A_3472, %swap3A_3473], %add3A_3469 {strides = array<i32>} : memref<336x17xf32, #tpu.memory_space<vmem>>, vector<16xf32>,
        %add3A_3475 = arith.constant 1 : i32
        %add3A_3476 = arith.addi %mul3A_3442, %add3A_3475 : i32
        %get3A_3477 = arith.index_cast %add3A_3476 : i32 to index
        %get3A_3478 = arith.constant 0 : index
        %get3A_3479 = tpu.vector_load %arg11[%get3A_3477, %get3A_3478] {strides = array<i32>} : memref<336x64xf32, #tpu.memory_space<vmem>>, vector<16xf32>,
        %mul3A_3480 = arith.mulf %mul3A_3140, %get3A_3479 : vector<16xf32>
        %add3A_3481 = arith.constant 1 : i32
        %add3A_3482 = arith.addi %mul3A_3442, %add3A_3481 : i32
        %get3A_3483 = arith.index_cast %add3A_3482 : i32 to index
        %get3A_3484 = arith.constant 16 : index
        %get3A_3485 = tpu.vector_load %arg11[%get3A_3483, %get3A_3484] {strides = array<i32>} : memref<336x64xf32, #tpu.memory_space<vmem>>, vector<16xf32>,
        %mul3A_3486 = arith.mulf %mul3A_3240, %get3A_3485 : vector<16xf32>
        %add3A_3487 = arith.addf %mul3A_3480, %mul3A_3486 : vector<16xf32>
        %add3A_3488 = arith.constant 1 : i32
        %add3A_3489 = arith.addi %mul3A_3442, %add3A_3488 : i32
        %get3A_3490 = arith.index_cast %add3A_3489 : i32 to index
        %get3A_3491 = arith.constant 32 : index
        %get3A_3492 = tpu.vector_load %arg11[%get3A_3490, %get3A_3491] {strides = array<i32>} : memref<336x64xf32, #tpu.memory_space<vmem>>, vector<16xf32>,
        %mul3A_3493 = arith.mulf %mul3A_3340, %get3A_3492 : vector<16xf32>
        %add3A_3494 = arith.addf %add3A_3487, %mul3A_3493 : vector<16xf32>
        %add3A_3495 = arith.constant 1 : i32
        %add3A_3496 = arith.addi %mul3A_3442, %add3A_3495 : i32
        %get3A_3497 = arith.index_cast %add3A_3496 : i32 to index
        %get3A_3498 = arith.constant 48 : index
        %get3A_3499 = tpu.vector_load %arg11[%get3A_3497, %get3A_3498] {strides = array<i32>} : memref<336x64xf32, #tpu.memory_space<vmem>>, vector<16xf32>,
        %mul3A_3500 = arith.mulf %mul3A_3440, %get3A_3499 : vector<16xf32>
        %add3A_3501 = arith.addf %add3A_3494, %mul3A_3500 : vector<16xf32>
        %add3A_3502 = arith.constant 1 : i32
        %add3A_3503 = arith.addi %mul3A_3442, %add3A_3502 : i32
        %swap3A_3504 = arith.index_cast %add3A_3503 : i32 to index
        %swap3A_3505 = arith.constant 0 : index
        %swap3A_3506 = tpu.vector_load %arg12[%swap3A_3504, %swap3A_3505] {strides = array<i32>} : memref<336x17xf32, #tpu.memory_space<vmem>>, vector<16xf32>,
        tpu.vector_store %arg12[%swap3A_3504, %swap3A_3505], %add3A_3501 {strides = array<i32>} : memref<336x17xf32, #tpu.memory_space<vmem>>, vector<16xf32>,
        %add3A_3507 = arith.constant 2 : i32
        %add3A_3508 = arith.addi %mul3A_3442, %add3A_3507 : i32
        %get3A_3509 = arith.index_cast %add3A_3508 : i32 to index
        %get3A_3510 = arith.constant 0 : index
        %get3A_3511 = tpu.vector_load %arg11[%get3A_3509, %get3A_3510] {strides = array<i32>} : memref<336x64xf32, #tpu.memory_space<vmem>>, vector<16xf32>,
        %mul3A_3512 = arith.mulf %mul3A_3140, %get3A_3511 : vector<16xf32>
        %add3A_3513 = arith.constant 2 : i32
        %add3A_3514 = arith.addi %mul3A_3442, %add3A_3513 : i32
        %get3A_3515 = arith.index_cast %add3A_3514 : i32 to index
        %get3A_3516 = arith.constant 16 : index
        %get3A_3517 = tpu.vector_load %arg11[%get3A_3515, %get3A_3516] {strides = array<i32>} : memref<336x64xf32, #tpu.memory_space<vmem>>, vector<16xf32>,
        %mul3A_3518 = arith.mulf %mul3A_3240, %get3A_3517 : vector<16xf32>
        %add3A_3519 = arith.addf %mul3A_3512, %mul3A_3518 : vector<16xf32>
        %add3A_3520 = arith.constant 2 : i32
        %add3A_3521 = arith.addi %mul3A_3442, %add3A_3520 : i32
        %get3A_3522 = arith.index_cast %add3A_3521 : i32 to index
        %get3A_3523 = arith.constant 32 : index
        %get3A_3524 = tpu.vector_load %arg11[%get3A_3522, %get3A_3523] {strides = array<i32>} : memref<336x64xf32, #tpu.memory_space<vmem>>, vector<16xf32>,
        %mul3A_3525 = arith.mulf %mul3A_3340, %get3A_3524 : vector<16xf32>
        %add3A_3526 = arith.addf %add3A_3519, %mul3A_3525 : vector<16xf32>
        %add3A_3527 = arith.constant 2 : i32
        %add3A_3528 = arith.addi %mul3A_3442, %add3A_3527 : i32
        %get3A_3529 = arith.index_cast %add3A_3528 : i32 to index
        %get3A_3530 = arith.constant 48 : index
        %get3A_3531 = tpu.vector_load %arg11[%get3A_3529, %get3A_3530] {strides = array<i32>} : memref<336x64xf32, #tpu.memory_space<vmem>>, vector<16xf32>,
        %mul3A_3532 = arith.mulf %mul3A_3440, %get3A_3531 : vector<16xf32>
        %add3A_3533 = arith.addf %add3A_3526, %mul3A_3532 : vector<16xf32>
        %add3A_3534 = arith.constant 2 : i32
        %add3A_3535 = arith.addi %mul3A_3442, %add3A_3534 : i32
        %swap3A_3536 = arith.index_cast %add3A_3535 : i32 to index
        %swap3A_3537 = arith.constant 0 : index
        %swap3A_3538 = tpu.vector_load %arg12[%swap3A_3536, %swap3A_3537] {strides = array<i32>} : memref<336x17xf32, #tpu.memory_space<vmem>>, vector<16xf32>,
        tpu.vector_store %arg12[%swap3A_3536, %swap3A_3537], %add3A_3533 {strides = array<i32>} : memref<336x17xf32, #tpu.memory_space<vmem>>, vector<16xf32>,
        %add3A_3539 = arith.constant 3 : i32
        %add3A_3540 = arith.addi %mul3A_3442, %add3A_3539 : i32
        %get3A_3541 = arith.index_cast %add3A_3540 : i32 to index
        %get3A_3542 = arith.constant 0 : index
        %get3A_3543 = tpu.vector_load %arg11[%get3A_3541, %get3A_3542] {strides = array<i32>} : memref<336x64xf32, #tpu.memory_space<vmem>>, vector<16xf32>,
        %mul3A_3544 = arith.mulf %mul3A_3140, %get3A_3543 : vector<16xf32>
        %add3A_3545 = arith.constant 3 : i32
        %add3A_3546 = arith.addi %mul3A_3442, %add3A_3545 : i32
        %get3A_3547 = arith.index_cast %add3A_3546 : i32 to index
        %get3A_3548 = arith.constant 16 : index
        %get3A_3549 = tpu.vector_load %arg11[%get3A_3547, %get3A_3548] {strides = array<i32>} : memref<336x64xf32, #tpu.memory_space<vmem>>, vector<16xf32>,
        %mul3A_3550 = arith.mulf %mul3A_3240, %get3A_3549 : vector<16xf32>
        %add3A_3551 = arith.addf %mul3A_3544, %mul3A_3550 : vector<16xf32>
        %add3A_3552 = arith.constant 3 : i32
        %add3A_3553 = arith.addi %mul3A_3442, %add3A_3552 : i32
        %get3A_3554 = arith.index_cast %add3A_3553 : i32 to index
        %get3A_3555 = arith.constant 32 : index
        %get3A_3556 = tpu.vector_load %arg11[%get3A_3554, %get3A_3555] {strides = array<i32>} : memref<336x64xf32, #tpu.memory_space<vmem>>, vector<16xf32>,
        %mul3A_3557 = arith.mulf %mul3A_3340, %get3A_3556 : vector<16xf32>
        %add3A_3558 = arith.addf %add3A_3551, %mul3A_3557 : vector<16xf32>
        %add3A_3559 = arith.constant 3 : i32
        %add3A_3560 = arith.addi %mul3A_3442, %add3A_3559 : i32
        %get3A_3561 = arith.index_cast %add3A_3560 : i32 to index
        %get3A_3562 = arith.constant 48 : index
        %get3A_3563 = tpu.vector_load %arg11[%get3A_3561, %get3A_3562] {strides = array<i32>} : memref<336x64xf32, #tpu.memory_space<vmem>>, vector<16xf32>,
        %mul3A_3564 = arith.mulf %mul3A_3440, %get3A_3563 : vector<16xf32>
        %add3A_3565 = arith.addf %add3A_3558, %mul3A_3564 : vector<16xf32>
        %add3A_3566 = arith.constant 3 : i32
        %add3A_3567 = arith.addi %mul3A_3442, %add3A_3566 : i32
        %swap3A_3568 = arith.index_cast %add3A_3567 : i32 to index
        %swap3A_3569 = arith.constant 0 : index
        %swap3A_3570 = tpu.vector_load %arg12[%swap3A_3568, %swap3A_3569] {strides = array<i32>} : memref<336x17xf32, #tpu.memory_space<vmem>>, vector<16xf32>,
        tpu.vector_store %arg12[%swap3A_3568, %swap3A_3569], %add3A_3565 {strides = array<i32>} : memref<336x17xf32, #tpu.memory_space<vmem>>, vector<16xf32>,
        %add3A_3571 = arith.constant 4 : i32
        %add3A_3572 = arith.addi %mul3A_3442, %add3A_3571 : i32
        %get3A_3573 = arith.index_cast %add3A_3572 : i32 to index
        %get3A_3574 = arith.constant 0 : index
        %get3A_3575 = tpu.vector_load %arg11[%get3A_3573, %get3A_3574] {strides = array<i32>} : memref<336x64xf32, #tpu.memory_space<vmem>>, vector<16xf32>,
        %mul3A_3576 = arith.mulf %mul3A_3140, %get3A_3575 : vector<16xf32>
        %add3A_3577 = arith.constant 4 : i32
        %add3A_3578 = arith.addi %mul3A_3442, %add3A_3577 : i32
        %get3A_3579 = arith.index_cast %add3A_3578 : i32 to index
        %get3A_3580 = arith.constant 16 : index
        %get3A_3581 = tpu.vector_load %arg11[%get3A_3579, %get3A_3580] {strides = array<i32>} : memref<336x64xf32, #tpu.memory_space<vmem>>, vector<16xf32>,
        %mul3A_3582 = arith.mulf %mul3A_3240, %get3A_3581 : vector<16xf32>
        %add3A_3583 = arith.addf %mul3A_3576, %mul3A_3582 : vector<16xf32>
        %add3A_3584 = arith.constant 4 : i32
        %add3A_3585 = arith.addi %mul3A_3442, %add3A_3584 : i32
        %get3A_3586 = arith.index_cast %add3A_3585 : i32 to index
        %get3A_3587 = arith.constant 32 : index
        %get3A_3588 = tpu.vector_load %arg11[%get3A_3586, %get3A_3587] {strides = array<i32>} : memref<336x64xf32, #tpu.memory_space<vmem>>, vector<16xf32>,
        %mul3A_3589 = arith.mulf %mul3A_3340, %get3A_3588 : vector<16xf32>
        %add3A_3590 = arith.addf %add3A_3583, %mul3A_3589 : vector<16xf32>
        %add3A_3591 = arith.constant 4 : i32
        %add3A_3592 = arith.addi %mul3A_3442, %add3A_3591 : i32
        %get3A_3593 = arith.index_cast %add3A_3592 : i32 to index
        %get3A_3594 = arith.constant 48 : index
        %get3A_3595 = tpu.vector_load %arg11[%get3A_3593, %get3A_3594] {strides = array<i32>} : memref<336x64xf32, #tpu.memory_space<vmem>>, vector<16xf32>,
        %mul3A_3596 = arith.mulf %mul3A_3440, %get3A_3595 : vector<16xf32>
        %add3A_3597 = arith.addf %add3A_3590, %mul3A_3596 : vector<16xf32>
        %add3A_3598 = arith.constant 4 : i32
        %add3A_3599 = arith.addi %mul3A_3442, %add3A_3598 : i32
        %swap3A_3600 = arith.index_cast %add3A_3599 : i32 to index
        %swap3A_3601 = arith.constant 0 : index
        %swap3A_3602 = tpu.vector_load %arg12[%swap3A_3600, %swap3A_3601] {strides = array<i32>} : memref<336x17xf32, #tpu.memory_space<vmem>>, vector<16xf32>,
        tpu.vector_store %arg12[%swap3A_3600, %swap3A_3601], %add3A_3597 {strides = array<i32>} : memref<336x17xf32, #tpu.memory_space<vmem>>, vector<16xf32>,
        %add3A_3603 = arith.constant 5 : i32
        %add3A_3604 = arith.addi %mul3A_3442, %add3A_3603 : i32
        %get3A_3605 = arith.index_cast %add3A_3604 : i32 to index
        %get3A_3606 = arith.constant 0 : index
        %get3A_3607 = tpu.vector_load %arg11[%get3A_3605, %get3A_3606] {strides = array<i32>} : memref<336x64xf32, #tpu.memory_space<vmem>>, vector<16xf32>,
        %mul3A_3608 = arith.mulf %mul3A_3140, %get3A_3607 : vector<16xf32>
        %add3A_3609 = arith.constant 5 : i32
        %add3A_3610 = arith.addi %mul3A_3442, %add3A_3609 : i32
        %get3A_3611 = arith.index_cast %add3A_3610 : i32 to index
        %get3A_3612 = arith.constant 16 : index
        %get3A_3613 = tpu.vector_load %arg11[%get3A_3611, %get3A_3612] {strides = array<i32>} : memref<336x64xf32, #tpu.memory_space<vmem>>, vector<16xf32>,
        %mul3A_3614 = arith.mulf %mul3A_3240, %get3A_3613 : vector<16xf32>
        %add3A_3615 = arith.addf %mul3A_3608, %mul3A_3614 : vector<16xf32>
        %add3A_3616 = arith.constant 5 : i32
        %add3A_3617 = arith.addi %mul3A_3442, %add3A_3616 : i32
        %get3A_3618 = arith.index_cast %add3A_3617 : i32 to index
        %get3A_3619 = arith.constant 32 : index
        %get3A_3620 = tpu.vector_load %arg11[%get3A_3618, %get3A_3619] {strides = array<i32>} : memref<336x64xf32, #tpu.memory_space<vmem>>, vector<16xf32>,
        %mul3A_3621 = arith.mulf %mul3A_3340, %get3A_3620 : vector<16xf32>
        %add3A_3622 = arith.addf %add3A_3615, %mul3A_3621 : vector<16xf32>
        %add3A_3623 = arith.constant 5 : i32
        %add3A_3624 = arith.addi %mul3A_3442, %add3A_3623 : i32
        %get3A_3625 = arith.index_cast %add3A_3624 : i32 to index
        %get3A_3626 = arith.constant 48 : index
        %get3A_3627 = tpu.vector_load %arg11[%get3A_3625, %get3A_3626] {strides = array<i32>} : memref<336x64xf32, #tpu.memory_space<vmem>>, vector<16xf32>,
        %mul3A_3628 = arith.mulf %mul3A_3440, %get3A_3627 : vector<16xf32>
        %add3A_3629 = arith.addf %add3A_3622, %mul3A_3628 : vector<16xf32>
        %add3A_3630 = arith.constant 5 : i32
        %add3A_3631 = arith.addi %mul3A_3442, %add3A_3630 : i32
        %swap3A_3632 = arith.index_cast %add3A_3631 : i32 to index
        %swap3A_3633 = arith.constant 0 : index
        %swap3A_3634 = tpu.vector_load %arg12[%swap3A_3632, %swap3A_3633] {strides = array<i32>} : memref<336x17xf32, #tpu.memory_space<vmem>>, vector<16xf32>,
        tpu.vector_store %arg12[%swap3A_3632, %swap3A_3633], %add3A_3629 {strides = array<i32>} : memref<336x17xf32, #tpu.memory_space<vmem>>, vector<16xf32>,
        %add3A_3635 = arith.constant 6 : i32
        %add3A_3636 = arith.addi %mul3A_3442, %add3A_3635 : i32
        %get3A_3637 = arith.index_cast %add3A_3636 : i32 to index
        %get3A_3638 = arith.constant 0 : index
        %get3A_3639 = tpu.vector_load %arg11[%get3A_3637, %get3A_3638] {strides = array<i32>} : memref<336x64xf32, #tpu.memory_space<vmem>>, vector<16xf32>,
        %mul3A_3640 = arith.mulf %mul3A_3140, %get3A_3639 : vector<16xf32>
        %add3A_3641 = arith.constant 6 : i32
        %add3A_3642 = arith.addi %mul3A_3442, %add3A_3641 : i32
        %get3A_3643 = arith.index_cast %add3A_3642 : i32 to index
        %get3A_3644 = arith.constant 16 : index
        %get3A_3645 = tpu.vector_load %arg11[%get3A_3643, %get3A_3644] {strides = array<i32>} : memref<336x64xf32, #tpu.memory_space<vmem>>, vector<16xf32>,
        %mul3A_3646 = arith.mulf %mul3A_3240, %get3A_3645 : vector<16xf32>
        %add3A_3647 = arith.addf %mul3A_3640, %mul3A_3646 : vector<16xf32>
        %add3A_3648 = arith.constant 6 : i32
        %add3A_3649 = arith.addi %mul3A_3442, %add3A_3648 : i32
        %get3A_3650 = arith.index_cast %add3A_3649 : i32 to index
        %get3A_3651 = arith.constant 32 : index
        %get3A_3652 = tpu.vector_load %arg11[%get3A_3650, %get3A_3651] {strides = array<i32>} : memref<336x64xf32, #tpu.memory_space<vmem>>, vector<16xf32>,
        %mul3A_3653 = arith.mulf %mul3A_3340, %get3A_3652 : vector<16xf32>
        %add3A_3654 = arith.addf %add3A_3647, %mul3A_3653 : vector<16xf32>
        %add3A_3655 = arith.constant 6 : i32
        %add3A_3656 = arith.addi %mul3A_3442, %add3A_3655 : i32
        %get3A_3657 = arith.index_cast %add3A_3656 : i32 to index
        %get3A_3658 = arith.constant 48 : index
        %get3A_3659 = tpu.vector_load %arg11[%get3A_3657, %get3A_3658] {strides = array<i32>} : memref<336x64xf32, #tpu.memory_space<vmem>>, vector<16xf32>,
        %mul3A_3660 = arith.mulf %mul3A_3440, %get3A_3659 : vector<16xf32>
        %add3A_3661 = arith.addf %add3A_3654, %mul3A_3660 : vector<16xf32>
        %add3A_3662 = arith.constant 6 : i32
        %add3A_3663 = arith.addi %mul3A_3442, %add3A_3662 : i32
        %swap3A_3664 = arith.index_cast %add3A_3663 : i32 to index
        %swap3A_3665 = arith.constant 0 : index
        %swap3A_3666 = tpu.vector_load %arg12[%swap3A_3664, %swap3A_3665] {strides = array<i32>} : memref<336x17xf32, #tpu.memory_space<vmem>>, vector<16xf32>,
        tpu.vector_store %arg12[%swap3A_3664, %swap3A_3665], %add3A_3661 {strides = array<i32>} : memref<336x17xf32, #tpu.memory_space<vmem>>, vector<16xf32>,
        %add3A_3667 = arith.constant 7 : i32
        %add3A_3668 = arith.addi %mul3A_3442, %add3A_3667 : i32
        %get3A_3669 = arith.index_cast %add3A_3668 : i32 to index
        %get3A_3670 = arith.constant 0 : index
        %get3A_3671 = tpu.vector_load %arg11[%get3A_3669, %get3A_3670] {strides = array<i32>} : memref<336x64xf32, #tpu.memory_space<vmem>>, vector<16xf32>,
        %mul3A_3672 = arith.mulf %mul3A_3140, %get3A_3671 : vector<16xf32>
        %add3A_3673 = arith.constant 7 : i32
        %add3A_3674 = arith.addi %mul3A_3442, %add3A_3673 : i32
        %get3A_3675 = arith.index_cast %add3A_3674 : i32 to index
        %get3A_3676 = arith.constant 16 : index
        %get3A_3677 = tpu.vector_load %arg11[%get3A_3675, %get3A_3676] {strides = array<i32>} : memref<336x64xf32, #tpu.memory_space<vmem>>, vector<16xf32>,
        %mul3A_3678 = arith.mulf %mul3A_3240, %get3A_3677 : vector<16xf32>
        %add3A_3679 = arith.addf %mul3A_3672, %mul3A_3678 : vector<16xf32>
        %add3A_3680 = arith.constant 7 : i32
        %add3A_3681 = arith.addi %mul3A_3442, %add3A_3680 : i32
        %get3A_3682 = arith.index_cast %add3A_3681 : i32 to index
        %get3A_3683 = arith.constant 32 : index
        %get3A_3684 = tpu.vector_load %arg11[%get3A_3682, %get3A_3683] {strides = array<i32>} : memref<336x64xf32, #tpu.memory_space<vmem>>, vector<16xf32>,
        %mul3A_3685 = arith.mulf %mul3A_3340, %get3A_3684 : vector<16xf32>
        %add3A_3686 = arith.addf %add3A_3679, %mul3A_3685 : vector<16xf32>
        %add3A_3687 = arith.constant 7 : i32
        %add3A_3688 = arith.addi %mul3A_3442, %add3A_3687 : i32
        %get3A_3689 = arith.index_cast %add3A_3688 : i32 to index
        %get3A_3690 = arith.constant 48 : index
        %get3A_3691 = tpu.vector_load %arg11[%get3A_3689, %get3A_3690] {strides = array<i32>} : memref<336x64xf32, #tpu.memory_space<vmem>>, vector<16xf32>,
        %mul3A_3692 = arith.mulf %mul3A_3440, %get3A_3691 : vector<16xf32>
        %add3A_3693 = arith.addf %add3A_3686, %mul3A_3692 : vector<16xf32>
        %add3A_3694 = arith.constant 7 : i32
        %add3A_3695 = arith.addi %mul3A_3442, %add3A_3694 : i32
        %swap3A_3696 = arith.index_cast %add3A_3695 : i32 to index
        %swap3A_3697 = arith.constant 0 : index
        %swap3A_3698 = tpu.vector_load %arg12[%swap3A_3696, %swap3A_3697] {strides = array<i32>} : memref<336x17xf32, #tpu.memory_space<vmem>>, vector<16xf32>,
        tpu.vector_store %arg12[%swap3A_3696, %swap3A_3697], %add3A_3693 {strides = array<i32>} : memref<336x17xf32, #tpu.memory_space<vmem>>, vector<16xf32>,
        %add3A_3699 = arith.constant 8 : i32
        %add3A_3700 = arith.addi %mul3A_3442, %add3A_3699 : i32
        %get3A_3701 = arith.index_cast %add3A_3700 : i32 to index
        %get3A_3702 = arith.constant 0 : index
        %get3A_3703 = tpu.vector_load %arg11[%get3A_3701, %get3A_3702] {strides = array<i32>} : memref<336x64xf32, #tpu.memory_space<vmem>>, vector<16xf32>,
        %mul3A_3704 = arith.mulf %mul3A_3140, %get3A_3703 : vector<16xf32>
        %add3A_3705 = arith.constant 8 : i32
        %add3A_3706 = arith.addi %mul3A_3442, %add3A_3705 : i32
        %get3A_3707 = arith.index_cast %add3A_3706 : i32 to index
        %get3A_3708 = arith.constant 16 : index
        %get3A_3709 = tpu.vector_load %arg11[%get3A_3707, %get3A_3708] {strides = array<i32>} : memref<336x64xf32, #tpu.memory_space<vmem>>, vector<16xf32>,
        %mul3A_3710 = arith.mulf %mul3A_3240, %get3A_3709 : vector<16xf32>
        %add3A_3711 = arith.addf %mul3A_3704, %mul3A_3710 : vector<16xf32>
        %add3A_3712 = arith.constant 8 : i32
        %add3A_3713 = arith.addi %mul3A_3442, %add3A_3712 : i32
        %get3A_3714 = arith.index_cast %add3A_3713 : i32 to index
        %get3A_3715 = arith.constant 32 : index
        %get3A_3716 = tpu.vector_load %arg11[%get3A_3714, %get3A_3715] {strides = array<i32>} : memref<336x64xf32, #tpu.memory_space<vmem>>, vector<16xf32>,
        %mul3A_3717 = arith.mulf %mul3A_3340, %get3A_3716 : vector<16xf32>
        %add3A_3718 = arith.addf %add3A_3711, %mul3A_3717 : vector<16xf32>
        %add3A_3719 = arith.constant 8 : i32
        %add3A_3720 = arith.addi %mul3A_3442, %add3A_3719 : i32
        %get3A_3721 = arith.index_cast %add3A_3720 : i32 to index
        %get3A_3722 = arith.constant 48 : index
        %get3A_3723 = tpu.vector_load %arg11[%get3A_3721, %get3A_3722] {strides = array<i32>} : memref<336x64xf32, #tpu.memory_space<vmem>>, vector<16xf32>,
        %mul3A_3724 = arith.mulf %mul3A_3440, %get3A_3723 : vector<16xf32>
        %add3A_3725 = arith.addf %add3A_3718, %mul3A_3724 : vector<16xf32>
        %add3A_3726 = arith.constant 8 : i32
        %add3A_3727 = arith.addi %mul3A_3442, %add3A_3726 : i32
        %swap3A_3728 = arith.index_cast %add3A_3727 : i32 to index
        %swap3A_3729 = arith.constant 0 : index
        %swap3A_3730 = tpu.vector_load %arg12[%swap3A_3728, %swap3A_3729] {strides = array<i32>} : memref<336x17xf32, #tpu.memory_space<vmem>>, vector<16xf32>,
        tpu.vector_store %arg12[%swap3A_3728, %swap3A_3729], %add3A_3725 {strides = array<i32>} : memref<336x17xf32, #tpu.memory_space<vmem>>, vector<16xf32>,
        %add3A_3731 = arith.constant 9 : i32
        %add3A_3732 = arith.addi %mul3A_3442, %add3A_3731 : i32
        %get3A_3733 = arith.index_cast %add3A_3732 : i32 to index
        %get3A_3734 = arith.constant 0 : index
        %get3A_3735 = tpu.vector_load %arg11[%get3A_3733, %get3A_3734] {strides = array<i32>} : memref<336x64xf32, #tpu.memory_space<vmem>>, vector<16xf32>,
        %mul3A_3736 = arith.mulf %mul3A_3140, %get3A_3735 : vector<16xf32>
        %add3A_3737 = arith.constant 9 : i32
        %add3A_3738 = arith.addi %mul3A_3442, %add3A_3737 : i32
        %get3A_3739 = arith.index_cast %add3A_3738 : i32 to index
        %get3A_3740 = arith.constant 16 : index
        %get3A_3741 = tpu.vector_load %arg11[%get3A_3739, %get3A_3740] {strides = array<i32>} : memref<336x64xf32, #tpu.memory_space<vmem>>, vector<16xf32>,
        %mul3A_3742 = arith.mulf %mul3A_3240, %get3A_3741 : vector<16xf32>
        %add3A_3743 = arith.addf %mul3A_3736, %mul3A_3742 : vector<16xf32>
        %add3A_3744 = arith.constant 9 : i32
        %add3A_3745 = arith.addi %mul3A_3442, %add3A_3744 : i32
        %get3A_3746 = arith.index_cast %add3A_3745 : i32 to index
        %get3A_3747 = arith.constant 32 : index
        %get3A_3748 = tpu.vector_load %arg11[%get3A_3746, %get3A_3747] {strides = array<i32>} : memref<336x64xf32, #tpu.memory_space<vmem>>, vector<16xf32>,
        %mul3A_3749 = arith.mulf %mul3A_3340, %get3A_3748 : vector<16xf32>
        %add3A_3750 = arith.addf %add3A_3743, %mul3A_3749 : vector<16xf32>
        %add3A_3751 = arith.constant 9 : i32
        %add3A_3752 = arith.addi %mul3A_3442, %add3A_3751 : i32
        %get3A_3753 = arith.index_cast %add3A_3752 : i32 to index
        %get3A_3754 = arith.constant 48 : index
        %get3A_3755 = tpu.vector_load %arg11[%get3A_3753, %get3A_3754] {strides = array<i32>} : memref<336x64xf32, #tpu.memory_space<vmem>>, vector<16xf32>,
        %mul3A_3756 = arith.mulf %mul3A_3440, %get3A_3755 : vector<16xf32>
        %add3A_3757 = arith.addf %add3A_3750, %mul3A_3756 : vector<16xf32>
        %add3A_3758 = arith.constant 9 : i32
        %add3A_3759 = arith.addi %mul3A_3442, %add3A_3758 : i32
        %swap3A_3760 = arith.index_cast %add3A_3759 : i32 to index
        %swap3A_3761 = arith.constant 0 : index
        %swap3A_3762 = tpu.vector_load %arg12[%swap3A_3760, %swap3A_3761] {strides = array<i32>} : memref<336x17xf32, #tpu.memory_space<vmem>>, vector<16xf32>,
        tpu.vector_store %arg12[%swap3A_3760, %swap3A_3761], %add3A_3757 {strides = array<i32>} : memref<336x17xf32, #tpu.memory_space<vmem>>, vector<16xf32>,
        %add3A_3763 = arith.constant 10 : i32
        %add3A_3764 = arith.addi %mul3A_3442, %add3A_3763 : i32
        %get3A_3765 = arith.index_cast %add3A_3764 : i32 to index
        %get3A_3766 = arith.constant 0 : index
        %get3A_3767 = tpu.vector_load %arg11[%get3A_3765, %get3A_3766] {strides = array<i32>} : memref<336x64xf32, #tpu.memory_space<vmem>>, vector<16xf32>,
        %mul3A_3768 = arith.mulf %mul3A_3140, %get3A_3767 : vector<16xf32>
        %add3A_3769 = arith.constant 10 : i32
        %add3A_3770 = arith.addi %mul3A_3442, %add3A_3769 : i32
        %get3A_3771 = arith.index_cast %add3A_3770 : i32 to index
        %get3A_3772 = arith.constant 16 : index
        %get3A_3773 = tpu.vector_load %arg11[%get3A_3771, %get3A_3772] {strides = array<i32>} : memref<336x64xf32, #tpu.memory_space<vmem>>, vector<16xf32>,
        %mul3A_3774 = arith.mulf %mul3A_3240, %get3A_3773 : vector<16xf32>
        %add3A_3775 = arith.addf %mul3A_3768, %mul3A_3774 : vector<16xf32>
        %add3A_3776 = arith.constant 10 : i32
        %add3A_3777 = arith.addi %mul3A_3442, %add3A_3776 : i32
        %get3A_3778 = arith.index_cast %add3A_3777 : i32 to index
        %get3A_3779 = arith.constant 32 : index
        %get3A_3780 = tpu.vector_load %arg11[%get3A_3778, %get3A_3779] {strides = array<i32>} : memref<336x64xf32, #tpu.memory_space<vmem>>, vector<16xf32>,
        %mul3A_3781 = arith.mulf %mul3A_3340, %get3A_3780 : vector<16xf32>
        %add3A_3782 = arith.addf %add3A_3775, %mul3A_3781 : vector<16xf32>
        %add3A_3783 = arith.constant 10 : i32
        %add3A_3784 = arith.addi %mul3A_3442, %add3A_3783 : i32
        %get3A_3785 = arith.index_cast %add3A_3784 : i32 to index
        %get3A_3786 = arith.constant 48 : index
        %get3A_3787 = tpu.vector_load %arg11[%get3A_3785, %get3A_3786] {strides = array<i32>} : memref<336x64xf32, #tpu.memory_space<vmem>>, vector<16xf32>,
        %mul3A_3788 = arith.mulf %mul3A_3440, %get3A_3787 : vector<16xf32>
        %add3A_3789 = arith.addf %add3A_3782, %mul3A_3788 : vector<16xf32>
        %add3A_3790 = arith.constant 10 : i32
        %add3A_3791 = arith.addi %mul3A_3442, %add3A_3790 : i32
        %swap3A_3792 = arith.index_cast %add3A_3791 : i32 to index
        %swap3A_3793 = arith.constant 0 : index
        %swap3A_3794 = tpu.vector_load %arg12[%swap3A_3792, %swap3A_3793] {strides = array<i32>} : memref<336x17xf32, #tpu.memory_space<vmem>>, vector<16xf32>,
        tpu.vector_store %arg12[%swap3A_3792, %swap3A_3793], %add3A_3789 {strides = array<i32>} : memref<336x17xf32, #tpu.memory_space<vmem>>, vector<16xf32>,
        %add3A_3795 = arith.constant 11 : i32
        %add3A_3796 = arith.addi %mul3A_3442, %add3A_3795 : i32
        %get3A_3797 = arith.index_cast %add3A_3796 : i32 to index
        %get3A_3798 = arith.constant 0 : index
        %get3A_3799 = tpu.vector_load %arg11[%get3A_3797, %get3A_3798] {strides = array<i32>} : memref<336x64xf32, #tpu.memory_space<vmem>>, vector<16xf32>,
        %mul3A_3800 = arith.mulf %mul3A_3140, %get3A_3799 : vector<16xf32>
        %add3A_3801 = arith.constant 11 : i32
        %add3A_3802 = arith.addi %mul3A_3442, %add3A_3801 : i32
        %get3A_3803 = arith.index_cast %add3A_3802 : i32 to index
        %get3A_3804 = arith.constant 16 : index
        %get3A_3805 = tpu.vector_load %arg11[%get3A_3803, %get3A_3804] {strides = array<i32>} : memref<336x64xf32, #tpu.memory_space<vmem>>, vector<16xf32>,
        %mul3A_3806 = arith.mulf %mul3A_3240, %get3A_3805 : vector<16xf32>
        %add3A_3807 = arith.addf %mul3A_3800, %mul3A_3806 : vector<16xf32>
        %add3A_3808 = arith.constant 11 : i32
        %add3A_3809 = arith.addi %mul3A_3442, %add3A_3808 : i32
        %get3A_3810 = arith.index_cast %add3A_3809 : i32 to index
        %get3A_3811 = arith.constant 32 : index
        %get3A_3812 = tpu.vector_load %arg11[%get3A_3810, %get3A_3811] {strides = array<i32>} : memref<336x64xf32, #tpu.memory_space<vmem>>, vector<16xf32>,
        %mul3A_3813 = arith.mulf %mul3A_3340, %get3A_3812 : vector<16xf32>
        %add3A_3814 = arith.addf %add3A_3807, %mul3A_3813 : vector<16xf32>
        %add3A_3815 = arith.constant 11 : i32
        %add3A_3816 = arith.addi %mul3A_3442, %add3A_3815 : i32
        %get3A_3817 = arith.index_cast %add3A_3816 : i32 to index
        %get3A_3818 = arith.constant 48 : index
        %get3A_3819 = tpu.vector_load %arg11[%get3A_3817, %get3A_3818] {strides = array<i32>} : memref<336x64xf32, #tpu.memory_space<vmem>>, vector<16xf32>,
        %mul3A_3820 = arith.mulf %mul3A_3440, %get3A_3819 : vector<16xf32>
        %add3A_3821 = arith.addf %add3A_3814, %mul3A_3820 : vector<16xf32>
        %add3A_3822 = arith.constant 11 : i32
        %add3A_3823 = arith.addi %mul3A_3442, %add3A_3822 : i32
        %swap3A_3824 = arith.index_cast %add3A_3823 : i32 to index
        %swap3A_3825 = arith.constant 0 : index
        %swap3A_3826 = tpu.vector_load %arg12[%swap3A_3824, %swap3A_3825] {strides = array<i32>} : memref<336x17xf32, #tpu.memory_space<vmem>>, vector<16xf32>,
        tpu.vector_store %arg12[%swap3A_3824, %swap3A_3825], %add3A_3821 {strides = array<i32>} : memref<336x17xf32, #tpu.memory_space<vmem>>, vector<16xf32>,
        %add3A_3827 = arith.constant 12 : i32
        %add3A_3828 = arith.addi %mul3A_3442, %add3A_3827 : i32
        %get3A_3829 = arith.index_cast %add3A_3828 : i32 to index
        %get3A_3830 = arith.constant 0 : index
        %get3A_3831 = tpu.vector_load %arg11[%get3A_3829, %get3A_3830] {strides = array<i32>} : memref<336x64xf32, #tpu.memory_space<vmem>>, vector<16xf32>,
        %mul3A_3832 = arith.mulf %mul3A_3140, %get3A_3831 : vector<16xf32>
        %add3A_3833 = arith.constant 12 : i32
        %add3A_3834 = arith.addi %mul3A_3442, %add3A_3833 : i32
        %get3A_3835 = arith.index_cast %add3A_3834 : i32 to index
        %get3A_3836 = arith.constant 16 : index
        %get3A_3837 = tpu.vector_load %arg11[%get3A_3835, %get3A_3836] {strides = array<i32>} : memref<336x64xf32, #tpu.memory_space<vmem>>, vector<16xf32>,
        %mul3A_3838 = arith.mulf %mul3A_3240, %get3A_3837 : vector<16xf32>
        %add3A_3839 = arith.addf %mul3A_3832, %mul3A_3838 : vector<16xf32>
        %add3A_3840 = arith.constant 12 : i32
        %add3A_3841 = arith.addi %mul3A_3442, %add3A_3840 : i32
        %get3A_3842 = arith.index_cast %add3A_3841 : i32 to index
        %get3A_3843 = arith.constant 32 : index
        %get3A_3844 = tpu.vector_load %arg11[%get3A_3842, %get3A_3843] {strides = array<i32>} : memref<336x64xf32, #tpu.memory_space<vmem>>, vector<16xf32>,
        %mul3A_3845 = arith.mulf %mul3A_3340, %get3A_3844 : vector<16xf32>
        %add3A_3846 = arith.addf %add3A_3839, %mul3A_3845 : vector<16xf32>
        %add3A_3847 = arith.constant 12 : i32
        %add3A_3848 = arith.addi %mul3A_3442, %add3A_3847 : i32
        %get3A_3849 = arith.index_cast %add3A_3848 : i32 to index
        %get3A_3850 = arith.constant 48 : index
        %get3A_3851 = tpu.vector_load %arg11[%get3A_3849, %get3A_3850] {strides = array<i32>} : memref<336x64xf32, #tpu.memory_space<vmem>>, vector<16xf32>,
        %mul3A_3852 = arith.mulf %mul3A_3440, %get3A_3851 : vector<16xf32>
        %add3A_3853 = arith.addf %add3A_3846, %mul3A_3852 : vector<16xf32>
        %add3A_3854 = arith.constant 12 : i32
        %add3A_3855 = arith.addi %mul3A_3442, %add3A_3854 : i32
        %swap3A_3856 = arith.index_cast %add3A_3855 : i32 to index
        %swap3A_3857 = arith.constant 0 : index
        %swap3A_3858 = tpu.vector_load %arg12[%swap3A_3856, %swap3A_3857] {strides = array<i32>} : memref<336x17xf32, #tpu.memory_space<vmem>>, vector<16xf32>,
        tpu.vector_store %arg12[%swap3A_3856, %swap3A_3857], %add3A_3853 {strides = array<i32>} : memref<336x17xf32, #tpu.memory_space<vmem>>, vector<16xf32>,
        %add3A_3859 = arith.constant 13 : i32
        %add3A_3860 = arith.addi %mul3A_3442, %add3A_3859 : i32
        %get3A_3861 = arith.index_cast %add3A_3860 : i32 to index
        %get3A_3862 = arith.constant 0 : index
        %get3A_3863 = tpu.vector_load %arg11[%get3A_3861, %get3A_3862] {strides = array<i32>} : memref<336x64xf32, #tpu.memory_space<vmem>>, vector<16xf32>,
        %mul3A_3864 = arith.mulf %mul3A_3140, %get3A_3863 : vector<16xf32>
        %add3A_3865 = arith.constant 13 : i32
        %add3A_3866 = arith.addi %mul3A_3442, %add3A_3865 : i32
        %get3A_3867 = arith.index_cast %add3A_3866 : i32 to index
        %get3A_3868 = arith.constant 16 : index
        %get3A_3869 = tpu.vector_load %arg11[%get3A_3867, %get3A_3868] {strides = array<i32>} : memref<336x64xf32, #tpu.memory_space<vmem>>, vector<16xf32>,
        %mul3A_3870 = arith.mulf %mul3A_3240, %get3A_3869 : vector<16xf32>
        %add3A_3871 = arith.addf %mul3A_3864, %mul3A_3870 : vector<16xf32>
        %add3A_3872 = arith.constant 13 : i32
        %add3A_3873 = arith.addi %mul3A_3442, %add3A_3872 : i32
        %get3A_3874 = arith.index_cast %add3A_3873 : i32 to index
        %get3A_3875 = arith.constant 32 : index
        %get3A_3876 = tpu.vector_load %arg11[%get3A_3874, %get3A_3875] {strides = array<i32>} : memref<336x64xf32, #tpu.memory_space<vmem>>, vector<16xf32>,
        %mul3A_3877 = arith.mulf %mul3A_3340, %get3A_3876 : vector<16xf32>
        %add3A_3878 = arith.addf %add3A_3871, %mul3A_3877 : vector<16xf32>
        %add3A_3879 = arith.constant 13 : i32
        %add3A_3880 = arith.addi %mul3A_3442, %add3A_3879 : i32
        %get3A_3881 = arith.index_cast %add3A_3880 : i32 to index
        %get3A_3882 = arith.constant 48 : index
        %get3A_3883 = tpu.vector_load %arg11[%get3A_3881, %get3A_3882] {strides = array<i32>} : memref<336x64xf32, #tpu.memory_space<vmem>>, vector<16xf32>,
        %mul3A_3884 = arith.mulf %mul3A_3440, %get3A_3883 : vector<16xf32>
        %add3A_3885 = arith.addf %add3A_3878, %mul3A_3884 : vector<16xf32>
        %add3A_3886 = arith.constant 13 : i32
        %add3A_3887 = arith.addi %mul3A_3442, %add3A_3886 : i32
        %swap3A_3888 = arith.index_cast %add3A_3887 : i32 to index
        %swap3A_3889 = arith.constant 0 : index
        %swap3A_3890 = tpu.vector_load %arg12[%swap3A_3888, %swap3A_3889] {strides = array<i32>} : memref<336x17xf32, #tpu.memory_space<vmem>>, vector<16xf32>,
        tpu.vector_store %arg12[%swap3A_3888, %swap3A_3889], %add3A_3885 {strides = array<i32>} : memref<336x17xf32, #tpu.memory_space<vmem>>, vector<16xf32>,
        %add3A_3891 = arith.constant 14 : i32
        %add3A_3892 = arith.addi %mul3A_3442, %add3A_3891 : i32
        %get3A_3893 = arith.index_cast %add3A_3892 : i32 to index
        %get3A_3894 = arith.constant 0 : index
        %get3A_3895 = tpu.vector_load %arg11[%get3A_3893, %get3A_3894] {strides = array<i32>} : memref<336x64xf32, #tpu.memory_space<vmem>>, vector<16xf32>,
        %mul3A_3896 = arith.mulf %mul3A_3140, %get3A_3895 : vector<16xf32>
        %add3A_3897 = arith.constant 14 : i32
        %add3A_3898 = arith.addi %mul3A_3442, %add3A_3897 : i32
        %get3A_3899 = arith.index_cast %add3A_3898 : i32 to index
        %get3A_3900 = arith.constant 16 : index
        %get3A_3901 = tpu.vector_load %arg11[%get3A_3899, %get3A_3900] {strides = array<i32>} : memref<336x64xf32, #tpu.memory_space<vmem>>, vector<16xf32>,
        %mul3A_3902 = arith.mulf %mul3A_3240, %get3A_3901 : vector<16xf32>
        %add3A_3903 = arith.addf %mul3A_3896, %mul3A_3902 : vector<16xf32>
        %add3A_3904 = arith.constant 14 : i32
        %add3A_3905 = arith.addi %mul3A_3442, %add3A_3904 : i32
        %get3A_3906 = arith.index_cast %add3A_3905 : i32 to index
        %get3A_3907 = arith.constant 32 : index
        %get3A_3908 = tpu.vector_load %arg11[%get3A_3906, %get3A_3907] {strides = array<i32>} : memref<336x64xf32, #tpu.memory_space<vmem>>, vector<16xf32>,
        %mul3A_3909 = arith.mulf %mul3A_3340, %get3A_3908 : vector<16xf32>
        %add3A_3910 = arith.addf %add3A_3903, %mul3A_3909 : vector<16xf32>
        %add3A_3911 = arith.constant 14 : i32
        %add3A_3912 = arith.addi %mul3A_3442, %add3A_3911 : i32
        %get3A_3913 = arith.index_cast %add3A_3912 : i32 to index
        %get3A_3914 = arith.constant 48 : index
        %get3A_3915 = tpu.vector_load %arg11[%get3A_3913, %get3A_3914] {strides = array<i32>} : memref<336x64xf32, #tpu.memory_space<vmem>>, vector<16xf32>,
        %mul3A_3916 = arith.mulf %mul3A_3440, %get3A_3915 : vector<16xf32>
        %add3A_3917 = arith.addf %add3A_3910, %mul3A_3916 : vector<16xf32>
        %add3A_3918 = arith.constant 14 : i32
        %add3A_3919 = arith.addi %mul3A_3442, %add3A_3918 : i32
        %swap3A_3920 = arith.index_cast %add3A_3919 : i32 to index
        %swap3A_3921 = arith.constant 0 : index
        %swap3A_3922 = tpu.vector_load %arg12[%swap3A_3920, %swap3A_3921] {strides = array<i32>} : memref<336x17xf32, #tpu.memory_space<vmem>>, vector<16xf32>,
        tpu.vector_store %arg12[%swap3A_3920, %swap3A_3921], %add3A_3917 {strides = array<i32>} : memref<336x17xf32, #tpu.memory_space<vmem>>, vector<16xf32>,
        %add3A_3923 = arith.constant 15 : i32
        %add3A_3924 = arith.addi %mul3A_3442, %add3A_3923 : i32
        %get3A_3925 = arith.index_cast %add3A_3924 : i32 to index
        %get3A_3926 = arith.constant 0 : index
        %get3A_3927 = tpu.vector_load %arg11[%get3A_3925, %get3A_3926] {strides = array<i32>} : memref<336x64xf32, #tpu.memory_space<vmem>>, vector<16xf32>,
        %mul3A_3928 = arith.mulf %mul3A_3140, %get3A_3927 : vector<16xf32>
        %add3A_3929 = arith.constant 15 : i32
        %add3A_3930 = arith.addi %mul3A_3442, %add3A_3929 : i32
        %get3A_3931 = arith.index_cast %add3A_3930 : i32 to index
        %get3A_3932 = arith.constant 16 : index
        %get3A_3933 = tpu.vector_load %arg11[%get3A_3931, %get3A_3932] {strides = array<i32>} : memref<336x64xf32, #tpu.memory_space<vmem>>, vector<16xf32>,
        %mul3A_3934 = arith.mulf %mul3A_3240, %get3A_3933 : vector<16xf32>
        %add3A_3935 = arith.addf %mul3A_3928, %mul3A_3934 : vector<16xf32>
        %add3A_3936 = arith.constant 15 : i32
        %add3A_3937 = arith.addi %mul3A_3442, %add3A_3936 : i32
        %get3A_3938 = arith.index_cast %add3A_3937 : i32 to index
        %get3A_3939 = arith.constant 32 : index
        %get3A_3940 = tpu.vector_load %arg11[%get3A_3938, %get3A_3939] {strides = array<i32>} : memref<336x64xf32, #tpu.memory_space<vmem>>, vector<16xf32>,
        %mul3A_3941 = arith.mulf %mul3A_3340, %get3A_3940 : vector<16xf32>
        %add3A_3942 = arith.addf %add3A_3935, %mul3A_3941 : vector<16xf32>
        %add3A_3943 = arith.constant 15 : i32
        %add3A_3944 = arith.addi %mul3A_3442, %add3A_3943 : i32
        %get3A_3945 = arith.index_cast %add3A_3944 : i32 to index
        %get3A_3946 = arith.constant 48 : index
        %get3A_3947 = tpu.vector_load %arg11[%get3A_3945, %get3A_3946] {strides = array<i32>} : memref<336x64xf32, #tpu.memory_space<vmem>>, vector<16xf32>,
        %mul3A_3948 = arith.mulf %mul3A_3440, %get3A_3947 : vector<16xf32>
        %add3A_3949 = arith.addf %add3A_3942, %mul3A_3948 : vector<16xf32>
        %add3A_3950 = arith.constant 15 : i32
        %add3A_3951 = arith.addi %mul3A_3442, %add3A_3950 : i32
        %swap3A_3952 = arith.index_cast %add3A_3951 : i32 to index
        %swap3A_3953 = arith.constant 0 : index
        %swap3A_3954 = tpu.vector_load %arg12[%swap3A_3952, %swap3A_3953] {strides = array<i32>} : memref<336x17xf32, #tpu.memory_space<vmem>>, vector<16xf32>,
        tpu.vector_store %arg12[%swap3A_3952, %swap3A_3953], %add3A_3949 {strides = array<i32>} : memref<336x17xf32, #tpu.memory_space<vmem>>, vector<16xf32>,
        %add3A_3955 = arith.constant 16 : i32
        %add3A_3956 = arith.addi %mul3A_3442, %add3A_3955 : i32
        %get3A_3957 = arith.index_cast %add3A_3956 : i32 to index
        %get3A_3958 = arith.constant 0 : index
        %get3A_3959 = tpu.vector_load %arg11[%get3A_3957, %get3A_3958] {strides = array<i32>} : memref<336x64xf32, #tpu.memory_space<vmem>>, vector<16xf32>,
        %mul3A_3960 = arith.mulf %mul3A_3140, %get3A_3959 : vector<16xf32>
        %add3A_3961 = arith.constant 16 : i32
        %add3A_3962 = arith.addi %mul3A_3442, %add3A_3961 : i32
        %get3A_3963 = arith.index_cast %add3A_3962 : i32 to index
        %get3A_3964 = arith.constant 16 : index
        %get3A_3965 = tpu.vector_load %arg11[%get3A_3963, %get3A_3964] {strides = array<i32>} : memref<336x64xf32, #tpu.memory_space<vmem>>, vector<16xf32>,
        %mul3A_3966 = arith.mulf %mul3A_3240, %get3A_3965 : vector<16xf32>
        %add3A_3967 = arith.addf %mul3A_3960, %mul3A_3966 : vector<16xf32>
        %add3A_3968 = arith.constant 16 : i32
        %add3A_3969 = arith.addi %mul3A_3442, %add3A_3968 : i32
        %get3A_3970 = arith.index_cast %add3A_3969 : i32 to index
        %get3A_3971 = arith.constant 32 : index
        %get3A_3972 = tpu.vector_load %arg11[%get3A_3970, %get3A_3971] {strides = array<i32>} : memref<336x64xf32, #tpu.memory_space<vmem>>, vector<16xf32>,
        %mul3A_3973 = arith.mulf %mul3A_3340, %get3A_3972 : vector<16xf32>
        %add3A_3974 = arith.addf %add3A_3967, %mul3A_3973 : vector<16xf32>
        %add3A_3975 = arith.constant 16 : i32
        %add3A_3976 = arith.addi %mul3A_3442, %add3A_3975 : i32
        %get3A_3977 = arith.index_cast %add3A_3976 : i32 to index
        %get3A_3978 = arith.constant 48 : index
        %get3A_3979 = tpu.vector_load %arg11[%get3A_3977, %get3A_3978] {strides = array<i32>} : memref<336x64xf32, #tpu.memory_space<vmem>>, vector<16xf32>,
        %mul3A_3980 = arith.mulf %mul3A_3440, %get3A_3979 : vector<16xf32>
        %add3A_3981 = arith.addf %add3A_3974, %mul3A_3980 : vector<16xf32>
        %add3A_3982 = arith.constant 16 : i32
        %add3A_3983 = arith.addi %mul3A_3442, %add3A_3982 : i32
        %swap3A_3984 = arith.index_cast %add3A_3983 : i32 to index
        %swap3A_3985 = arith.constant 0 : index
        %swap3A_3986 = tpu.vector_load %arg12[%swap3A_3984, %swap3A_3985] {strides = array<i32>} : memref<336x17xf32, #tpu.memory_space<vmem>>, vector<16xf32>,
        tpu.vector_store %arg12[%swap3A_3984, %swap3A_3985], %add3A_3981 {strides = array<i32>} : memref<336x17xf32, #tpu.memory_space<vmem>>, vector<16xf32>,
        %add3A_3987 = arith.constant 17 : i32
        %add3A_3988 = arith.addi %mul3A_3442, %add3A_3987 : i32
        %get3A_3989 = arith.index_cast %add3A_3988 : i32 to index
        %get3A_3990 = arith.constant 0 : index
        %get3A_3991 = tpu.vector_load %arg11[%get3A_3989, %get3A_3990] {strides = array<i32>} : memref<336x64xf32, #tpu.memory_space<vmem>>, vector<16xf32>,
        %mul3A_3992 = arith.mulf %mul3A_3140, %get3A_3991 : vector<16xf32>
        %add3A_3993 = arith.constant 17 : i32
        %add3A_3994 = arith.addi %mul3A_3442, %add3A_3993 : i32
        %get3A_3995 = arith.index_cast %add3A_3994 : i32 to index
        %get3A_3996 = arith.constant 16 : index
        %get3A_3997 = tpu.vector_load %arg11[%get3A_3995, %get3A_3996] {strides = array<i32>} : memref<336x64xf32, #tpu.memory_space<vmem>>, vector<16xf32>,
        %mul3A_3998 = arith.mulf %mul3A_3240, %get3A_3997 : vector<16xf32>
        %add3A_3999 = arith.addf %mul3A_3992, %mul3A_3998 : vector<16xf32>
        %add3A_4000 = arith.constant 17 : i32
        %add3A_4001 = arith.addi %mul3A_3442, %add3A_4000 : i32
        %get3A_4002 = arith.index_cast %add3A_4001 : i32 to index
        %get3A_4003 = arith.constant 32 : index
        %get3A_4004 = tpu.vector_load %arg11[%get3A_4002, %get3A_4003] {strides = array<i32>} : memref<336x64xf32, #tpu.memory_space<vmem>>, vector<16xf32>,
        %mul3A_4005 = arith.mulf %mul3A_3340, %get3A_4004 : vector<16xf32>
        %add3A_4006 = arith.addf %add3A_3999, %mul3A_4005 : vector<16xf32>
        %add3A_4007 = arith.constant 17 : i32
        %add3A_4008 = arith.addi %mul3A_3442, %add3A_4007 : i32
        %get3A_4009 = arith.index_cast %add3A_4008 : i32 to index
        %get3A_4010 = arith.constant 48 : index
        %get3A_4011 = tpu.vector_load %arg11[%get3A_4009, %get3A_4010] {strides = array<i32>} : memref<336x64xf32, #tpu.memory_space<vmem>>, vector<16xf32>,
        %mul3A_4012 = arith.mulf %mul3A_3440, %get3A_4011 : vector<16xf32>
        %add3A_4013 = arith.addf %add3A_4006, %mul3A_4012 : vector<16xf32>
        %add3A_4014 = arith.constant 17 : i32
        %add3A_4015 = arith.addi %mul3A_3442, %add3A_4014 : i32
        %swap3A_4016 = arith.index_cast %add3A_4015 : i32 to index
        %swap3A_4017 = arith.constant 0 : index
        %swap3A_4018 = tpu.vector_load %arg12[%swap3A_4016, %swap3A_4017] {strides = array<i32>} : memref<336x17xf32, #tpu.memory_space<vmem>>, vector<16xf32>,
        tpu.vector_store %arg12[%swap3A_4016, %swap3A_4017], %add3A_4013 {strides = array<i32>} : memref<336x17xf32, #tpu.memory_space<vmem>>, vector<16xf32>,
        %add3A_4019 = arith.constant 18 : i32
        %add3A_4020 = arith.addi %mul3A_3442, %add3A_4019 : i32
        %get3A_4021 = arith.index_cast %add3A_4020 : i32 to index
        %get3A_4022 = arith.constant 0 : index
        %get3A_4023 = tpu.vector_load %arg11[%get3A_4021, %get3A_4022] {strides = array<i32>} : memref<336x64xf32, #tpu.memory_space<vmem>>, vector<16xf32>,
        %mul3A_4024 = arith.mulf %mul3A_3140, %get3A_4023 : vector<16xf32>
        %add3A_4025 = arith.constant 18 : i32
        %add3A_4026 = arith.addi %mul3A_3442, %add3A_4025 : i32
        %get3A_4027 = arith.index_cast %add3A_4026 : i32 to index
        %get3A_4028 = arith.constant 16 : index
        %get3A_4029 = tpu.vector_load %arg11[%get3A_4027, %get3A_4028] {strides = array<i32>} : memref<336x64xf32, #tpu.memory_space<vmem>>, vector<16xf32>,
        %mul3A_4030 = arith.mulf %mul3A_3240, %get3A_4029 : vector<16xf32>
        %add3A_4031 = arith.addf %mul3A_4024, %mul3A_4030 : vector<16xf32>
        %add3A_4032 = arith.constant 18 : i32
        %add3A_4033 = arith.addi %mul3A_3442, %add3A_4032 : i32
        %get3A_4034 = arith.index_cast %add3A_4033 : i32 to index
        %get3A_4035 = arith.constant 32 : index
        %get3A_4036 = tpu.vector_load %arg11[%get3A_4034, %get3A_4035] {strides = array<i32>} : memref<336x64xf32, #tpu.memory_space<vmem>>, vector<16xf32>,
        %mul3A_4037 = arith.mulf %mul3A_3340, %get3A_4036 : vector<16xf32>
        %add3A_4038 = arith.addf %add3A_4031, %mul3A_4037 : vector<16xf32>
        %add3A_4039 = arith.constant 18 : i32
        %add3A_4040 = arith.addi %mul3A_3442, %add3A_4039 : i32
        %get3A_4041 = arith.index_cast %add3A_4040 : i32 to index
        %get3A_4042 = arith.constant 48 : index
        %get3A_4043 = tpu.vector_load %arg11[%get3A_4041, %get3A_4042] {strides = array<i32>} : memref<336x64xf32, #tpu.memory_space<vmem>>, vector<16xf32>,
        %mul3A_4044 = arith.mulf %mul3A_3440, %get3A_4043 : vector<16xf32>
        %add3A_4045 = arith.addf %add3A_4038, %mul3A_4044 : vector<16xf32>
        %add3A_4046 = arith.constant 18 : i32
        %add3A_4047 = arith.addi %mul3A_3442, %add3A_4046 : i32
        %swap3A_4048 = arith.index_cast %add3A_4047 : i32 to index
        %swap3A_4049 = arith.constant 0 : index
        %swap3A_4050 = tpu.vector_load %arg12[%swap3A_4048, %swap3A_4049] {strides = array<i32>} : memref<336x17xf32, #tpu.memory_space<vmem>>, vector<16xf32>,
        tpu.vector_store %arg12[%swap3A_4048, %swap3A_4049], %add3A_4045 {strides = array<i32>} : memref<336x17xf32, #tpu.memory_space<vmem>>, vector<16xf32>,
        %add3A_4051 = arith.constant 19 : i32
        %add3A_4052 = arith.addi %mul3A_3442, %add3A_4051 : i32
        %get3A_4053 = arith.index_cast %add3A_4052 : i32 to index
        %get3A_4054 = arith.constant 0 : index
        %get3A_4055 = tpu.vector_load %arg11[%get3A_4053, %get3A_4054] {strides = array<i32>} : memref<336x64xf32, #tpu.memory_space<vmem>>, vector<16xf32>,
        %mul3A_4056 = arith.mulf %mul3A_3140, %get3A_4055 : vector<16xf32>
        %add3A_4057 = arith.constant 19 : i32
        %add3A_4058 = arith.addi %mul3A_3442, %add3A_4057 : i32
        %get3A_4059 = arith.index_cast %add3A_4058 : i32 to index
        %get3A_4060 = arith.constant 16 : index
        %get3A_4061 = tpu.vector_load %arg11[%get3A_4059, %get3A_4060] {strides = array<i32>} : memref<336x64xf32, #tpu.memory_space<vmem>>, vector<16xf32>,
        %mul3A_4062 = arith.mulf %mul3A_3240, %get3A_4061 : vector<16xf32>
        %add3A_4063 = arith.addf %mul3A_4056, %mul3A_4062 : vector<16xf32>
        %add3A_4064 = arith.constant 19 : i32
        %add3A_4065 = arith.addi %mul3A_3442, %add3A_4064 : i32
        %get3A_4066 = arith.index_cast %add3A_4065 : i32 to index
        %get3A_4067 = arith.constant 32 : index
        %get3A_4068 = tpu.vector_load %arg11[%get3A_4066, %get3A_4067] {strides = array<i32>} : memref<336x64xf32, #tpu.memory_space<vmem>>, vector<16xf32>,
        %mul3A_4069 = arith.mulf %mul3A_3340, %get3A_4068 : vector<16xf32>
        %add3A_4070 = arith.addf %add3A_4063, %mul3A_4069 : vector<16xf32>
        %add3A_4071 = arith.constant 19 : i32
        %add3A_4072 = arith.addi %mul3A_3442, %add3A_4071 : i32
        %get3A_4073 = arith.index_cast %add3A_4072 : i32 to index
        %get3A_4074 = arith.constant 48 : index
        %get3A_4075 = tpu.vector_load %arg11[%get3A_4073, %get3A_4074] {strides = array<i32>} : memref<336x64xf32, #tpu.memory_space<vmem>>, vector<16xf32>,
        %mul3A_4076 = arith.mulf %mul3A_3440, %get3A_4075 : vector<16xf32>
        %add3A_4077 = arith.addf %add3A_4070, %mul3A_4076 : vector<16xf32>
        %add3A_4078 = arith.constant 19 : i32
        %add3A_4079 = arith.addi %mul3A_3442, %add3A_4078 : i32
        %swap3A_4080 = arith.index_cast %add3A_4079 : i32 to index
        %swap3A_4081 = arith.constant 0 : index
        %swap3A_4082 = tpu.vector_load %arg12[%swap3A_4080, %swap3A_4081] {strides = array<i32>} : memref<336x17xf32, #tpu.memory_space<vmem>>, vector<16xf32>,
        tpu.vector_store %arg12[%swap3A_4080, %swap3A_4081], %add3A_4077 {strides = array<i32>} : memref<336x17xf32, #tpu.memory_space<vmem>>, vector<16xf32>,
        %add3A_4083 = arith.constant 20 : i32
        %add3A_4084 = arith.addi %mul3A_3442, %add3A_4083 : i32
        %get3A_4085 = arith.index_cast %add3A_4084 : i32 to index
        %get3A_4086 = arith.constant 0 : index
        %get3A_4087 = tpu.vector_load %arg11[%get3A_4085, %get3A_4086] {strides = array<i32>} : memref<336x64xf32, #tpu.memory_space<vmem>>, vector<16xf32>,
        %mul3A_4088 = arith.mulf %mul3A_3140, %get3A_4087 : vector<16xf32>
        %add3A_4089 = arith.constant 20 : i32
        %add3A_4090 = arith.addi %mul3A_3442, %add3A_4089 : i32
        %get3A_4091 = arith.index_cast %add3A_4090 : i32 to index
        %get3A_4092 = arith.constant 16 : index
        %get3A_4093 = tpu.vector_load %arg11[%get3A_4091, %get3A_4092] {strides = array<i32>} : memref<336x64xf32, #tpu.memory_space<vmem>>, vector<16xf32>,
        %mul3A_4094 = arith.mulf %mul3A_3240, %get3A_4093 : vector<16xf32>
        %add3A_4095 = arith.addf %mul3A_4088, %mul3A_4094 : vector<16xf32>
        %add3A_4096 = arith.constant 20 : i32
        %add3A_4097 = arith.addi %mul3A_3442, %add3A_4096 : i32
        %get3A_4098 = arith.index_cast %add3A_4097 : i32 to index
        %get3A_4099 = arith.constant 32 : index
        %get3A_4100 = tpu.vector_load %arg11[%get3A_4098, %get3A_4099] {strides = array<i32>} : memref<336x64xf32, #tpu.memory_space<vmem>>, vector<16xf32>,
        %mul3A_4101 = arith.mulf %mul3A_3340, %get3A_4100 : vector<16xf32>
        %add3A_4102 = arith.addf %add3A_4095, %mul3A_4101 : vector<16xf32>
        %add3A_4103 = arith.constant 20 : i32
        %add3A_4104 = arith.addi %mul3A_3442, %add3A_4103 : i32
        %get3A_4105 = arith.index_cast %add3A_4104 : i32 to index
        %get3A_4106 = arith.constant 48 : index
        %get3A_4107 = tpu.vector_load %arg11[%get3A_4105, %get3A_4106] {strides = array<i32>} : memref<336x64xf32, #tpu.memory_space<vmem>>, vector<16xf32>,
        %mul3A_4108 = arith.mulf %mul3A_3440, %get3A_4107 : vector<16xf32>
        %add3A_4109 = arith.addf %add3A_4102, %mul3A_4108 : vector<16xf32>
        %add3A_4110 = arith.constant 20 : i32
        %add3A_4111 = arith.addi %mul3A_3442, %add3A_4110 : i32
        %swap3A_4112 = arith.index_cast %add3A_4111 : i32 to index
        %swap3A_4113 = arith.constant 0 : index
        %swap3A_4114 = tpu.vector_load %arg12[%swap3A_4112, %swap3A_4113] {strides = array<i32>} : memref<336x17xf32, #tpu.memory_space<vmem>>, vector<16xf32>,
        tpu.vector_store %arg12[%swap3A_4112, %swap3A_4113], %add3A_4109 {strides = array<i32>} : memref<336x17xf32, #tpu.memory_space<vmem>>, vector<16xf32>,
      }
      %scan3A_219 = arith.constant 16 : i32
      %iota3A = tpu.iota {dimensions = array<i32: 0>} : vector<16xi32>
      %mul3A_220 = arith.constant 21 : i32
      %mul3A_221 = vector.broadcast %mul3A_220 : i32 to vector<16xi32>
      %mul3A_222 = arith.muli %iota3A, %mul3A_221 : vector<16xi32>
      %add3A_223 = arith.constant 0 : i32
      %add3A_224 = vector.broadcast %add3A_223 : i32 to vector<16xi32>
      %add3A_225 = arith.addi %mul3A_222, %add3A_224 : vector<16xi32>
      %broadcast_in_dim3A_226 = arith.constant 0 : i32
      %broadcast_in_dim3A_227 = vector.broadcast %broadcast_in_dim3A_226 : i32 to vector<16xi32>
      %gather3A = tpu.vector_load_idx %arg12[%add3A_225, %broadcast_in_dim3A_227] : memref<336x17xf32, #tpu.memory_space<vmem>>[vector<16xi32>, vector<16xi32>], vector<16xf32>,
      %broadcast_in_dim3A_228 = arith.constant 1 : i32
      %broadcast_in_dim3A_229 = vector.broadcast %broadcast_in_dim3A_228 : i32 to vector<16xi32>
      %gather3A_230 = tpu.vector_load_idx %arg12[%add3A_225, %broadcast_in_dim3A_229] : memref<336x17xf32, #tpu.memory_space<vmem>>[vector<16xi32>, vector<16xi32>], vector<16xf32>,
      %add3A_231 = arith.addf %gather3A, %gather3A_230 : vector<16xf32>
      %broadcast_in_dim3A_232 = arith.constant 2 : i32
      %broadcast_in_dim3A_233 = vector.broadcast %broadcast_in_dim3A_232 : i32 to vector<16xi32>
      %gather3A_234 = tpu.vector_load_idx %arg12[%add3A_225, %broadcast_in_dim3A_233] : memref<336x17xf32, #tpu.memory_space<vmem>>[vector<16xi32>, vector<16xi32>], vector<16xf32>,
      %add3A_235 = arith.addf %add3A_231, %gather3A_234 : vector<16xf32>
      %broadcast_in_dim3A_236 = arith.constant 3 : i32
      %broadcast_in_dim3A_237 = vector.broadcast %broadcast_in_dim3A_236 : i32 to vector<16xi32>
      %gather3A_238 = tpu.vector_load_idx %arg12[%add3A_225, %broadcast_in_dim3A_237] : memref<336x17xf32, #tpu.memory_space<vmem>>[vector<16xi32>, vector<16xi32>], vector<16xf32>,
      %add3A_239 = arith.addf %add3A_235, %gather3A_238 : vector<16xf32>
      %broadcast_in_dim3A_240 = arith.constant 4 : i32
      %broadcast_in_dim3A_241 = vector.broadcast %broadcast_in_dim3A_240 : i32 to vector<16xi32>
      %gather3A_242 = tpu.vector_load_idx %arg12[%add3A_225, %broadcast_in_dim3A_241] : memref<336x17xf32, #tpu.memory_space<vmem>>[vector<16xi32>, vector<16xi32>], vector<16xf32>,
      %add3A_243 = arith.addf %add3A_239, %gather3A_242 : vector<16xf32>
      %broadcast_in_dim3A_244 = arith.constant 5 : i32
      %broadcast_in_dim3A_245 = vector.broadcast %broadcast_in_dim3A_244 : i32 to vector<16xi32>
      %gather3A_246 = tpu.vector_load_idx %arg12[%add3A_225, %broadcast_in_dim3A_245] : memref<336x17xf32, #tpu.memory_space<vmem>>[vector<16xi32>, vector<16xi32>], vector<16xf32>,
      %add3A_247 = arith.addf %add3A_243, %gather3A_246 : vector<16xf32>
      %broadcast_in_dim3A_248 = arith.constant 6 : i32
      %broadcast_in_dim3A_249 = vector.broadcast %broadcast_in_dim3A_248 : i32 to vector<16xi32>
      %gather3A_250 = tpu.vector_load_idx %arg12[%add3A_225, %broadcast_in_dim3A_249] : memref<336x17xf32, #tpu.memory_space<vmem>>[vector<16xi32>, vector<16xi32>], vector<16xf32>,
      %add3A_251 = arith.addf %add3A_247, %gather3A_250 : vector<16xf32>
      %broadcast_in_dim3A_252 = arith.constant 7 : i32
      %broadcast_in_dim3A_253 = vector.broadcast %broadcast_in_dim3A_252 : i32 to vector<16xi32>
      %gather3A_254 = tpu.vector_load_idx %arg12[%add3A_225, %broadcast_in_dim3A_253] : memref<336x17xf32, #tpu.memory_space<vmem>>[vector<16xi32>, vector<16xi32>], vector<16xf32>,
      %add3A_255 = arith.addf %add3A_251, %gather3A_254 : vector<16xf32>
      %broadcast_in_dim3A_256 = arith.constant 8 : i32
      %broadcast_in_dim3A_257 = vector.broadcast %broadcast_in_dim3A_256 : i32 to vector<16xi32>
      %gather3A_258 = tpu.vector_load_idx %arg12[%add3A_225, %broadcast_in_dim3A_257] : memref<336x17xf32, #tpu.memory_space<vmem>>[vector<16xi32>, vector<16xi32>], vector<16xf32>,
      %add3A_259 = arith.addf %add3A_255, %gather3A_258 : vector<16xf32>
      %broadcast_in_dim3A_260 = arith.constant 9 : i32
      %broadcast_in_dim3A_261 = vector.broadcast %broadcast_in_dim3A_260 : i32 to vector<16xi32>
      %gather3A_262 = tpu.vector_load_idx %arg12[%add3A_225, %broadcast_in_dim3A_261] : memref<336x17xf32, #tpu.memory_space<vmem>>[vector<16xi32>, vector<16xi32>], vector<16xf32>,
      %add3A_263 = arith.addf %add3A_259, %gather3A_262 : vector<16xf32>
      %broadcast_in_dim3A_264 = arith.constant 10 : i32
      %broadcast_in_dim3A_265 = vector.broadcast %broadcast_in_dim3A_264 : i32 to vector<16xi32>
      %gather3A_266 = tpu.vector_load_idx %arg12[%add3A_225, %broadcast_in_dim3A_265] : memref<336x17xf32, #tpu.memory_space<vmem>>[vector<16xi32>, vector<16xi32>], vector<16xf32>,
      %add3A_267 = arith.addf %add3A_263, %gather3A_266 : vector<16xf32>
      %broadcast_in_dim3A_268 = arith.constant 11 : i32
      %broadcast_in_dim3A_269 = vector.broadcast %broadcast_in_dim3A_268 : i32 to vector<16xi32>
      %gather3A_270 = tpu.vector_load_idx %arg12[%add3A_225, %broadcast_in_dim3A_269] : memref<336x17xf32, #tpu.memory_space<vmem>>[vector<16xi32>, vector<16xi32>], vector<16xf32>,
      %add3A_271 = arith.addf %add3A_267, %gather3A_270 : vector<16xf32>
      %broadcast_in_dim3A_272 = arith.constant 12 : i32
      %broadcast_in_dim3A_273 = vector.broadcast %broadcast_in_dim3A_272 : i32 to vector<16xi32>
      %gather3A_274 = tpu.vector_load_idx %arg12[%add3A_225, %broadcast_in_dim3A_273] : memref<336x17xf32, #tpu.memory_space<vmem>>[vector<16xi32>, vector<16xi32>], vector<16xf32>,
      %add3A_275 = arith.addf %add3A_271, %gather3A_274 : vector<16xf32>
      %broadcast_in_dim3A_276 = arith.constant 13 : i32
      %broadcast_in_dim3A_277 = vector.broadcast %broadcast_in_dim3A_276 : i32 to vector<16xi32>
      %gather3A_278 = tpu.vector_load_idx %arg12[%add3A_225, %broadcast_in_dim3A_277] : memref<336x17xf32, #tpu.memory_space<vmem>>[vector<16xi32>, vector<16xi32>], vector<16xf32>,
      %add3A_279 = arith.addf %add3A_275, %gather3A_278 : vector<16xf32>
      %broadcast_in_dim3A_280 = arith.constant 14 : i32
      %broadcast_in_dim3A_281 = vector.broadcast %broadcast_in_dim3A_280 : i32 to vector<16xi32>
      %gather3A_282 = tpu.vector_load_idx %arg12[%add3A_225, %broadcast_in_dim3A_281] : memref<336x17xf32, #tpu.memory_space<vmem>>[vector<16xi32>, vector<16xi32>], vector<16xf32>,
      %add3A_283 = arith.addf %add3A_279, %gather3A_282 : vector<16xf32>
      %broadcast_in_dim3A_284 = arith.constant 15 : i32
      %broadcast_in_dim3A_285 = vector.broadcast %broadcast_in_dim3A_284 : i32 to vector<16xi32>
      %gather3A_286 = tpu.vector_load_idx %arg12[%add3A_225, %broadcast_in_dim3A_285] : memref<336x17xf32, #tpu.memory_space<vmem>>[vector<16xi32>, vector<16xi32>], vector<16xf32>,
      %add3A_287 = arith.addf %add3A_283, %gather3A_286 : vector<16xf32>
      %neg3A = arith.constant 0.000000e+00 : f32
      %neg3A_288 = vector.broadcast %neg3A : f32 to vector<16xf32>
      %neg3A_289 = arith.subf %neg3A_288, %add3A_287 : vector<16xf32>
      %exp3A = math.exp %neg3A_289 : vector<16xf32>
      %add3A_290 = arith.constant 1.000000e+00 : f32
      %add3A_291 = vector.broadcast %add3A_290 : f32 to vector<16xf32>
      %add3A_292 = arith.addf %add3A_291, %exp3A : vector<16xf32>
      %div3A = arith.constant 1.000000e+00 : f32
      %div3A_293 = vector.broadcast %div3A : f32 to vector<16xf32>
      %div3A_294 = arith.divf %div3A_293, %add3A_292 : vector<16xf32>
      %add3A_295 = arith.constant 1.000000e-10 : f32
      %add3A_296 = vector.broadcast %add3A_295 : f32 to vector<16xf32>
      %add3A_297 = arith.addf %div3A_294, %add3A_296 : vector<16xf32>
      %bitcast3A = vector.bitcast %add3A_297 : vector<16xf32> to vector<16xi32>
      %shift_right_arithmetic3A = arith.constant 23 : i32
      %shift_right_arithmetic3A_298 = vector.broadcast %shift_right_arithmetic3A : i32 to vector<16xi32>
      %shift_right_arithmetic3A_299 = arith.shrsi %bitcast3A, %shift_right_arithmetic3A_298 : vector<16xi32>
      %sub3A_300 = arith.constant 127 : i32
      %sub3A_301 = vector.broadcast %sub3A_300 : i32 to vector<16xi32>
      %sub3A_302 = arith.subi %shift_right_arithmetic3A_299, %sub3A_301 : vector<16xi32>
      %and3A = arith.constant 8388607 : i32
      %and3A_303 = vector.broadcast %and3A : i32 to vector<16xi32>
      %and3A_304 = arith.andi %bitcast3A, %and3A_303 : vector<16xi32>
      %or3A = arith.constant 1065353216 : i32
      %or3A_305 = vector.broadcast %or3A : i32 to vector<16xi32>
      %or3A_306 = arith.ori %and3A_304, %or3A_305 : vector<16xi32>
      %bitcast3A_307 = vector.bitcast %or3A_306 : vector<16xi32> to vector<16xf32>
      %sub3A_308 = arith.constant 1.000000e+00 : f32
      %sub3A_309 = vector.broadcast %sub3A_308 : f32 to vector<16xf32>
      %sub3A_310 = arith.subf %bitcast3A_307, %sub3A_309 : vector<16xf32>
      %broadcast_in_dim3A_311 = arith.constant -0.0248259846 : f32
      %broadcast_in_dim3A_312 = vector.broadcast %broadcast_in_dim3A_311 : f32 to vector<16xf32>
      %mul3A_313 = arith.mulf %broadcast_in_dim3A_312, %sub3A_310 : vector<16xf32>
      %add3A_314 = arith.constant 0.117906861 : f32
      %add3A_315 = vector.broadcast %add3A_314 : f32 to vector<16xf32>
      %add3A_316 = arith.addf %mul3A_313, %add3A_315 : vector<16xf32>
      %mul3A_317 = arith.mulf %add3A_316, %sub3A_310 : vector<16xf32>
      %add3A_318 = arith.constant -0.272355825 : f32
      %add3A_319 = vector.broadcast %add3A_318 : f32 to vector<16xf32>
      %add3A_320 = arith.addf %mul3A_317, %add3A_319 : vector<16xf32>
      %mul3A_321 = arith.mulf %add3A_320, %sub3A_310 : vector<16xf32>
      %add3A_322 = arith.constant 0.453858197 : f32
      %add3A_323 = vector.broadcast %add3A_322 : f32 to vector<16xf32>
      %add3A_324 = arith.addf %mul3A_321, %add3A_323 : vector<16xf32>
      %mul3A_325 = arith.mulf %add3A_324, %sub3A_310 : vector<16xf32>
      %add3A_326 = arith.constant -0.71698755 : f32
      %add3A_327 = vector.broadcast %add3A_326 : f32 to vector<16xf32>
      %add3A_328 = arith.addf %mul3A_325, %add3A_327 : vector<16xf32>
      %mul3A_329 = arith.mulf %add3A_328, %sub3A_310 : vector<16xf32>
      %add3A_330 = arith.constant 1.44239557 : f32
      %add3A_331 = vector.broadcast %add3A_330 : f32 to vector<16xf32>
      %add3A_332 = arith.addf %mul3A_329, %add3A_331 : vector<16xf32>
      %mul3A_333 = arith.mulf %add3A_332, %sub3A_310 : vector<16xf32>
      %add3A_334 = arith.constant 5.06032802E-6 : f32
      %add3A_335 = vector.broadcast %add3A_334 : f32 to vector<16xf32>
      %add3A_336 = arith.addf %mul3A_333, %add3A_335 : vector<16xf32>
      %convert_element_type3A_337 = arith.sitofp %sub3A_302 : vector<16xi32> to vector<16xf32>
      %add3A_338 = arith.addf %convert_element_type3A_337, %add3A_336 : vector<16xf32>
      %mul3A_339 = arith.constant 0.693147182 : f32
      %mul3A_340 = vector.broadcast %mul3A_339 : f32 to vector<16xf32>
      %mul3A_341 = arith.mulf %add3A_338, %mul3A_340 : vector<16xf32>
      %mul3A_342 = arith.constant 21 : i32
      %mul3A_343 = vector.broadcast %mul3A_342 : i32 to vector<16xi32>
      %mul3A_344 = arith.muli %iota3A, %mul3A_343 : vector<16xi32>
      %add3A_345 = arith.constant 1 : i32
      %add3A_346 = vector.broadcast %add3A_345 : i32 to vector<16xi32>
      %add3A_347 = arith.addi %mul3A_344, %add3A_346 : vector<16xi32>
      %broadcast_in_dim3A_348 = arith.constant 0 : i32
      %broadcast_in_dim3A_349 = vector.broadcast %broadcast_in_dim3A_348 : i32 to vector<16xi32>
      %gather3A_350 = tpu.vector_load_idx %arg12[%add3A_347, %broadcast_in_dim3A_349] : memref<336x17xf32, #tpu.memory_space<vmem>>[vector<16xi32>, vector<16xi32>], vector<16xf32>,
      %broadcast_in_dim3A_351 = arith.constant 1 : i32
      %broadcast_in_dim3A_352 = vector.broadcast %broadcast_in_dim3A_351 : i32 to vector<16xi32>
      %gather3A_353 = tpu.vector_load_idx %arg12[%add3A_347, %broadcast_in_dim3A_352] : memref<336x17xf32, #tpu.memory_space<vmem>>[vector<16xi32>, vector<16xi32>], vector<16xf32>,
      %add3A_354 = arith.addf %gather3A_350, %gather3A_353 : vector<16xf32>
      %broadcast_in_dim3A_355 = arith.constant 2 : i32
      %broadcast_in_dim3A_356 = vector.broadcast %broadcast_in_dim3A_355 : i32 to vector<16xi32>
      %gather3A_357 = tpu.vector_load_idx %arg12[%add3A_347, %broadcast_in_dim3A_356] : memref<336x17xf32, #tpu.memory_space<vmem>>[vector<16xi32>, vector<16xi32>], vector<16xf32>,
      %add3A_358 = arith.addf %add3A_354, %gather3A_357 : vector<16xf32>
      %broadcast_in_dim3A_359 = arith.constant 3 : i32
      %broadcast_in_dim3A_360 = vector.broadcast %broadcast_in_dim3A_359 : i32 to vector<16xi32>
      %gather3A_361 = tpu.vector_load_idx %arg12[%add3A_347, %broadcast_in_dim3A_360] : memref<336x17xf32, #tpu.memory_space<vmem>>[vector<16xi32>, vector<16xi32>], vector<16xf32>,
      %add3A_362 = arith.addf %add3A_358, %gather3A_361 : vector<16xf32>
      %broadcast_in_dim3A_363 = arith.constant 4 : i32
      %broadcast_in_dim3A_364 = vector.broadcast %broadcast_in_dim3A_363 : i32 to vector<16xi32>
      %gather3A_365 = tpu.vector_load_idx %arg12[%add3A_347, %broadcast_in_dim3A_364] : memref<336x17xf32, #tpu.memory_space<vmem>>[vector<16xi32>, vector<16xi32>], vector<16xf32>,
      %add3A_366 = arith.addf %add3A_362, %gather3A_365 : vector<16xf32>
      %broadcast_in_dim3A_367 = arith.constant 5 : i32
      %broadcast_in_dim3A_368 = vector.broadcast %broadcast_in_dim3A_367 : i32 to vector<16xi32>
      %gather3A_369 = tpu.vector_load_idx %arg12[%add3A_347, %broadcast_in_dim3A_368] : memref<336x17xf32, #tpu.memory_space<vmem>>[vector<16xi32>, vector<16xi32>], vector<16xf32>,
      %add3A_370 = arith.addf %add3A_366, %gather3A_369 : vector<16xf32>
      %broadcast_in_dim3A_371 = arith.constant 6 : i32
      %broadcast_in_dim3A_372 = vector.broadcast %broadcast_in_dim3A_371 : i32 to vector<16xi32>
      %gather3A_373 = tpu.vector_load_idx %arg12[%add3A_347, %broadcast_in_dim3A_372] : memref<336x17xf32, #tpu.memory_space<vmem>>[vector<16xi32>, vector<16xi32>], vector<16xf32>,
      %add3A_374 = arith.addf %add3A_370, %gather3A_373 : vector<16xf32>
      %broadcast_in_dim3A_375 = arith.constant 7 : i32
      %broadcast_in_dim3A_376 = vector.broadcast %broadcast_in_dim3A_375 : i32 to vector<16xi32>
      %gather3A_377 = tpu.vector_load_idx %arg12[%add3A_347, %broadcast_in_dim3A_376] : memref<336x17xf32, #tpu.memory_space<vmem>>[vector<16xi32>, vector<16xi32>], vector<16xf32>,
      %add3A_378 = arith.addf %add3A_374, %gather3A_377 : vector<16xf32>
      %broadcast_in_dim3A_379 = arith.constant 8 : i32
      %broadcast_in_dim3A_380 = vector.broadcast %broadcast_in_dim3A_379 : i32 to vector<16xi32>
      %gather3A_381 = tpu.vector_load_idx %arg12[%add3A_347, %broadcast_in_dim3A_380] : memref<336x17xf32, #tpu.memory_space<vmem>>[vector<16xi32>, vector<16xi32>], vector<16xf32>,
      %add3A_382 = arith.addf %add3A_378, %gather3A_381 : vector<16xf32>
      %broadcast_in_dim3A_383 = arith.constant 9 : i32
      %broadcast_in_dim3A_384 = vector.broadcast %broadcast_in_dim3A_383 : i32 to vector<16xi32>
      %gather3A_385 = tpu.vector_load_idx %arg12[%add3A_347, %broadcast_in_dim3A_384] : memref<336x17xf32, #tpu.memory_space<vmem>>[vector<16xi32>, vector<16xi32>], vector<16xf32>,
      %add3A_386 = arith.addf %add3A_382, %gather3A_385 : vector<16xf32>
      %broadcast_in_dim3A_387 = arith.constant 10 : i32
      %broadcast_in_dim3A_388 = vector.broadcast %broadcast_in_dim3A_387 : i32 to vector<16xi32>
      %gather3A_389 = tpu.vector_load_idx %arg12[%add3A_347, %broadcast_in_dim3A_388] : memref<336x17xf32, #tpu.memory_space<vmem>>[vector<16xi32>, vector<16xi32>], vector<16xf32>,
      %add3A_390 = arith.addf %add3A_386, %gather3A_389 : vector<16xf32>
      %broadcast_in_dim3A_391 = arith.constant 11 : i32
      %broadcast_in_dim3A_392 = vector.broadcast %broadcast_in_dim3A_391 : i32 to vector<16xi32>
      %gather3A_393 = tpu.vector_load_idx %arg12[%add3A_347, %broadcast_in_dim3A_392] : memref<336x17xf32, #tpu.memory_space<vmem>>[vector<16xi32>, vector<16xi32>], vector<16xf32>,
      %add3A_394 = arith.addf %add3A_390, %gather3A_393 : vector<16xf32>
      %broadcast_in_dim3A_395 = arith.constant 12 : i32
      %broadcast_in_dim3A_396 = vector.broadcast %broadcast_in_dim3A_395 : i32 to vector<16xi32>
      %gather3A_397 = tpu.vector_load_idx %arg12[%add3A_347, %broadcast_in_dim3A_396] : memref<336x17xf32, #tpu.memory_space<vmem>>[vector<16xi32>, vector<16xi32>], vector<16xf32>,
      %add3A_398 = arith.addf %add3A_394, %gather3A_397 : vector<16xf32>
      %broadcast_in_dim3A_399 = arith.constant 13 : i32
      %broadcast_in_dim3A_400 = vector.broadcast %broadcast_in_dim3A_399 : i32 to vector<16xi32>
      %gather3A_401 = tpu.vector_load_idx %arg12[%add3A_347, %broadcast_in_dim3A_400] : memref<336x17xf32, #tpu.memory_space<vmem>>[vector<16xi32>, vector<16xi32>], vector<16xf32>,
      %add3A_402 = arith.addf %add3A_398, %gather3A_401 : vector<16xf32>
      %broadcast_in_dim3A_403 = arith.constant 14 : i32
      %broadcast_in_dim3A_404 = vector.broadcast %broadcast_in_dim3A_403 : i32 to vector<16xi32>
      %gather3A_405 = tpu.vector_load_idx %arg12[%add3A_347, %broadcast_in_dim3A_404] : memref<336x17xf32, #tpu.memory_space<vmem>>[vector<16xi32>, vector<16xi32>], vector<16xf32>,
      %add3A_406 = arith.addf %add3A_402, %gather3A_405 : vector<16xf32>
      %broadcast_in_dim3A_407 = arith.constant 15 : i32
      %broadcast_in_dim3A_408 = vector.broadcast %broadcast_in_dim3A_407 : i32 to vector<16xi32>
      %gather3A_409 = tpu.vector_load_idx %arg12[%add3A_347, %broadcast_in_dim3A_408] : memref<336x17xf32, #tpu.memory_space<vmem>>[vector<16xi32>, vector<16xi32>], vector<16xf32>,
      %add3A_410 = arith.addf %add3A_406, %gather3A_409 : vector<16xf32>
      %neg3A_411 = arith.constant 0.000000e+00 : f32
      %neg3A_412 = vector.broadcast %neg3A_411 : f32 to vector<16xf32>
      %neg3A_413 = arith.subf %neg3A_412, %add3A_410 : vector<16xf32>
      %exp3A_414 = math.exp %neg3A_413 : vector<16xf32>
      %add3A_415 = arith.constant 1.000000e+00 : f32
      %add3A_416 = vector.broadcast %add3A_415 : f32 to vector<16xf32>
      %add3A_417 = arith.addf %add3A_416, %exp3A_414 : vector<16xf32>
      %div3A_418 = arith.constant 1.000000e+00 : f32
      %div3A_419 = vector.broadcast %div3A_418 : f32 to vector<16xf32>
      %div3A_420 = arith.divf %div3A_419, %add3A_417 : vector<16xf32>
      %sub3A_421 = arith.constant 1.000000e+00 : f32
      %sub3A_422 = vector.broadcast %sub3A_421 : f32 to vector<16xf32>
      %sub3A_423 = arith.subf %sub3A_422, %div3A_420 : vector<16xf32>
      %add3A_424 = arith.constant 1.000000e-10 : f32
      %add3A_425 = vector.broadcast %add3A_424 : f32 to vector<16xf32>
      %add3A_426 = arith.addf %sub3A_423, %add3A_425 : vector<16xf32>
      %bitcast3A_427 = vector.bitcast %add3A_426 : vector<16xf32> to vector<16xi32>
      %shift_right_arithmetic3A_428 = arith.constant 23 : i32
      %shift_right_arithmetic3A_429 = vector.broadcast %shift_right_arithmetic3A_428 : i32 to vector<16xi32>
      %shift_right_arithmetic3A_430 = arith.shrsi %bitcast3A_427, %shift_right_arithmetic3A_429 : vector<16xi32>
      %sub3A_431 = arith.constant 127 : i32
      %sub3A_432 = vector.broadcast %sub3A_431 : i32 to vector<16xi32>
      %sub3A_433 = arith.subi %shift_right_arithmetic3A_430, %sub3A_432 : vector<16xi32>
      %and3A_434 = arith.constant 8388607 : i32
      %and3A_435 = vector.broadcast %and3A_434 : i32 to vector<16xi32>
      %and3A_436 = arith.andi %bitcast3A_427, %and3A_435 : vector<16xi32>
      %or3A_437 = arith.constant 1065353216 : i32
      %or3A_438 = vector.broadcast %or3A_437 : i32 to vector<16xi32>
      %or3A_439 = arith.ori %and3A_436, %or3A_438 : vector<16xi32>
      %bitcast3A_440 = vector.bitcast %or3A_439 : vector<16xi32> to vector<16xf32>
      %sub3A_441 = arith.constant 1.000000e+00 : f32
      %sub3A_442 = vector.broadcast %sub3A_441 : f32 to vector<16xf32>
      %sub3A_443 = arith.subf %bitcast3A_440, %sub3A_442 : vector<16xf32>
      %broadcast_in_dim3A_444 = arith.constant -0.0248259846 : f32
      %broadcast_in_dim3A_445 = vector.broadcast %broadcast_in_dim3A_444 : f32 to vector<16xf32>
      %mul3A_446 = arith.mulf %broadcast_in_dim3A_445, %sub3A_443 : vector<16xf32>
      %add3A_447 = arith.constant 0.117906861 : f32
      %add3A_448 = vector.broadcast %add3A_447 : f32 to vector<16xf32>
      %add3A_449 = arith.addf %mul3A_446, %add3A_448 : vector<16xf32>
      %mul3A_450 = arith.mulf %add3A_449, %sub3A_443 : vector<16xf32>
      %add3A_451 = arith.constant -0.272355825 : f32
      %add3A_452 = vector.broadcast %add3A_451 : f32 to vector<16xf32>
      %add3A_453 = arith.addf %mul3A_450, %add3A_452 : vector<16xf32>
      %mul3A_454 = arith.mulf %add3A_453, %sub3A_443 : vector<16xf32>
      %add3A_455 = arith.constant 0.453858197 : f32
      %add3A_456 = vector.broadcast %add3A_455 : f32 to vector<16xf32>
      %add3A_457 = arith.addf %mul3A_454, %add3A_456 : vector<16xf32>
      %mul3A_458 = arith.mulf %add3A_457, %sub3A_443 : vector<16xf32>
      %add3A_459 = arith.constant -0.71698755 : f32
      %add3A_460 = vector.broadcast %add3A_459 : f32 to vector<16xf32>
      %add3A_461 = arith.addf %mul3A_458, %add3A_460 : vector<16xf32>
      %mul3A_462 = arith.mulf %add3A_461, %sub3A_443 : vector<16xf32>
      %add3A_463 = arith.constant 1.44239557 : f32
      %add3A_464 = vector.broadcast %add3A_463 : f32 to vector<16xf32>
      %add3A_465 = arith.addf %mul3A_462, %add3A_464 : vector<16xf32>
      %mul3A_466 = arith.mulf %add3A_465, %sub3A_443 : vector<16xf32>
      %add3A_467 = arith.constant 5.06032802E-6 : f32
      %add3A_468 = vector.broadcast %add3A_467 : f32 to vector<16xf32>
      %add3A_469 = arith.addf %mul3A_466, %add3A_468 : vector<16xf32>
      %convert_element_type3A_470 = arith.sitofp %sub3A_433 : vector<16xi32> to vector<16xf32>
      %add3A_471 = arith.addf %convert_element_type3A_470, %add3A_469 : vector<16xf32>
      %mul3A_472 = arith.constant 0.693147182 : f32
      %mul3A_473 = vector.broadcast %mul3A_472 : f32 to vector<16xf32>
      %mul3A_474 = arith.mulf %add3A_471, %mul3A_473 : vector<16xf32>
      %add3A_475 = arith.addf %mul3A_341, %mul3A_474 : vector<16xf32>
      %mul3A_476 = arith.constant 21 : i32
      %mul3A_477 = vector.broadcast %mul3A_476 : i32 to vector<16xi32>
      %mul3A_478 = arith.muli %iota3A, %mul3A_477 : vector<16xi32>
      %add3A_479 = arith.constant 2 : i32
      %add3A_480 = vector.broadcast %add3A_479 : i32 to vector<16xi32>
      %add3A_481 = arith.addi %mul3A_478, %add3A_480 : vector<16xi32>
      %broadcast_in_dim3A_482 = arith.constant 0 : i32
      %broadcast_in_dim3A_483 = vector.broadcast %broadcast_in_dim3A_482 : i32 to vector<16xi32>
      %gather3A_484 = tpu.vector_load_idx %arg12[%add3A_481, %broadcast_in_dim3A_483] : memref<336x17xf32, #tpu.memory_space<vmem>>[vector<16xi32>, vector<16xi32>], vector<16xf32>,
      %broadcast_in_dim3A_485 = arith.constant 1 : i32
      %broadcast_in_dim3A_486 = vector.broadcast %broadcast_in_dim3A_485 : i32 to vector<16xi32>
      %gather3A_487 = tpu.vector_load_idx %arg12[%add3A_481, %broadcast_in_dim3A_486] : memref<336x17xf32, #tpu.memory_space<vmem>>[vector<16xi32>, vector<16xi32>], vector<16xf32>,
      %add3A_488 = arith.addf %gather3A_484, %gather3A_487 : vector<16xf32>
      %broadcast_in_dim3A_489 = arith.constant 2 : i32
      %broadcast_in_dim3A_490 = vector.broadcast %broadcast_in_dim3A_489 : i32 to vector<16xi32>
      %gather3A_491 = tpu.vector_load_idx %arg12[%add3A_481, %broadcast_in_dim3A_490] : memref<336x17xf32, #tpu.memory_space<vmem>>[vector<16xi32>, vector<16xi32>], vector<16xf32>,
      %add3A_492 = arith.addf %add3A_488, %gather3A_491 : vector<16xf32>
      %broadcast_in_dim3A_493 = arith.constant 3 : i32
      %broadcast_in_dim3A_494 = vector.broadcast %broadcast_in_dim3A_493 : i32 to vector<16xi32>
      %gather3A_495 = tpu.vector_load_idx %arg12[%add3A_481, %broadcast_in_dim3A_494] : memref<336x17xf32, #tpu.memory_space<vmem>>[vector<16xi32>, vector<16xi32>], vector<16xf32>,
      %add3A_496 = arith.addf %add3A_492, %gather3A_495 : vector<16xf32>
      %broadcast_in_dim3A_497 = arith.constant 4 : i32
      %broadcast_in_dim3A_498 = vector.broadcast %broadcast_in_dim3A_497 : i32 to vector<16xi32>
      %gather3A_499 = tpu.vector_load_idx %arg12[%add3A_481, %broadcast_in_dim3A_498] : memref<336x17xf32, #tpu.memory_space<vmem>>[vector<16xi32>, vector<16xi32>], vector<16xf32>,
      %add3A_500 = arith.addf %add3A_496, %gather3A_499 : vector<16xf32>
      %broadcast_in_dim3A_501 = arith.constant 5 : i32
      %broadcast_in_dim3A_502 = vector.broadcast %broadcast_in_dim3A_501 : i32 to vector<16xi32>
      %gather3A_503 = tpu.vector_load_idx %arg12[%add3A_481, %broadcast_in_dim3A_502] : memref<336x17xf32, #tpu.memory_space<vmem>>[vector<16xi32>, vector<16xi32>], vector<16xf32>,
      %add3A_504 = arith.addf %add3A_500, %gather3A_503 : vector<16xf32>
      %broadcast_in_dim3A_505 = arith.constant 6 : i32
      %broadcast_in_dim3A_506 = vector.broadcast %broadcast_in_dim3A_505 : i32 to vector<16xi32>
      %gather3A_507 = tpu.vector_load_idx %arg12[%add3A_481, %broadcast_in_dim3A_506] : memref<336x17xf32, #tpu.memory_space<vmem>>[vector<16xi32>, vector<16xi32>], vector<16xf32>,
      %add3A_508 = arith.addf %add3A_504, %gather3A_507 : vector<16xf32>
      %broadcast_in_dim3A_509 = arith.constant 7 : i32
      %broadcast_in_dim3A_510 = vector.broadcast %broadcast_in_dim3A_509 : i32 to vector<16xi32>
      %gather3A_511 = tpu.vector_load_idx %arg12[%add3A_481, %broadcast_in_dim3A_510] : memref<336x17xf32, #tpu.memory_space<vmem>>[vector<16xi32>, vector<16xi32>], vector<16xf32>,
      %add3A_512 = arith.addf %add3A_508, %gather3A_511 : vector<16xf32>
      %broadcast_in_dim3A_513 = arith.constant 8 : i32
      %broadcast_in_dim3A_514 = vector.broadcast %broadcast_in_dim3A_513 : i32 to vector<16xi32>
      %gather3A_515 = tpu.vector_load_idx %arg12[%add3A_481, %broadcast_in_dim3A_514] : memref<336x17xf32, #tpu.memory_space<vmem>>[vector<16xi32>, vector<16xi32>], vector<16xf32>,
      %add3A_516 = arith.addf %add3A_512, %gather3A_515 : vector<16xf32>
      %broadcast_in_dim3A_517 = arith.constant 9 : i32
      %broadcast_in_dim3A_518 = vector.broadcast %broadcast_in_dim3A_517 : i32 to vector<16xi32>
      %gather3A_519 = tpu.vector_load_idx %arg12[%add3A_481, %broadcast_in_dim3A_518] : memref<336x17xf32, #tpu.memory_space<vmem>>[vector<16xi32>, vector<16xi32>], vector<16xf32>,
      %add3A_520 = arith.addf %add3A_516, %gather3A_519 : vector<16xf32>
      %broadcast_in_dim3A_521 = arith.constant 10 : i32
      %broadcast_in_dim3A_522 = vector.broadcast %broadcast_in_dim3A_521 : i32 to vector<16xi32>
      %gather3A_523 = tpu.vector_load_idx %arg12[%add3A_481, %broadcast_in_dim3A_522] : memref<336x17xf32, #tpu.memory_space<vmem>>[vector<16xi32>, vector<16xi32>], vector<16xf32>,
      %add3A_524 = arith.addf %add3A_520, %gather3A_523 : vector<16xf32>
      %broadcast_in_dim3A_525 = arith.constant 11 : i32
      %broadcast_in_dim3A_526 = vector.broadcast %broadcast_in_dim3A_525 : i32 to vector<16xi32>
      %gather3A_527 = tpu.vector_load_idx %arg12[%add3A_481, %broadcast_in_dim3A_526] : memref<336x17xf32, #tpu.memory_space<vmem>>[vector<16xi32>, vector<16xi32>], vector<16xf32>,
      %add3A_528 = arith.addf %add3A_524, %gather3A_527 : vector<16xf32>
      %broadcast_in_dim3A_529 = arith.constant 12 : i32
      %broadcast_in_dim3A_530 = vector.broadcast %broadcast_in_dim3A_529 : i32 to vector<16xi32>
      %gather3A_531 = tpu.vector_load_idx %arg12[%add3A_481, %broadcast_in_dim3A_530] : memref<336x17xf32, #tpu.memory_space<vmem>>[vector<16xi32>, vector<16xi32>], vector<16xf32>,
      %add3A_532 = arith.addf %add3A_528, %gather3A_531 : vector<16xf32>
      %broadcast_in_dim3A_533 = arith.constant 13 : i32
      %broadcast_in_dim3A_534 = vector.broadcast %broadcast_in_dim3A_533 : i32 to vector<16xi32>
      %gather3A_535 = tpu.vector_load_idx %arg12[%add3A_481, %broadcast_in_dim3A_534] : memref<336x17xf32, #tpu.memory_space<vmem>>[vector<16xi32>, vector<16xi32>], vector<16xf32>,
      %add3A_536 = arith.addf %add3A_532, %gather3A_535 : vector<16xf32>
      %broadcast_in_dim3A_537 = arith.constant 14 : i32
      %broadcast_in_dim3A_538 = vector.broadcast %broadcast_in_dim3A_537 : i32 to vector<16xi32>
      %gather3A_539 = tpu.vector_load_idx %arg12[%add3A_481, %broadcast_in_dim3A_538] : memref<336x17xf32, #tpu.memory_space<vmem>>[vector<16xi32>, vector<16xi32>], vector<16xf32>,
      %add3A_540 = arith.addf %add3A_536, %gather3A_539 : vector<16xf32>
      %broadcast_in_dim3A_541 = arith.constant 15 : i32
      %broadcast_in_dim3A_542 = vector.broadcast %broadcast_in_dim3A_541 : i32 to vector<16xi32>
      %gather3A_543 = tpu.vector_load_idx %arg12[%add3A_481, %broadcast_in_dim3A_542] : memref<336x17xf32, #tpu.memory_space<vmem>>[vector<16xi32>, vector<16xi32>], vector<16xf32>,
      %add3A_544 = arith.addf %add3A_540, %gather3A_543 : vector<16xf32>
      %neg3A_545 = arith.constant 0.000000e+00 : f32
      %neg3A_546 = vector.broadcast %neg3A_545 : f32 to vector<16xf32>
      %neg3A_547 = arith.subf %neg3A_546, %add3A_544 : vector<16xf32>
      %exp3A_548 = math.exp %neg3A_547 : vector<16xf32>
      %add3A_549 = arith.constant 1.000000e+00 : f32
      %add3A_550 = vector.broadcast %add3A_549 : f32 to vector<16xf32>
      %add3A_551 = arith.addf %add3A_550, %exp3A_548 : vector<16xf32>
      %div3A_552 = arith.constant 1.000000e+00 : f32
      %div3A_553 = vector.broadcast %div3A_552 : f32 to vector<16xf32>
      %div3A_554 = arith.divf %div3A_553, %add3A_551 : vector<16xf32>
      %sub3A_555 = arith.constant 1.000000e+00 : f32
      %sub3A_556 = vector.broadcast %sub3A_555 : f32 to vector<16xf32>
      %sub3A_557 = arith.subf %sub3A_556, %div3A_554 : vector<16xf32>
      %add3A_558 = arith.constant 1.000000e-10 : f32
      %add3A_559 = vector.broadcast %add3A_558 : f32 to vector<16xf32>
      %add3A_560 = arith.addf %sub3A_557, %add3A_559 : vector<16xf32>
      %bitcast3A_561 = vector.bitcast %add3A_560 : vector<16xf32> to vector<16xi32>
      %shift_right_arithmetic3A_562 = arith.constant 23 : i32
      %shift_right_arithmetic3A_563 = vector.broadcast %shift_right_arithmetic3A_562 : i32 to vector<16xi32>
      %shift_right_arithmetic3A_564 = arith.shrsi %bitcast3A_561, %shift_right_arithmetic3A_563 : vector<16xi32>
      %sub3A_565 = arith.constant 127 : i32
      %sub3A_566 = vector.broadcast %sub3A_565 : i32 to vector<16xi32>
      %sub3A_567 = arith.subi %shift_right_arithmetic3A_564, %sub3A_566 : vector<16xi32>
      %and3A_568 = arith.constant 8388607 : i32
      %and3A_569 = vector.broadcast %and3A_568 : i32 to vector<16xi32>
      %and3A_570 = arith.andi %bitcast3A_561, %and3A_569 : vector<16xi32>
      %or3A_571 = arith.constant 1065353216 : i32
      %or3A_572 = vector.broadcast %or3A_571 : i32 to vector<16xi32>
      %or3A_573 = arith.ori %and3A_570, %or3A_572 : vector<16xi32>
      %bitcast3A_574 = vector.bitcast %or3A_573 : vector<16xi32> to vector<16xf32>
      %sub3A_575 = arith.constant 1.000000e+00 : f32
      %sub3A_576 = vector.broadcast %sub3A_575 : f32 to vector<16xf32>
      %sub3A_577 = arith.subf %bitcast3A_574, %sub3A_576 : vector<16xf32>
      %broadcast_in_dim3A_578 = arith.constant -0.0248259846 : f32
      %broadcast_in_dim3A_579 = vector.broadcast %broadcast_in_dim3A_578 : f32 to vector<16xf32>
      %mul3A_580 = arith.mulf %broadcast_in_dim3A_579, %sub3A_577 : vector<16xf32>
      %add3A_581 = arith.constant 0.117906861 : f32
      %add3A_582 = vector.broadcast %add3A_581 : f32 to vector<16xf32>
      %add3A_583 = arith.addf %mul3A_580, %add3A_582 : vector<16xf32>
      %mul3A_584 = arith.mulf %add3A_583, %sub3A_577 : vector<16xf32>
      %add3A_585 = arith.constant -0.272355825 : f32
      %add3A_586 = vector.broadcast %add3A_585 : f32 to vector<16xf32>
      %add3A_587 = arith.addf %mul3A_584, %add3A_586 : vector<16xf32>
      %mul3A_588 = arith.mulf %add3A_587, %sub3A_577 : vector<16xf32>
      %add3A_589 = arith.constant 0.453858197 : f32
      %add3A_590 = vector.broadcast %add3A_589 : f32 to vector<16xf32>
      %add3A_591 = arith.addf %mul3A_588, %add3A_590 : vector<16xf32>
      %mul3A_592 = arith.mulf %add3A_591, %sub3A_577 : vector<16xf32>
      %add3A_593 = arith.constant -0.71698755 : f32
      %add3A_594 = vector.broadcast %add3A_593 : f32 to vector<16xf32>
      %add3A_595 = arith.addf %mul3A_592, %add3A_594 : vector<16xf32>
      %mul3A_596 = arith.mulf %add3A_595, %sub3A_577 : vector<16xf32>
      %add3A_597 = arith.constant 1.44239557 : f32
      %add3A_598 = vector.broadcast %add3A_597 : f32 to vector<16xf32>
      %add3A_599 = arith.addf %mul3A_596, %add3A_598 : vector<16xf32>
      %mul3A_600 = arith.mulf %add3A_599, %sub3A_577 : vector<16xf32>
      %add3A_601 = arith.constant 5.06032802E-6 : f32
      %add3A_602 = vector.broadcast %add3A_601 : f32 to vector<16xf32>
      %add3A_603 = arith.addf %mul3A_600, %add3A_602 : vector<16xf32>
      %convert_element_type3A_604 = arith.sitofp %sub3A_567 : vector<16xi32> to vector<16xf32>
      %add3A_605 = arith.addf %convert_element_type3A_604, %add3A_603 : vector<16xf32>
      %mul3A_606 = arith.constant 0.693147182 : f32
      %mul3A_607 = vector.broadcast %mul3A_606 : f32 to vector<16xf32>
      %mul3A_608 = arith.mulf %add3A_605, %mul3A_607 : vector<16xf32>
      %add3A_609 = arith.addf %add3A_475, %mul3A_608 : vector<16xf32>
      %mul3A_610 = arith.constant 21 : i32
      %mul3A_611 = vector.broadcast %mul3A_610 : i32 to vector<16xi32>
      %mul3A_612 = arith.muli %iota3A, %mul3A_611 : vector<16xi32>
      %add3A_613 = arith.constant 3 : i32
      %add3A_614 = vector.broadcast %add3A_613 : i32 to vector<16xi32>
      %add3A_615 = arith.addi %mul3A_612, %add3A_614 : vector<16xi32>
      %broadcast_in_dim3A_616 = arith.constant 0 : i32
      %broadcast_in_dim3A_617 = vector.broadcast %broadcast_in_dim3A_616 : i32 to vector<16xi32>
      %gather3A_618 = tpu.vector_load_idx %arg12[%add3A_615, %broadcast_in_dim3A_617] : memref<336x17xf32, #tpu.memory_space<vmem>>[vector<16xi32>, vector<16xi32>], vector<16xf32>,
      %broadcast_in_dim3A_619 = arith.constant 1 : i32
      %broadcast_in_dim3A_620 = vector.broadcast %broadcast_in_dim3A_619 : i32 to vector<16xi32>
      %gather3A_621 = tpu.vector_load_idx %arg12[%add3A_615, %broadcast_in_dim3A_620] : memref<336x17xf32, #tpu.memory_space<vmem>>[vector<16xi32>, vector<16xi32>], vector<16xf32>,
      %add3A_622 = arith.addf %gather3A_618, %gather3A_621 : vector<16xf32>
      %broadcast_in_dim3A_623 = arith.constant 2 : i32
      %broadcast_in_dim3A_624 = vector.broadcast %broadcast_in_dim3A_623 : i32 to vector<16xi32>
      %gather3A_625 = tpu.vector_load_idx %arg12[%add3A_615, %broadcast_in_dim3A_624] : memref<336x17xf32, #tpu.memory_space<vmem>>[vector<16xi32>, vector<16xi32>], vector<16xf32>,
      %add3A_626 = arith.addf %add3A_622, %gather3A_625 : vector<16xf32>
      %broadcast_in_dim3A_627 = arith.constant 3 : i32
      %broadcast_in_dim3A_628 = vector.broadcast %broadcast_in_dim3A_627 : i32 to vector<16xi32>
      %gather3A_629 = tpu.vector_load_idx %arg12[%add3A_615, %broadcast_in_dim3A_628] : memref<336x17xf32, #tpu.memory_space<vmem>>[vector<16xi32>, vector<16xi32>], vector<16xf32>,
      %add3A_630 = arith.addf %add3A_626, %gather3A_629 : vector<16xf32>
      %broadcast_in_dim3A_631 = arith.constant 4 : i32
      %broadcast_in_dim3A_632 = vector.broadcast %broadcast_in_dim3A_631 : i32 to vector<16xi32>
      %gather3A_633 = tpu.vector_load_idx %arg12[%add3A_615, %broadcast_in_dim3A_632] : memref<336x17xf32, #tpu.memory_space<vmem>>[vector<16xi32>, vector<16xi32>], vector<16xf32>,
      %add3A_634 = arith.addf %add3A_630, %gather3A_633 : vector<16xf32>
      %broadcast_in_dim3A_635 = arith.constant 5 : i32
      %broadcast_in_dim3A_636 = vector.broadcast %broadcast_in_dim3A_635 : i32 to vector<16xi32>
      %gather3A_637 = tpu.vector_load_idx %arg12[%add3A_615, %broadcast_in_dim3A_636] : memref<336x17xf32, #tpu.memory_space<vmem>>[vector<16xi32>, vector<16xi32>], vector<16xf32>,
      %add3A_638 = arith.addf %add3A_634, %gather3A_637 : vector<16xf32>
      %broadcast_in_dim3A_639 = arith.constant 6 : i32
      %broadcast_in_dim3A_640 = vector.broadcast %broadcast_in_dim3A_639 : i32 to vector<16xi32>
      %gather3A_641 = tpu.vector_load_idx %arg12[%add3A_615, %broadcast_in_dim3A_640] : memref<336x17xf32, #tpu.memory_space<vmem>>[vector<16xi32>, vector<16xi32>], vector<16xf32>,
      %add3A_642 = arith.addf %add3A_638, %gather3A_641 : vector<16xf32>
      %broadcast_in_dim3A_643 = arith.constant 7 : i32
      %broadcast_in_dim3A_644 = vector.broadcast %broadcast_in_dim3A_643 : i32 to vector<16xi32>
      %gather3A_645 = tpu.vector_load_idx %arg12[%add3A_615, %broadcast_in_dim3A_644] : memref<336x17xf32, #tpu.memory_space<vmem>>[vector<16xi32>, vector<16xi32>], vector<16xf32>,
      %add3A_646 = arith.addf %add3A_642, %gather3A_645 : vector<16xf32>
      %broadcast_in_dim3A_647 = arith.constant 8 : i32
      %broadcast_in_dim3A_648 = vector.broadcast %broadcast_in_dim3A_647 : i32 to vector<16xi32>
      %gather3A_649 = tpu.vector_load_idx %arg12[%add3A_615, %broadcast_in_dim3A_648] : memref<336x17xf32, #tpu.memory_space<vmem>>[vector<16xi32>, vector<16xi32>], vector<16xf32>,
      %add3A_650 = arith.addf %add3A_646, %gather3A_649 : vector<16xf32>
      %broadcast_in_dim3A_651 = arith.constant 9 : i32
      %broadcast_in_dim3A_652 = vector.broadcast %broadcast_in_dim3A_651 : i32 to vector<16xi32>
      %gather3A_653 = tpu.vector_load_idx %arg12[%add3A_615, %broadcast_in_dim3A_652] : memref<336x17xf32, #tpu.memory_space<vmem>>[vector<16xi32>, vector<16xi32>], vector<16xf32>,
      %add3A_654 = arith.addf %add3A_650, %gather3A_653 : vector<16xf32>
      %broadcast_in_dim3A_655 = arith.constant 10 : i32
      %broadcast_in_dim3A_656 = vector.broadcast %broadcast_in_dim3A_655 : i32 to vector<16xi32>
      %gather3A_657 = tpu.vector_load_idx %arg12[%add3A_615, %broadcast_in_dim3A_656] : memref<336x17xf32, #tpu.memory_space<vmem>>[vector<16xi32>, vector<16xi32>], vector<16xf32>,
      %add3A_658 = arith.addf %add3A_654, %gather3A_657 : vector<16xf32>
      %broadcast_in_dim3A_659 = arith.constant 11 : i32
      %broadcast_in_dim3A_660 = vector.broadcast %broadcast_in_dim3A_659 : i32 to vector<16xi32>
      %gather3A_661 = tpu.vector_load_idx %arg12[%add3A_615, %broadcast_in_dim3A_660] : memref<336x17xf32, #tpu.memory_space<vmem>>[vector<16xi32>, vector<16xi32>], vector<16xf32>,
      %add3A_662 = arith.addf %add3A_658, %gather3A_661 : vector<16xf32>
      %broadcast_in_dim3A_663 = arith.constant 12 : i32
      %broadcast_in_dim3A_664 = vector.broadcast %broadcast_in_dim3A_663 : i32 to vector<16xi32>
      %gather3A_665 = tpu.vector_load_idx %arg12[%add3A_615, %broadcast_in_dim3A_664] : memref<336x17xf32, #tpu.memory_space<vmem>>[vector<16xi32>, vector<16xi32>], vector<16xf32>,
      %add3A_666 = arith.addf %add3A_662, %gather3A_665 : vector<16xf32>
      %broadcast_in_dim3A_667 = arith.constant 13 : i32
      %broadcast_in_dim3A_668 = vector.broadcast %broadcast_in_dim3A_667 : i32 to vector<16xi32>
      %gather3A_669 = tpu.vector_load_idx %arg12[%add3A_615, %broadcast_in_dim3A_668] : memref<336x17xf32, #tpu.memory_space<vmem>>[vector<16xi32>, vector<16xi32>], vector<16xf32>,
      %add3A_670 = arith.addf %add3A_666, %gather3A_669 : vector<16xf32>
      %broadcast_in_dim3A_671 = arith.constant 14 : i32
      %broadcast_in_dim3A_672 = vector.broadcast %broadcast_in_dim3A_671 : i32 to vector<16xi32>
      %gather3A_673 = tpu.vector_load_idx %arg12[%add3A_615, %broadcast_in_dim3A_672] : memref<336x17xf32, #tpu.memory_space<vmem>>[vector<16xi32>, vector<16xi32>], vector<16xf32>,
      %add3A_674 = arith.addf %add3A_670, %gather3A_673 : vector<16xf32>
      %broadcast_in_dim3A_675 = arith.constant 15 : i32
      %broadcast_in_dim3A_676 = vector.broadcast %broadcast_in_dim3A_675 : i32 to vector<16xi32>
      %gather3A_677 = tpu.vector_load_idx %arg12[%add3A_615, %broadcast_in_dim3A_676] : memref<336x17xf32, #tpu.memory_space<vmem>>[vector<16xi32>, vector<16xi32>], vector<16xf32>,
      %add3A_678 = arith.addf %add3A_674, %gather3A_677 : vector<16xf32>
      %neg3A_679 = arith.constant 0.000000e+00 : f32
      %neg3A_680 = vector.broadcast %neg3A_679 : f32 to vector<16xf32>
      %neg3A_681 = arith.subf %neg3A_680, %add3A_678 : vector<16xf32>
      %exp3A_682 = math.exp %neg3A_681 : vector<16xf32>
      %add3A_683 = arith.constant 1.000000e+00 : f32
      %add3A_684 = vector.broadcast %add3A_683 : f32 to vector<16xf32>
      %add3A_685 = arith.addf %add3A_684, %exp3A_682 : vector<16xf32>
      %div3A_686 = arith.constant 1.000000e+00 : f32
      %div3A_687 = vector.broadcast %div3A_686 : f32 to vector<16xf32>
      %div3A_688 = arith.divf %div3A_687, %add3A_685 : vector<16xf32>
      %sub3A_689 = arith.constant 1.000000e+00 : f32
      %sub3A_690 = vector.broadcast %sub3A_689 : f32 to vector<16xf32>
      %sub3A_691 = arith.subf %sub3A_690, %div3A_688 : vector<16xf32>
      %add3A_692 = arith.constant 1.000000e-10 : f32
      %add3A_693 = vector.broadcast %add3A_692 : f32 to vector<16xf32>
      %add3A_694 = arith.addf %sub3A_691, %add3A_693 : vector<16xf32>
      %bitcast3A_695 = vector.bitcast %add3A_694 : vector<16xf32> to vector<16xi32>
      %shift_right_arithmetic3A_696 = arith.constant 23 : i32
      %shift_right_arithmetic3A_697 = vector.broadcast %shift_right_arithmetic3A_696 : i32 to vector<16xi32>
      %shift_right_arithmetic3A_698 = arith.shrsi %bitcast3A_695, %shift_right_arithmetic3A_697 : vector<16xi32>
      %sub3A_699 = arith.constant 127 : i32
      %sub3A_700 = vector.broadcast %sub3A_699 : i32 to vector<16xi32>
      %sub3A_701 = arith.subi %shift_right_arithmetic3A_698, %sub3A_700 : vector<16xi32>
      %and3A_702 = arith.constant 8388607 : i32
      %and3A_703 = vector.broadcast %and3A_702 : i32 to vector<16xi32>
      %and3A_704 = arith.andi %bitcast3A_695, %and3A_703 : vector<16xi32>
      %or3A_705 = arith.constant 1065353216 : i32
      %or3A_706 = vector.broadcast %or3A_705 : i32 to vector<16xi32>
      %or3A_707 = arith.ori %and3A_704, %or3A_706 : vector<16xi32>
      %bitcast3A_708 = vector.bitcast %or3A_707 : vector<16xi32> to vector<16xf32>
      %sub3A_709 = arith.constant 1.000000e+00 : f32
      %sub3A_710 = vector.broadcast %sub3A_709 : f32 to vector<16xf32>
      %sub3A_711 = arith.subf %bitcast3A_708, %sub3A_710 : vector<16xf32>
      %broadcast_in_dim3A_712 = arith.constant -0.0248259846 : f32
      %broadcast_in_dim3A_713 = vector.broadcast %broadcast_in_dim3A_712 : f32 to vector<16xf32>
      %mul3A_714 = arith.mulf %broadcast_in_dim3A_713, %sub3A_711 : vector<16xf32>
      %add3A_715 = arith.constant 0.117906861 : f32
      %add3A_716 = vector.broadcast %add3A_715 : f32 to vector<16xf32>
      %add3A_717 = arith.addf %mul3A_714, %add3A_716 : vector<16xf32>
      %mul3A_718 = arith.mulf %add3A_717, %sub3A_711 : vector<16xf32>
      %add3A_719 = arith.constant -0.272355825 : f32
      %add3A_720 = vector.broadcast %add3A_719 : f32 to vector<16xf32>
      %add3A_721 = arith.addf %mul3A_718, %add3A_720 : vector<16xf32>
      %mul3A_722 = arith.mulf %add3A_721, %sub3A_711 : vector<16xf32>
      %add3A_723 = arith.constant 0.453858197 : f32
      %add3A_724 = vector.broadcast %add3A_723 : f32 to vector<16xf32>
      %add3A_725 = arith.addf %mul3A_722, %add3A_724 : vector<16xf32>
      %mul3A_726 = arith.mulf %add3A_725, %sub3A_711 : vector<16xf32>
      %add3A_727 = arith.constant -0.71698755 : f32
      %add3A_728 = vector.broadcast %add3A_727 : f32 to vector<16xf32>
      %add3A_729 = arith.addf %mul3A_726, %add3A_728 : vector<16xf32>
      %mul3A_730 = arith.mulf %add3A_729, %sub3A_711 : vector<16xf32>
      %add3A_731 = arith.constant 1.44239557 : f32
      %add3A_732 = vector.broadcast %add3A_731 : f32 to vector<16xf32>
      %add3A_733 = arith.addf %mul3A_730, %add3A_732 : vector<16xf32>
      %mul3A_734 = arith.mulf %add3A_733, %sub3A_711 : vector<16xf32>
      %add3A_735 = arith.constant 5.06032802E-6 : f32
      %add3A_736 = vector.broadcast %add3A_735 : f32 to vector<16xf32>
      %add3A_737 = arith.addf %mul3A_734, %add3A_736 : vector<16xf32>
      %convert_element_type3A_738 = arith.sitofp %sub3A_701 : vector<16xi32> to vector<16xf32>
      %add3A_739 = arith.addf %convert_element_type3A_738, %add3A_737 : vector<16xf32>
      %mul3A_740 = arith.constant 0.693147182 : f32
      %mul3A_741 = vector.broadcast %mul3A_740 : f32 to vector<16xf32>
      %mul3A_742 = arith.mulf %add3A_739, %mul3A_741 : vector<16xf32>
      %add3A_743 = arith.addf %add3A_609, %mul3A_742 : vector<16xf32>
      %mul3A_744 = arith.constant 21 : i32
      %mul3A_745 = vector.broadcast %mul3A_744 : i32 to vector<16xi32>
      %mul3A_746 = arith.muli %iota3A, %mul3A_745 : vector<16xi32>
      %add3A_747 = arith.constant 4 : i32
      %add3A_748 = vector.broadcast %add3A_747 : i32 to vector<16xi32>
      %add3A_749 = arith.addi %mul3A_746, %add3A_748 : vector<16xi32>
      %broadcast_in_dim3A_750 = arith.constant 0 : i32
      %broadcast_in_dim3A_751 = vector.broadcast %broadcast_in_dim3A_750 : i32 to vector<16xi32>
      %gather3A_752 = tpu.vector_load_idx %arg12[%add3A_749, %broadcast_in_dim3A_751] : memref<336x17xf32, #tpu.memory_space<vmem>>[vector<16xi32>, vector<16xi32>], vector<16xf32>,
      %broadcast_in_dim3A_753 = arith.constant 1 : i32
      %broadcast_in_dim3A_754 = vector.broadcast %broadcast_in_dim3A_753 : i32 to vector<16xi32>
      %gather3A_755 = tpu.vector_load_idx %arg12[%add3A_749, %broadcast_in_dim3A_754] : memref<336x17xf32, #tpu.memory_space<vmem>>[vector<16xi32>, vector<16xi32>], vector<16xf32>,
      %add3A_756 = arith.addf %gather3A_752, %gather3A_755 : vector<16xf32>
      %broadcast_in_dim3A_757 = arith.constant 2 : i32
      %broadcast_in_dim3A_758 = vector.broadcast %broadcast_in_dim3A_757 : i32 to vector<16xi32>
      %gather3A_759 = tpu.vector_load_idx %arg12[%add3A_749, %broadcast_in_dim3A_758] : memref<336x17xf32, #tpu.memory_space<vmem>>[vector<16xi32>, vector<16xi32>], vector<16xf32>,
      %add3A_760 = arith.addf %add3A_756, %gather3A_759 : vector<16xf32>
      %broadcast_in_dim3A_761 = arith.constant 3 : i32
      %broadcast_in_dim3A_762 = vector.broadcast %broadcast_in_dim3A_761 : i32 to vector<16xi32>
      %gather3A_763 = tpu.vector_load_idx %arg12[%add3A_749, %broadcast_in_dim3A_762] : memref<336x17xf32, #tpu.memory_space<vmem>>[vector<16xi32>, vector<16xi32>], vector<16xf32>,
      %add3A_764 = arith.addf %add3A_760, %gather3A_763 : vector<16xf32>
      %broadcast_in_dim3A_765 = arith.constant 4 : i32
      %broadcast_in_dim3A_766 = vector.broadcast %broadcast_in_dim3A_765 : i32 to vector<16xi32>
      %gather3A_767 = tpu.vector_load_idx %arg12[%add3A_749, %broadcast_in_dim3A_766] : memref<336x17xf32, #tpu.memory_space<vmem>>[vector<16xi32>, vector<16xi32>], vector<16xf32>,
      %add3A_768 = arith.addf %add3A_764, %gather3A_767 : vector<16xf32>
      %broadcast_in_dim3A_769 = arith.constant 5 : i32
      %broadcast_in_dim3A_770 = vector.broadcast %broadcast_in_dim3A_769 : i32 to vector<16xi32>
      %gather3A_771 = tpu.vector_load_idx %arg12[%add3A_749, %broadcast_in_dim3A_770] : memref<336x17xf32, #tpu.memory_space<vmem>>[vector<16xi32>, vector<16xi32>], vector<16xf32>,
      %add3A_772 = arith.addf %add3A_768, %gather3A_771 : vector<16xf32>
      %broadcast_in_dim3A_773 = arith.constant 6 : i32
      %broadcast_in_dim3A_774 = vector.broadcast %broadcast_in_dim3A_773 : i32 to vector<16xi32>
      %gather3A_775 = tpu.vector_load_idx %arg12[%add3A_749, %broadcast_in_dim3A_774] : memref<336x17xf32, #tpu.memory_space<vmem>>[vector<16xi32>, vector<16xi32>], vector<16xf32>,
      %add3A_776 = arith.addf %add3A_772, %gather3A_775 : vector<16xf32>
      %broadcast_in_dim3A_777 = arith.constant 7 : i32
      %broadcast_in_dim3A_778 = vector.broadcast %broadcast_in_dim3A_777 : i32 to vector<16xi32>
      %gather3A_779 = tpu.vector_load_idx %arg12[%add3A_749, %broadcast_in_dim3A_778] : memref<336x17xf32, #tpu.memory_space<vmem>>[vector<16xi32>, vector<16xi32>], vector<16xf32>,
      %add3A_780 = arith.addf %add3A_776, %gather3A_779 : vector<16xf32>
      %broadcast_in_dim3A_781 = arith.constant 8 : i32
      %broadcast_in_dim3A_782 = vector.broadcast %broadcast_in_dim3A_781 : i32 to vector<16xi32>
      %gather3A_783 = tpu.vector_load_idx %arg12[%add3A_749, %broadcast_in_dim3A_782] : memref<336x17xf32, #tpu.memory_space<vmem>>[vector<16xi32>, vector<16xi32>], vector<16xf32>,
      %add3A_784 = arith.addf %add3A_780, %gather3A_783 : vector<16xf32>
      %broadcast_in_dim3A_785 = arith.constant 9 : i32
      %broadcast_in_dim3A_786 = vector.broadcast %broadcast_in_dim3A_785 : i32 to vector<16xi32>
      %gather3A_787 = tpu.vector_load_idx %arg12[%add3A_749, %broadcast_in_dim3A_786] : memref<336x17xf32, #tpu.memory_space<vmem>>[vector<16xi32>, vector<16xi32>], vector<16xf32>,
      %add3A_788 = arith.addf %add3A_784, %gather3A_787 : vector<16xf32>
      %broadcast_in_dim3A_789 = arith.constant 10 : i32
      %broadcast_in_dim3A_790 = vector.broadcast %broadcast_in_dim3A_789 : i32 to vector<16xi32>
      %gather3A_791 = tpu.vector_load_idx %arg12[%add3A_749, %broadcast_in_dim3A_790] : memref<336x17xf32, #tpu.memory_space<vmem>>[vector<16xi32>, vector<16xi32>], vector<16xf32>,
      %add3A_792 = arith.addf %add3A_788, %gather3A_791 : vector<16xf32>
      %broadcast_in_dim3A_793 = arith.constant 11 : i32
      %broadcast_in_dim3A_794 = vector.broadcast %broadcast_in_dim3A_793 : i32 to vector<16xi32>
      %gather3A_795 = tpu.vector_load_idx %arg12[%add3A_749, %broadcast_in_dim3A_794] : memref<336x17xf32, #tpu.memory_space<vmem>>[vector<16xi32>, vector<16xi32>], vector<16xf32>,
      %add3A_796 = arith.addf %add3A_792, %gather3A_795 : vector<16xf32>
      %broadcast_in_dim3A_797 = arith.constant 12 : i32
      %broadcast_in_dim3A_798 = vector.broadcast %broadcast_in_dim3A_797 : i32 to vector<16xi32>
      %gather3A_799 = tpu.vector_load_idx %arg12[%add3A_749, %broadcast_in_dim3A_798] : memref<336x17xf32, #tpu.memory_space<vmem>>[vector<16xi32>, vector<16xi32>], vector<16xf32>,
      %add3A_800 = arith.addf %add3A_796, %gather3A_799 : vector<16xf32>
      %broadcast_in_dim3A_801 = arith.constant 13 : i32
      %broadcast_in_dim3A_802 = vector.broadcast %broadcast_in_dim3A_801 : i32 to vector<16xi32>
      %gather3A_803 = tpu.vector_load_idx %arg12[%add3A_749, %broadcast_in_dim3A_802] : memref<336x17xf32, #tpu.memory_space<vmem>>[vector<16xi32>, vector<16xi32>], vector<16xf32>,
      %add3A_804 = arith.addf %add3A_800, %gather3A_803 : vector<16xf32>
      %broadcast_in_dim3A_805 = arith.constant 14 : i32
      %broadcast_in_dim3A_806 = vector.broadcast %broadcast_in_dim3A_805 : i32 to vector<16xi32>
      %gather3A_807 = tpu.vector_load_idx %arg12[%add3A_749, %broadcast_in_dim3A_806] : memref<336x17xf32, #tpu.memory_space<vmem>>[vector<16xi32>, vector<16xi32>], vector<16xf32>,
      %add3A_808 = arith.addf %add3A_804, %gather3A_807 : vector<16xf32>
      %broadcast_in_dim3A_809 = arith.constant 15 : i32
      %broadcast_in_dim3A_810 = vector.broadcast %broadcast_in_dim3A_809 : i32 to vector<16xi32>
      %gather3A_811 = tpu.vector_load_idx %arg12[%add3A_749, %broadcast_in_dim3A_810] : memref<336x17xf32, #tpu.memory_space<vmem>>[vector<16xi32>, vector<16xi32>], vector<16xf32>,
      %add3A_812 = arith.addf %add3A_808, %gather3A_811 : vector<16xf32>
      %neg3A_813 = arith.constant 0.000000e+00 : f32
      %neg3A_814 = vector.broadcast %neg3A_813 : f32 to vector<16xf32>
      %neg3A_815 = arith.subf %neg3A_814, %add3A_812 : vector<16xf32>
      %exp3A_816 = math.exp %neg3A_815 : vector<16xf32>
      %add3A_817 = arith.constant 1.000000e+00 : f32
      %add3A_818 = vector.broadcast %add3A_817 : f32 to vector<16xf32>
      %add3A_819 = arith.addf %add3A_818, %exp3A_816 : vector<16xf32>
      %div3A_820 = arith.constant 1.000000e+00 : f32
      %div3A_821 = vector.broadcast %div3A_820 : f32 to vector<16xf32>
      %div3A_822 = arith.divf %div3A_821, %add3A_819 : vector<16xf32>
      %sub3A_823 = arith.constant 1.000000e+00 : f32
      %sub3A_824 = vector.broadcast %sub3A_823 : f32 to vector<16xf32>
      %sub3A_825 = arith.subf %sub3A_824, %div3A_822 : vector<16xf32>
      %add3A_826 = arith.constant 1.000000e-10 : f32
      %add3A_827 = vector.broadcast %add3A_826 : f32 to vector<16xf32>
      %add3A_828 = arith.addf %sub3A_825, %add3A_827 : vector<16xf32>
      %bitcast3A_829 = vector.bitcast %add3A_828 : vector<16xf32> to vector<16xi32>
      %shift_right_arithmetic3A_830 = arith.constant 23 : i32
      %shift_right_arithmetic3A_831 = vector.broadcast %shift_right_arithmetic3A_830 : i32 to vector<16xi32>
      %shift_right_arithmetic3A_832 = arith.shrsi %bitcast3A_829, %shift_right_arithmetic3A_831 : vector<16xi32>
      %sub3A_833 = arith.constant 127 : i32
      %sub3A_834 = vector.broadcast %sub3A_833 : i32 to vector<16xi32>
      %sub3A_835 = arith.subi %shift_right_arithmetic3A_832, %sub3A_834 : vector<16xi32>
      %and3A_836 = arith.constant 8388607 : i32
      %and3A_837 = vector.broadcast %and3A_836 : i32 to vector<16xi32>
      %and3A_838 = arith.andi %bitcast3A_829, %and3A_837 : vector<16xi32>
      %or3A_839 = arith.constant 1065353216 : i32
      %or3A_840 = vector.broadcast %or3A_839 : i32 to vector<16xi32>
      %or3A_841 = arith.ori %and3A_838, %or3A_840 : vector<16xi32>
      %bitcast3A_842 = vector.bitcast %or3A_841 : vector<16xi32> to vector<16xf32>
      %sub3A_843 = arith.constant 1.000000e+00 : f32
      %sub3A_844 = vector.broadcast %sub3A_843 : f32 to vector<16xf32>
      %sub3A_845 = arith.subf %bitcast3A_842, %sub3A_844 : vector<16xf32>
      %broadcast_in_dim3A_846 = arith.constant -0.0248259846 : f32
      %broadcast_in_dim3A_847 = vector.broadcast %broadcast_in_dim3A_846 : f32 to vector<16xf32>
      %mul3A_848 = arith.mulf %broadcast_in_dim3A_847, %sub3A_845 : vector<16xf32>
      %add3A_849 = arith.constant 0.117906861 : f32
      %add3A_850 = vector.broadcast %add3A_849 : f32 to vector<16xf32>
      %add3A_851 = arith.addf %mul3A_848, %add3A_850 : vector<16xf32>
      %mul3A_852 = arith.mulf %add3A_851, %sub3A_845 : vector<16xf32>
      %add3A_853 = arith.constant -0.272355825 : f32
      %add3A_854 = vector.broadcast %add3A_853 : f32 to vector<16xf32>
      %add3A_855 = arith.addf %mul3A_852, %add3A_854 : vector<16xf32>
      %mul3A_856 = arith.mulf %add3A_855, %sub3A_845 : vector<16xf32>
      %add3A_857 = arith.constant 0.453858197 : f32
      %add3A_858 = vector.broadcast %add3A_857 : f32 to vector<16xf32>
      %add3A_859 = arith.addf %mul3A_856, %add3A_858 : vector<16xf32>
      %mul3A_860 = arith.mulf %add3A_859, %sub3A_845 : vector<16xf32>
      %add3A_861 = arith.constant -0.71698755 : f32
      %add3A_862 = vector.broadcast %add3A_861 : f32 to vector<16xf32>
      %add3A_863 = arith.addf %mul3A_860, %add3A_862 : vector<16xf32>
      %mul3A_864 = arith.mulf %add3A_863, %sub3A_845 : vector<16xf32>
      %add3A_865 = arith.constant 1.44239557 : f32
      %add3A_866 = vector.broadcast %add3A_865 : f32 to vector<16xf32>
      %add3A_867 = arith.addf %mul3A_864, %add3A_866 : vector<16xf32>
      %mul3A_868 = arith.mulf %add3A_867, %sub3A_845 : vector<16xf32>
      %add3A_869 = arith.constant 5.06032802E-6 : f32
      %add3A_870 = vector.broadcast %add3A_869 : f32 to vector<16xf32>
      %add3A_871 = arith.addf %mul3A_868, %add3A_870 : vector<16xf32>
      %convert_element_type3A_872 = arith.sitofp %sub3A_835 : vector<16xi32> to vector<16xf32>
      %add3A_873 = arith.addf %convert_element_type3A_872, %add3A_871 : vector<16xf32>
      %mul3A_874 = arith.constant 0.693147182 : f32
      %mul3A_875 = vector.broadcast %mul3A_874 : f32 to vector<16xf32>
      %mul3A_876 = arith.mulf %add3A_873, %mul3A_875 : vector<16xf32>
      %add3A_877 = arith.addf %add3A_743, %mul3A_876 : vector<16xf32>
      %mul3A_878 = arith.constant 21 : i32
      %mul3A_879 = vector.broadcast %mul3A_878 : i32 to vector<16xi32>
      %mul3A_880 = arith.muli %iota3A, %mul3A_879 : vector<16xi32>
      %add3A_881 = arith.constant 5 : i32
      %add3A_882 = vector.broadcast %add3A_881 : i32 to vector<16xi32>
      %add3A_883 = arith.addi %mul3A_880, %add3A_882 : vector<16xi32>
      %broadcast_in_dim3A_884 = arith.constant 0 : i32
      %broadcast_in_dim3A_885 = vector.broadcast %broadcast_in_dim3A_884 : i32 to vector<16xi32>
      %gather3A_886 = tpu.vector_load_idx %arg12[%add3A_883, %broadcast_in_dim3A_885] : memref<336x17xf32, #tpu.memory_space<vmem>>[vector<16xi32>, vector<16xi32>], vector<16xf32>,
      %broadcast_in_dim3A_887 = arith.constant 1 : i32
      %broadcast_in_dim3A_888 = vector.broadcast %broadcast_in_dim3A_887 : i32 to vector<16xi32>
      %gather3A_889 = tpu.vector_load_idx %arg12[%add3A_883, %broadcast_in_dim3A_888] : memref<336x17xf32, #tpu.memory_space<vmem>>[vector<16xi32>, vector<16xi32>], vector<16xf32>,
      %add3A_890 = arith.addf %gather3A_886, %gather3A_889 : vector<16xf32>
      %broadcast_in_dim3A_891 = arith.constant 2 : i32
      %broadcast_in_dim3A_892 = vector.broadcast %broadcast_in_dim3A_891 : i32 to vector<16xi32>
      %gather3A_893 = tpu.vector_load_idx %arg12[%add3A_883, %broadcast_in_dim3A_892] : memref<336x17xf32, #tpu.memory_space<vmem>>[vector<16xi32>, vector<16xi32>], vector<16xf32>,
      %add3A_894 = arith.addf %add3A_890, %gather3A_893 : vector<16xf32>
      %broadcast_in_dim3A_895 = arith.constant 3 : i32
      %broadcast_in_dim3A_896 = vector.broadcast %broadcast_in_dim3A_895 : i32 to vector<16xi32>
      %gather3A_897 = tpu.vector_load_idx %arg12[%add3A_883, %broadcast_in_dim3A_896] : memref<336x17xf32, #tpu.memory_space<vmem>>[vector<16xi32>, vector<16xi32>], vector<16xf32>,
      %add3A_898 = arith.addf %add3A_894, %gather3A_897 : vector<16xf32>
      %broadcast_in_dim3A_899 = arith.constant 4 : i32
      %broadcast_in_dim3A_900 = vector.broadcast %broadcast_in_dim3A_899 : i32 to vector<16xi32>
      %gather3A_901 = tpu.vector_load_idx %arg12[%add3A_883, %broadcast_in_dim3A_900] : memref<336x17xf32, #tpu.memory_space<vmem>>[vector<16xi32>, vector<16xi32>], vector<16xf32>,
      %add3A_902 = arith.addf %add3A_898, %gather3A_901 : vector<16xf32>
      %broadcast_in_dim3A_903 = arith.constant 5 : i32
      %broadcast_in_dim3A_904 = vector.broadcast %broadcast_in_dim3A_903 : i32 to vector<16xi32>
      %gather3A_905 = tpu.vector_load_idx %arg12[%add3A_883, %broadcast_in_dim3A_904] : memref<336x17xf32, #tpu.memory_space<vmem>>[vector<16xi32>, vector<16xi32>], vector<16xf32>,
      %add3A_906 = arith.addf %add3A_902, %gather3A_905 : vector<16xf32>
      %broadcast_in_dim3A_907 = arith.constant 6 : i32
      %broadcast_in_dim3A_908 = vector.broadcast %broadcast_in_dim3A_907 : i32 to vector<16xi32>
      %gather3A_909 = tpu.vector_load_idx %arg12[%add3A_883, %broadcast_in_dim3A_908] : memref<336x17xf32, #tpu.memory_space<vmem>>[vector<16xi32>, vector<16xi32>], vector<16xf32>,
      %add3A_910 = arith.addf %add3A_906, %gather3A_909 : vector<16xf32>
      %broadcast_in_dim3A_911 = arith.constant 7 : i32
      %broadcast_in_dim3A_912 = vector.broadcast %broadcast_in_dim3A_911 : i32 to vector<16xi32>
      %gather3A_913 = tpu.vector_load_idx %arg12[%add3A_883, %broadcast_in_dim3A_912] : memref<336x17xf32, #tpu.memory_space<vmem>>[vector<16xi32>, vector<16xi32>], vector<16xf32>,
      %add3A_914 = arith.addf %add3A_910, %gather3A_913 : vector<16xf32>
      %broadcast_in_dim3A_915 = arith.constant 8 : i32
      %broadcast_in_dim3A_916 = vector.broadcast %broadcast_in_dim3A_915 : i32 to vector<16xi32>
      %gather3A_917 = tpu.vector_load_idx %arg12[%add3A_883, %broadcast_in_dim3A_916] : memref<336x17xf32, #tpu.memory_space<vmem>>[vector<16xi32>, vector<16xi32>], vector<16xf32>,
      %add3A_918 = arith.addf %add3A_914, %gather3A_917 : vector<16xf32>
      %broadcast_in_dim3A_919 = arith.constant 9 : i32
      %broadcast_in_dim3A_920 = vector.broadcast %broadcast_in_dim3A_919 : i32 to vector<16xi32>
      %gather3A_921 = tpu.vector_load_idx %arg12[%add3A_883, %broadcast_in_dim3A_920] : memref<336x17xf32, #tpu.memory_space<vmem>>[vector<16xi32>, vector<16xi32>], vector<16xf32>,
      %add3A_922 = arith.addf %add3A_918, %gather3A_921 : vector<16xf32>
      %broadcast_in_dim3A_923 = arith.constant 10 : i32
      %broadcast_in_dim3A_924 = vector.broadcast %broadcast_in_dim3A_923 : i32 to vector<16xi32>
      %gather3A_925 = tpu.vector_load_idx %arg12[%add3A_883, %broadcast_in_dim3A_924] : memref<336x17xf32, #tpu.memory_space<vmem>>[vector<16xi32>, vector<16xi32>], vector<16xf32>,
      %add3A_926 = arith.addf %add3A_922, %gather3A_925 : vector<16xf32>
      %broadcast_in_dim3A_927 = arith.constant 11 : i32
      %broadcast_in_dim3A_928 = vector.broadcast %broadcast_in_dim3A_927 : i32 to vector<16xi32>
      %gather3A_929 = tpu.vector_load_idx %arg12[%add3A_883, %broadcast_in_dim3A_928] : memref<336x17xf32, #tpu.memory_space<vmem>>[vector<16xi32>, vector<16xi32>], vector<16xf32>,
      %add3A_930 = arith.addf %add3A_926, %gather3A_929 : vector<16xf32>
      %broadcast_in_dim3A_931 = arith.constant 12 : i32
      %broadcast_in_dim3A_932 = vector.broadcast %broadcast_in_dim3A_931 : i32 to vector<16xi32>
      %gather3A_933 = tpu.vector_load_idx %arg12[%add3A_883, %broadcast_in_dim3A_932] : memref<336x17xf32, #tpu.memory_space<vmem>>[vector<16xi32>, vector<16xi32>], vector<16xf32>,
      %add3A_934 = arith.addf %add3A_930, %gather3A_933 : vector<16xf32>
      %broadcast_in_dim3A_935 = arith.constant 13 : i32
      %broadcast_in_dim3A_936 = vector.broadcast %broadcast_in_dim3A_935 : i32 to vector<16xi32>
      %gather3A_937 = tpu.vector_load_idx %arg12[%add3A_883, %broadcast_in_dim3A_936] : memref<336x17xf32, #tpu.memory_space<vmem>>[vector<16xi32>, vector<16xi32>], vector<16xf32>,
      %add3A_938 = arith.addf %add3A_934, %gather3A_937 : vector<16xf32>
      %broadcast_in_dim3A_939 = arith.constant 14 : i32
      %broadcast_in_dim3A_940 = vector.broadcast %broadcast_in_dim3A_939 : i32 to vector<16xi32>
      %gather3A_941 = tpu.vector_load_idx %arg12[%add3A_883, %broadcast_in_dim3A_940] : memref<336x17xf32, #tpu.memory_space<vmem>>[vector<16xi32>, vector<16xi32>], vector<16xf32>,
      %add3A_942 = arith.addf %add3A_938, %gather3A_941 : vector<16xf32>
      %broadcast_in_dim3A_943 = arith.constant 15 : i32
      %broadcast_in_dim3A_944 = vector.broadcast %broadcast_in_dim3A_943 : i32 to vector<16xi32>
      %gather3A_945 = tpu.vector_load_idx %arg12[%add3A_883, %broadcast_in_dim3A_944] : memref<336x17xf32, #tpu.memory_space<vmem>>[vector<16xi32>, vector<16xi32>], vector<16xf32>,
      %add3A_946 = arith.addf %add3A_942, %gather3A_945 : vector<16xf32>
      %neg3A_947 = arith.constant 0.000000e+00 : f32
      %neg3A_948 = vector.broadcast %neg3A_947 : f32 to vector<16xf32>
      %neg3A_949 = arith.subf %neg3A_948, %add3A_946 : vector<16xf32>
      %exp3A_950 = math.exp %neg3A_949 : vector<16xf32>
      %add3A_951 = arith.constant 1.000000e+00 : f32
      %add3A_952 = vector.broadcast %add3A_951 : f32 to vector<16xf32>
      %add3A_953 = arith.addf %add3A_952, %exp3A_950 : vector<16xf32>
      %div3A_954 = arith.constant 1.000000e+00 : f32
      %div3A_955 = vector.broadcast %div3A_954 : f32 to vector<16xf32>
      %div3A_956 = arith.divf %div3A_955, %add3A_953 : vector<16xf32>
      %sub3A_957 = arith.constant 1.000000e+00 : f32
      %sub3A_958 = vector.broadcast %sub3A_957 : f32 to vector<16xf32>
      %sub3A_959 = arith.subf %sub3A_958, %div3A_956 : vector<16xf32>
      %add3A_960 = arith.constant 1.000000e-10 : f32
      %add3A_961 = vector.broadcast %add3A_960 : f32 to vector<16xf32>
      %add3A_962 = arith.addf %sub3A_959, %add3A_961 : vector<16xf32>
      %bitcast3A_963 = vector.bitcast %add3A_962 : vector<16xf32> to vector<16xi32>
      %shift_right_arithmetic3A_964 = arith.constant 23 : i32
      %shift_right_arithmetic3A_965 = vector.broadcast %shift_right_arithmetic3A_964 : i32 to vector<16xi32>
      %shift_right_arithmetic3A_966 = arith.shrsi %bitcast3A_963, %shift_right_arithmetic3A_965 : vector<16xi32>
      %sub3A_967 = arith.constant 127 : i32
      %sub3A_968 = vector.broadcast %sub3A_967 : i32 to vector<16xi32>
      %sub3A_969 = arith.subi %shift_right_arithmetic3A_966, %sub3A_968 : vector<16xi32>
      %and3A_970 = arith.constant 8388607 : i32
      %and3A_971 = vector.broadcast %and3A_970 : i32 to vector<16xi32>
      %and3A_972 = arith.andi %bitcast3A_963, %and3A_971 : vector<16xi32>
      %or3A_973 = arith.constant 1065353216 : i32
      %or3A_974 = vector.broadcast %or3A_973 : i32 to vector<16xi32>
      %or3A_975 = arith.ori %and3A_972, %or3A_974 : vector<16xi32>
      %bitcast3A_976 = vector.bitcast %or3A_975 : vector<16xi32> to vector<16xf32>
      %sub3A_977 = arith.constant 1.000000e+00 : f32
      %sub3A_978 = vector.broadcast %sub3A_977 : f32 to vector<16xf32>
      %sub3A_979 = arith.subf %bitcast3A_976, %sub3A_978 : vector<16xf32>
      %broadcast_in_dim3A_980 = arith.constant -0.0248259846 : f32
      %broadcast_in_dim3A_981 = vector.broadcast %broadcast_in_dim3A_980 : f32 to vector<16xf32>
      %mul3A_982 = arith.mulf %broadcast_in_dim3A_981, %sub3A_979 : vector<16xf32>
      %add3A_983 = arith.constant 0.117906861 : f32
      %add3A_984 = vector.broadcast %add3A_983 : f32 to vector<16xf32>
      %add3A_985 = arith.addf %mul3A_982, %add3A_984 : vector<16xf32>
      %mul3A_986 = arith.mulf %add3A_985, %sub3A_979 : vector<16xf32>
      %add3A_987 = arith.constant -0.272355825 : f32
      %add3A_988 = vector.broadcast %add3A_987 : f32 to vector<16xf32>
      %add3A_989 = arith.addf %mul3A_986, %add3A_988 : vector<16xf32>
      %mul3A_990 = arith.mulf %add3A_989, %sub3A_979 : vector<16xf32>
      %add3A_991 = arith.constant 0.453858197 : f32
      %add3A_992 = vector.broadcast %add3A_991 : f32 to vector<16xf32>
      %add3A_993 = arith.addf %mul3A_990, %add3A_992 : vector<16xf32>
      %mul3A_994 = arith.mulf %add3A_993, %sub3A_979 : vector<16xf32>
      %add3A_995 = arith.constant -0.71698755 : f32
      %add3A_996 = vector.broadcast %add3A_995 : f32 to vector<16xf32>
      %add3A_997 = arith.addf %mul3A_994, %add3A_996 : vector<16xf32>
      %mul3A_998 = arith.mulf %add3A_997, %sub3A_979 : vector<16xf32>
      %add3A_999 = arith.constant 1.44239557 : f32
      %add3A_1000 = vector.broadcast %add3A_999 : f32 to vector<16xf32>
      %add3A_1001 = arith.addf %mul3A_998, %add3A_1000 : vector<16xf32>
      %mul3A_1002 = arith.mulf %add3A_1001, %sub3A_979 : vector<16xf32>
      %add3A_1003 = arith.constant 5.06032802E-6 : f32
      %add3A_1004 = vector.broadcast %add3A_1003 : f32 to vector<16xf32>
      %add3A_1005 = arith.addf %mul3A_1002, %add3A_1004 : vector<16xf32>
      %convert_element_type3A_1006 = arith.sitofp %sub3A_969 : vector<16xi32> to vector<16xf32>
      %add3A_1007 = arith.addf %convert_element_type3A_1006, %add3A_1005 : vector<16xf32>
      %mul3A_1008 = arith.constant 0.693147182 : f32
      %mul3A_1009 = vector.broadcast %mul3A_1008 : f32 to vector<16xf32>
      %mul3A_1010 = arith.mulf %add3A_1007, %mul3A_1009 : vector<16xf32>
      %add3A_1011 = arith.addf %add3A_877, %mul3A_1010 : vector<16xf32>
      %mul3A_1012 = arith.constant 21 : i32
      %mul3A_1013 = vector.broadcast %mul3A_1012 : i32 to vector<16xi32>
      %mul3A_1014 = arith.muli %iota3A, %mul3A_1013 : vector<16xi32>
      %add3A_1015 = arith.constant 6 : i32
      %add3A_1016 = vector.broadcast %add3A_1015 : i32 to vector<16xi32>
      %add3A_1017 = arith.addi %mul3A_1014, %add3A_1016 : vector<16xi32>
      %broadcast_in_dim3A_1018 = arith.constant 0 : i32
      %broadcast_in_dim3A_1019 = vector.broadcast %broadcast_in_dim3A_1018 : i32 to vector<16xi32>
      %gather3A_1020 = tpu.vector_load_idx %arg12[%add3A_1017, %broadcast_in_dim3A_1019] : memref<336x17xf32, #tpu.memory_space<vmem>>[vector<16xi32>, vector<16xi32>], vector<16xf32>,
      %broadcast_in_dim3A_1021 = arith.constant 1 : i32
      %broadcast_in_dim3A_1022 = vector.broadcast %broadcast_in_dim3A_1021 : i32 to vector<16xi32>
      %gather3A_1023 = tpu.vector_load_idx %arg12[%add3A_1017, %broadcast_in_dim3A_1022] : memref<336x17xf32, #tpu.memory_space<vmem>>[vector<16xi32>, vector<16xi32>], vector<16xf32>,
      %add3A_1024 = arith.addf %gather3A_1020, %gather3A_1023 : vector<16xf32>
      %broadcast_in_dim3A_1025 = arith.constant 2 : i32
      %broadcast_in_dim3A_1026 = vector.broadcast %broadcast_in_dim3A_1025 : i32 to vector<16xi32>
      %gather3A_1027 = tpu.vector_load_idx %arg12[%add3A_1017, %broadcast_in_dim3A_1026] : memref<336x17xf32, #tpu.memory_space<vmem>>[vector<16xi32>, vector<16xi32>], vector<16xf32>,
      %add3A_1028 = arith.addf %add3A_1024, %gather3A_1027 : vector<16xf32>
      %broadcast_in_dim3A_1029 = arith.constant 3 : i32
      %broadcast_in_dim3A_1030 = vector.broadcast %broadcast_in_dim3A_1029 : i32 to vector<16xi32>
      %gather3A_1031 = tpu.vector_load_idx %arg12[%add3A_1017, %broadcast_in_dim3A_1030] : memref<336x17xf32, #tpu.memory_space<vmem>>[vector<16xi32>, vector<16xi32>], vector<16xf32>,
      %add3A_1032 = arith.addf %add3A_1028, %gather3A_1031 : vector<16xf32>
      %broadcast_in_dim3A_1033 = arith.constant 4 : i32
      %broadcast_in_dim3A_1034 = vector.broadcast %broadcast_in_dim3A_1033 : i32 to vector<16xi32>
      %gather3A_1035 = tpu.vector_load_idx %arg12[%add3A_1017, %broadcast_in_dim3A_1034] : memref<336x17xf32, #tpu.memory_space<vmem>>[vector<16xi32>, vector<16xi32>], vector<16xf32>,
      %add3A_1036 = arith.addf %add3A_1032, %gather3A_1035 : vector<16xf32>
      %broadcast_in_dim3A_1037 = arith.constant 5 : i32
      %broadcast_in_dim3A_1038 = vector.broadcast %broadcast_in_dim3A_1037 : i32 to vector<16xi32>
      %gather3A_1039 = tpu.vector_load_idx %arg12[%add3A_1017, %broadcast_in_dim3A_1038] : memref<336x17xf32, #tpu.memory_space<vmem>>[vector<16xi32>, vector<16xi32>], vector<16xf32>,
      %add3A_1040 = arith.addf %add3A_1036, %gather3A_1039 : vector<16xf32>
      %broadcast_in_dim3A_1041 = arith.constant 6 : i32
      %broadcast_in_dim3A_1042 = vector.broadcast %broadcast_in_dim3A_1041 : i32 to vector<16xi32>
      %gather3A_1043 = tpu.vector_load_idx %arg12[%add3A_1017, %broadcast_in_dim3A_1042] : memref<336x17xf32, #tpu.memory_space<vmem>>[vector<16xi32>, vector<16xi32>], vector<16xf32>,
      %add3A_1044 = arith.addf %add3A_1040, %gather3A_1043 : vector<16xf32>
      %broadcast_in_dim3A_1045 = arith.constant 7 : i32
      %broadcast_in_dim3A_1046 = vector.broadcast %broadcast_in_dim3A_1045 : i32 to vector<16xi32>
      %gather3A_1047 = tpu.vector_load_idx %arg12[%add3A_1017, %broadcast_in_dim3A_1046] : memref<336x17xf32, #tpu.memory_space<vmem>>[vector<16xi32>, vector<16xi32>], vector<16xf32>,
      %add3A_1048 = arith.addf %add3A_1044, %gather3A_1047 : vector<16xf32>
      %broadcast_in_dim3A_1049 = arith.constant 8 : i32
      %broadcast_in_dim3A_1050 = vector.broadcast %broadcast_in_dim3A_1049 : i32 to vector<16xi32>
      %gather3A_1051 = tpu.vector_load_idx %arg12[%add3A_1017, %broadcast_in_dim3A_1050] : memref<336x17xf32, #tpu.memory_space<vmem>>[vector<16xi32>, vector<16xi32>], vector<16xf32>,
      %add3A_1052 = arith.addf %add3A_1048, %gather3A_1051 : vector<16xf32>
      %broadcast_in_dim3A_1053 = arith.constant 9 : i32
      %broadcast_in_dim3A_1054 = vector.broadcast %broadcast_in_dim3A_1053 : i32 to vector<16xi32>
      %gather3A_1055 = tpu.vector_load_idx %arg12[%add3A_1017, %broadcast_in_dim3A_1054] : memref<336x17xf32, #tpu.memory_space<vmem>>[vector<16xi32>, vector<16xi32>], vector<16xf32>,
      %add3A_1056 = arith.addf %add3A_1052, %gather3A_1055 : vector<16xf32>
      %broadcast_in_dim3A_1057 = arith.constant 10 : i32
      %broadcast_in_dim3A_1058 = vector.broadcast %broadcast_in_dim3A_1057 : i32 to vector<16xi32>
      %gather3A_1059 = tpu.vector_load_idx %arg12[%add3A_1017, %broadcast_in_dim3A_1058] : memref<336x17xf32, #tpu.memory_space<vmem>>[vector<16xi32>, vector<16xi32>], vector<16xf32>,
      %add3A_1060 = arith.addf %add3A_1056, %gather3A_1059 : vector<16xf32>
      %broadcast_in_dim3A_1061 = arith.constant 11 : i32
      %broadcast_in_dim3A_1062 = vector.broadcast %broadcast_in_dim3A_1061 : i32 to vector<16xi32>
      %gather3A_1063 = tpu.vector_load_idx %arg12[%add3A_1017, %broadcast_in_dim3A_1062] : memref<336x17xf32, #tpu.memory_space<vmem>>[vector<16xi32>, vector<16xi32>], vector<16xf32>,
      %add3A_1064 = arith.addf %add3A_1060, %gather3A_1063 : vector<16xf32>
      %broadcast_in_dim3A_1065 = arith.constant 12 : i32
      %broadcast_in_dim3A_1066 = vector.broadcast %broadcast_in_dim3A_1065 : i32 to vector<16xi32>
      %gather3A_1067 = tpu.vector_load_idx %arg12[%add3A_1017, %broadcast_in_dim3A_1066] : memref<336x17xf32, #tpu.memory_space<vmem>>[vector<16xi32>, vector<16xi32>], vector<16xf32>,
      %add3A_1068 = arith.addf %add3A_1064, %gather3A_1067 : vector<16xf32>
      %broadcast_in_dim3A_1069 = arith.constant 13 : i32
      %broadcast_in_dim3A_1070 = vector.broadcast %broadcast_in_dim3A_1069 : i32 to vector<16xi32>
      %gather3A_1071 = tpu.vector_load_idx %arg12[%add3A_1017, %broadcast_in_dim3A_1070] : memref<336x17xf32, #tpu.memory_space<vmem>>[vector<16xi32>, vector<16xi32>], vector<16xf32>,
      %add3A_1072 = arith.addf %add3A_1068, %gather3A_1071 : vector<16xf32>
      %broadcast_in_dim3A_1073 = arith.constant 14 : i32
      %broadcast_in_dim3A_1074 = vector.broadcast %broadcast_in_dim3A_1073 : i32 to vector<16xi32>
      %gather3A_1075 = tpu.vector_load_idx %arg12[%add3A_1017, %broadcast_in_dim3A_1074] : memref<336x17xf32, #tpu.memory_space<vmem>>[vector<16xi32>, vector<16xi32>], vector<16xf32>,
      %add3A_1076 = arith.addf %add3A_1072, %gather3A_1075 : vector<16xf32>
      %broadcast_in_dim3A_1077 = arith.constant 15 : i32
      %broadcast_in_dim3A_1078 = vector.broadcast %broadcast_in_dim3A_1077 : i32 to vector<16xi32>
      %gather3A_1079 = tpu.vector_load_idx %arg12[%add3A_1017, %broadcast_in_dim3A_1078] : memref<336x17xf32, #tpu.memory_space<vmem>>[vector<16xi32>, vector<16xi32>], vector<16xf32>,
      %add3A_1080 = arith.addf %add3A_1076, %gather3A_1079 : vector<16xf32>
      %neg3A_1081 = arith.constant 0.000000e+00 : f32
      %neg3A_1082 = vector.broadcast %neg3A_1081 : f32 to vector<16xf32>
      %neg3A_1083 = arith.subf %neg3A_1082, %add3A_1080 : vector<16xf32>
      %exp3A_1084 = math.exp %neg3A_1083 : vector<16xf32>
      %add3A_1085 = arith.constant 1.000000e+00 : f32
      %add3A_1086 = vector.broadcast %add3A_1085 : f32 to vector<16xf32>
      %add3A_1087 = arith.addf %add3A_1086, %exp3A_1084 : vector<16xf32>
      %div3A_1088 = arith.constant 1.000000e+00 : f32
      %div3A_1089 = vector.broadcast %div3A_1088 : f32 to vector<16xf32>
      %div3A_1090 = arith.divf %div3A_1089, %add3A_1087 : vector<16xf32>
      %sub3A_1091 = arith.constant 1.000000e+00 : f32
      %sub3A_1092 = vector.broadcast %sub3A_1091 : f32 to vector<16xf32>
      %sub3A_1093 = arith.subf %sub3A_1092, %div3A_1090 : vector<16xf32>
      %add3A_1094 = arith.constant 1.000000e-10 : f32
      %add3A_1095 = vector.broadcast %add3A_1094 : f32 to vector<16xf32>
      %add3A_1096 = arith.addf %sub3A_1093, %add3A_1095 : vector<16xf32>
      %bitcast3A_1097 = vector.bitcast %add3A_1096 : vector<16xf32> to vector<16xi32>
      %shift_right_arithmetic3A_1098 = arith.constant 23 : i32
      %shift_right_arithmetic3A_1099 = vector.broadcast %shift_right_arithmetic3A_1098 : i32 to vector<16xi32>
      %shift_right_arithmetic3A_1100 = arith.shrsi %bitcast3A_1097, %shift_right_arithmetic3A_1099 : vector<16xi32>
      %sub3A_1101 = arith.constant 127 : i32
      %sub3A_1102 = vector.broadcast %sub3A_1101 : i32 to vector<16xi32>
      %sub3A_1103 = arith.subi %shift_right_arithmetic3A_1100, %sub3A_1102 : vector<16xi32>
      %and3A_1104 = arith.constant 8388607 : i32
      %and3A_1105 = vector.broadcast %and3A_1104 : i32 to vector<16xi32>
      %and3A_1106 = arith.andi %bitcast3A_1097, %and3A_1105 : vector<16xi32>
      %or3A_1107 = arith.constant 1065353216 : i32
      %or3A_1108 = vector.broadcast %or3A_1107 : i32 to vector<16xi32>
      %or3A_1109 = arith.ori %and3A_1106, %or3A_1108 : vector<16xi32>
      %bitcast3A_1110 = vector.bitcast %or3A_1109 : vector<16xi32> to vector<16xf32>
      %sub3A_1111 = arith.constant 1.000000e+00 : f32
      %sub3A_1112 = vector.broadcast %sub3A_1111 : f32 to vector<16xf32>
      %sub3A_1113 = arith.subf %bitcast3A_1110, %sub3A_1112 : vector<16xf32>
      %broadcast_in_dim3A_1114 = arith.constant -0.0248259846 : f32
      %broadcast_in_dim3A_1115 = vector.broadcast %broadcast_in_dim3A_1114 : f32 to vector<16xf32>
      %mul3A_1116 = arith.mulf %broadcast_in_dim3A_1115, %sub3A_1113 : vector<16xf32>
      %add3A_1117 = arith.constant 0.117906861 : f32
      %add3A_1118 = vector.broadcast %add3A_1117 : f32 to vector<16xf32>
      %add3A_1119 = arith.addf %mul3A_1116, %add3A_1118 : vector<16xf32>
      %mul3A_1120 = arith.mulf %add3A_1119, %sub3A_1113 : vector<16xf32>
      %add3A_1121 = arith.constant -0.272355825 : f32
      %add3A_1122 = vector.broadcast %add3A_1121 : f32 to vector<16xf32>
      %add3A_1123 = arith.addf %mul3A_1120, %add3A_1122 : vector<16xf32>
      %mul3A_1124 = arith.mulf %add3A_1123, %sub3A_1113 : vector<16xf32>
      %add3A_1125 = arith.constant 0.453858197 : f32
      %add3A_1126 = vector.broadcast %add3A_1125 : f32 to vector<16xf32>
      %add3A_1127 = arith.addf %mul3A_1124, %add3A_1126 : vector<16xf32>
      %mul3A_1128 = arith.mulf %add3A_1127, %sub3A_1113 : vector<16xf32>
      %add3A_1129 = arith.constant -0.71698755 : f32
      %add3A_1130 = vector.broadcast %add3A_1129 : f32 to vector<16xf32>
      %add3A_1131 = arith.addf %mul3A_1128, %add3A_1130 : vector<16xf32>
      %mul3A_1132 = arith.mulf %add3A_1131, %sub3A_1113 : vector<16xf32>
      %add3A_1133 = arith.constant 1.44239557 : f32
      %add3A_1134 = vector.broadcast %add3A_1133 : f32 to vector<16xf32>
      %add3A_1135 = arith.addf %mul3A_1132, %add3A_1134 : vector<16xf32>
      %mul3A_1136 = arith.mulf %add3A_1135, %sub3A_1113 : vector<16xf32>
      %add3A_1137 = arith.constant 5.06032802E-6 : f32
      %add3A_1138 = vector.broadcast %add3A_1137 : f32 to vector<16xf32>
      %add3A_1139 = arith.addf %mul3A_1136, %add3A_1138 : vector<16xf32>
      %convert_element_type3A_1140 = arith.sitofp %sub3A_1103 : vector<16xi32> to vector<16xf32>
      %add3A_1141 = arith.addf %convert_element_type3A_1140, %add3A_1139 : vector<16xf32>
      %mul3A_1142 = arith.constant 0.693147182 : f32
      %mul3A_1143 = vector.broadcast %mul3A_1142 : f32 to vector<16xf32>
      %mul3A_1144 = arith.mulf %add3A_1141, %mul3A_1143 : vector<16xf32>
      %add3A_1145 = arith.addf %add3A_1011, %mul3A_1144 : vector<16xf32>
      %mul3A_1146 = arith.constant 21 : i32
      %mul3A_1147 = vector.broadcast %mul3A_1146 : i32 to vector<16xi32>
      %mul3A_1148 = arith.muli %iota3A, %mul3A_1147 : vector<16xi32>
      %add3A_1149 = arith.constant 7 : i32
      %add3A_1150 = vector.broadcast %add3A_1149 : i32 to vector<16xi32>
      %add3A_1151 = arith.addi %mul3A_1148, %add3A_1150 : vector<16xi32>
      %broadcast_in_dim3A_1152 = arith.constant 0 : i32
      %broadcast_in_dim3A_1153 = vector.broadcast %broadcast_in_dim3A_1152 : i32 to vector<16xi32>
      %gather3A_1154 = tpu.vector_load_idx %arg12[%add3A_1151, %broadcast_in_dim3A_1153] : memref<336x17xf32, #tpu.memory_space<vmem>>[vector<16xi32>, vector<16xi32>], vector<16xf32>,
      %broadcast_in_dim3A_1155 = arith.constant 1 : i32
      %broadcast_in_dim3A_1156 = vector.broadcast %broadcast_in_dim3A_1155 : i32 to vector<16xi32>
      %gather3A_1157 = tpu.vector_load_idx %arg12[%add3A_1151, %broadcast_in_dim3A_1156] : memref<336x17xf32, #tpu.memory_space<vmem>>[vector<16xi32>, vector<16xi32>], vector<16xf32>,
      %add3A_1158 = arith.addf %gather3A_1154, %gather3A_1157 : vector<16xf32>
      %broadcast_in_dim3A_1159 = arith.constant 2 : i32
      %broadcast_in_dim3A_1160 = vector.broadcast %broadcast_in_dim3A_1159 : i32 to vector<16xi32>
      %gather3A_1161 = tpu.vector_load_idx %arg12[%add3A_1151, %broadcast_in_dim3A_1160] : memref<336x17xf32, #tpu.memory_space<vmem>>[vector<16xi32>, vector<16xi32>], vector<16xf32>,
      %add3A_1162 = arith.addf %add3A_1158, %gather3A_1161 : vector<16xf32>
      %broadcast_in_dim3A_1163 = arith.constant 3 : i32
      %broadcast_in_dim3A_1164 = vector.broadcast %broadcast_in_dim3A_1163 : i32 to vector<16xi32>
      %gather3A_1165 = tpu.vector_load_idx %arg12[%add3A_1151, %broadcast_in_dim3A_1164] : memref<336x17xf32, #tpu.memory_space<vmem>>[vector<16xi32>, vector<16xi32>], vector<16xf32>,
      %add3A_1166 = arith.addf %add3A_1162, %gather3A_1165 : vector<16xf32>
      %broadcast_in_dim3A_1167 = arith.constant 4 : i32
      %broadcast_in_dim3A_1168 = vector.broadcast %broadcast_in_dim3A_1167 : i32 to vector<16xi32>
      %gather3A_1169 = tpu.vector_load_idx %arg12[%add3A_1151, %broadcast_in_dim3A_1168] : memref<336x17xf32, #tpu.memory_space<vmem>>[vector<16xi32>, vector<16xi32>], vector<16xf32>,
      %add3A_1170 = arith.addf %add3A_1166, %gather3A_1169 : vector<16xf32>
      %broadcast_in_dim3A_1171 = arith.constant 5 : i32
      %broadcast_in_dim3A_1172 = vector.broadcast %broadcast_in_dim3A_1171 : i32 to vector<16xi32>
      %gather3A_1173 = tpu.vector_load_idx %arg12[%add3A_1151, %broadcast_in_dim3A_1172] : memref<336x17xf32, #tpu.memory_space<vmem>>[vector<16xi32>, vector<16xi32>], vector<16xf32>,
      %add3A_1174 = arith.addf %add3A_1170, %gather3A_1173 : vector<16xf32>
      %broadcast_in_dim3A_1175 = arith.constant 6 : i32
      %broadcast_in_dim3A_1176 = vector.broadcast %broadcast_in_dim3A_1175 : i32 to vector<16xi32>
      %gather3A_1177 = tpu.vector_load_idx %arg12[%add3A_1151, %broadcast_in_dim3A_1176] : memref<336x17xf32, #tpu.memory_space<vmem>>[vector<16xi32>, vector<16xi32>], vector<16xf32>,
      %add3A_1178 = arith.addf %add3A_1174, %gather3A_1177 : vector<16xf32>
      %broadcast_in_dim3A_1179 = arith.constant 7 : i32
      %broadcast_in_dim3A_1180 = vector.broadcast %broadcast_in_dim3A_1179 : i32 to vector<16xi32>
      %gather3A_1181 = tpu.vector_load_idx %arg12[%add3A_1151, %broadcast_in_dim3A_1180] : memref<336x17xf32, #tpu.memory_space<vmem>>[vector<16xi32>, vector<16xi32>], vector<16xf32>,
      %add3A_1182 = arith.addf %add3A_1178, %gather3A_1181 : vector<16xf32>
      %broadcast_in_dim3A_1183 = arith.constant 8 : i32
      %broadcast_in_dim3A_1184 = vector.broadcast %broadcast_in_dim3A_1183 : i32 to vector<16xi32>
      %gather3A_1185 = tpu.vector_load_idx %arg12[%add3A_1151, %broadcast_in_dim3A_1184] : memref<336x17xf32, #tpu.memory_space<vmem>>[vector<16xi32>, vector<16xi32>], vector<16xf32>,
      %add3A_1186 = arith.addf %add3A_1182, %gather3A_1185 : vector<16xf32>
      %broadcast_in_dim3A_1187 = arith.constant 9 : i32
      %broadcast_in_dim3A_1188 = vector.broadcast %broadcast_in_dim3A_1187 : i32 to vector<16xi32>
      %gather3A_1189 = tpu.vector_load_idx %arg12[%add3A_1151, %broadcast_in_dim3A_1188] : memref<336x17xf32, #tpu.memory_space<vmem>>[vector<16xi32>, vector<16xi32>], vector<16xf32>,
      %add3A_1190 = arith.addf %add3A_1186, %gather3A_1189 : vector<16xf32>
      %broadcast_in_dim3A_1191 = arith.constant 10 : i32
      %broadcast_in_dim3A_1192 = vector.broadcast %broadcast_in_dim3A_1191 : i32 to vector<16xi32>
      %gather3A_1193 = tpu.vector_load_idx %arg12[%add3A_1151, %broadcast_in_dim3A_1192] : memref<336x17xf32, #tpu.memory_space<vmem>>[vector<16xi32>, vector<16xi32>], vector<16xf32>,
      %add3A_1194 = arith.addf %add3A_1190, %gather3A_1193 : vector<16xf32>
      %broadcast_in_dim3A_1195 = arith.constant 11 : i32
      %broadcast_in_dim3A_1196 = vector.broadcast %broadcast_in_dim3A_1195 : i32 to vector<16xi32>
      %gather3A_1197 = tpu.vector_load_idx %arg12[%add3A_1151, %broadcast_in_dim3A_1196] : memref<336x17xf32, #tpu.memory_space<vmem>>[vector<16xi32>, vector<16xi32>], vector<16xf32>,
      %add3A_1198 = arith.addf %add3A_1194, %gather3A_1197 : vector<16xf32>
      %broadcast_in_dim3A_1199 = arith.constant 12 : i32
      %broadcast_in_dim3A_1200 = vector.broadcast %broadcast_in_dim3A_1199 : i32 to vector<16xi32>
      %gather3A_1201 = tpu.vector_load_idx %arg12[%add3A_1151, %broadcast_in_dim3A_1200] : memref<336x17xf32, #tpu.memory_space<vmem>>[vector<16xi32>, vector<16xi32>], vector<16xf32>,
      %add3A_1202 = arith.addf %add3A_1198, %gather3A_1201 : vector<16xf32>
      %broadcast_in_dim3A_1203 = arith.constant 13 : i32
      %broadcast_in_dim3A_1204 = vector.broadcast %broadcast_in_dim3A_1203 : i32 to vector<16xi32>
      %gather3A_1205 = tpu.vector_load_idx %arg12[%add3A_1151, %broadcast_in_dim3A_1204] : memref<336x17xf32, #tpu.memory_space<vmem>>[vector<16xi32>, vector<16xi32>], vector<16xf32>,
      %add3A_1206 = arith.addf %add3A_1202, %gather3A_1205 : vector<16xf32>
      %broadcast_in_dim3A_1207 = arith.constant 14 : i32
      %broadcast_in_dim3A_1208 = vector.broadcast %broadcast_in_dim3A_1207 : i32 to vector<16xi32>
      %gather3A_1209 = tpu.vector_load_idx %arg12[%add3A_1151, %broadcast_in_dim3A_1208] : memref<336x17xf32, #tpu.memory_space<vmem>>[vector<16xi32>, vector<16xi32>], vector<16xf32>,
      %add3A_1210 = arith.addf %add3A_1206, %gather3A_1209 : vector<16xf32>
      %broadcast_in_dim3A_1211 = arith.constant 15 : i32
      %broadcast_in_dim3A_1212 = vector.broadcast %broadcast_in_dim3A_1211 : i32 to vector<16xi32>
      %gather3A_1213 = tpu.vector_load_idx %arg12[%add3A_1151, %broadcast_in_dim3A_1212] : memref<336x17xf32, #tpu.memory_space<vmem>>[vector<16xi32>, vector<16xi32>], vector<16xf32>,
      %add3A_1214 = arith.addf %add3A_1210, %gather3A_1213 : vector<16xf32>
      %neg3A_1215 = arith.constant 0.000000e+00 : f32
      %neg3A_1216 = vector.broadcast %neg3A_1215 : f32 to vector<16xf32>
      %neg3A_1217 = arith.subf %neg3A_1216, %add3A_1214 : vector<16xf32>
      %exp3A_1218 = math.exp %neg3A_1217 : vector<16xf32>
      %add3A_1219 = arith.constant 1.000000e+00 : f32
      %add3A_1220 = vector.broadcast %add3A_1219 : f32 to vector<16xf32>
      %add3A_1221 = arith.addf %add3A_1220, %exp3A_1218 : vector<16xf32>
      %div3A_1222 = arith.constant 1.000000e+00 : f32
      %div3A_1223 = vector.broadcast %div3A_1222 : f32 to vector<16xf32>
      %div3A_1224 = arith.divf %div3A_1223, %add3A_1221 : vector<16xf32>
      %sub3A_1225 = arith.constant 1.000000e+00 : f32
      %sub3A_1226 = vector.broadcast %sub3A_1225 : f32 to vector<16xf32>
      %sub3A_1227 = arith.subf %sub3A_1226, %div3A_1224 : vector<16xf32>
      %add3A_1228 = arith.constant 1.000000e-10 : f32
      %add3A_1229 = vector.broadcast %add3A_1228 : f32 to vector<16xf32>
      %add3A_1230 = arith.addf %sub3A_1227, %add3A_1229 : vector<16xf32>
      %bitcast3A_1231 = vector.bitcast %add3A_1230 : vector<16xf32> to vector<16xi32>
      %shift_right_arithmetic3A_1232 = arith.constant 23 : i32
      %shift_right_arithmetic3A_1233 = vector.broadcast %shift_right_arithmetic3A_1232 : i32 to vector<16xi32>
      %shift_right_arithmetic3A_1234 = arith.shrsi %bitcast3A_1231, %shift_right_arithmetic3A_1233 : vector<16xi32>
      %sub3A_1235 = arith.constant 127 : i32
      %sub3A_1236 = vector.broadcast %sub3A_1235 : i32 to vector<16xi32>
      %sub3A_1237 = arith.subi %shift_right_arithmetic3A_1234, %sub3A_1236 : vector<16xi32>
      %and3A_1238 = arith.constant 8388607 : i32
      %and3A_1239 = vector.broadcast %and3A_1238 : i32 to vector<16xi32>
      %and3A_1240 = arith.andi %bitcast3A_1231, %and3A_1239 : vector<16xi32>
      %or3A_1241 = arith.constant 1065353216 : i32
      %or3A_1242 = vector.broadcast %or3A_1241 : i32 to vector<16xi32>
      %or3A_1243 = arith.ori %and3A_1240, %or3A_1242 : vector<16xi32>
      %bitcast3A_1244 = vector.bitcast %or3A_1243 : vector<16xi32> to vector<16xf32>
      %sub3A_1245 = arith.constant 1.000000e+00 : f32
      %sub3A_1246 = vector.broadcast %sub3A_1245 : f32 to vector<16xf32>
      %sub3A_1247 = arith.subf %bitcast3A_1244, %sub3A_1246 : vector<16xf32>
      %broadcast_in_dim3A_1248 = arith.constant -0.0248259846 : f32
      %broadcast_in_dim3A_1249 = vector.broadcast %broadcast_in_dim3A_1248 : f32 to vector<16xf32>
      %mul3A_1250 = arith.mulf %broadcast_in_dim3A_1249, %sub3A_1247 : vector<16xf32>
      %add3A_1251 = arith.constant 0.117906861 : f32
      %add3A_1252 = vector.broadcast %add3A_1251 : f32 to vector<16xf32>
      %add3A_1253 = arith.addf %mul3A_1250, %add3A_1252 : vector<16xf32>
      %mul3A_1254 = arith.mulf %add3A_1253, %sub3A_1247 : vector<16xf32>
      %add3A_1255 = arith.constant -0.272355825 : f32
      %add3A_1256 = vector.broadcast %add3A_1255 : f32 to vector<16xf32>
      %add3A_1257 = arith.addf %mul3A_1254, %add3A_1256 : vector<16xf32>
      %mul3A_1258 = arith.mulf %add3A_1257, %sub3A_1247 : vector<16xf32>
      %add3A_1259 = arith.constant 0.453858197 : f32
      %add3A_1260 = vector.broadcast %add3A_1259 : f32 to vector<16xf32>
      %add3A_1261 = arith.addf %mul3A_1258, %add3A_1260 : vector<16xf32>
      %mul3A_1262 = arith.mulf %add3A_1261, %sub3A_1247 : vector<16xf32>
      %add3A_1263 = arith.constant -0.71698755 : f32
      %add3A_1264 = vector.broadcast %add3A_1263 : f32 to vector<16xf32>
      %add3A_1265 = arith.addf %mul3A_1262, %add3A_1264 : vector<16xf32>
      %mul3A_1266 = arith.mulf %add3A_1265, %sub3A_1247 : vector<16xf32>
      %add3A_1267 = arith.constant 1.44239557 : f32
      %add3A_1268 = vector.broadcast %add3A_1267 : f32 to vector<16xf32>
      %add3A_1269 = arith.addf %mul3A_1266, %add3A_1268 : vector<16xf32>
      %mul3A_1270 = arith.mulf %add3A_1269, %sub3A_1247 : vector<16xf32>
      %add3A_1271 = arith.constant 5.06032802E-6 : f32
      %add3A_1272 = vector.broadcast %add3A_1271 : f32 to vector<16xf32>
      %add3A_1273 = arith.addf %mul3A_1270, %add3A_1272 : vector<16xf32>
      %convert_element_type3A_1274 = arith.sitofp %sub3A_1237 : vector<16xi32> to vector<16xf32>
      %add3A_1275 = arith.addf %convert_element_type3A_1274, %add3A_1273 : vector<16xf32>
      %mul3A_1276 = arith.constant 0.693147182 : f32
      %mul3A_1277 = vector.broadcast %mul3A_1276 : f32 to vector<16xf32>
      %mul3A_1278 = arith.mulf %add3A_1275, %mul3A_1277 : vector<16xf32>
      %add3A_1279 = arith.addf %add3A_1145, %mul3A_1278 : vector<16xf32>
      %mul3A_1280 = arith.constant 21 : i32
      %mul3A_1281 = vector.broadcast %mul3A_1280 : i32 to vector<16xi32>
      %mul3A_1282 = arith.muli %iota3A, %mul3A_1281 : vector<16xi32>
      %add3A_1283 = arith.constant 8 : i32
      %add3A_1284 = vector.broadcast %add3A_1283 : i32 to vector<16xi32>
      %add3A_1285 = arith.addi %mul3A_1282, %add3A_1284 : vector<16xi32>
      %broadcast_in_dim3A_1286 = arith.constant 0 : i32
      %broadcast_in_dim3A_1287 = vector.broadcast %broadcast_in_dim3A_1286 : i32 to vector<16xi32>
      %gather3A_1288 = tpu.vector_load_idx %arg12[%add3A_1285, %broadcast_in_dim3A_1287] : memref<336x17xf32, #tpu.memory_space<vmem>>[vector<16xi32>, vector<16xi32>], vector<16xf32>,
      %broadcast_in_dim3A_1289 = arith.constant 1 : i32
      %broadcast_in_dim3A_1290 = vector.broadcast %broadcast_in_dim3A_1289 : i32 to vector<16xi32>
      %gather3A_1291 = tpu.vector_load_idx %arg12[%add3A_1285, %broadcast_in_dim3A_1290] : memref<336x17xf32, #tpu.memory_space<vmem>>[vector<16xi32>, vector<16xi32>], vector<16xf32>,
      %add3A_1292 = arith.addf %gather3A_1288, %gather3A_1291 : vector<16xf32>
      %broadcast_in_dim3A_1293 = arith.constant 2 : i32
      %broadcast_in_dim3A_1294 = vector.broadcast %broadcast_in_dim3A_1293 : i32 to vector<16xi32>
      %gather3A_1295 = tpu.vector_load_idx %arg12[%add3A_1285, %broadcast_in_dim3A_1294] : memref<336x17xf32, #tpu.memory_space<vmem>>[vector<16xi32>, vector<16xi32>], vector<16xf32>,
      %add3A_1296 = arith.addf %add3A_1292, %gather3A_1295 : vector<16xf32>
      %broadcast_in_dim3A_1297 = arith.constant 3 : i32
      %broadcast_in_dim3A_1298 = vector.broadcast %broadcast_in_dim3A_1297 : i32 to vector<16xi32>
      %gather3A_1299 = tpu.vector_load_idx %arg12[%add3A_1285, %broadcast_in_dim3A_1298] : memref<336x17xf32, #tpu.memory_space<vmem>>[vector<16xi32>, vector<16xi32>], vector<16xf32>,
      %add3A_1300 = arith.addf %add3A_1296, %gather3A_1299 : vector<16xf32>
      %broadcast_in_dim3A_1301 = arith.constant 4 : i32
      %broadcast_in_dim3A_1302 = vector.broadcast %broadcast_in_dim3A_1301 : i32 to vector<16xi32>
      %gather3A_1303 = tpu.vector_load_idx %arg12[%add3A_1285, %broadcast_in_dim3A_1302] : memref<336x17xf32, #tpu.memory_space<vmem>>[vector<16xi32>, vector<16xi32>], vector<16xf32>,
      %add3A_1304 = arith.addf %add3A_1300, %gather3A_1303 : vector<16xf32>
      %broadcast_in_dim3A_1305 = arith.constant 5 : i32
      %broadcast_in_dim3A_1306 = vector.broadcast %broadcast_in_dim3A_1305 : i32 to vector<16xi32>
      %gather3A_1307 = tpu.vector_load_idx %arg12[%add3A_1285, %broadcast_in_dim3A_1306] : memref<336x17xf32, #tpu.memory_space<vmem>>[vector<16xi32>, vector<16xi32>], vector<16xf32>,
      %add3A_1308 = arith.addf %add3A_1304, %gather3A_1307 : vector<16xf32>
      %broadcast_in_dim3A_1309 = arith.constant 6 : i32
      %broadcast_in_dim3A_1310 = vector.broadcast %broadcast_in_dim3A_1309 : i32 to vector<16xi32>
      %gather3A_1311 = tpu.vector_load_idx %arg12[%add3A_1285, %broadcast_in_dim3A_1310] : memref<336x17xf32, #tpu.memory_space<vmem>>[vector<16xi32>, vector<16xi32>], vector<16xf32>,
      %add3A_1312 = arith.addf %add3A_1308, %gather3A_1311 : vector<16xf32>
      %broadcast_in_dim3A_1313 = arith.constant 7 : i32
      %broadcast_in_dim3A_1314 = vector.broadcast %broadcast_in_dim3A_1313 : i32 to vector<16xi32>
      %gather3A_1315 = tpu.vector_load_idx %arg12[%add3A_1285, %broadcast_in_dim3A_1314] : memref<336x17xf32, #tpu.memory_space<vmem>>[vector<16xi32>, vector<16xi32>], vector<16xf32>,
      %add3A_1316 = arith.addf %add3A_1312, %gather3A_1315 : vector<16xf32>
      %broadcast_in_dim3A_1317 = arith.constant 8 : i32
      %broadcast_in_dim3A_1318 = vector.broadcast %broadcast_in_dim3A_1317 : i32 to vector<16xi32>
      %gather3A_1319 = tpu.vector_load_idx %arg12[%add3A_1285, %broadcast_in_dim3A_1318] : memref<336x17xf32, #tpu.memory_space<vmem>>[vector<16xi32>, vector<16xi32>], vector<16xf32>,
      %add3A_1320 = arith.addf %add3A_1316, %gather3A_1319 : vector<16xf32>
      %broadcast_in_dim3A_1321 = arith.constant 9 : i32
      %broadcast_in_dim3A_1322 = vector.broadcast %broadcast_in_dim3A_1321 : i32 to vector<16xi32>
      %gather3A_1323 = tpu.vector_load_idx %arg12[%add3A_1285, %broadcast_in_dim3A_1322] : memref<336x17xf32, #tpu.memory_space<vmem>>[vector<16xi32>, vector<16xi32>], vector<16xf32>,
      %add3A_1324 = arith.addf %add3A_1320, %gather3A_1323 : vector<16xf32>
      %broadcast_in_dim3A_1325 = arith.constant 10 : i32
      %broadcast_in_dim3A_1326 = vector.broadcast %broadcast_in_dim3A_1325 : i32 to vector<16xi32>
      %gather3A_1327 = tpu.vector_load_idx %arg12[%add3A_1285, %broadcast_in_dim3A_1326] : memref<336x17xf32, #tpu.memory_space<vmem>>[vector<16xi32>, vector<16xi32>], vector<16xf32>,
      %add3A_1328 = arith.addf %add3A_1324, %gather3A_1327 : vector<16xf32>
      %broadcast_in_dim3A_1329 = arith.constant 11 : i32
      %broadcast_in_dim3A_1330 = vector.broadcast %broadcast_in_dim3A_1329 : i32 to vector<16xi32>
      %gather3A_1331 = tpu.vector_load_idx %arg12[%add3A_1285, %broadcast_in_dim3A_1330] : memref<336x17xf32, #tpu.memory_space<vmem>>[vector<16xi32>, vector<16xi32>], vector<16xf32>,
      %add3A_1332 = arith.addf %add3A_1328, %gather3A_1331 : vector<16xf32>
      %broadcast_in_dim3A_1333 = arith.constant 12 : i32
      %broadcast_in_dim3A_1334 = vector.broadcast %broadcast_in_dim3A_1333 : i32 to vector<16xi32>
      %gather3A_1335 = tpu.vector_load_idx %arg12[%add3A_1285, %broadcast_in_dim3A_1334] : memref<336x17xf32, #tpu.memory_space<vmem>>[vector<16xi32>, vector<16xi32>], vector<16xf32>,
      %add3A_1336 = arith.addf %add3A_1332, %gather3A_1335 : vector<16xf32>
      %broadcast_in_dim3A_1337 = arith.constant 13 : i32
      %broadcast_in_dim3A_1338 = vector.broadcast %broadcast_in_dim3A_1337 : i32 to vector<16xi32>
      %gather3A_1339 = tpu.vector_load_idx %arg12[%add3A_1285, %broadcast_in_dim3A_1338] : memref<336x17xf32, #tpu.memory_space<vmem>>[vector<16xi32>, vector<16xi32>], vector<16xf32>,
      %add3A_1340 = arith.addf %add3A_1336, %gather3A_1339 : vector<16xf32>
      %broadcast_in_dim3A_1341 = arith.constant 14 : i32
      %broadcast_in_dim3A_1342 = vector.broadcast %broadcast_in_dim3A_1341 : i32 to vector<16xi32>
      %gather3A_1343 = tpu.vector_load_idx %arg12[%add3A_1285, %broadcast_in_dim3A_1342] : memref<336x17xf32, #tpu.memory_space<vmem>>[vector<16xi32>, vector<16xi32>], vector<16xf32>,
      %add3A_1344 = arith.addf %add3A_1340, %gather3A_1343 : vector<16xf32>
      %broadcast_in_dim3A_1345 = arith.constant 15 : i32
      %broadcast_in_dim3A_1346 = vector.broadcast %broadcast_in_dim3A_1345 : i32 to vector<16xi32>
      %gather3A_1347 = tpu.vector_load_idx %arg12[%add3A_1285, %broadcast_in_dim3A_1346] : memref<336x17xf32, #tpu.memory_space<vmem>>[vector<16xi32>, vector<16xi32>], vector<16xf32>,
      %add3A_1348 = arith.addf %add3A_1344, %gather3A_1347 : vector<16xf32>
      %neg3A_1349 = arith.constant 0.000000e+00 : f32
      %neg3A_1350 = vector.broadcast %neg3A_1349 : f32 to vector<16xf32>
      %neg3A_1351 = arith.subf %neg3A_1350, %add3A_1348 : vector<16xf32>
      %exp3A_1352 = math.exp %neg3A_1351 : vector<16xf32>
      %add3A_1353 = arith.constant 1.000000e+00 : f32
      %add3A_1354 = vector.broadcast %add3A_1353 : f32 to vector<16xf32>
      %add3A_1355 = arith.addf %add3A_1354, %exp3A_1352 : vector<16xf32>
      %div3A_1356 = arith.constant 1.000000e+00 : f32
      %div3A_1357 = vector.broadcast %div3A_1356 : f32 to vector<16xf32>
      %div3A_1358 = arith.divf %div3A_1357, %add3A_1355 : vector<16xf32>
      %sub3A_1359 = arith.constant 1.000000e+00 : f32
      %sub3A_1360 = vector.broadcast %sub3A_1359 : f32 to vector<16xf32>
      %sub3A_1361 = arith.subf %sub3A_1360, %div3A_1358 : vector<16xf32>
      %add3A_1362 = arith.constant 1.000000e-10 : f32
      %add3A_1363 = vector.broadcast %add3A_1362 : f32 to vector<16xf32>
      %add3A_1364 = arith.addf %sub3A_1361, %add3A_1363 : vector<16xf32>
      %bitcast3A_1365 = vector.bitcast %add3A_1364 : vector<16xf32> to vector<16xi32>
      %shift_right_arithmetic3A_1366 = arith.constant 23 : i32
      %shift_right_arithmetic3A_1367 = vector.broadcast %shift_right_arithmetic3A_1366 : i32 to vector<16xi32>
      %shift_right_arithmetic3A_1368 = arith.shrsi %bitcast3A_1365, %shift_right_arithmetic3A_1367 : vector<16xi32>
      %sub3A_1369 = arith.constant 127 : i32
      %sub3A_1370 = vector.broadcast %sub3A_1369 : i32 to vector<16xi32>
      %sub3A_1371 = arith.subi %shift_right_arithmetic3A_1368, %sub3A_1370 : vector<16xi32>
      %and3A_1372 = arith.constant 8388607 : i32
      %and3A_1373 = vector.broadcast %and3A_1372 : i32 to vector<16xi32>
      %and3A_1374 = arith.andi %bitcast3A_1365, %and3A_1373 : vector<16xi32>
      %or3A_1375 = arith.constant 1065353216 : i32
      %or3A_1376 = vector.broadcast %or3A_1375 : i32 to vector<16xi32>
      %or3A_1377 = arith.ori %and3A_1374, %or3A_1376 : vector<16xi32>
      %bitcast3A_1378 = vector.bitcast %or3A_1377 : vector<16xi32> to vector<16xf32>
      %sub3A_1379 = arith.constant 1.000000e+00 : f32
      %sub3A_1380 = vector.broadcast %sub3A_1379 : f32 to vector<16xf32>
      %sub3A_1381 = arith.subf %bitcast3A_1378, %sub3A_1380 : vector<16xf32>
      %broadcast_in_dim3A_1382 = arith.constant -0.0248259846 : f32
      %broadcast_in_dim3A_1383 = vector.broadcast %broadcast_in_dim3A_1382 : f32 to vector<16xf32>
      %mul3A_1384 = arith.mulf %broadcast_in_dim3A_1383, %sub3A_1381 : vector<16xf32>
      %add3A_1385 = arith.constant 0.117906861 : f32
      %add3A_1386 = vector.broadcast %add3A_1385 : f32 to vector<16xf32>
      %add3A_1387 = arith.addf %mul3A_1384, %add3A_1386 : vector<16xf32>
      %mul3A_1388 = arith.mulf %add3A_1387, %sub3A_1381 : vector<16xf32>
      %add3A_1389 = arith.constant -0.272355825 : f32
      %add3A_1390 = vector.broadcast %add3A_1389 : f32 to vector<16xf32>
      %add3A_1391 = arith.addf %mul3A_1388, %add3A_1390 : vector<16xf32>
      %mul3A_1392 = arith.mulf %add3A_1391, %sub3A_1381 : vector<16xf32>
      %add3A_1393 = arith.constant 0.453858197 : f32
      %add3A_1394 = vector.broadcast %add3A_1393 : f32 to vector<16xf32>
      %add3A_1395 = arith.addf %mul3A_1392, %add3A_1394 : vector<16xf32>
      %mul3A_1396 = arith.mulf %add3A_1395, %sub3A_1381 : vector<16xf32>
      %add3A_1397 = arith.constant -0.71698755 : f32
      %add3A_1398 = vector.broadcast %add3A_1397 : f32 to vector<16xf32>
      %add3A_1399 = arith.addf %mul3A_1396, %add3A_1398 : vector<16xf32>
      %mul3A_1400 = arith.mulf %add3A_1399, %sub3A_1381 : vector<16xf32>
      %add3A_1401 = arith.constant 1.44239557 : f32
      %add3A_1402 = vector.broadcast %add3A_1401 : f32 to vector<16xf32>
      %add3A_1403 = arith.addf %mul3A_1400, %add3A_1402 : vector<16xf32>
      %mul3A_1404 = arith.mulf %add3A_1403, %sub3A_1381 : vector<16xf32>
      %add3A_1405 = arith.constant 5.06032802E-6 : f32
      %add3A_1406 = vector.broadcast %add3A_1405 : f32 to vector<16xf32>
      %add3A_1407 = arith.addf %mul3A_1404, %add3A_1406 : vector<16xf32>
      %convert_element_type3A_1408 = arith.sitofp %sub3A_1371 : vector<16xi32> to vector<16xf32>
      %add3A_1409 = arith.addf %convert_element_type3A_1408, %add3A_1407 : vector<16xf32>
      %mul3A_1410 = arith.constant 0.693147182 : f32
      %mul3A_1411 = vector.broadcast %mul3A_1410 : f32 to vector<16xf32>
      %mul3A_1412 = arith.mulf %add3A_1409, %mul3A_1411 : vector<16xf32>
      %add3A_1413 = arith.addf %add3A_1279, %mul3A_1412 : vector<16xf32>
      %mul3A_1414 = arith.constant 21 : i32
      %mul3A_1415 = vector.broadcast %mul3A_1414 : i32 to vector<16xi32>
      %mul3A_1416 = arith.muli %iota3A, %mul3A_1415 : vector<16xi32>
      %add3A_1417 = arith.constant 9 : i32
      %add3A_1418 = vector.broadcast %add3A_1417 : i32 to vector<16xi32>
      %add3A_1419 = arith.addi %mul3A_1416, %add3A_1418 : vector<16xi32>
      %broadcast_in_dim3A_1420 = arith.constant 0 : i32
      %broadcast_in_dim3A_1421 = vector.broadcast %broadcast_in_dim3A_1420 : i32 to vector<16xi32>
      %gather3A_1422 = tpu.vector_load_idx %arg12[%add3A_1419, %broadcast_in_dim3A_1421] : memref<336x17xf32, #tpu.memory_space<vmem>>[vector<16xi32>, vector<16xi32>], vector<16xf32>,
      %broadcast_in_dim3A_1423 = arith.constant 1 : i32
      %broadcast_in_dim3A_1424 = vector.broadcast %broadcast_in_dim3A_1423 : i32 to vector<16xi32>
      %gather3A_1425 = tpu.vector_load_idx %arg12[%add3A_1419, %broadcast_in_dim3A_1424] : memref<336x17xf32, #tpu.memory_space<vmem>>[vector<16xi32>, vector<16xi32>], vector<16xf32>,
      %add3A_1426 = arith.addf %gather3A_1422, %gather3A_1425 : vector<16xf32>
      %broadcast_in_dim3A_1427 = arith.constant 2 : i32
      %broadcast_in_dim3A_1428 = vector.broadcast %broadcast_in_dim3A_1427 : i32 to vector<16xi32>
      %gather3A_1429 = tpu.vector_load_idx %arg12[%add3A_1419, %broadcast_in_dim3A_1428] : memref<336x17xf32, #tpu.memory_space<vmem>>[vector<16xi32>, vector<16xi32>], vector<16xf32>,
      %add3A_1430 = arith.addf %add3A_1426, %gather3A_1429 : vector<16xf32>
      %broadcast_in_dim3A_1431 = arith.constant 3 : i32
      %broadcast_in_dim3A_1432 = vector.broadcast %broadcast_in_dim3A_1431 : i32 to vector<16xi32>
      %gather3A_1433 = tpu.vector_load_idx %arg12[%add3A_1419, %broadcast_in_dim3A_1432] : memref<336x17xf32, #tpu.memory_space<vmem>>[vector<16xi32>, vector<16xi32>], vector<16xf32>,
      %add3A_1434 = arith.addf %add3A_1430, %gather3A_1433 : vector<16xf32>
      %broadcast_in_dim3A_1435 = arith.constant 4 : i32
      %broadcast_in_dim3A_1436 = vector.broadcast %broadcast_in_dim3A_1435 : i32 to vector<16xi32>
      %gather3A_1437 = tpu.vector_load_idx %arg12[%add3A_1419, %broadcast_in_dim3A_1436] : memref<336x17xf32, #tpu.memory_space<vmem>>[vector<16xi32>, vector<16xi32>], vector<16xf32>,
      %add3A_1438 = arith.addf %add3A_1434, %gather3A_1437 : vector<16xf32>
      %broadcast_in_dim3A_1439 = arith.constant 5 : i32
      %broadcast_in_dim3A_1440 = vector.broadcast %broadcast_in_dim3A_1439 : i32 to vector<16xi32>
      %gather3A_1441 = tpu.vector_load_idx %arg12[%add3A_1419, %broadcast_in_dim3A_1440] : memref<336x17xf32, #tpu.memory_space<vmem>>[vector<16xi32>, vector<16xi32>], vector<16xf32>,
      %add3A_1442 = arith.addf %add3A_1438, %gather3A_1441 : vector<16xf32>
      %broadcast_in_dim3A_1443 = arith.constant 6 : i32
      %broadcast_in_dim3A_1444 = vector.broadcast %broadcast_in_dim3A_1443 : i32 to vector<16xi32>
      %gather3A_1445 = tpu.vector_load_idx %arg12[%add3A_1419, %broadcast_in_dim3A_1444] : memref<336x17xf32, #tpu.memory_space<vmem>>[vector<16xi32>, vector<16xi32>], vector<16xf32>,
      %add3A_1446 = arith.addf %add3A_1442, %gather3A_1445 : vector<16xf32>
      %broadcast_in_dim3A_1447 = arith.constant 7 : i32
      %broadcast_in_dim3A_1448 = vector.broadcast %broadcast_in_dim3A_1447 : i32 to vector<16xi32>
      %gather3A_1449 = tpu.vector_load_idx %arg12[%add3A_1419, %broadcast_in_dim3A_1448] : memref<336x17xf32, #tpu.memory_space<vmem>>[vector<16xi32>, vector<16xi32>], vector<16xf32>,
      %add3A_1450 = arith.addf %add3A_1446, %gather3A_1449 : vector<16xf32>
      %broadcast_in_dim3A_1451 = arith.constant 8 : i32
      %broadcast_in_dim3A_1452 = vector.broadcast %broadcast_in_dim3A_1451 : i32 to vector<16xi32>
      %gather3A_1453 = tpu.vector_load_idx %arg12[%add3A_1419, %broadcast_in_dim3A_1452] : memref<336x17xf32, #tpu.memory_space<vmem>>[vector<16xi32>, vector<16xi32>], vector<16xf32>,
      %add3A_1454 = arith.addf %add3A_1450, %gather3A_1453 : vector<16xf32>
      %broadcast_in_dim3A_1455 = arith.constant 9 : i32
      %broadcast_in_dim3A_1456 = vector.broadcast %broadcast_in_dim3A_1455 : i32 to vector<16xi32>
      %gather3A_1457 = tpu.vector_load_idx %arg12[%add3A_1419, %broadcast_in_dim3A_1456] : memref<336x17xf32, #tpu.memory_space<vmem>>[vector<16xi32>, vector<16xi32>], vector<16xf32>,
      %add3A_1458 = arith.addf %add3A_1454, %gather3A_1457 : vector<16xf32>
      %broadcast_in_dim3A_1459 = arith.constant 10 : i32
      %broadcast_in_dim3A_1460 = vector.broadcast %broadcast_in_dim3A_1459 : i32 to vector<16xi32>
      %gather3A_1461 = tpu.vector_load_idx %arg12[%add3A_1419, %broadcast_in_dim3A_1460] : memref<336x17xf32, #tpu.memory_space<vmem>>[vector<16xi32>, vector<16xi32>], vector<16xf32>,
      %add3A_1462 = arith.addf %add3A_1458, %gather3A_1461 : vector<16xf32>
      %broadcast_in_dim3A_1463 = arith.constant 11 : i32
      %broadcast_in_dim3A_1464 = vector.broadcast %broadcast_in_dim3A_1463 : i32 to vector<16xi32>
      %gather3A_1465 = tpu.vector_load_idx %arg12[%add3A_1419, %broadcast_in_dim3A_1464] : memref<336x17xf32, #tpu.memory_space<vmem>>[vector<16xi32>, vector<16xi32>], vector<16xf32>,
      %add3A_1466 = arith.addf %add3A_1462, %gather3A_1465 : vector<16xf32>
      %broadcast_in_dim3A_1467 = arith.constant 12 : i32
      %broadcast_in_dim3A_1468 = vector.broadcast %broadcast_in_dim3A_1467 : i32 to vector<16xi32>
      %gather3A_1469 = tpu.vector_load_idx %arg12[%add3A_1419, %broadcast_in_dim3A_1468] : memref<336x17xf32, #tpu.memory_space<vmem>>[vector<16xi32>, vector<16xi32>], vector<16xf32>,
      %add3A_1470 = arith.addf %add3A_1466, %gather3A_1469 : vector<16xf32>
      %broadcast_in_dim3A_1471 = arith.constant 13 : i32
      %broadcast_in_dim3A_1472 = vector.broadcast %broadcast_in_dim3A_1471 : i32 to vector<16xi32>
      %gather3A_1473 = tpu.vector_load_idx %arg12[%add3A_1419, %broadcast_in_dim3A_1472] : memref<336x17xf32, #tpu.memory_space<vmem>>[vector<16xi32>, vector<16xi32>], vector<16xf32>,
      %add3A_1474 = arith.addf %add3A_1470, %gather3A_1473 : vector<16xf32>
      %broadcast_in_dim3A_1475 = arith.constant 14 : i32
      %broadcast_in_dim3A_1476 = vector.broadcast %broadcast_in_dim3A_1475 : i32 to vector<16xi32>
      %gather3A_1477 = tpu.vector_load_idx %arg12[%add3A_1419, %broadcast_in_dim3A_1476] : memref<336x17xf32, #tpu.memory_space<vmem>>[vector<16xi32>, vector<16xi32>], vector<16xf32>,
      %add3A_1478 = arith.addf %add3A_1474, %gather3A_1477 : vector<16xf32>
      %broadcast_in_dim3A_1479 = arith.constant 15 : i32
      %broadcast_in_dim3A_1480 = vector.broadcast %broadcast_in_dim3A_1479 : i32 to vector<16xi32>
      %gather3A_1481 = tpu.vector_load_idx %arg12[%add3A_1419, %broadcast_in_dim3A_1480] : memref<336x17xf32, #tpu.memory_space<vmem>>[vector<16xi32>, vector<16xi32>], vector<16xf32>,
      %add3A_1482 = arith.addf %add3A_1478, %gather3A_1481 : vector<16xf32>
      %neg3A_1483 = arith.constant 0.000000e+00 : f32
      %neg3A_1484 = vector.broadcast %neg3A_1483 : f32 to vector<16xf32>
      %neg3A_1485 = arith.subf %neg3A_1484, %add3A_1482 : vector<16xf32>
      %exp3A_1486 = math.exp %neg3A_1485 : vector<16xf32>
      %add3A_1487 = arith.constant 1.000000e+00 : f32
      %add3A_1488 = vector.broadcast %add3A_1487 : f32 to vector<16xf32>
      %add3A_1489 = arith.addf %add3A_1488, %exp3A_1486 : vector<16xf32>
      %div3A_1490 = arith.constant 1.000000e+00 : f32
      %div3A_1491 = vector.broadcast %div3A_1490 : f32 to vector<16xf32>
      %div3A_1492 = arith.divf %div3A_1491, %add3A_1489 : vector<16xf32>
      %sub3A_1493 = arith.constant 1.000000e+00 : f32
      %sub3A_1494 = vector.broadcast %sub3A_1493 : f32 to vector<16xf32>
      %sub3A_1495 = arith.subf %sub3A_1494, %div3A_1492 : vector<16xf32>
      %add3A_1496 = arith.constant 1.000000e-10 : f32
      %add3A_1497 = vector.broadcast %add3A_1496 : f32 to vector<16xf32>
      %add3A_1498 = arith.addf %sub3A_1495, %add3A_1497 : vector<16xf32>
      %bitcast3A_1499 = vector.bitcast %add3A_1498 : vector<16xf32> to vector<16xi32>
      %shift_right_arithmetic3A_1500 = arith.constant 23 : i32
      %shift_right_arithmetic3A_1501 = vector.broadcast %shift_right_arithmetic3A_1500 : i32 to vector<16xi32>
      %shift_right_arithmetic3A_1502 = arith.shrsi %bitcast3A_1499, %shift_right_arithmetic3A_1501 : vector<16xi32>
      %sub3A_1503 = arith.constant 127 : i32
      %sub3A_1504 = vector.broadcast %sub3A_1503 : i32 to vector<16xi32>
      %sub3A_1505 = arith.subi %shift_right_arithmetic3A_1502, %sub3A_1504 : vector<16xi32>
      %and3A_1506 = arith.constant 8388607 : i32
      %and3A_1507 = vector.broadcast %and3A_1506 : i32 to vector<16xi32>
      %and3A_1508 = arith.andi %bitcast3A_1499, %and3A_1507 : vector<16xi32>
      %or3A_1509 = arith.constant 1065353216 : i32
      %or3A_1510 = vector.broadcast %or3A_1509 : i32 to vector<16xi32>
      %or3A_1511 = arith.ori %and3A_1508, %or3A_1510 : vector<16xi32>
      %bitcast3A_1512 = vector.bitcast %or3A_1511 : vector<16xi32> to vector<16xf32>
      %sub3A_1513 = arith.constant 1.000000e+00 : f32
      %sub3A_1514 = vector.broadcast %sub3A_1513 : f32 to vector<16xf32>
      %sub3A_1515 = arith.subf %bitcast3A_1512, %sub3A_1514 : vector<16xf32>
      %broadcast_in_dim3A_1516 = arith.constant -0.0248259846 : f32
      %broadcast_in_dim3A_1517 = vector.broadcast %broadcast_in_dim3A_1516 : f32 to vector<16xf32>
      %mul3A_1518 = arith.mulf %broadcast_in_dim3A_1517, %sub3A_1515 : vector<16xf32>
      %add3A_1519 = arith.constant 0.117906861 : f32
      %add3A_1520 = vector.broadcast %add3A_1519 : f32 to vector<16xf32>
      %add3A_1521 = arith.addf %mul3A_1518, %add3A_1520 : vector<16xf32>
      %mul3A_1522 = arith.mulf %add3A_1521, %sub3A_1515 : vector<16xf32>
      %add3A_1523 = arith.constant -0.272355825 : f32
      %add3A_1524 = vector.broadcast %add3A_1523 : f32 to vector<16xf32>
      %add3A_1525 = arith.addf %mul3A_1522, %add3A_1524 : vector<16xf32>
      %mul3A_1526 = arith.mulf %add3A_1525, %sub3A_1515 : vector<16xf32>
      %add3A_1527 = arith.constant 0.453858197 : f32
      %add3A_1528 = vector.broadcast %add3A_1527 : f32 to vector<16xf32>
      %add3A_1529 = arith.addf %mul3A_1526, %add3A_1528 : vector<16xf32>
      %mul3A_1530 = arith.mulf %add3A_1529, %sub3A_1515 : vector<16xf32>
      %add3A_1531 = arith.constant -0.71698755 : f32
      %add3A_1532 = vector.broadcast %add3A_1531 : f32 to vector<16xf32>
      %add3A_1533 = arith.addf %mul3A_1530, %add3A_1532 : vector<16xf32>
      %mul3A_1534 = arith.mulf %add3A_1533, %sub3A_1515 : vector<16xf32>
      %add3A_1535 = arith.constant 1.44239557 : f32
      %add3A_1536 = vector.broadcast %add3A_1535 : f32 to vector<16xf32>
      %add3A_1537 = arith.addf %mul3A_1534, %add3A_1536 : vector<16xf32>
      %mul3A_1538 = arith.mulf %add3A_1537, %sub3A_1515 : vector<16xf32>
      %add3A_1539 = arith.constant 5.06032802E-6 : f32
      %add3A_1540 = vector.broadcast %add3A_1539 : f32 to vector<16xf32>
      %add3A_1541 = arith.addf %mul3A_1538, %add3A_1540 : vector<16xf32>
      %convert_element_type3A_1542 = arith.sitofp %sub3A_1505 : vector<16xi32> to vector<16xf32>
      %add3A_1543 = arith.addf %convert_element_type3A_1542, %add3A_1541 : vector<16xf32>
      %mul3A_1544 = arith.constant 0.693147182 : f32
      %mul3A_1545 = vector.broadcast %mul3A_1544 : f32 to vector<16xf32>
      %mul3A_1546 = arith.mulf %add3A_1543, %mul3A_1545 : vector<16xf32>
      %add3A_1547 = arith.addf %add3A_1413, %mul3A_1546 : vector<16xf32>
      %mul3A_1548 = arith.constant 21 : i32
      %mul3A_1549 = vector.broadcast %mul3A_1548 : i32 to vector<16xi32>
      %mul3A_1550 = arith.muli %iota3A, %mul3A_1549 : vector<16xi32>
      %add3A_1551 = arith.constant 10 : i32
      %add3A_1552 = vector.broadcast %add3A_1551 : i32 to vector<16xi32>
      %add3A_1553 = arith.addi %mul3A_1550, %add3A_1552 : vector<16xi32>
      %broadcast_in_dim3A_1554 = arith.constant 0 : i32
      %broadcast_in_dim3A_1555 = vector.broadcast %broadcast_in_dim3A_1554 : i32 to vector<16xi32>
      %gather3A_1556 = tpu.vector_load_idx %arg12[%add3A_1553, %broadcast_in_dim3A_1555] : memref<336x17xf32, #tpu.memory_space<vmem>>[vector<16xi32>, vector<16xi32>], vector<16xf32>,
      %broadcast_in_dim3A_1557 = arith.constant 1 : i32
      %broadcast_in_dim3A_1558 = vector.broadcast %broadcast_in_dim3A_1557 : i32 to vector<16xi32>
      %gather3A_1559 = tpu.vector_load_idx %arg12[%add3A_1553, %broadcast_in_dim3A_1558] : memref<336x17xf32, #tpu.memory_space<vmem>>[vector<16xi32>, vector<16xi32>], vector<16xf32>,
      %add3A_1560 = arith.addf %gather3A_1556, %gather3A_1559 : vector<16xf32>
      %broadcast_in_dim3A_1561 = arith.constant 2 : i32
      %broadcast_in_dim3A_1562 = vector.broadcast %broadcast_in_dim3A_1561 : i32 to vector<16xi32>
      %gather3A_1563 = tpu.vector_load_idx %arg12[%add3A_1553, %broadcast_in_dim3A_1562] : memref<336x17xf32, #tpu.memory_space<vmem>>[vector<16xi32>, vector<16xi32>], vector<16xf32>,
      %add3A_1564 = arith.addf %add3A_1560, %gather3A_1563 : vector<16xf32>
      %broadcast_in_dim3A_1565 = arith.constant 3 : i32
      %broadcast_in_dim3A_1566 = vector.broadcast %broadcast_in_dim3A_1565 : i32 to vector<16xi32>
      %gather3A_1567 = tpu.vector_load_idx %arg12[%add3A_1553, %broadcast_in_dim3A_1566] : memref<336x17xf32, #tpu.memory_space<vmem>>[vector<16xi32>, vector<16xi32>], vector<16xf32>,
      %add3A_1568 = arith.addf %add3A_1564, %gather3A_1567 : vector<16xf32>
      %broadcast_in_dim3A_1569 = arith.constant 4 : i32
      %broadcast_in_dim3A_1570 = vector.broadcast %broadcast_in_dim3A_1569 : i32 to vector<16xi32>
      %gather3A_1571 = tpu.vector_load_idx %arg12[%add3A_1553, %broadcast_in_dim3A_1570] : memref<336x17xf32, #tpu.memory_space<vmem>>[vector<16xi32>, vector<16xi32>], vector<16xf32>,
      %add3A_1572 = arith.addf %add3A_1568, %gather3A_1571 : vector<16xf32>
      %broadcast_in_dim3A_1573 = arith.constant 5 : i32
      %broadcast_in_dim3A_1574 = vector.broadcast %broadcast_in_dim3A_1573 : i32 to vector<16xi32>
      %gather3A_1575 = tpu.vector_load_idx %arg12[%add3A_1553, %broadcast_in_dim3A_1574] : memref<336x17xf32, #tpu.memory_space<vmem>>[vector<16xi32>, vector<16xi32>], vector<16xf32>,
      %add3A_1576 = arith.addf %add3A_1572, %gather3A_1575 : vector<16xf32>
      %broadcast_in_dim3A_1577 = arith.constant 6 : i32
      %broadcast_in_dim3A_1578 = vector.broadcast %broadcast_in_dim3A_1577 : i32 to vector<16xi32>
      %gather3A_1579 = tpu.vector_load_idx %arg12[%add3A_1553, %broadcast_in_dim3A_1578] : memref<336x17xf32, #tpu.memory_space<vmem>>[vector<16xi32>, vector<16xi32>], vector<16xf32>,
      %add3A_1580 = arith.addf %add3A_1576, %gather3A_1579 : vector<16xf32>
      %broadcast_in_dim3A_1581 = arith.constant 7 : i32
      %broadcast_in_dim3A_1582 = vector.broadcast %broadcast_in_dim3A_1581 : i32 to vector<16xi32>
      %gather3A_1583 = tpu.vector_load_idx %arg12[%add3A_1553, %broadcast_in_dim3A_1582] : memref<336x17xf32, #tpu.memory_space<vmem>>[vector<16xi32>, vector<16xi32>], vector<16xf32>,
      %add3A_1584 = arith.addf %add3A_1580, %gather3A_1583 : vector<16xf32>
      %broadcast_in_dim3A_1585 = arith.constant 8 : i32
      %broadcast_in_dim3A_1586 = vector.broadcast %broadcast_in_dim3A_1585 : i32 to vector<16xi32>
      %gather3A_1587 = tpu.vector_load_idx %arg12[%add3A_1553, %broadcast_in_dim3A_1586] : memref<336x17xf32, #tpu.memory_space<vmem>>[vector<16xi32>, vector<16xi32>], vector<16xf32>,
      %add3A_1588 = arith.addf %add3A_1584, %gather3A_1587 : vector<16xf32>
      %broadcast_in_dim3A_1589 = arith.constant 9 : i32
      %broadcast_in_dim3A_1590 = vector.broadcast %broadcast_in_dim3A_1589 : i32 to vector<16xi32>
      %gather3A_1591 = tpu.vector_load_idx %arg12[%add3A_1553, %broadcast_in_dim3A_1590] : memref<336x17xf32, #tpu.memory_space<vmem>>[vector<16xi32>, vector<16xi32>], vector<16xf32>,
      %add3A_1592 = arith.addf %add3A_1588, %gather3A_1591 : vector<16xf32>
      %broadcast_in_dim3A_1593 = arith.constant 10 : i32
      %broadcast_in_dim3A_1594 = vector.broadcast %broadcast_in_dim3A_1593 : i32 to vector<16xi32>
      %gather3A_1595 = tpu.vector_load_idx %arg12[%add3A_1553, %broadcast_in_dim3A_1594] : memref<336x17xf32, #tpu.memory_space<vmem>>[vector<16xi32>, vector<16xi32>], vector<16xf32>,
      %add3A_1596 = arith.addf %add3A_1592, %gather3A_1595 : vector<16xf32>
      %broadcast_in_dim3A_1597 = arith.constant 11 : i32
      %broadcast_in_dim3A_1598 = vector.broadcast %broadcast_in_dim3A_1597 : i32 to vector<16xi32>
      %gather3A_1599 = tpu.vector_load_idx %arg12[%add3A_1553, %broadcast_in_dim3A_1598] : memref<336x17xf32, #tpu.memory_space<vmem>>[vector<16xi32>, vector<16xi32>], vector<16xf32>,
      %add3A_1600 = arith.addf %add3A_1596, %gather3A_1599 : vector<16xf32>
      %broadcast_in_dim3A_1601 = arith.constant 12 : i32
      %broadcast_in_dim3A_1602 = vector.broadcast %broadcast_in_dim3A_1601 : i32 to vector<16xi32>
      %gather3A_1603 = tpu.vector_load_idx %arg12[%add3A_1553, %broadcast_in_dim3A_1602] : memref<336x17xf32, #tpu.memory_space<vmem>>[vector<16xi32>, vector<16xi32>], vector<16xf32>,
      %add3A_1604 = arith.addf %add3A_1600, %gather3A_1603 : vector<16xf32>
      %broadcast_in_dim3A_1605 = arith.constant 13 : i32
      %broadcast_in_dim3A_1606 = vector.broadcast %broadcast_in_dim3A_1605 : i32 to vector<16xi32>
      %gather3A_1607 = tpu.vector_load_idx %arg12[%add3A_1553, %broadcast_in_dim3A_1606] : memref<336x17xf32, #tpu.memory_space<vmem>>[vector<16xi32>, vector<16xi32>], vector<16xf32>,
      %add3A_1608 = arith.addf %add3A_1604, %gather3A_1607 : vector<16xf32>
      %broadcast_in_dim3A_1609 = arith.constant 14 : i32
      %broadcast_in_dim3A_1610 = vector.broadcast %broadcast_in_dim3A_1609 : i32 to vector<16xi32>
      %gather3A_1611 = tpu.vector_load_idx %arg12[%add3A_1553, %broadcast_in_dim3A_1610] : memref<336x17xf32, #tpu.memory_space<vmem>>[vector<16xi32>, vector<16xi32>], vector<16xf32>,
      %add3A_1612 = arith.addf %add3A_1608, %gather3A_1611 : vector<16xf32>
      %broadcast_in_dim3A_1613 = arith.constant 15 : i32
      %broadcast_in_dim3A_1614 = vector.broadcast %broadcast_in_dim3A_1613 : i32 to vector<16xi32>
      %gather3A_1615 = tpu.vector_load_idx %arg12[%add3A_1553, %broadcast_in_dim3A_1614] : memref<336x17xf32, #tpu.memory_space<vmem>>[vector<16xi32>, vector<16xi32>], vector<16xf32>,
      %add3A_1616 = arith.addf %add3A_1612, %gather3A_1615 : vector<16xf32>
      %neg3A_1617 = arith.constant 0.000000e+00 : f32
      %neg3A_1618 = vector.broadcast %neg3A_1617 : f32 to vector<16xf32>
      %neg3A_1619 = arith.subf %neg3A_1618, %add3A_1616 : vector<16xf32>
      %exp3A_1620 = math.exp %neg3A_1619 : vector<16xf32>
      %add3A_1621 = arith.constant 1.000000e+00 : f32
      %add3A_1622 = vector.broadcast %add3A_1621 : f32 to vector<16xf32>
      %add3A_1623 = arith.addf %add3A_1622, %exp3A_1620 : vector<16xf32>
      %div3A_1624 = arith.constant 1.000000e+00 : f32
      %div3A_1625 = vector.broadcast %div3A_1624 : f32 to vector<16xf32>
      %div3A_1626 = arith.divf %div3A_1625, %add3A_1623 : vector<16xf32>
      %sub3A_1627 = arith.constant 1.000000e+00 : f32
      %sub3A_1628 = vector.broadcast %sub3A_1627 : f32 to vector<16xf32>
      %sub3A_1629 = arith.subf %sub3A_1628, %div3A_1626 : vector<16xf32>
      %add3A_1630 = arith.constant 1.000000e-10 : f32
      %add3A_1631 = vector.broadcast %add3A_1630 : f32 to vector<16xf32>
      %add3A_1632 = arith.addf %sub3A_1629, %add3A_1631 : vector<16xf32>
      %bitcast3A_1633 = vector.bitcast %add3A_1632 : vector<16xf32> to vector<16xi32>
      %shift_right_arithmetic3A_1634 = arith.constant 23 : i32
      %shift_right_arithmetic3A_1635 = vector.broadcast %shift_right_arithmetic3A_1634 : i32 to vector<16xi32>
      %shift_right_arithmetic3A_1636 = arith.shrsi %bitcast3A_1633, %shift_right_arithmetic3A_1635 : vector<16xi32>
      %sub3A_1637 = arith.constant 127 : i32
      %sub3A_1638 = vector.broadcast %sub3A_1637 : i32 to vector<16xi32>
      %sub3A_1639 = arith.subi %shift_right_arithmetic3A_1636, %sub3A_1638 : vector<16xi32>
      %and3A_1640 = arith.constant 8388607 : i32
      %and3A_1641 = vector.broadcast %and3A_1640 : i32 to vector<16xi32>
      %and3A_1642 = arith.andi %bitcast3A_1633, %and3A_1641 : vector<16xi32>
      %or3A_1643 = arith.constant 1065353216 : i32
      %or3A_1644 = vector.broadcast %or3A_1643 : i32 to vector<16xi32>
      %or3A_1645 = arith.ori %and3A_1642, %or3A_1644 : vector<16xi32>
      %bitcast3A_1646 = vector.bitcast %or3A_1645 : vector<16xi32> to vector<16xf32>
      %sub3A_1647 = arith.constant 1.000000e+00 : f32
      %sub3A_1648 = vector.broadcast %sub3A_1647 : f32 to vector<16xf32>
      %sub3A_1649 = arith.subf %bitcast3A_1646, %sub3A_1648 : vector<16xf32>
      %broadcast_in_dim3A_1650 = arith.constant -0.0248259846 : f32
      %broadcast_in_dim3A_1651 = vector.broadcast %broadcast_in_dim3A_1650 : f32 to vector<16xf32>
      %mul3A_1652 = arith.mulf %broadcast_in_dim3A_1651, %sub3A_1649 : vector<16xf32>
      %add3A_1653 = arith.constant 0.117906861 : f32
      %add3A_1654 = vector.broadcast %add3A_1653 : f32 to vector<16xf32>
      %add3A_1655 = arith.addf %mul3A_1652, %add3A_1654 : vector<16xf32>
      %mul3A_1656 = arith.mulf %add3A_1655, %sub3A_1649 : vector<16xf32>
      %add3A_1657 = arith.constant -0.272355825 : f32
      %add3A_1658 = vector.broadcast %add3A_1657 : f32 to vector<16xf32>
      %add3A_1659 = arith.addf %mul3A_1656, %add3A_1658 : vector<16xf32>
      %mul3A_1660 = arith.mulf %add3A_1659, %sub3A_1649 : vector<16xf32>
      %add3A_1661 = arith.constant 0.453858197 : f32
      %add3A_1662 = vector.broadcast %add3A_1661 : f32 to vector<16xf32>
      %add3A_1663 = arith.addf %mul3A_1660, %add3A_1662 : vector<16xf32>
      %mul3A_1664 = arith.mulf %add3A_1663, %sub3A_1649 : vector<16xf32>
      %add3A_1665 = arith.constant -0.71698755 : f32
      %add3A_1666 = vector.broadcast %add3A_1665 : f32 to vector<16xf32>
      %add3A_1667 = arith.addf %mul3A_1664, %add3A_1666 : vector<16xf32>
      %mul3A_1668 = arith.mulf %add3A_1667, %sub3A_1649 : vector<16xf32>
      %add3A_1669 = arith.constant 1.44239557 : f32
      %add3A_1670 = vector.broadcast %add3A_1669 : f32 to vector<16xf32>
      %add3A_1671 = arith.addf %mul3A_1668, %add3A_1670 : vector<16xf32>
      %mul3A_1672 = arith.mulf %add3A_1671, %sub3A_1649 : vector<16xf32>
      %add3A_1673 = arith.constant 5.06032802E-6 : f32
      %add3A_1674 = vector.broadcast %add3A_1673 : f32 to vector<16xf32>
      %add3A_1675 = arith.addf %mul3A_1672, %add3A_1674 : vector<16xf32>
      %convert_element_type3A_1676 = arith.sitofp %sub3A_1639 : vector<16xi32> to vector<16xf32>
      %add3A_1677 = arith.addf %convert_element_type3A_1676, %add3A_1675 : vector<16xf32>
      %mul3A_1678 = arith.constant 0.693147182 : f32
      %mul3A_1679 = vector.broadcast %mul3A_1678 : f32 to vector<16xf32>
      %mul3A_1680 = arith.mulf %add3A_1677, %mul3A_1679 : vector<16xf32>
      %add3A_1681 = arith.addf %add3A_1547, %mul3A_1680 : vector<16xf32>
      %mul3A_1682 = arith.constant 21 : i32
      %mul3A_1683 = vector.broadcast %mul3A_1682 : i32 to vector<16xi32>
      %mul3A_1684 = arith.muli %iota3A, %mul3A_1683 : vector<16xi32>
      %add3A_1685 = arith.constant 11 : i32
      %add3A_1686 = vector.broadcast %add3A_1685 : i32 to vector<16xi32>
      %add3A_1687 = arith.addi %mul3A_1684, %add3A_1686 : vector<16xi32>
      %broadcast_in_dim3A_1688 = arith.constant 0 : i32
      %broadcast_in_dim3A_1689 = vector.broadcast %broadcast_in_dim3A_1688 : i32 to vector<16xi32>
      %gather3A_1690 = tpu.vector_load_idx %arg12[%add3A_1687, %broadcast_in_dim3A_1689] : memref<336x17xf32, #tpu.memory_space<vmem>>[vector<16xi32>, vector<16xi32>], vector<16xf32>,
      %broadcast_in_dim3A_1691 = arith.constant 1 : i32
      %broadcast_in_dim3A_1692 = vector.broadcast %broadcast_in_dim3A_1691 : i32 to vector<16xi32>
      %gather3A_1693 = tpu.vector_load_idx %arg12[%add3A_1687, %broadcast_in_dim3A_1692] : memref<336x17xf32, #tpu.memory_space<vmem>>[vector<16xi32>, vector<16xi32>], vector<16xf32>,
      %add3A_1694 = arith.addf %gather3A_1690, %gather3A_1693 : vector<16xf32>
      %broadcast_in_dim3A_1695 = arith.constant 2 : i32
      %broadcast_in_dim3A_1696 = vector.broadcast %broadcast_in_dim3A_1695 : i32 to vector<16xi32>
      %gather3A_1697 = tpu.vector_load_idx %arg12[%add3A_1687, %broadcast_in_dim3A_1696] : memref<336x17xf32, #tpu.memory_space<vmem>>[vector<16xi32>, vector<16xi32>], vector<16xf32>,
      %add3A_1698 = arith.addf %add3A_1694, %gather3A_1697 : vector<16xf32>
      %broadcast_in_dim3A_1699 = arith.constant 3 : i32
      %broadcast_in_dim3A_1700 = vector.broadcast %broadcast_in_dim3A_1699 : i32 to vector<16xi32>
      %gather3A_1701 = tpu.vector_load_idx %arg12[%add3A_1687, %broadcast_in_dim3A_1700] : memref<336x17xf32, #tpu.memory_space<vmem>>[vector<16xi32>, vector<16xi32>], vector<16xf32>,
      %add3A_1702 = arith.addf %add3A_1698, %gather3A_1701 : vector<16xf32>
      %broadcast_in_dim3A_1703 = arith.constant 4 : i32
      %broadcast_in_dim3A_1704 = vector.broadcast %broadcast_in_dim3A_1703 : i32 to vector<16xi32>
      %gather3A_1705 = tpu.vector_load_idx %arg12[%add3A_1687, %broadcast_in_dim3A_1704] : memref<336x17xf32, #tpu.memory_space<vmem>>[vector<16xi32>, vector<16xi32>], vector<16xf32>,
      %add3A_1706 = arith.addf %add3A_1702, %gather3A_1705 : vector<16xf32>
      %broadcast_in_dim3A_1707 = arith.constant 5 : i32
      %broadcast_in_dim3A_1708 = vector.broadcast %broadcast_in_dim3A_1707 : i32 to vector<16xi32>
      %gather3A_1709 = tpu.vector_load_idx %arg12[%add3A_1687, %broadcast_in_dim3A_1708] : memref<336x17xf32, #tpu.memory_space<vmem>>[vector<16xi32>, vector<16xi32>], vector<16xf32>,
      %add3A_1710 = arith.addf %add3A_1706, %gather3A_1709 : vector<16xf32>
      %broadcast_in_dim3A_1711 = arith.constant 6 : i32
      %broadcast_in_dim3A_1712 = vector.broadcast %broadcast_in_dim3A_1711 : i32 to vector<16xi32>
      %gather3A_1713 = tpu.vector_load_idx %arg12[%add3A_1687, %broadcast_in_dim3A_1712] : memref<336x17xf32, #tpu.memory_space<vmem>>[vector<16xi32>, vector<16xi32>], vector<16xf32>,
      %add3A_1714 = arith.addf %add3A_1710, %gather3A_1713 : vector<16xf32>
      %broadcast_in_dim3A_1715 = arith.constant 7 : i32
      %broadcast_in_dim3A_1716 = vector.broadcast %broadcast_in_dim3A_1715 : i32 to vector<16xi32>
      %gather3A_1717 = tpu.vector_load_idx %arg12[%add3A_1687, %broadcast_in_dim3A_1716] : memref<336x17xf32, #tpu.memory_space<vmem>>[vector<16xi32>, vector<16xi32>], vector<16xf32>,
      %add3A_1718 = arith.addf %add3A_1714, %gather3A_1717 : vector<16xf32>
      %broadcast_in_dim3A_1719 = arith.constant 8 : i32
      %broadcast_in_dim3A_1720 = vector.broadcast %broadcast_in_dim3A_1719 : i32 to vector<16xi32>
      %gather3A_1721 = tpu.vector_load_idx %arg12[%add3A_1687, %broadcast_in_dim3A_1720] : memref<336x17xf32, #tpu.memory_space<vmem>>[vector<16xi32>, vector<16xi32>], vector<16xf32>,
      %add3A_1722 = arith.addf %add3A_1718, %gather3A_1721 : vector<16xf32>
      %broadcast_in_dim3A_1723 = arith.constant 9 : i32
      %broadcast_in_dim3A_1724 = vector.broadcast %broadcast_in_dim3A_1723 : i32 to vector<16xi32>
      %gather3A_1725 = tpu.vector_load_idx %arg12[%add3A_1687, %broadcast_in_dim3A_1724] : memref<336x17xf32, #tpu.memory_space<vmem>>[vector<16xi32>, vector<16xi32>], vector<16xf32>,
      %add3A_1726 = arith.addf %add3A_1722, %gather3A_1725 : vector<16xf32>
      %broadcast_in_dim3A_1727 = arith.constant 10 : i32
      %broadcast_in_dim3A_1728 = vector.broadcast %broadcast_in_dim3A_1727 : i32 to vector<16xi32>
      %gather3A_1729 = tpu.vector_load_idx %arg12[%add3A_1687, %broadcast_in_dim3A_1728] : memref<336x17xf32, #tpu.memory_space<vmem>>[vector<16xi32>, vector<16xi32>], vector<16xf32>,
      %add3A_1730 = arith.addf %add3A_1726, %gather3A_1729 : vector<16xf32>
      %broadcast_in_dim3A_1731 = arith.constant 11 : i32
      %broadcast_in_dim3A_1732 = vector.broadcast %broadcast_in_dim3A_1731 : i32 to vector<16xi32>
      %gather3A_1733 = tpu.vector_load_idx %arg12[%add3A_1687, %broadcast_in_dim3A_1732] : memref<336x17xf32, #tpu.memory_space<vmem>>[vector<16xi32>, vector<16xi32>], vector<16xf32>,
      %add3A_1734 = arith.addf %add3A_1730, %gather3A_1733 : vector<16xf32>
      %broadcast_in_dim3A_1735 = arith.constant 12 : i32
      %broadcast_in_dim3A_1736 = vector.broadcast %broadcast_in_dim3A_1735 : i32 to vector<16xi32>
      %gather3A_1737 = tpu.vector_load_idx %arg12[%add3A_1687, %broadcast_in_dim3A_1736] : memref<336x17xf32, #tpu.memory_space<vmem>>[vector<16xi32>, vector<16xi32>], vector<16xf32>,
      %add3A_1738 = arith.addf %add3A_1734, %gather3A_1737 : vector<16xf32>
      %broadcast_in_dim3A_1739 = arith.constant 13 : i32
      %broadcast_in_dim3A_1740 = vector.broadcast %broadcast_in_dim3A_1739 : i32 to vector<16xi32>
      %gather3A_1741 = tpu.vector_load_idx %arg12[%add3A_1687, %broadcast_in_dim3A_1740] : memref<336x17xf32, #tpu.memory_space<vmem>>[vector<16xi32>, vector<16xi32>], vector<16xf32>,
      %add3A_1742 = arith.addf %add3A_1738, %gather3A_1741 : vector<16xf32>
      %broadcast_in_dim3A_1743 = arith.constant 14 : i32
      %broadcast_in_dim3A_1744 = vector.broadcast %broadcast_in_dim3A_1743 : i32 to vector<16xi32>
      %gather3A_1745 = tpu.vector_load_idx %arg12[%add3A_1687, %broadcast_in_dim3A_1744] : memref<336x17xf32, #tpu.memory_space<vmem>>[vector<16xi32>, vector<16xi32>], vector<16xf32>,
      %add3A_1746 = arith.addf %add3A_1742, %gather3A_1745 : vector<16xf32>
      %broadcast_in_dim3A_1747 = arith.constant 15 : i32
      %broadcast_in_dim3A_1748 = vector.broadcast %broadcast_in_dim3A_1747 : i32 to vector<16xi32>
      %gather3A_1749 = tpu.vector_load_idx %arg12[%add3A_1687, %broadcast_in_dim3A_1748] : memref<336x17xf32, #tpu.memory_space<vmem>>[vector<16xi32>, vector<16xi32>], vector<16xf32>,
      %add3A_1750 = arith.addf %add3A_1746, %gather3A_1749 : vector<16xf32>
      %neg3A_1751 = arith.constant 0.000000e+00 : f32
      %neg3A_1752 = vector.broadcast %neg3A_1751 : f32 to vector<16xf32>
      %neg3A_1753 = arith.subf %neg3A_1752, %add3A_1750 : vector<16xf32>
      %exp3A_1754 = math.exp %neg3A_1753 : vector<16xf32>
      %add3A_1755 = arith.constant 1.000000e+00 : f32
      %add3A_1756 = vector.broadcast %add3A_1755 : f32 to vector<16xf32>
      %add3A_1757 = arith.addf %add3A_1756, %exp3A_1754 : vector<16xf32>
      %div3A_1758 = arith.constant 1.000000e+00 : f32
      %div3A_1759 = vector.broadcast %div3A_1758 : f32 to vector<16xf32>
      %div3A_1760 = arith.divf %div3A_1759, %add3A_1757 : vector<16xf32>
      %sub3A_1761 = arith.constant 1.000000e+00 : f32
      %sub3A_1762 = vector.broadcast %sub3A_1761 : f32 to vector<16xf32>
      %sub3A_1763 = arith.subf %sub3A_1762, %div3A_1760 : vector<16xf32>
      %add3A_1764 = arith.constant 1.000000e-10 : f32
      %add3A_1765 = vector.broadcast %add3A_1764 : f32 to vector<16xf32>
      %add3A_1766 = arith.addf %sub3A_1763, %add3A_1765 : vector<16xf32>
      %bitcast3A_1767 = vector.bitcast %add3A_1766 : vector<16xf32> to vector<16xi32>
      %shift_right_arithmetic3A_1768 = arith.constant 23 : i32
      %shift_right_arithmetic3A_1769 = vector.broadcast %shift_right_arithmetic3A_1768 : i32 to vector<16xi32>
      %shift_right_arithmetic3A_1770 = arith.shrsi %bitcast3A_1767, %shift_right_arithmetic3A_1769 : vector<16xi32>
      %sub3A_1771 = arith.constant 127 : i32
      %sub3A_1772 = vector.broadcast %sub3A_1771 : i32 to vector<16xi32>
      %sub3A_1773 = arith.subi %shift_right_arithmetic3A_1770, %sub3A_1772 : vector<16xi32>
      %and3A_1774 = arith.constant 8388607 : i32
      %and3A_1775 = vector.broadcast %and3A_1774 : i32 to vector<16xi32>
      %and3A_1776 = arith.andi %bitcast3A_1767, %and3A_1775 : vector<16xi32>
      %or3A_1777 = arith.constant 1065353216 : i32
      %or3A_1778 = vector.broadcast %or3A_1777 : i32 to vector<16xi32>
      %or3A_1779 = arith.ori %and3A_1776, %or3A_1778 : vector<16xi32>
      %bitcast3A_1780 = vector.bitcast %or3A_1779 : vector<16xi32> to vector<16xf32>
      %sub3A_1781 = arith.constant 1.000000e+00 : f32
      %sub3A_1782 = vector.broadcast %sub3A_1781 : f32 to vector<16xf32>
      %sub3A_1783 = arith.subf %bitcast3A_1780, %sub3A_1782 : vector<16xf32>
      %broadcast_in_dim3A_1784 = arith.constant -0.0248259846 : f32
      %broadcast_in_dim3A_1785 = vector.broadcast %broadcast_in_dim3A_1784 : f32 to vector<16xf32>
      %mul3A_1786 = arith.mulf %broadcast_in_dim3A_1785, %sub3A_1783 : vector<16xf32>
      %add3A_1787 = arith.constant 0.117906861 : f32
      %add3A_1788 = vector.broadcast %add3A_1787 : f32 to vector<16xf32>
      %add3A_1789 = arith.addf %mul3A_1786, %add3A_1788 : vector<16xf32>
      %mul3A_1790 = arith.mulf %add3A_1789, %sub3A_1783 : vector<16xf32>
      %add3A_1791 = arith.constant -0.272355825 : f32
      %add3A_1792 = vector.broadcast %add3A_1791 : f32 to vector<16xf32>
      %add3A_1793 = arith.addf %mul3A_1790, %add3A_1792 : vector<16xf32>
      %mul3A_1794 = arith.mulf %add3A_1793, %sub3A_1783 : vector<16xf32>
      %add3A_1795 = arith.constant 0.453858197 : f32
      %add3A_1796 = vector.broadcast %add3A_1795 : f32 to vector<16xf32>
      %add3A_1797 = arith.addf %mul3A_1794, %add3A_1796 : vector<16xf32>
      %mul3A_1798 = arith.mulf %add3A_1797, %sub3A_1783 : vector<16xf32>
      %add3A_1799 = arith.constant -0.71698755 : f32
      %add3A_1800 = vector.broadcast %add3A_1799 : f32 to vector<16xf32>
      %add3A_1801 = arith.addf %mul3A_1798, %add3A_1800 : vector<16xf32>
      %mul3A_1802 = arith.mulf %add3A_1801, %sub3A_1783 : vector<16xf32>
      %add3A_1803 = arith.constant 1.44239557 : f32
      %add3A_1804 = vector.broadcast %add3A_1803 : f32 to vector<16xf32>
      %add3A_1805 = arith.addf %mul3A_1802, %add3A_1804 : vector<16xf32>
      %mul3A_1806 = arith.mulf %add3A_1805, %sub3A_1783 : vector<16xf32>
      %add3A_1807 = arith.constant 5.06032802E-6 : f32
      %add3A_1808 = vector.broadcast %add3A_1807 : f32 to vector<16xf32>
      %add3A_1809 = arith.addf %mul3A_1806, %add3A_1808 : vector<16xf32>
      %convert_element_type3A_1810 = arith.sitofp %sub3A_1773 : vector<16xi32> to vector<16xf32>
      %add3A_1811 = arith.addf %convert_element_type3A_1810, %add3A_1809 : vector<16xf32>
      %mul3A_1812 = arith.constant 0.693147182 : f32
      %mul3A_1813 = vector.broadcast %mul3A_1812 : f32 to vector<16xf32>
      %mul3A_1814 = arith.mulf %add3A_1811, %mul3A_1813 : vector<16xf32>
      %add3A_1815 = arith.addf %add3A_1681, %mul3A_1814 : vector<16xf32>
      %mul3A_1816 = arith.constant 21 : i32
      %mul3A_1817 = vector.broadcast %mul3A_1816 : i32 to vector<16xi32>
      %mul3A_1818 = arith.muli %iota3A, %mul3A_1817 : vector<16xi32>
      %add3A_1819 = arith.constant 12 : i32
      %add3A_1820 = vector.broadcast %add3A_1819 : i32 to vector<16xi32>
      %add3A_1821 = arith.addi %mul3A_1818, %add3A_1820 : vector<16xi32>
      %broadcast_in_dim3A_1822 = arith.constant 0 : i32
      %broadcast_in_dim3A_1823 = vector.broadcast %broadcast_in_dim3A_1822 : i32 to vector<16xi32>
      %gather3A_1824 = tpu.vector_load_idx %arg12[%add3A_1821, %broadcast_in_dim3A_1823] : memref<336x17xf32, #tpu.memory_space<vmem>>[vector<16xi32>, vector<16xi32>], vector<16xf32>,
      %broadcast_in_dim3A_1825 = arith.constant 1 : i32
      %broadcast_in_dim3A_1826 = vector.broadcast %broadcast_in_dim3A_1825 : i32 to vector<16xi32>
      %gather3A_1827 = tpu.vector_load_idx %arg12[%add3A_1821, %broadcast_in_dim3A_1826] : memref<336x17xf32, #tpu.memory_space<vmem>>[vector<16xi32>, vector<16xi32>], vector<16xf32>,
      %add3A_1828 = arith.addf %gather3A_1824, %gather3A_1827 : vector<16xf32>
      %broadcast_in_dim3A_1829 = arith.constant 2 : i32
      %broadcast_in_dim3A_1830 = vector.broadcast %broadcast_in_dim3A_1829 : i32 to vector<16xi32>
      %gather3A_1831 = tpu.vector_load_idx %arg12[%add3A_1821, %broadcast_in_dim3A_1830] : memref<336x17xf32, #tpu.memory_space<vmem>>[vector<16xi32>, vector<16xi32>], vector<16xf32>,
      %add3A_1832 = arith.addf %add3A_1828, %gather3A_1831 : vector<16xf32>
      %broadcast_in_dim3A_1833 = arith.constant 3 : i32
      %broadcast_in_dim3A_1834 = vector.broadcast %broadcast_in_dim3A_1833 : i32 to vector<16xi32>
      %gather3A_1835 = tpu.vector_load_idx %arg12[%add3A_1821, %broadcast_in_dim3A_1834] : memref<336x17xf32, #tpu.memory_space<vmem>>[vector<16xi32>, vector<16xi32>], vector<16xf32>,
      %add3A_1836 = arith.addf %add3A_1832, %gather3A_1835 : vector<16xf32>
      %broadcast_in_dim3A_1837 = arith.constant 4 : i32
      %broadcast_in_dim3A_1838 = vector.broadcast %broadcast_in_dim3A_1837 : i32 to vector<16xi32>
      %gather3A_1839 = tpu.vector_load_idx %arg12[%add3A_1821, %broadcast_in_dim3A_1838] : memref<336x17xf32, #tpu.memory_space<vmem>>[vector<16xi32>, vector<16xi32>], vector<16xf32>,
      %add3A_1840 = arith.addf %add3A_1836, %gather3A_1839 : vector<16xf32>
      %broadcast_in_dim3A_1841 = arith.constant 5 : i32
      %broadcast_in_dim3A_1842 = vector.broadcast %broadcast_in_dim3A_1841 : i32 to vector<16xi32>
      %gather3A_1843 = tpu.vector_load_idx %arg12[%add3A_1821, %broadcast_in_dim3A_1842] : memref<336x17xf32, #tpu.memory_space<vmem>>[vector<16xi32>, vector<16xi32>], vector<16xf32>,
      %add3A_1844 = arith.addf %add3A_1840, %gather3A_1843 : vector<16xf32>
      %broadcast_in_dim3A_1845 = arith.constant 6 : i32
      %broadcast_in_dim3A_1846 = vector.broadcast %broadcast_in_dim3A_1845 : i32 to vector<16xi32>
      %gather3A_1847 = tpu.vector_load_idx %arg12[%add3A_1821, %broadcast_in_dim3A_1846] : memref<336x17xf32, #tpu.memory_space<vmem>>[vector<16xi32>, vector<16xi32>], vector<16xf32>,
      %add3A_1848 = arith.addf %add3A_1844, %gather3A_1847 : vector<16xf32>
      %broadcast_in_dim3A_1849 = arith.constant 7 : i32
      %broadcast_in_dim3A_1850 = vector.broadcast %broadcast_in_dim3A_1849 : i32 to vector<16xi32>
      %gather3A_1851 = tpu.vector_load_idx %arg12[%add3A_1821, %broadcast_in_dim3A_1850] : memref<336x17xf32, #tpu.memory_space<vmem>>[vector<16xi32>, vector<16xi32>], vector<16xf32>,
      %add3A_1852 = arith.addf %add3A_1848, %gather3A_1851 : vector<16xf32>
      %broadcast_in_dim3A_1853 = arith.constant 8 : i32
      %broadcast_in_dim3A_1854 = vector.broadcast %broadcast_in_dim3A_1853 : i32 to vector<16xi32>
      %gather3A_1855 = tpu.vector_load_idx %arg12[%add3A_1821, %broadcast_in_dim3A_1854] : memref<336x17xf32, #tpu.memory_space<vmem>>[vector<16xi32>, vector<16xi32>], vector<16xf32>,
      %add3A_1856 = arith.addf %add3A_1852, %gather3A_1855 : vector<16xf32>
      %broadcast_in_dim3A_1857 = arith.constant 9 : i32
      %broadcast_in_dim3A_1858 = vector.broadcast %broadcast_in_dim3A_1857 : i32 to vector<16xi32>
      %gather3A_1859 = tpu.vector_load_idx %arg12[%add3A_1821, %broadcast_in_dim3A_1858] : memref<336x17xf32, #tpu.memory_space<vmem>>[vector<16xi32>, vector<16xi32>], vector<16xf32>,
      %add3A_1860 = arith.addf %add3A_1856, %gather3A_1859 : vector<16xf32>
      %broadcast_in_dim3A_1861 = arith.constant 10 : i32
      %broadcast_in_dim3A_1862 = vector.broadcast %broadcast_in_dim3A_1861 : i32 to vector<16xi32>
      %gather3A_1863 = tpu.vector_load_idx %arg12[%add3A_1821, %broadcast_in_dim3A_1862] : memref<336x17xf32, #tpu.memory_space<vmem>>[vector<16xi32>, vector<16xi32>], vector<16xf32>,
      %add3A_1864 = arith.addf %add3A_1860, %gather3A_1863 : vector<16xf32>
      %broadcast_in_dim3A_1865 = arith.constant 11 : i32
      %broadcast_in_dim3A_1866 = vector.broadcast %broadcast_in_dim3A_1865 : i32 to vector<16xi32>
      %gather3A_1867 = tpu.vector_load_idx %arg12[%add3A_1821, %broadcast_in_dim3A_1866] : memref<336x17xf32, #tpu.memory_space<vmem>>[vector<16xi32>, vector<16xi32>], vector<16xf32>,
      %add3A_1868 = arith.addf %add3A_1864, %gather3A_1867 : vector<16xf32>
      %broadcast_in_dim3A_1869 = arith.constant 12 : i32
      %broadcast_in_dim3A_1870 = vector.broadcast %broadcast_in_dim3A_1869 : i32 to vector<16xi32>
      %gather3A_1871 = tpu.vector_load_idx %arg12[%add3A_1821, %broadcast_in_dim3A_1870] : memref<336x17xf32, #tpu.memory_space<vmem>>[vector<16xi32>, vector<16xi32>], vector<16xf32>,
      %add3A_1872 = arith.addf %add3A_1868, %gather3A_1871 : vector<16xf32>
      %broadcast_in_dim3A_1873 = arith.constant 13 : i32
      %broadcast_in_dim3A_1874 = vector.broadcast %broadcast_in_dim3A_1873 : i32 to vector<16xi32>
      %gather3A_1875 = tpu.vector_load_idx %arg12[%add3A_1821, %broadcast_in_dim3A_1874] : memref<336x17xf32, #tpu.memory_space<vmem>>[vector<16xi32>, vector<16xi32>], vector<16xf32>,
      %add3A_1876 = arith.addf %add3A_1872, %gather3A_1875 : vector<16xf32>
      %broadcast_in_dim3A_1877 = arith.constant 14 : i32
      %broadcast_in_dim3A_1878 = vector.broadcast %broadcast_in_dim3A_1877 : i32 to vector<16xi32>
      %gather3A_1879 = tpu.vector_load_idx %arg12[%add3A_1821, %broadcast_in_dim3A_1878] : memref<336x17xf32, #tpu.memory_space<vmem>>[vector<16xi32>, vector<16xi32>], vector<16xf32>,
      %add3A_1880 = arith.addf %add3A_1876, %gather3A_1879 : vector<16xf32>
      %broadcast_in_dim3A_1881 = arith.constant 15 : i32
      %broadcast_in_dim3A_1882 = vector.broadcast %broadcast_in_dim3A_1881 : i32 to vector<16xi32>
      %gather3A_1883 = tpu.vector_load_idx %arg12[%add3A_1821, %broadcast_in_dim3A_1882] : memref<336x17xf32, #tpu.memory_space<vmem>>[vector<16xi32>, vector<16xi32>], vector<16xf32>,
      %add3A_1884 = arith.addf %add3A_1880, %gather3A_1883 : vector<16xf32>
      %neg3A_1885 = arith.constant 0.000000e+00 : f32
      %neg3A_1886 = vector.broadcast %neg3A_1885 : f32 to vector<16xf32>
      %neg3A_1887 = arith.subf %neg3A_1886, %add3A_1884 : vector<16xf32>
      %exp3A_1888 = math.exp %neg3A_1887 : vector<16xf32>
      %add3A_1889 = arith.constant 1.000000e+00 : f32
      %add3A_1890 = vector.broadcast %add3A_1889 : f32 to vector<16xf32>
      %add3A_1891 = arith.addf %add3A_1890, %exp3A_1888 : vector<16xf32>
      %div3A_1892 = arith.constant 1.000000e+00 : f32
      %div3A_1893 = vector.broadcast %div3A_1892 : f32 to vector<16xf32>
      %div3A_1894 = arith.divf %div3A_1893, %add3A_1891 : vector<16xf32>
      %sub3A_1895 = arith.constant 1.000000e+00 : f32
      %sub3A_1896 = vector.broadcast %sub3A_1895 : f32 to vector<16xf32>
      %sub3A_1897 = arith.subf %sub3A_1896, %div3A_1894 : vector<16xf32>
      %add3A_1898 = arith.constant 1.000000e-10 : f32
      %add3A_1899 = vector.broadcast %add3A_1898 : f32 to vector<16xf32>
      %add3A_1900 = arith.addf %sub3A_1897, %add3A_1899 : vector<16xf32>
      %bitcast3A_1901 = vector.bitcast %add3A_1900 : vector<16xf32> to vector<16xi32>
      %shift_right_arithmetic3A_1902 = arith.constant 23 : i32
      %shift_right_arithmetic3A_1903 = vector.broadcast %shift_right_arithmetic3A_1902 : i32 to vector<16xi32>
      %shift_right_arithmetic3A_1904 = arith.shrsi %bitcast3A_1901, %shift_right_arithmetic3A_1903 : vector<16xi32>
      %sub3A_1905 = arith.constant 127 : i32
      %sub3A_1906 = vector.broadcast %sub3A_1905 : i32 to vector<16xi32>
      %sub3A_1907 = arith.subi %shift_right_arithmetic3A_1904, %sub3A_1906 : vector<16xi32>
      %and3A_1908 = arith.constant 8388607 : i32
      %and3A_1909 = vector.broadcast %and3A_1908 : i32 to vector<16xi32>
      %and3A_1910 = arith.andi %bitcast3A_1901, %and3A_1909 : vector<16xi32>
      %or3A_1911 = arith.constant 1065353216 : i32
      %or3A_1912 = vector.broadcast %or3A_1911 : i32 to vector<16xi32>
      %or3A_1913 = arith.ori %and3A_1910, %or3A_1912 : vector<16xi32>
      %bitcast3A_1914 = vector.bitcast %or3A_1913 : vector<16xi32> to vector<16xf32>
      %sub3A_1915 = arith.constant 1.000000e+00 : f32
      %sub3A_1916 = vector.broadcast %sub3A_1915 : f32 to vector<16xf32>
      %sub3A_1917 = arith.subf %bitcast3A_1914, %sub3A_1916 : vector<16xf32>
      %broadcast_in_dim3A_1918 = arith.constant -0.0248259846 : f32
      %broadcast_in_dim3A_1919 = vector.broadcast %broadcast_in_dim3A_1918 : f32 to vector<16xf32>
      %mul3A_1920 = arith.mulf %broadcast_in_dim3A_1919, %sub3A_1917 : vector<16xf32>
      %add3A_1921 = arith.constant 0.117906861 : f32
      %add3A_1922 = vector.broadcast %add3A_1921 : f32 to vector<16xf32>
      %add3A_1923 = arith.addf %mul3A_1920, %add3A_1922 : vector<16xf32>
      %mul3A_1924 = arith.mulf %add3A_1923, %sub3A_1917 : vector<16xf32>
      %add3A_1925 = arith.constant -0.272355825 : f32
      %add3A_1926 = vector.broadcast %add3A_1925 : f32 to vector<16xf32>
      %add3A_1927 = arith.addf %mul3A_1924, %add3A_1926 : vector<16xf32>
      %mul3A_1928 = arith.mulf %add3A_1927, %sub3A_1917 : vector<16xf32>
      %add3A_1929 = arith.constant 0.453858197 : f32
      %add3A_1930 = vector.broadcast %add3A_1929 : f32 to vector<16xf32>
      %add3A_1931 = arith.addf %mul3A_1928, %add3A_1930 : vector<16xf32>
      %mul3A_1932 = arith.mulf %add3A_1931, %sub3A_1917 : vector<16xf32>
      %add3A_1933 = arith.constant -0.71698755 : f32
      %add3A_1934 = vector.broadcast %add3A_1933 : f32 to vector<16xf32>
      %add3A_1935 = arith.addf %mul3A_1932, %add3A_1934 : vector<16xf32>
      %mul3A_1936 = arith.mulf %add3A_1935, %sub3A_1917 : vector<16xf32>
      %add3A_1937 = arith.constant 1.44239557 : f32
      %add3A_1938 = vector.broadcast %add3A_1937 : f32 to vector<16xf32>
      %add3A_1939 = arith.addf %mul3A_1936, %add3A_1938 : vector<16xf32>
      %mul3A_1940 = arith.mulf %add3A_1939, %sub3A_1917 : vector<16xf32>
      %add3A_1941 = arith.constant 5.06032802E-6 : f32
      %add3A_1942 = vector.broadcast %add3A_1941 : f32 to vector<16xf32>
      %add3A_1943 = arith.addf %mul3A_1940, %add3A_1942 : vector<16xf32>
      %convert_element_type3A_1944 = arith.sitofp %sub3A_1907 : vector<16xi32> to vector<16xf32>
      %add3A_1945 = arith.addf %convert_element_type3A_1944, %add3A_1943 : vector<16xf32>
      %mul3A_1946 = arith.constant 0.693147182 : f32
      %mul3A_1947 = vector.broadcast %mul3A_1946 : f32 to vector<16xf32>
      %mul3A_1948 = arith.mulf %add3A_1945, %mul3A_1947 : vector<16xf32>
      %add3A_1949 = arith.addf %add3A_1815, %mul3A_1948 : vector<16xf32>
      %mul3A_1950 = arith.constant 21 : i32
      %mul3A_1951 = vector.broadcast %mul3A_1950 : i32 to vector<16xi32>
      %mul3A_1952 = arith.muli %iota3A, %mul3A_1951 : vector<16xi32>
      %add3A_1953 = arith.constant 13 : i32
      %add3A_1954 = vector.broadcast %add3A_1953 : i32 to vector<16xi32>
      %add3A_1955 = arith.addi %mul3A_1952, %add3A_1954 : vector<16xi32>
      %broadcast_in_dim3A_1956 = arith.constant 0 : i32
      %broadcast_in_dim3A_1957 = vector.broadcast %broadcast_in_dim3A_1956 : i32 to vector<16xi32>
      %gather3A_1958 = tpu.vector_load_idx %arg12[%add3A_1955, %broadcast_in_dim3A_1957] : memref<336x17xf32, #tpu.memory_space<vmem>>[vector<16xi32>, vector<16xi32>], vector<16xf32>,
      %broadcast_in_dim3A_1959 = arith.constant 1 : i32
      %broadcast_in_dim3A_1960 = vector.broadcast %broadcast_in_dim3A_1959 : i32 to vector<16xi32>
      %gather3A_1961 = tpu.vector_load_idx %arg12[%add3A_1955, %broadcast_in_dim3A_1960] : memref<336x17xf32, #tpu.memory_space<vmem>>[vector<16xi32>, vector<16xi32>], vector<16xf32>,
      %add3A_1962 = arith.addf %gather3A_1958, %gather3A_1961 : vector<16xf32>
      %broadcast_in_dim3A_1963 = arith.constant 2 : i32
      %broadcast_in_dim3A_1964 = vector.broadcast %broadcast_in_dim3A_1963 : i32 to vector<16xi32>
      %gather3A_1965 = tpu.vector_load_idx %arg12[%add3A_1955, %broadcast_in_dim3A_1964] : memref<336x17xf32, #tpu.memory_space<vmem>>[vector<16xi32>, vector<16xi32>], vector<16xf32>,
      %add3A_1966 = arith.addf %add3A_1962, %gather3A_1965 : vector<16xf32>
      %broadcast_in_dim3A_1967 = arith.constant 3 : i32
      %broadcast_in_dim3A_1968 = vector.broadcast %broadcast_in_dim3A_1967 : i32 to vector<16xi32>
      %gather3A_1969 = tpu.vector_load_idx %arg12[%add3A_1955, %broadcast_in_dim3A_1968] : memref<336x17xf32, #tpu.memory_space<vmem>>[vector<16xi32>, vector<16xi32>], vector<16xf32>,
      %add3A_1970 = arith.addf %add3A_1966, %gather3A_1969 : vector<16xf32>
      %broadcast_in_dim3A_1971 = arith.constant 4 : i32
      %broadcast_in_dim3A_1972 = vector.broadcast %broadcast_in_dim3A_1971 : i32 to vector<16xi32>
      %gather3A_1973 = tpu.vector_load_idx %arg12[%add3A_1955, %broadcast_in_dim3A_1972] : memref<336x17xf32, #tpu.memory_space<vmem>>[vector<16xi32>, vector<16xi32>], vector<16xf32>,
      %add3A_1974 = arith.addf %add3A_1970, %gather3A_1973 : vector<16xf32>
      %broadcast_in_dim3A_1975 = arith.constant 5 : i32
      %broadcast_in_dim3A_1976 = vector.broadcast %broadcast_in_dim3A_1975 : i32 to vector<16xi32>
      %gather3A_1977 = tpu.vector_load_idx %arg12[%add3A_1955, %broadcast_in_dim3A_1976] : memref<336x17xf32, #tpu.memory_space<vmem>>[vector<16xi32>, vector<16xi32>], vector<16xf32>,
      %add3A_1978 = arith.addf %add3A_1974, %gather3A_1977 : vector<16xf32>
      %broadcast_in_dim3A_1979 = arith.constant 6 : i32
      %broadcast_in_dim3A_1980 = vector.broadcast %broadcast_in_dim3A_1979 : i32 to vector<16xi32>
      %gather3A_1981 = tpu.vector_load_idx %arg12[%add3A_1955, %broadcast_in_dim3A_1980] : memref<336x17xf32, #tpu.memory_space<vmem>>[vector<16xi32>, vector<16xi32>], vector<16xf32>,
      %add3A_1982 = arith.addf %add3A_1978, %gather3A_1981 : vector<16xf32>
      %broadcast_in_dim3A_1983 = arith.constant 7 : i32
      %broadcast_in_dim3A_1984 = vector.broadcast %broadcast_in_dim3A_1983 : i32 to vector<16xi32>
      %gather3A_1985 = tpu.vector_load_idx %arg12[%add3A_1955, %broadcast_in_dim3A_1984] : memref<336x17xf32, #tpu.memory_space<vmem>>[vector<16xi32>, vector<16xi32>], vector<16xf32>,
      %add3A_1986 = arith.addf %add3A_1982, %gather3A_1985 : vector<16xf32>
      %broadcast_in_dim3A_1987 = arith.constant 8 : i32
      %broadcast_in_dim3A_1988 = vector.broadcast %broadcast_in_dim3A_1987 : i32 to vector<16xi32>
      %gather3A_1989 = tpu.vector_load_idx %arg12[%add3A_1955, %broadcast_in_dim3A_1988] : memref<336x17xf32, #tpu.memory_space<vmem>>[vector<16xi32>, vector<16xi32>], vector<16xf32>,
      %add3A_1990 = arith.addf %add3A_1986, %gather3A_1989 : vector<16xf32>
      %broadcast_in_dim3A_1991 = arith.constant 9 : i32
      %broadcast_in_dim3A_1992 = vector.broadcast %broadcast_in_dim3A_1991 : i32 to vector<16xi32>
      %gather3A_1993 = tpu.vector_load_idx %arg12[%add3A_1955, %broadcast_in_dim3A_1992] : memref<336x17xf32, #tpu.memory_space<vmem>>[vector<16xi32>, vector<16xi32>], vector<16xf32>,
      %add3A_1994 = arith.addf %add3A_1990, %gather3A_1993 : vector<16xf32>
      %broadcast_in_dim3A_1995 = arith.constant 10 : i32
      %broadcast_in_dim3A_1996 = vector.broadcast %broadcast_in_dim3A_1995 : i32 to vector<16xi32>
      %gather3A_1997 = tpu.vector_load_idx %arg12[%add3A_1955, %broadcast_in_dim3A_1996] : memref<336x17xf32, #tpu.memory_space<vmem>>[vector<16xi32>, vector<16xi32>], vector<16xf32>,
      %add3A_1998 = arith.addf %add3A_1994, %gather3A_1997 : vector<16xf32>
      %broadcast_in_dim3A_1999 = arith.constant 11 : i32
      %broadcast_in_dim3A_2000 = vector.broadcast %broadcast_in_dim3A_1999 : i32 to vector<16xi32>
      %gather3A_2001 = tpu.vector_load_idx %arg12[%add3A_1955, %broadcast_in_dim3A_2000] : memref<336x17xf32, #tpu.memory_space<vmem>>[vector<16xi32>, vector<16xi32>], vector<16xf32>,
      %add3A_2002 = arith.addf %add3A_1998, %gather3A_2001 : vector<16xf32>
      %broadcast_in_dim3A_2003 = arith.constant 12 : i32
      %broadcast_in_dim3A_2004 = vector.broadcast %broadcast_in_dim3A_2003 : i32 to vector<16xi32>
      %gather3A_2005 = tpu.vector_load_idx %arg12[%add3A_1955, %broadcast_in_dim3A_2004] : memref<336x17xf32, #tpu.memory_space<vmem>>[vector<16xi32>, vector<16xi32>], vector<16xf32>,
      %add3A_2006 = arith.addf %add3A_2002, %gather3A_2005 : vector<16xf32>
      %broadcast_in_dim3A_2007 = arith.constant 13 : i32
      %broadcast_in_dim3A_2008 = vector.broadcast %broadcast_in_dim3A_2007 : i32 to vector<16xi32>
      %gather3A_2009 = tpu.vector_load_idx %arg12[%add3A_1955, %broadcast_in_dim3A_2008] : memref<336x17xf32, #tpu.memory_space<vmem>>[vector<16xi32>, vector<16xi32>], vector<16xf32>,
      %add3A_2010 = arith.addf %add3A_2006, %gather3A_2009 : vector<16xf32>
      %broadcast_in_dim3A_2011 = arith.constant 14 : i32
      %broadcast_in_dim3A_2012 = vector.broadcast %broadcast_in_dim3A_2011 : i32 to vector<16xi32>
      %gather3A_2013 = tpu.vector_load_idx %arg12[%add3A_1955, %broadcast_in_dim3A_2012] : memref<336x17xf32, #tpu.memory_space<vmem>>[vector<16xi32>, vector<16xi32>], vector<16xf32>,
      %add3A_2014 = arith.addf %add3A_2010, %gather3A_2013 : vector<16xf32>
      %broadcast_in_dim3A_2015 = arith.constant 15 : i32
      %broadcast_in_dim3A_2016 = vector.broadcast %broadcast_in_dim3A_2015 : i32 to vector<16xi32>
      %gather3A_2017 = tpu.vector_load_idx %arg12[%add3A_1955, %broadcast_in_dim3A_2016] : memref<336x17xf32, #tpu.memory_space<vmem>>[vector<16xi32>, vector<16xi32>], vector<16xf32>,
      %add3A_2018 = arith.addf %add3A_2014, %gather3A_2017 : vector<16xf32>
      %neg3A_2019 = arith.constant 0.000000e+00 : f32
      %neg3A_2020 = vector.broadcast %neg3A_2019 : f32 to vector<16xf32>
      %neg3A_2021 = arith.subf %neg3A_2020, %add3A_2018 : vector<16xf32>
      %exp3A_2022 = math.exp %neg3A_2021 : vector<16xf32>
      %add3A_2023 = arith.constant 1.000000e+00 : f32
      %add3A_2024 = vector.broadcast %add3A_2023 : f32 to vector<16xf32>
      %add3A_2025 = arith.addf %add3A_2024, %exp3A_2022 : vector<16xf32>
      %div3A_2026 = arith.constant 1.000000e+00 : f32
      %div3A_2027 = vector.broadcast %div3A_2026 : f32 to vector<16xf32>
      %div3A_2028 = arith.divf %div3A_2027, %add3A_2025 : vector<16xf32>
      %sub3A_2029 = arith.constant 1.000000e+00 : f32
      %sub3A_2030 = vector.broadcast %sub3A_2029 : f32 to vector<16xf32>
      %sub3A_2031 = arith.subf %sub3A_2030, %div3A_2028 : vector<16xf32>
      %add3A_2032 = arith.constant 1.000000e-10 : f32
      %add3A_2033 = vector.broadcast %add3A_2032 : f32 to vector<16xf32>
      %add3A_2034 = arith.addf %sub3A_2031, %add3A_2033 : vector<16xf32>
      %bitcast3A_2035 = vector.bitcast %add3A_2034 : vector<16xf32> to vector<16xi32>
      %shift_right_arithmetic3A_2036 = arith.constant 23 : i32
      %shift_right_arithmetic3A_2037 = vector.broadcast %shift_right_arithmetic3A_2036 : i32 to vector<16xi32>
      %shift_right_arithmetic3A_2038 = arith.shrsi %bitcast3A_2035, %shift_right_arithmetic3A_2037 : vector<16xi32>
      %sub3A_2039 = arith.constant 127 : i32
      %sub3A_2040 = vector.broadcast %sub3A_2039 : i32 to vector<16xi32>
      %sub3A_2041 = arith.subi %shift_right_arithmetic3A_2038, %sub3A_2040 : vector<16xi32>
      %and3A_2042 = arith.constant 8388607 : i32
      %and3A_2043 = vector.broadcast %and3A_2042 : i32 to vector<16xi32>
      %and3A_2044 = arith.andi %bitcast3A_2035, %and3A_2043 : vector<16xi32>
      %or3A_2045 = arith.constant 1065353216 : i32
      %or3A_2046 = vector.broadcast %or3A_2045 : i32 to vector<16xi32>
      %or3A_2047 = arith.ori %and3A_2044, %or3A_2046 : vector<16xi32>
      %bitcast3A_2048 = vector.bitcast %or3A_2047 : vector<16xi32> to vector<16xf32>
      %sub3A_2049 = arith.constant 1.000000e+00 : f32
      %sub3A_2050 = vector.broadcast %sub3A_2049 : f32 to vector<16xf32>
      %sub3A_2051 = arith.subf %bitcast3A_2048, %sub3A_2050 : vector<16xf32>
      %broadcast_in_dim3A_2052 = arith.constant -0.0248259846 : f32
      %broadcast_in_dim3A_2053 = vector.broadcast %broadcast_in_dim3A_2052 : f32 to vector<16xf32>
      %mul3A_2054 = arith.mulf %broadcast_in_dim3A_2053, %sub3A_2051 : vector<16xf32>
      %add3A_2055 = arith.constant 0.117906861 : f32
      %add3A_2056 = vector.broadcast %add3A_2055 : f32 to vector<16xf32>
      %add3A_2057 = arith.addf %mul3A_2054, %add3A_2056 : vector<16xf32>
      %mul3A_2058 = arith.mulf %add3A_2057, %sub3A_2051 : vector<16xf32>
      %add3A_2059 = arith.constant -0.272355825 : f32
      %add3A_2060 = vector.broadcast %add3A_2059 : f32 to vector<16xf32>
      %add3A_2061 = arith.addf %mul3A_2058, %add3A_2060 : vector<16xf32>
      %mul3A_2062 = arith.mulf %add3A_2061, %sub3A_2051 : vector<16xf32>
      %add3A_2063 = arith.constant 0.453858197 : f32
      %add3A_2064 = vector.broadcast %add3A_2063 : f32 to vector<16xf32>
      %add3A_2065 = arith.addf %mul3A_2062, %add3A_2064 : vector<16xf32>
      %mul3A_2066 = arith.mulf %add3A_2065, %sub3A_2051 : vector<16xf32>
      %add3A_2067 = arith.constant -0.71698755 : f32
      %add3A_2068 = vector.broadcast %add3A_2067 : f32 to vector<16xf32>
      %add3A_2069 = arith.addf %mul3A_2066, %add3A_2068 : vector<16xf32>
      %mul3A_2070 = arith.mulf %add3A_2069, %sub3A_2051 : vector<16xf32>
      %add3A_2071 = arith.constant 1.44239557 : f32
      %add3A_2072 = vector.broadcast %add3A_2071 : f32 to vector<16xf32>
      %add3A_2073 = arith.addf %mul3A_2070, %add3A_2072 : vector<16xf32>
      %mul3A_2074 = arith.mulf %add3A_2073, %sub3A_2051 : vector<16xf32>
      %add3A_2075 = arith.constant 5.06032802E-6 : f32
      %add3A_2076 = vector.broadcast %add3A_2075 : f32 to vector<16xf32>
      %add3A_2077 = arith.addf %mul3A_2074, %add3A_2076 : vector<16xf32>
      %convert_element_type3A_2078 = arith.sitofp %sub3A_2041 : vector<16xi32> to vector<16xf32>
      %add3A_2079 = arith.addf %convert_element_type3A_2078, %add3A_2077 : vector<16xf32>
      %mul3A_2080 = arith.constant 0.693147182 : f32
      %mul3A_2081 = vector.broadcast %mul3A_2080 : f32 to vector<16xf32>
      %mul3A_2082 = arith.mulf %add3A_2079, %mul3A_2081 : vector<16xf32>
      %add3A_2083 = arith.addf %add3A_1949, %mul3A_2082 : vector<16xf32>
      %mul3A_2084 = arith.constant 21 : i32
      %mul3A_2085 = vector.broadcast %mul3A_2084 : i32 to vector<16xi32>
      %mul3A_2086 = arith.muli %iota3A, %mul3A_2085 : vector<16xi32>
      %add3A_2087 = arith.constant 14 : i32
      %add3A_2088 = vector.broadcast %add3A_2087 : i32 to vector<16xi32>
      %add3A_2089 = arith.addi %mul3A_2086, %add3A_2088 : vector<16xi32>
      %broadcast_in_dim3A_2090 = arith.constant 0 : i32
      %broadcast_in_dim3A_2091 = vector.broadcast %broadcast_in_dim3A_2090 : i32 to vector<16xi32>
      %gather3A_2092 = tpu.vector_load_idx %arg12[%add3A_2089, %broadcast_in_dim3A_2091] : memref<336x17xf32, #tpu.memory_space<vmem>>[vector<16xi32>, vector<16xi32>], vector<16xf32>,
      %broadcast_in_dim3A_2093 = arith.constant 1 : i32
      %broadcast_in_dim3A_2094 = vector.broadcast %broadcast_in_dim3A_2093 : i32 to vector<16xi32>
      %gather3A_2095 = tpu.vector_load_idx %arg12[%add3A_2089, %broadcast_in_dim3A_2094] : memref<336x17xf32, #tpu.memory_space<vmem>>[vector<16xi32>, vector<16xi32>], vector<16xf32>,
      %add3A_2096 = arith.addf %gather3A_2092, %gather3A_2095 : vector<16xf32>
      %broadcast_in_dim3A_2097 = arith.constant 2 : i32
      %broadcast_in_dim3A_2098 = vector.broadcast %broadcast_in_dim3A_2097 : i32 to vector<16xi32>
      %gather3A_2099 = tpu.vector_load_idx %arg12[%add3A_2089, %broadcast_in_dim3A_2098] : memref<336x17xf32, #tpu.memory_space<vmem>>[vector<16xi32>, vector<16xi32>], vector<16xf32>,
      %add3A_2100 = arith.addf %add3A_2096, %gather3A_2099 : vector<16xf32>
      %broadcast_in_dim3A_2101 = arith.constant 3 : i32
      %broadcast_in_dim3A_2102 = vector.broadcast %broadcast_in_dim3A_2101 : i32 to vector<16xi32>
      %gather3A_2103 = tpu.vector_load_idx %arg12[%add3A_2089, %broadcast_in_dim3A_2102] : memref<336x17xf32, #tpu.memory_space<vmem>>[vector<16xi32>, vector<16xi32>], vector<16xf32>,
      %add3A_2104 = arith.addf %add3A_2100, %gather3A_2103 : vector<16xf32>
      %broadcast_in_dim3A_2105 = arith.constant 4 : i32
      %broadcast_in_dim3A_2106 = vector.broadcast %broadcast_in_dim3A_2105 : i32 to vector<16xi32>
      %gather3A_2107 = tpu.vector_load_idx %arg12[%add3A_2089, %broadcast_in_dim3A_2106] : memref<336x17xf32, #tpu.memory_space<vmem>>[vector<16xi32>, vector<16xi32>], vector<16xf32>,
      %add3A_2108 = arith.addf %add3A_2104, %gather3A_2107 : vector<16xf32>
      %broadcast_in_dim3A_2109 = arith.constant 5 : i32
      %broadcast_in_dim3A_2110 = vector.broadcast %broadcast_in_dim3A_2109 : i32 to vector<16xi32>
      %gather3A_2111 = tpu.vector_load_idx %arg12[%add3A_2089, %broadcast_in_dim3A_2110] : memref<336x17xf32, #tpu.memory_space<vmem>>[vector<16xi32>, vector<16xi32>], vector<16xf32>,
      %add3A_2112 = arith.addf %add3A_2108, %gather3A_2111 : vector<16xf32>
      %broadcast_in_dim3A_2113 = arith.constant 6 : i32
      %broadcast_in_dim3A_2114 = vector.broadcast %broadcast_in_dim3A_2113 : i32 to vector<16xi32>
      %gather3A_2115 = tpu.vector_load_idx %arg12[%add3A_2089, %broadcast_in_dim3A_2114] : memref<336x17xf32, #tpu.memory_space<vmem>>[vector<16xi32>, vector<16xi32>], vector<16xf32>,
      %add3A_2116 = arith.addf %add3A_2112, %gather3A_2115 : vector<16xf32>
      %broadcast_in_dim3A_2117 = arith.constant 7 : i32
      %broadcast_in_dim3A_2118 = vector.broadcast %broadcast_in_dim3A_2117 : i32 to vector<16xi32>
      %gather3A_2119 = tpu.vector_load_idx %arg12[%add3A_2089, %broadcast_in_dim3A_2118] : memref<336x17xf32, #tpu.memory_space<vmem>>[vector<16xi32>, vector<16xi32>], vector<16xf32>,
      %add3A_2120 = arith.addf %add3A_2116, %gather3A_2119 : vector<16xf32>
      %broadcast_in_dim3A_2121 = arith.constant 8 : i32
      %broadcast_in_dim3A_2122 = vector.broadcast %broadcast_in_dim3A_2121 : i32 to vector<16xi32>
      %gather3A_2123 = tpu.vector_load_idx %arg12[%add3A_2089, %broadcast_in_dim3A_2122] : memref<336x17xf32, #tpu.memory_space<vmem>>[vector<16xi32>, vector<16xi32>], vector<16xf32>,
      %add3A_2124 = arith.addf %add3A_2120, %gather3A_2123 : vector<16xf32>
      %broadcast_in_dim3A_2125 = arith.constant 9 : i32
      %broadcast_in_dim3A_2126 = vector.broadcast %broadcast_in_dim3A_2125 : i32 to vector<16xi32>
      %gather3A_2127 = tpu.vector_load_idx %arg12[%add3A_2089, %broadcast_in_dim3A_2126] : memref<336x17xf32, #tpu.memory_space<vmem>>[vector<16xi32>, vector<16xi32>], vector<16xf32>,
      %add3A_2128 = arith.addf %add3A_2124, %gather3A_2127 : vector<16xf32>
      %broadcast_in_dim3A_2129 = arith.constant 10 : i32
      %broadcast_in_dim3A_2130 = vector.broadcast %broadcast_in_dim3A_2129 : i32 to vector<16xi32>
      %gather3A_2131 = tpu.vector_load_idx %arg12[%add3A_2089, %broadcast_in_dim3A_2130] : memref<336x17xf32, #tpu.memory_space<vmem>>[vector<16xi32>, vector<16xi32>], vector<16xf32>,
      %add3A_2132 = arith.addf %add3A_2128, %gather3A_2131 : vector<16xf32>
      %broadcast_in_dim3A_2133 = arith.constant 11 : i32
      %broadcast_in_dim3A_2134 = vector.broadcast %broadcast_in_dim3A_2133 : i32 to vector<16xi32>
      %gather3A_2135 = tpu.vector_load_idx %arg12[%add3A_2089, %broadcast_in_dim3A_2134] : memref<336x17xf32, #tpu.memory_space<vmem>>[vector<16xi32>, vector<16xi32>], vector<16xf32>,
      %add3A_2136 = arith.addf %add3A_2132, %gather3A_2135 : vector<16xf32>
      %broadcast_in_dim3A_2137 = arith.constant 12 : i32
      %broadcast_in_dim3A_2138 = vector.broadcast %broadcast_in_dim3A_2137 : i32 to vector<16xi32>
      %gather3A_2139 = tpu.vector_load_idx %arg12[%add3A_2089, %broadcast_in_dim3A_2138] : memref<336x17xf32, #tpu.memory_space<vmem>>[vector<16xi32>, vector<16xi32>], vector<16xf32>,
      %add3A_2140 = arith.addf %add3A_2136, %gather3A_2139 : vector<16xf32>
      %broadcast_in_dim3A_2141 = arith.constant 13 : i32
      %broadcast_in_dim3A_2142 = vector.broadcast %broadcast_in_dim3A_2141 : i32 to vector<16xi32>
      %gather3A_2143 = tpu.vector_load_idx %arg12[%add3A_2089, %broadcast_in_dim3A_2142] : memref<336x17xf32, #tpu.memory_space<vmem>>[vector<16xi32>, vector<16xi32>], vector<16xf32>,
      %add3A_2144 = arith.addf %add3A_2140, %gather3A_2143 : vector<16xf32>
      %broadcast_in_dim3A_2145 = arith.constant 14 : i32
      %broadcast_in_dim3A_2146 = vector.broadcast %broadcast_in_dim3A_2145 : i32 to vector<16xi32>
      %gather3A_2147 = tpu.vector_load_idx %arg12[%add3A_2089, %broadcast_in_dim3A_2146] : memref<336x17xf32, #tpu.memory_space<vmem>>[vector<16xi32>, vector<16xi32>], vector<16xf32>,
      %add3A_2148 = arith.addf %add3A_2144, %gather3A_2147 : vector<16xf32>
      %broadcast_in_dim3A_2149 = arith.constant 15 : i32
      %broadcast_in_dim3A_2150 = vector.broadcast %broadcast_in_dim3A_2149 : i32 to vector<16xi32>
      %gather3A_2151 = tpu.vector_load_idx %arg12[%add3A_2089, %broadcast_in_dim3A_2150] : memref<336x17xf32, #tpu.memory_space<vmem>>[vector<16xi32>, vector<16xi32>], vector<16xf32>,
      %add3A_2152 = arith.addf %add3A_2148, %gather3A_2151 : vector<16xf32>
      %neg3A_2153 = arith.constant 0.000000e+00 : f32
      %neg3A_2154 = vector.broadcast %neg3A_2153 : f32 to vector<16xf32>
      %neg3A_2155 = arith.subf %neg3A_2154, %add3A_2152 : vector<16xf32>
      %exp3A_2156 = math.exp %neg3A_2155 : vector<16xf32>
      %add3A_2157 = arith.constant 1.000000e+00 : f32
      %add3A_2158 = vector.broadcast %add3A_2157 : f32 to vector<16xf32>
      %add3A_2159 = arith.addf %add3A_2158, %exp3A_2156 : vector<16xf32>
      %div3A_2160 = arith.constant 1.000000e+00 : f32
      %div3A_2161 = vector.broadcast %div3A_2160 : f32 to vector<16xf32>
      %div3A_2162 = arith.divf %div3A_2161, %add3A_2159 : vector<16xf32>
      %sub3A_2163 = arith.constant 1.000000e+00 : f32
      %sub3A_2164 = vector.broadcast %sub3A_2163 : f32 to vector<16xf32>
      %sub3A_2165 = arith.subf %sub3A_2164, %div3A_2162 : vector<16xf32>
      %add3A_2166 = arith.constant 1.000000e-10 : f32
      %add3A_2167 = vector.broadcast %add3A_2166 : f32 to vector<16xf32>
      %add3A_2168 = arith.addf %sub3A_2165, %add3A_2167 : vector<16xf32>
      %bitcast3A_2169 = vector.bitcast %add3A_2168 : vector<16xf32> to vector<16xi32>
      %shift_right_arithmetic3A_2170 = arith.constant 23 : i32
      %shift_right_arithmetic3A_2171 = vector.broadcast %shift_right_arithmetic3A_2170 : i32 to vector<16xi32>
      %shift_right_arithmetic3A_2172 = arith.shrsi %bitcast3A_2169, %shift_right_arithmetic3A_2171 : vector<16xi32>
      %sub3A_2173 = arith.constant 127 : i32
      %sub3A_2174 = vector.broadcast %sub3A_2173 : i32 to vector<16xi32>
      %sub3A_2175 = arith.subi %shift_right_arithmetic3A_2172, %sub3A_2174 : vector<16xi32>
      %and3A_2176 = arith.constant 8388607 : i32
      %and3A_2177 = vector.broadcast %and3A_2176 : i32 to vector<16xi32>
      %and3A_2178 = arith.andi %bitcast3A_2169, %and3A_2177 : vector<16xi32>
      %or3A_2179 = arith.constant 1065353216 : i32
      %or3A_2180 = vector.broadcast %or3A_2179 : i32 to vector<16xi32>
      %or3A_2181 = arith.ori %and3A_2178, %or3A_2180 : vector<16xi32>
      %bitcast3A_2182 = vector.bitcast %or3A_2181 : vector<16xi32> to vector<16xf32>
      %sub3A_2183 = arith.constant 1.000000e+00 : f32
      %sub3A_2184 = vector.broadcast %sub3A_2183 : f32 to vector<16xf32>
      %sub3A_2185 = arith.subf %bitcast3A_2182, %sub3A_2184 : vector<16xf32>
      %broadcast_in_dim3A_2186 = arith.constant -0.0248259846 : f32
      %broadcast_in_dim3A_2187 = vector.broadcast %broadcast_in_dim3A_2186 : f32 to vector<16xf32>
      %mul3A_2188 = arith.mulf %broadcast_in_dim3A_2187, %sub3A_2185 : vector<16xf32>
      %add3A_2189 = arith.constant 0.117906861 : f32
      %add3A_2190 = vector.broadcast %add3A_2189 : f32 to vector<16xf32>
      %add3A_2191 = arith.addf %mul3A_2188, %add3A_2190 : vector<16xf32>
      %mul3A_2192 = arith.mulf %add3A_2191, %sub3A_2185 : vector<16xf32>
      %add3A_2193 = arith.constant -0.272355825 : f32
      %add3A_2194 = vector.broadcast %add3A_2193 : f32 to vector<16xf32>
      %add3A_2195 = arith.addf %mul3A_2192, %add3A_2194 : vector<16xf32>
      %mul3A_2196 = arith.mulf %add3A_2195, %sub3A_2185 : vector<16xf32>
      %add3A_2197 = arith.constant 0.453858197 : f32
      %add3A_2198 = vector.broadcast %add3A_2197 : f32 to vector<16xf32>
      %add3A_2199 = arith.addf %mul3A_2196, %add3A_2198 : vector<16xf32>
      %mul3A_2200 = arith.mulf %add3A_2199, %sub3A_2185 : vector<16xf32>
      %add3A_2201 = arith.constant -0.71698755 : f32
      %add3A_2202 = vector.broadcast %add3A_2201 : f32 to vector<16xf32>
      %add3A_2203 = arith.addf %mul3A_2200, %add3A_2202 : vector<16xf32>
      %mul3A_2204 = arith.mulf %add3A_2203, %sub3A_2185 : vector<16xf32>
      %add3A_2205 = arith.constant 1.44239557 : f32
      %add3A_2206 = vector.broadcast %add3A_2205 : f32 to vector<16xf32>
      %add3A_2207 = arith.addf %mul3A_2204, %add3A_2206 : vector<16xf32>
      %mul3A_2208 = arith.mulf %add3A_2207, %sub3A_2185 : vector<16xf32>
      %add3A_2209 = arith.constant 5.06032802E-6 : f32
      %add3A_2210 = vector.broadcast %add3A_2209 : f32 to vector<16xf32>
      %add3A_2211 = arith.addf %mul3A_2208, %add3A_2210 : vector<16xf32>
      %convert_element_type3A_2212 = arith.sitofp %sub3A_2175 : vector<16xi32> to vector<16xf32>
      %add3A_2213 = arith.addf %convert_element_type3A_2212, %add3A_2211 : vector<16xf32>
      %mul3A_2214 = arith.constant 0.693147182 : f32
      %mul3A_2215 = vector.broadcast %mul3A_2214 : f32 to vector<16xf32>
      %mul3A_2216 = arith.mulf %add3A_2213, %mul3A_2215 : vector<16xf32>
      %add3A_2217 = arith.addf %add3A_2083, %mul3A_2216 : vector<16xf32>
      %mul3A_2218 = arith.constant 21 : i32
      %mul3A_2219 = vector.broadcast %mul3A_2218 : i32 to vector<16xi32>
      %mul3A_2220 = arith.muli %iota3A, %mul3A_2219 : vector<16xi32>
      %add3A_2221 = arith.constant 15 : i32
      %add3A_2222 = vector.broadcast %add3A_2221 : i32 to vector<16xi32>
      %add3A_2223 = arith.addi %mul3A_2220, %add3A_2222 : vector<16xi32>
      %broadcast_in_dim3A_2224 = arith.constant 0 : i32
      %broadcast_in_dim3A_2225 = vector.broadcast %broadcast_in_dim3A_2224 : i32 to vector<16xi32>
      %gather3A_2226 = tpu.vector_load_idx %arg12[%add3A_2223, %broadcast_in_dim3A_2225] : memref<336x17xf32, #tpu.memory_space<vmem>>[vector<16xi32>, vector<16xi32>], vector<16xf32>,
      %broadcast_in_dim3A_2227 = arith.constant 1 : i32
      %broadcast_in_dim3A_2228 = vector.broadcast %broadcast_in_dim3A_2227 : i32 to vector<16xi32>
      %gather3A_2229 = tpu.vector_load_idx %arg12[%add3A_2223, %broadcast_in_dim3A_2228] : memref<336x17xf32, #tpu.memory_space<vmem>>[vector<16xi32>, vector<16xi32>], vector<16xf32>,
      %add3A_2230 = arith.addf %gather3A_2226, %gather3A_2229 : vector<16xf32>
      %broadcast_in_dim3A_2231 = arith.constant 2 : i32
      %broadcast_in_dim3A_2232 = vector.broadcast %broadcast_in_dim3A_2231 : i32 to vector<16xi32>
      %gather3A_2233 = tpu.vector_load_idx %arg12[%add3A_2223, %broadcast_in_dim3A_2232] : memref<336x17xf32, #tpu.memory_space<vmem>>[vector<16xi32>, vector<16xi32>], vector<16xf32>,
      %add3A_2234 = arith.addf %add3A_2230, %gather3A_2233 : vector<16xf32>
      %broadcast_in_dim3A_2235 = arith.constant 3 : i32
      %broadcast_in_dim3A_2236 = vector.broadcast %broadcast_in_dim3A_2235 : i32 to vector<16xi32>
      %gather3A_2237 = tpu.vector_load_idx %arg12[%add3A_2223, %broadcast_in_dim3A_2236] : memref<336x17xf32, #tpu.memory_space<vmem>>[vector<16xi32>, vector<16xi32>], vector<16xf32>,
      %add3A_2238 = arith.addf %add3A_2234, %gather3A_2237 : vector<16xf32>
      %broadcast_in_dim3A_2239 = arith.constant 4 : i32
      %broadcast_in_dim3A_2240 = vector.broadcast %broadcast_in_dim3A_2239 : i32 to vector<16xi32>
      %gather3A_2241 = tpu.vector_load_idx %arg12[%add3A_2223, %broadcast_in_dim3A_2240] : memref<336x17xf32, #tpu.memory_space<vmem>>[vector<16xi32>, vector<16xi32>], vector<16xf32>,
      %add3A_2242 = arith.addf %add3A_2238, %gather3A_2241 : vector<16xf32>
      %broadcast_in_dim3A_2243 = arith.constant 5 : i32
      %broadcast_in_dim3A_2244 = vector.broadcast %broadcast_in_dim3A_2243 : i32 to vector<16xi32>
      %gather3A_2245 = tpu.vector_load_idx %arg12[%add3A_2223, %broadcast_in_dim3A_2244] : memref<336x17xf32, #tpu.memory_space<vmem>>[vector<16xi32>, vector<16xi32>], vector<16xf32>,
      %add3A_2246 = arith.addf %add3A_2242, %gather3A_2245 : vector<16xf32>
      %broadcast_in_dim3A_2247 = arith.constant 6 : i32
      %broadcast_in_dim3A_2248 = vector.broadcast %broadcast_in_dim3A_2247 : i32 to vector<16xi32>
      %gather3A_2249 = tpu.vector_load_idx %arg12[%add3A_2223, %broadcast_in_dim3A_2248] : memref<336x17xf32, #tpu.memory_space<vmem>>[vector<16xi32>, vector<16xi32>], vector<16xf32>,
      %add3A_2250 = arith.addf %add3A_2246, %gather3A_2249 : vector<16xf32>
      %broadcast_in_dim3A_2251 = arith.constant 7 : i32
      %broadcast_in_dim3A_2252 = vector.broadcast %broadcast_in_dim3A_2251 : i32 to vector<16xi32>
      %gather3A_2253 = tpu.vector_load_idx %arg12[%add3A_2223, %broadcast_in_dim3A_2252] : memref<336x17xf32, #tpu.memory_space<vmem>>[vector<16xi32>, vector<16xi32>], vector<16xf32>,
      %add3A_2254 = arith.addf %add3A_2250, %gather3A_2253 : vector<16xf32>
      %broadcast_in_dim3A_2255 = arith.constant 8 : i32
      %broadcast_in_dim3A_2256 = vector.broadcast %broadcast_in_dim3A_2255 : i32 to vector<16xi32>
      %gather3A_2257 = tpu.vector_load_idx %arg12[%add3A_2223, %broadcast_in_dim3A_2256] : memref<336x17xf32, #tpu.memory_space<vmem>>[vector<16xi32>, vector<16xi32>], vector<16xf32>,
      %add3A_2258 = arith.addf %add3A_2254, %gather3A_2257 : vector<16xf32>
      %broadcast_in_dim3A_2259 = arith.constant 9 : i32
      %broadcast_in_dim3A_2260 = vector.broadcast %broadcast_in_dim3A_2259 : i32 to vector<16xi32>
      %gather3A_2261 = tpu.vector_load_idx %arg12[%add3A_2223, %broadcast_in_dim3A_2260] : memref<336x17xf32, #tpu.memory_space<vmem>>[vector<16xi32>, vector<16xi32>], vector<16xf32>,
      %add3A_2262 = arith.addf %add3A_2258, %gather3A_2261 : vector<16xf32>
      %broadcast_in_dim3A_2263 = arith.constant 10 : i32
      %broadcast_in_dim3A_2264 = vector.broadcast %broadcast_in_dim3A_2263 : i32 to vector<16xi32>
      %gather3A_2265 = tpu.vector_load_idx %arg12[%add3A_2223, %broadcast_in_dim3A_2264] : memref<336x17xf32, #tpu.memory_space<vmem>>[vector<16xi32>, vector<16xi32>], vector<16xf32>,
      %add3A_2266 = arith.addf %add3A_2262, %gather3A_2265 : vector<16xf32>
      %broadcast_in_dim3A_2267 = arith.constant 11 : i32
      %broadcast_in_dim3A_2268 = vector.broadcast %broadcast_in_dim3A_2267 : i32 to vector<16xi32>
      %gather3A_2269 = tpu.vector_load_idx %arg12[%add3A_2223, %broadcast_in_dim3A_2268] : memref<336x17xf32, #tpu.memory_space<vmem>>[vector<16xi32>, vector<16xi32>], vector<16xf32>,
      %add3A_2270 = arith.addf %add3A_2266, %gather3A_2269 : vector<16xf32>
      %broadcast_in_dim3A_2271 = arith.constant 12 : i32
      %broadcast_in_dim3A_2272 = vector.broadcast %broadcast_in_dim3A_2271 : i32 to vector<16xi32>
      %gather3A_2273 = tpu.vector_load_idx %arg12[%add3A_2223, %broadcast_in_dim3A_2272] : memref<336x17xf32, #tpu.memory_space<vmem>>[vector<16xi32>, vector<16xi32>], vector<16xf32>,
      %add3A_2274 = arith.addf %add3A_2270, %gather3A_2273 : vector<16xf32>
      %broadcast_in_dim3A_2275 = arith.constant 13 : i32
      %broadcast_in_dim3A_2276 = vector.broadcast %broadcast_in_dim3A_2275 : i32 to vector<16xi32>
      %gather3A_2277 = tpu.vector_load_idx %arg12[%add3A_2223, %broadcast_in_dim3A_2276] : memref<336x17xf32, #tpu.memory_space<vmem>>[vector<16xi32>, vector<16xi32>], vector<16xf32>,
      %add3A_2278 = arith.addf %add3A_2274, %gather3A_2277 : vector<16xf32>
      %broadcast_in_dim3A_2279 = arith.constant 14 : i32
      %broadcast_in_dim3A_2280 = vector.broadcast %broadcast_in_dim3A_2279 : i32 to vector<16xi32>
      %gather3A_2281 = tpu.vector_load_idx %arg12[%add3A_2223, %broadcast_in_dim3A_2280] : memref<336x17xf32, #tpu.memory_space<vmem>>[vector<16xi32>, vector<16xi32>], vector<16xf32>,
      %add3A_2282 = arith.addf %add3A_2278, %gather3A_2281 : vector<16xf32>
      %broadcast_in_dim3A_2283 = arith.constant 15 : i32
      %broadcast_in_dim3A_2284 = vector.broadcast %broadcast_in_dim3A_2283 : i32 to vector<16xi32>
      %gather3A_2285 = tpu.vector_load_idx %arg12[%add3A_2223, %broadcast_in_dim3A_2284] : memref<336x17xf32, #tpu.memory_space<vmem>>[vector<16xi32>, vector<16xi32>], vector<16xf32>,
      %add3A_2286 = arith.addf %add3A_2282, %gather3A_2285 : vector<16xf32>
      %neg3A_2287 = arith.constant 0.000000e+00 : f32
      %neg3A_2288 = vector.broadcast %neg3A_2287 : f32 to vector<16xf32>
      %neg3A_2289 = arith.subf %neg3A_2288, %add3A_2286 : vector<16xf32>
      %exp3A_2290 = math.exp %neg3A_2289 : vector<16xf32>
      %add3A_2291 = arith.constant 1.000000e+00 : f32
      %add3A_2292 = vector.broadcast %add3A_2291 : f32 to vector<16xf32>
      %add3A_2293 = arith.addf %add3A_2292, %exp3A_2290 : vector<16xf32>
      %div3A_2294 = arith.constant 1.000000e+00 : f32
      %div3A_2295 = vector.broadcast %div3A_2294 : f32 to vector<16xf32>
      %div3A_2296 = arith.divf %div3A_2295, %add3A_2293 : vector<16xf32>
      %sub3A_2297 = arith.constant 1.000000e+00 : f32
      %sub3A_2298 = vector.broadcast %sub3A_2297 : f32 to vector<16xf32>
      %sub3A_2299 = arith.subf %sub3A_2298, %div3A_2296 : vector<16xf32>
      %add3A_2300 = arith.constant 1.000000e-10 : f32
      %add3A_2301 = vector.broadcast %add3A_2300 : f32 to vector<16xf32>
      %add3A_2302 = arith.addf %sub3A_2299, %add3A_2301 : vector<16xf32>
      %bitcast3A_2303 = vector.bitcast %add3A_2302 : vector<16xf32> to vector<16xi32>
      %shift_right_arithmetic3A_2304 = arith.constant 23 : i32
      %shift_right_arithmetic3A_2305 = vector.broadcast %shift_right_arithmetic3A_2304 : i32 to vector<16xi32>
      %shift_right_arithmetic3A_2306 = arith.shrsi %bitcast3A_2303, %shift_right_arithmetic3A_2305 : vector<16xi32>
      %sub3A_2307 = arith.constant 127 : i32
      %sub3A_2308 = vector.broadcast %sub3A_2307 : i32 to vector<16xi32>
      %sub3A_2309 = arith.subi %shift_right_arithmetic3A_2306, %sub3A_2308 : vector<16xi32>
      %and3A_2310 = arith.constant 8388607 : i32
      %and3A_2311 = vector.broadcast %and3A_2310 : i32 to vector<16xi32>
      %and3A_2312 = arith.andi %bitcast3A_2303, %and3A_2311 : vector<16xi32>
      %or3A_2313 = arith.constant 1065353216 : i32
      %or3A_2314 = vector.broadcast %or3A_2313 : i32 to vector<16xi32>
      %or3A_2315 = arith.ori %and3A_2312, %or3A_2314 : vector<16xi32>
      %bitcast3A_2316 = vector.bitcast %or3A_2315 : vector<16xi32> to vector<16xf32>
      %sub3A_2317 = arith.constant 1.000000e+00 : f32
      %sub3A_2318 = vector.broadcast %sub3A_2317 : f32 to vector<16xf32>
      %sub3A_2319 = arith.subf %bitcast3A_2316, %sub3A_2318 : vector<16xf32>
      %broadcast_in_dim3A_2320 = arith.constant -0.0248259846 : f32
      %broadcast_in_dim3A_2321 = vector.broadcast %broadcast_in_dim3A_2320 : f32 to vector<16xf32>
      %mul3A_2322 = arith.mulf %broadcast_in_dim3A_2321, %sub3A_2319 : vector<16xf32>
      %add3A_2323 = arith.constant 0.117906861 : f32
      %add3A_2324 = vector.broadcast %add3A_2323 : f32 to vector<16xf32>
      %add3A_2325 = arith.addf %mul3A_2322, %add3A_2324 : vector<16xf32>
      %mul3A_2326 = arith.mulf %add3A_2325, %sub3A_2319 : vector<16xf32>
      %add3A_2327 = arith.constant -0.272355825 : f32
      %add3A_2328 = vector.broadcast %add3A_2327 : f32 to vector<16xf32>
      %add3A_2329 = arith.addf %mul3A_2326, %add3A_2328 : vector<16xf32>
      %mul3A_2330 = arith.mulf %add3A_2329, %sub3A_2319 : vector<16xf32>
      %add3A_2331 = arith.constant 0.453858197 : f32
      %add3A_2332 = vector.broadcast %add3A_2331 : f32 to vector<16xf32>
      %add3A_2333 = arith.addf %mul3A_2330, %add3A_2332 : vector<16xf32>
      %mul3A_2334 = arith.mulf %add3A_2333, %sub3A_2319 : vector<16xf32>
      %add3A_2335 = arith.constant -0.71698755 : f32
      %add3A_2336 = vector.broadcast %add3A_2335 : f32 to vector<16xf32>
      %add3A_2337 = arith.addf %mul3A_2334, %add3A_2336 : vector<16xf32>
      %mul3A_2338 = arith.mulf %add3A_2337, %sub3A_2319 : vector<16xf32>
      %add3A_2339 = arith.constant 1.44239557 : f32
      %add3A_2340 = vector.broadcast %add3A_2339 : f32 to vector<16xf32>
      %add3A_2341 = arith.addf %mul3A_2338, %add3A_2340 : vector<16xf32>
      %mul3A_2342 = arith.mulf %add3A_2341, %sub3A_2319 : vector<16xf32>
      %add3A_2343 = arith.constant 5.06032802E-6 : f32
      %add3A_2344 = vector.broadcast %add3A_2343 : f32 to vector<16xf32>
      %add3A_2345 = arith.addf %mul3A_2342, %add3A_2344 : vector<16xf32>
      %convert_element_type3A_2346 = arith.sitofp %sub3A_2309 : vector<16xi32> to vector<16xf32>
      %add3A_2347 = arith.addf %convert_element_type3A_2346, %add3A_2345 : vector<16xf32>
      %mul3A_2348 = arith.constant 0.693147182 : f32
      %mul3A_2349 = vector.broadcast %mul3A_2348 : f32 to vector<16xf32>
      %mul3A_2350 = arith.mulf %add3A_2347, %mul3A_2349 : vector<16xf32>
      %add3A_2351 = arith.addf %add3A_2217, %mul3A_2350 : vector<16xf32>
      %mul3A_2352 = arith.constant 21 : i32
      %mul3A_2353 = vector.broadcast %mul3A_2352 : i32 to vector<16xi32>
      %mul3A_2354 = arith.muli %iota3A, %mul3A_2353 : vector<16xi32>
      %add3A_2355 = arith.constant 16 : i32
      %add3A_2356 = vector.broadcast %add3A_2355 : i32 to vector<16xi32>
      %add3A_2357 = arith.addi %mul3A_2354, %add3A_2356 : vector<16xi32>
      %broadcast_in_dim3A_2358 = arith.constant 0 : i32
      %broadcast_in_dim3A_2359 = vector.broadcast %broadcast_in_dim3A_2358 : i32 to vector<16xi32>
      %gather3A_2360 = tpu.vector_load_idx %arg12[%add3A_2357, %broadcast_in_dim3A_2359] : memref<336x17xf32, #tpu.memory_space<vmem>>[vector<16xi32>, vector<16xi32>], vector<16xf32>,
      %broadcast_in_dim3A_2361 = arith.constant 1 : i32
      %broadcast_in_dim3A_2362 = vector.broadcast %broadcast_in_dim3A_2361 : i32 to vector<16xi32>
      %gather3A_2363 = tpu.vector_load_idx %arg12[%add3A_2357, %broadcast_in_dim3A_2362] : memref<336x17xf32, #tpu.memory_space<vmem>>[vector<16xi32>, vector<16xi32>], vector<16xf32>,
      %add3A_2364 = arith.addf %gather3A_2360, %gather3A_2363 : vector<16xf32>
      %broadcast_in_dim3A_2365 = arith.constant 2 : i32
      %broadcast_in_dim3A_2366 = vector.broadcast %broadcast_in_dim3A_2365 : i32 to vector<16xi32>
      %gather3A_2367 = tpu.vector_load_idx %arg12[%add3A_2357, %broadcast_in_dim3A_2366] : memref<336x17xf32, #tpu.memory_space<vmem>>[vector<16xi32>, vector<16xi32>], vector<16xf32>,
      %add3A_2368 = arith.addf %add3A_2364, %gather3A_2367 : vector<16xf32>
      %broadcast_in_dim3A_2369 = arith.constant 3 : i32
      %broadcast_in_dim3A_2370 = vector.broadcast %broadcast_in_dim3A_2369 : i32 to vector<16xi32>
      %gather3A_2371 = tpu.vector_load_idx %arg12[%add3A_2357, %broadcast_in_dim3A_2370] : memref<336x17xf32, #tpu.memory_space<vmem>>[vector<16xi32>, vector<16xi32>], vector<16xf32>,
      %add3A_2372 = arith.addf %add3A_2368, %gather3A_2371 : vector<16xf32>
      %broadcast_in_dim3A_2373 = arith.constant 4 : i32
      %broadcast_in_dim3A_2374 = vector.broadcast %broadcast_in_dim3A_2373 : i32 to vector<16xi32>
      %gather3A_2375 = tpu.vector_load_idx %arg12[%add3A_2357, %broadcast_in_dim3A_2374] : memref<336x17xf32, #tpu.memory_space<vmem>>[vector<16xi32>, vector<16xi32>], vector<16xf32>,
      %add3A_2376 = arith.addf %add3A_2372, %gather3A_2375 : vector<16xf32>
      %broadcast_in_dim3A_2377 = arith.constant 5 : i32
      %broadcast_in_dim3A_2378 = vector.broadcast %broadcast_in_dim3A_2377 : i32 to vector<16xi32>
      %gather3A_2379 = tpu.vector_load_idx %arg12[%add3A_2357, %broadcast_in_dim3A_2378] : memref<336x17xf32, #tpu.memory_space<vmem>>[vector<16xi32>, vector<16xi32>], vector<16xf32>,
      %add3A_2380 = arith.addf %add3A_2376, %gather3A_2379 : vector<16xf32>
      %broadcast_in_dim3A_2381 = arith.constant 6 : i32
      %broadcast_in_dim3A_2382 = vector.broadcast %broadcast_in_dim3A_2381 : i32 to vector<16xi32>
      %gather3A_2383 = tpu.vector_load_idx %arg12[%add3A_2357, %broadcast_in_dim3A_2382] : memref<336x17xf32, #tpu.memory_space<vmem>>[vector<16xi32>, vector<16xi32>], vector<16xf32>,
      %add3A_2384 = arith.addf %add3A_2380, %gather3A_2383 : vector<16xf32>
      %broadcast_in_dim3A_2385 = arith.constant 7 : i32
      %broadcast_in_dim3A_2386 = vector.broadcast %broadcast_in_dim3A_2385 : i32 to vector<16xi32>
      %gather3A_2387 = tpu.vector_load_idx %arg12[%add3A_2357, %broadcast_in_dim3A_2386] : memref<336x17xf32, #tpu.memory_space<vmem>>[vector<16xi32>, vector<16xi32>], vector<16xf32>,
      %add3A_2388 = arith.addf %add3A_2384, %gather3A_2387 : vector<16xf32>
      %broadcast_in_dim3A_2389 = arith.constant 8 : i32
      %broadcast_in_dim3A_2390 = vector.broadcast %broadcast_in_dim3A_2389 : i32 to vector<16xi32>
      %gather3A_2391 = tpu.vector_load_idx %arg12[%add3A_2357, %broadcast_in_dim3A_2390] : memref<336x17xf32, #tpu.memory_space<vmem>>[vector<16xi32>, vector<16xi32>], vector<16xf32>,
      %add3A_2392 = arith.addf %add3A_2388, %gather3A_2391 : vector<16xf32>
      %broadcast_in_dim3A_2393 = arith.constant 9 : i32
      %broadcast_in_dim3A_2394 = vector.broadcast %broadcast_in_dim3A_2393 : i32 to vector<16xi32>
      %gather3A_2395 = tpu.vector_load_idx %arg12[%add3A_2357, %broadcast_in_dim3A_2394] : memref<336x17xf32, #tpu.memory_space<vmem>>[vector<16xi32>, vector<16xi32>], vector<16xf32>,
      %add3A_2396 = arith.addf %add3A_2392, %gather3A_2395 : vector<16xf32>
      %broadcast_in_dim3A_2397 = arith.constant 10 : i32
      %broadcast_in_dim3A_2398 = vector.broadcast %broadcast_in_dim3A_2397 : i32 to vector<16xi32>
      %gather3A_2399 = tpu.vector_load_idx %arg12[%add3A_2357, %broadcast_in_dim3A_2398] : memref<336x17xf32, #tpu.memory_space<vmem>>[vector<16xi32>, vector<16xi32>], vector<16xf32>,
      %add3A_2400 = arith.addf %add3A_2396, %gather3A_2399 : vector<16xf32>
      %broadcast_in_dim3A_2401 = arith.constant 11 : i32
      %broadcast_in_dim3A_2402 = vector.broadcast %broadcast_in_dim3A_2401 : i32 to vector<16xi32>
      %gather3A_2403 = tpu.vector_load_idx %arg12[%add3A_2357, %broadcast_in_dim3A_2402] : memref<336x17xf32, #tpu.memory_space<vmem>>[vector<16xi32>, vector<16xi32>], vector<16xf32>,
      %add3A_2404 = arith.addf %add3A_2400, %gather3A_2403 : vector<16xf32>
      %broadcast_in_dim3A_2405 = arith.constant 12 : i32
      %broadcast_in_dim3A_2406 = vector.broadcast %broadcast_in_dim3A_2405 : i32 to vector<16xi32>
      %gather3A_2407 = tpu.vector_load_idx %arg12[%add3A_2357, %broadcast_in_dim3A_2406] : memref<336x17xf32, #tpu.memory_space<vmem>>[vector<16xi32>, vector<16xi32>], vector<16xf32>,
      %add3A_2408 = arith.addf %add3A_2404, %gather3A_2407 : vector<16xf32>
      %broadcast_in_dim3A_2409 = arith.constant 13 : i32
      %broadcast_in_dim3A_2410 = vector.broadcast %broadcast_in_dim3A_2409 : i32 to vector<16xi32>
      %gather3A_2411 = tpu.vector_load_idx %arg12[%add3A_2357, %broadcast_in_dim3A_2410] : memref<336x17xf32, #tpu.memory_space<vmem>>[vector<16xi32>, vector<16xi32>], vector<16xf32>,
      %add3A_2412 = arith.addf %add3A_2408, %gather3A_2411 : vector<16xf32>
      %broadcast_in_dim3A_2413 = arith.constant 14 : i32
      %broadcast_in_dim3A_2414 = vector.broadcast %broadcast_in_dim3A_2413 : i32 to vector<16xi32>
      %gather3A_2415 = tpu.vector_load_idx %arg12[%add3A_2357, %broadcast_in_dim3A_2414] : memref<336x17xf32, #tpu.memory_space<vmem>>[vector<16xi32>, vector<16xi32>], vector<16xf32>,
      %add3A_2416 = arith.addf %add3A_2412, %gather3A_2415 : vector<16xf32>
      %broadcast_in_dim3A_2417 = arith.constant 15 : i32
      %broadcast_in_dim3A_2418 = vector.broadcast %broadcast_in_dim3A_2417 : i32 to vector<16xi32>
      %gather3A_2419 = tpu.vector_load_idx %arg12[%add3A_2357, %broadcast_in_dim3A_2418] : memref<336x17xf32, #tpu.memory_space<vmem>>[vector<16xi32>, vector<16xi32>], vector<16xf32>,
      %add3A_2420 = arith.addf %add3A_2416, %gather3A_2419 : vector<16xf32>
      %neg3A_2421 = arith.constant 0.000000e+00 : f32
      %neg3A_2422 = vector.broadcast %neg3A_2421 : f32 to vector<16xf32>
      %neg3A_2423 = arith.subf %neg3A_2422, %add3A_2420 : vector<16xf32>
      %exp3A_2424 = math.exp %neg3A_2423 : vector<16xf32>
      %add3A_2425 = arith.constant 1.000000e+00 : f32
      %add3A_2426 = vector.broadcast %add3A_2425 : f32 to vector<16xf32>
      %add3A_2427 = arith.addf %add3A_2426, %exp3A_2424 : vector<16xf32>
      %div3A_2428 = arith.constant 1.000000e+00 : f32
      %div3A_2429 = vector.broadcast %div3A_2428 : f32 to vector<16xf32>
      %div3A_2430 = arith.divf %div3A_2429, %add3A_2427 : vector<16xf32>
      %sub3A_2431 = arith.constant 1.000000e+00 : f32
      %sub3A_2432 = vector.broadcast %sub3A_2431 : f32 to vector<16xf32>
      %sub3A_2433 = arith.subf %sub3A_2432, %div3A_2430 : vector<16xf32>
      %add3A_2434 = arith.constant 1.000000e-10 : f32
      %add3A_2435 = vector.broadcast %add3A_2434 : f32 to vector<16xf32>
      %add3A_2436 = arith.addf %sub3A_2433, %add3A_2435 : vector<16xf32>
      %bitcast3A_2437 = vector.bitcast %add3A_2436 : vector<16xf32> to vector<16xi32>
      %shift_right_arithmetic3A_2438 = arith.constant 23 : i32
      %shift_right_arithmetic3A_2439 = vector.broadcast %shift_right_arithmetic3A_2438 : i32 to vector<16xi32>
      %shift_right_arithmetic3A_2440 = arith.shrsi %bitcast3A_2437, %shift_right_arithmetic3A_2439 : vector<16xi32>
      %sub3A_2441 = arith.constant 127 : i32
      %sub3A_2442 = vector.broadcast %sub3A_2441 : i32 to vector<16xi32>
      %sub3A_2443 = arith.subi %shift_right_arithmetic3A_2440, %sub3A_2442 : vector<16xi32>
      %and3A_2444 = arith.constant 8388607 : i32
      %and3A_2445 = vector.broadcast %and3A_2444 : i32 to vector<16xi32>
      %and3A_2446 = arith.andi %bitcast3A_2437, %and3A_2445 : vector<16xi32>
      %or3A_2447 = arith.constant 1065353216 : i32
      %or3A_2448 = vector.broadcast %or3A_2447 : i32 to vector<16xi32>
      %or3A_2449 = arith.ori %and3A_2446, %or3A_2448 : vector<16xi32>
      %bitcast3A_2450 = vector.bitcast %or3A_2449 : vector<16xi32> to vector<16xf32>
      %sub3A_2451 = arith.constant 1.000000e+00 : f32
      %sub3A_2452 = vector.broadcast %sub3A_2451 : f32 to vector<16xf32>
      %sub3A_2453 = arith.subf %bitcast3A_2450, %sub3A_2452 : vector<16xf32>
      %broadcast_in_dim3A_2454 = arith.constant -0.0248259846 : f32
      %broadcast_in_dim3A_2455 = vector.broadcast %broadcast_in_dim3A_2454 : f32 to vector<16xf32>
      %mul3A_2456 = arith.mulf %broadcast_in_dim3A_2455, %sub3A_2453 : vector<16xf32>
      %add3A_2457 = arith.constant 0.117906861 : f32
      %add3A_2458 = vector.broadcast %add3A_2457 : f32 to vector<16xf32>
      %add3A_2459 = arith.addf %mul3A_2456, %add3A_2458 : vector<16xf32>
      %mul3A_2460 = arith.mulf %add3A_2459, %sub3A_2453 : vector<16xf32>
      %add3A_2461 = arith.constant -0.272355825 : f32
      %add3A_2462 = vector.broadcast %add3A_2461 : f32 to vector<16xf32>
      %add3A_2463 = arith.addf %mul3A_2460, %add3A_2462 : vector<16xf32>
      %mul3A_2464 = arith.mulf %add3A_2463, %sub3A_2453 : vector<16xf32>
      %add3A_2465 = arith.constant 0.453858197 : f32
      %add3A_2466 = vector.broadcast %add3A_2465 : f32 to vector<16xf32>
      %add3A_2467 = arith.addf %mul3A_2464, %add3A_2466 : vector<16xf32>
      %mul3A_2468 = arith.mulf %add3A_2467, %sub3A_2453 : vector<16xf32>
      %add3A_2469 = arith.constant -0.71698755 : f32
      %add3A_2470 = vector.broadcast %add3A_2469 : f32 to vector<16xf32>
      %add3A_2471 = arith.addf %mul3A_2468, %add3A_2470 : vector<16xf32>
      %mul3A_2472 = arith.mulf %add3A_2471, %sub3A_2453 : vector<16xf32>
      %add3A_2473 = arith.constant 1.44239557 : f32
      %add3A_2474 = vector.broadcast %add3A_2473 : f32 to vector<16xf32>
      %add3A_2475 = arith.addf %mul3A_2472, %add3A_2474 : vector<16xf32>
      %mul3A_2476 = arith.mulf %add3A_2475, %sub3A_2453 : vector<16xf32>
      %add3A_2477 = arith.constant 5.06032802E-6 : f32
      %add3A_2478 = vector.broadcast %add3A_2477 : f32 to vector<16xf32>
      %add3A_2479 = arith.addf %mul3A_2476, %add3A_2478 : vector<16xf32>
      %convert_element_type3A_2480 = arith.sitofp %sub3A_2443 : vector<16xi32> to vector<16xf32>
      %add3A_2481 = arith.addf %convert_element_type3A_2480, %add3A_2479 : vector<16xf32>
      %mul3A_2482 = arith.constant 0.693147182 : f32
      %mul3A_2483 = vector.broadcast %mul3A_2482 : f32 to vector<16xf32>
      %mul3A_2484 = arith.mulf %add3A_2481, %mul3A_2483 : vector<16xf32>
      %add3A_2485 = arith.addf %add3A_2351, %mul3A_2484 : vector<16xf32>
      %mul3A_2486 = arith.constant 21 : i32
      %mul3A_2487 = vector.broadcast %mul3A_2486 : i32 to vector<16xi32>
      %mul3A_2488 = arith.muli %iota3A, %mul3A_2487 : vector<16xi32>
      %add3A_2489 = arith.constant 17 : i32
      %add3A_2490 = vector.broadcast %add3A_2489 : i32 to vector<16xi32>
      %add3A_2491 = arith.addi %mul3A_2488, %add3A_2490 : vector<16xi32>
      %broadcast_in_dim3A_2492 = arith.constant 0 : i32
      %broadcast_in_dim3A_2493 = vector.broadcast %broadcast_in_dim3A_2492 : i32 to vector<16xi32>
      %gather3A_2494 = tpu.vector_load_idx %arg12[%add3A_2491, %broadcast_in_dim3A_2493] : memref<336x17xf32, #tpu.memory_space<vmem>>[vector<16xi32>, vector<16xi32>], vector<16xf32>,
      %broadcast_in_dim3A_2495 = arith.constant 1 : i32
      %broadcast_in_dim3A_2496 = vector.broadcast %broadcast_in_dim3A_2495 : i32 to vector<16xi32>
      %gather3A_2497 = tpu.vector_load_idx %arg12[%add3A_2491, %broadcast_in_dim3A_2496] : memref<336x17xf32, #tpu.memory_space<vmem>>[vector<16xi32>, vector<16xi32>], vector<16xf32>,
      %add3A_2498 = arith.addf %gather3A_2494, %gather3A_2497 : vector<16xf32>
      %broadcast_in_dim3A_2499 = arith.constant 2 : i32
      %broadcast_in_dim3A_2500 = vector.broadcast %broadcast_in_dim3A_2499 : i32 to vector<16xi32>
      %gather3A_2501 = tpu.vector_load_idx %arg12[%add3A_2491, %broadcast_in_dim3A_2500] : memref<336x17xf32, #tpu.memory_space<vmem>>[vector<16xi32>, vector<16xi32>], vector<16xf32>,
      %add3A_2502 = arith.addf %add3A_2498, %gather3A_2501 : vector<16xf32>
      %broadcast_in_dim3A_2503 = arith.constant 3 : i32
      %broadcast_in_dim3A_2504 = vector.broadcast %broadcast_in_dim3A_2503 : i32 to vector<16xi32>
      %gather3A_2505 = tpu.vector_load_idx %arg12[%add3A_2491, %broadcast_in_dim3A_2504] : memref<336x17xf32, #tpu.memory_space<vmem>>[vector<16xi32>, vector<16xi32>], vector<16xf32>,
      %add3A_2506 = arith.addf %add3A_2502, %gather3A_2505 : vector<16xf32>
      %broadcast_in_dim3A_2507 = arith.constant 4 : i32
      %broadcast_in_dim3A_2508 = vector.broadcast %broadcast_in_dim3A_2507 : i32 to vector<16xi32>
      %gather3A_2509 = tpu.vector_load_idx %arg12[%add3A_2491, %broadcast_in_dim3A_2508] : memref<336x17xf32, #tpu.memory_space<vmem>>[vector<16xi32>, vector<16xi32>], vector<16xf32>,
      %add3A_2510 = arith.addf %add3A_2506, %gather3A_2509 : vector<16xf32>
      %broadcast_in_dim3A_2511 = arith.constant 5 : i32
      %broadcast_in_dim3A_2512 = vector.broadcast %broadcast_in_dim3A_2511 : i32 to vector<16xi32>
      %gather3A_2513 = tpu.vector_load_idx %arg12[%add3A_2491, %broadcast_in_dim3A_2512] : memref<336x17xf32, #tpu.memory_space<vmem>>[vector<16xi32>, vector<16xi32>], vector<16xf32>,
      %add3A_2514 = arith.addf %add3A_2510, %gather3A_2513 : vector<16xf32>
      %broadcast_in_dim3A_2515 = arith.constant 6 : i32
      %broadcast_in_dim3A_2516 = vector.broadcast %broadcast_in_dim3A_2515 : i32 to vector<16xi32>
      %gather3A_2517 = tpu.vector_load_idx %arg12[%add3A_2491, %broadcast_in_dim3A_2516] : memref<336x17xf32, #tpu.memory_space<vmem>>[vector<16xi32>, vector<16xi32>], vector<16xf32>,
      %add3A_2518 = arith.addf %add3A_2514, %gather3A_2517 : vector<16xf32>
      %broadcast_in_dim3A_2519 = arith.constant 7 : i32
      %broadcast_in_dim3A_2520 = vector.broadcast %broadcast_in_dim3A_2519 : i32 to vector<16xi32>
      %gather3A_2521 = tpu.vector_load_idx %arg12[%add3A_2491, %broadcast_in_dim3A_2520] : memref<336x17xf32, #tpu.memory_space<vmem>>[vector<16xi32>, vector<16xi32>], vector<16xf32>,
      %add3A_2522 = arith.addf %add3A_2518, %gather3A_2521 : vector<16xf32>
      %broadcast_in_dim3A_2523 = arith.constant 8 : i32
      %broadcast_in_dim3A_2524 = vector.broadcast %broadcast_in_dim3A_2523 : i32 to vector<16xi32>
      %gather3A_2525 = tpu.vector_load_idx %arg12[%add3A_2491, %broadcast_in_dim3A_2524] : memref<336x17xf32, #tpu.memory_space<vmem>>[vector<16xi32>, vector<16xi32>], vector<16xf32>,
      %add3A_2526 = arith.addf %add3A_2522, %gather3A_2525 : vector<16xf32>
      %broadcast_in_dim3A_2527 = arith.constant 9 : i32
      %broadcast_in_dim3A_2528 = vector.broadcast %broadcast_in_dim3A_2527 : i32 to vector<16xi32>
      %gather3A_2529 = tpu.vector_load_idx %arg12[%add3A_2491, %broadcast_in_dim3A_2528] : memref<336x17xf32, #tpu.memory_space<vmem>>[vector<16xi32>, vector<16xi32>], vector<16xf32>,
      %add3A_2530 = arith.addf %add3A_2526, %gather3A_2529 : vector<16xf32>
      %broadcast_in_dim3A_2531 = arith.constant 10 : i32
      %broadcast_in_dim3A_2532 = vector.broadcast %broadcast_in_dim3A_2531 : i32 to vector<16xi32>
      %gather3A_2533 = tpu.vector_load_idx %arg12[%add3A_2491, %broadcast_in_dim3A_2532] : memref<336x17xf32, #tpu.memory_space<vmem>>[vector<16xi32>, vector<16xi32>], vector<16xf32>,
      %add3A_2534 = arith.addf %add3A_2530, %gather3A_2533 : vector<16xf32>
      %broadcast_in_dim3A_2535 = arith.constant 11 : i32
      %broadcast_in_dim3A_2536 = vector.broadcast %broadcast_in_dim3A_2535 : i32 to vector<16xi32>
      %gather3A_2537 = tpu.vector_load_idx %arg12[%add3A_2491, %broadcast_in_dim3A_2536] : memref<336x17xf32, #tpu.memory_space<vmem>>[vector<16xi32>, vector<16xi32>], vector<16xf32>,
      %add3A_2538 = arith.addf %add3A_2534, %gather3A_2537 : vector<16xf32>
      %broadcast_in_dim3A_2539 = arith.constant 12 : i32
      %broadcast_in_dim3A_2540 = vector.broadcast %broadcast_in_dim3A_2539 : i32 to vector<16xi32>
      %gather3A_2541 = tpu.vector_load_idx %arg12[%add3A_2491, %broadcast_in_dim3A_2540] : memref<336x17xf32, #tpu.memory_space<vmem>>[vector<16xi32>, vector<16xi32>], vector<16xf32>,
      %add3A_2542 = arith.addf %add3A_2538, %gather3A_2541 : vector<16xf32>
      %broadcast_in_dim3A_2543 = arith.constant 13 : i32
      %broadcast_in_dim3A_2544 = vector.broadcast %broadcast_in_dim3A_2543 : i32 to vector<16xi32>
      %gather3A_2545 = tpu.vector_load_idx %arg12[%add3A_2491, %broadcast_in_dim3A_2544] : memref<336x17xf32, #tpu.memory_space<vmem>>[vector<16xi32>, vector<16xi32>], vector<16xf32>,
      %add3A_2546 = arith.addf %add3A_2542, %gather3A_2545 : vector<16xf32>
      %broadcast_in_dim3A_2547 = arith.constant 14 : i32
      %broadcast_in_dim3A_2548 = vector.broadcast %broadcast_in_dim3A_2547 : i32 to vector<16xi32>
      %gather3A_2549 = tpu.vector_load_idx %arg12[%add3A_2491, %broadcast_in_dim3A_2548] : memref<336x17xf32, #tpu.memory_space<vmem>>[vector<16xi32>, vector<16xi32>], vector<16xf32>,
      %add3A_2550 = arith.addf %add3A_2546, %gather3A_2549 : vector<16xf32>
      %broadcast_in_dim3A_2551 = arith.constant 15 : i32
      %broadcast_in_dim3A_2552 = vector.broadcast %broadcast_in_dim3A_2551 : i32 to vector<16xi32>
      %gather3A_2553 = tpu.vector_load_idx %arg12[%add3A_2491, %broadcast_in_dim3A_2552] : memref<336x17xf32, #tpu.memory_space<vmem>>[vector<16xi32>, vector<16xi32>], vector<16xf32>,
      %add3A_2554 = arith.addf %add3A_2550, %gather3A_2553 : vector<16xf32>
      %neg3A_2555 = arith.constant 0.000000e+00 : f32
      %neg3A_2556 = vector.broadcast %neg3A_2555 : f32 to vector<16xf32>
      %neg3A_2557 = arith.subf %neg3A_2556, %add3A_2554 : vector<16xf32>
      %exp3A_2558 = math.exp %neg3A_2557 : vector<16xf32>
      %add3A_2559 = arith.constant 1.000000e+00 : f32
      %add3A_2560 = vector.broadcast %add3A_2559 : f32 to vector<16xf32>
      %add3A_2561 = arith.addf %add3A_2560, %exp3A_2558 : vector<16xf32>
      %div3A_2562 = arith.constant 1.000000e+00 : f32
      %div3A_2563 = vector.broadcast %div3A_2562 : f32 to vector<16xf32>
      %div3A_2564 = arith.divf %div3A_2563, %add3A_2561 : vector<16xf32>
      %sub3A_2565 = arith.constant 1.000000e+00 : f32
      %sub3A_2566 = vector.broadcast %sub3A_2565 : f32 to vector<16xf32>
      %sub3A_2567 = arith.subf %sub3A_2566, %div3A_2564 : vector<16xf32>
      %add3A_2568 = arith.constant 1.000000e-10 : f32
      %add3A_2569 = vector.broadcast %add3A_2568 : f32 to vector<16xf32>
      %add3A_2570 = arith.addf %sub3A_2567, %add3A_2569 : vector<16xf32>
      %bitcast3A_2571 = vector.bitcast %add3A_2570 : vector<16xf32> to vector<16xi32>
      %shift_right_arithmetic3A_2572 = arith.constant 23 : i32
      %shift_right_arithmetic3A_2573 = vector.broadcast %shift_right_arithmetic3A_2572 : i32 to vector<16xi32>
      %shift_right_arithmetic3A_2574 = arith.shrsi %bitcast3A_2571, %shift_right_arithmetic3A_2573 : vector<16xi32>
      %sub3A_2575 = arith.constant 127 : i32
      %sub3A_2576 = vector.broadcast %sub3A_2575 : i32 to vector<16xi32>
      %sub3A_2577 = arith.subi %shift_right_arithmetic3A_2574, %sub3A_2576 : vector<16xi32>
      %and3A_2578 = arith.constant 8388607 : i32
      %and3A_2579 = vector.broadcast %and3A_2578 : i32 to vector<16xi32>
      %and3A_2580 = arith.andi %bitcast3A_2571, %and3A_2579 : vector<16xi32>
      %or3A_2581 = arith.constant 1065353216 : i32
      %or3A_2582 = vector.broadcast %or3A_2581 : i32 to vector<16xi32>
      %or3A_2583 = arith.ori %and3A_2580, %or3A_2582 : vector<16xi32>
      %bitcast3A_2584 = vector.bitcast %or3A_2583 : vector<16xi32> to vector<16xf32>
      %sub3A_2585 = arith.constant 1.000000e+00 : f32
      %sub3A_2586 = vector.broadcast %sub3A_2585 : f32 to vector<16xf32>
      %sub3A_2587 = arith.subf %bitcast3A_2584, %sub3A_2586 : vector<16xf32>
      %broadcast_in_dim3A_2588 = arith.constant -0.0248259846 : f32
      %broadcast_in_dim3A_2589 = vector.broadcast %broadcast_in_dim3A_2588 : f32 to vector<16xf32>
      %mul3A_2590 = arith.mulf %broadcast_in_dim3A_2589, %sub3A_2587 : vector<16xf32>
      %add3A_2591 = arith.constant 0.117906861 : f32
      %add3A_2592 = vector.broadcast %add3A_2591 : f32 to vector<16xf32>
      %add3A_2593 = arith.addf %mul3A_2590, %add3A_2592 : vector<16xf32>
      %mul3A_2594 = arith.mulf %add3A_2593, %sub3A_2587 : vector<16xf32>
      %add3A_2595 = arith.constant -0.272355825 : f32
      %add3A_2596 = vector.broadcast %add3A_2595 : f32 to vector<16xf32>
      %add3A_2597 = arith.addf %mul3A_2594, %add3A_2596 : vector<16xf32>
      %mul3A_2598 = arith.mulf %add3A_2597, %sub3A_2587 : vector<16xf32>
      %add3A_2599 = arith.constant 0.453858197 : f32
      %add3A_2600 = vector.broadcast %add3A_2599 : f32 to vector<16xf32>
      %add3A_2601 = arith.addf %mul3A_2598, %add3A_2600 : vector<16xf32>
      %mul3A_2602 = arith.mulf %add3A_2601, %sub3A_2587 : vector<16xf32>
      %add3A_2603 = arith.constant -0.71698755 : f32
      %add3A_2604 = vector.broadcast %add3A_2603 : f32 to vector<16xf32>
      %add3A_2605 = arith.addf %mul3A_2602, %add3A_2604 : vector<16xf32>
      %mul3A_2606 = arith.mulf %add3A_2605, %sub3A_2587 : vector<16xf32>
      %add3A_2607 = arith.constant 1.44239557 : f32
      %add3A_2608 = vector.broadcast %add3A_2607 : f32 to vector<16xf32>
      %add3A_2609 = arith.addf %mul3A_2606, %add3A_2608 : vector<16xf32>
      %mul3A_2610 = arith.mulf %add3A_2609, %sub3A_2587 : vector<16xf32>
      %add3A_2611 = arith.constant 5.06032802E-6 : f32
      %add3A_2612 = vector.broadcast %add3A_2611 : f32 to vector<16xf32>
      %add3A_2613 = arith.addf %mul3A_2610, %add3A_2612 : vector<16xf32>
      %convert_element_type3A_2614 = arith.sitofp %sub3A_2577 : vector<16xi32> to vector<16xf32>
      %add3A_2615 = arith.addf %convert_element_type3A_2614, %add3A_2613 : vector<16xf32>
      %mul3A_2616 = arith.constant 0.693147182 : f32
      %mul3A_2617 = vector.broadcast %mul3A_2616 : f32 to vector<16xf32>
      %mul3A_2618 = arith.mulf %add3A_2615, %mul3A_2617 : vector<16xf32>
      %add3A_2619 = arith.addf %add3A_2485, %mul3A_2618 : vector<16xf32>
      %mul3A_2620 = arith.constant 21 : i32
      %mul3A_2621 = vector.broadcast %mul3A_2620 : i32 to vector<16xi32>
      %mul3A_2622 = arith.muli %iota3A, %mul3A_2621 : vector<16xi32>
      %add3A_2623 = arith.constant 18 : i32
      %add3A_2624 = vector.broadcast %add3A_2623 : i32 to vector<16xi32>
      %add3A_2625 = arith.addi %mul3A_2622, %add3A_2624 : vector<16xi32>
      %broadcast_in_dim3A_2626 = arith.constant 0 : i32
      %broadcast_in_dim3A_2627 = vector.broadcast %broadcast_in_dim3A_2626 : i32 to vector<16xi32>
      %gather3A_2628 = tpu.vector_load_idx %arg12[%add3A_2625, %broadcast_in_dim3A_2627] : memref<336x17xf32, #tpu.memory_space<vmem>>[vector<16xi32>, vector<16xi32>], vector<16xf32>,
      %broadcast_in_dim3A_2629 = arith.constant 1 : i32
      %broadcast_in_dim3A_2630 = vector.broadcast %broadcast_in_dim3A_2629 : i32 to vector<16xi32>
      %gather3A_2631 = tpu.vector_load_idx %arg12[%add3A_2625, %broadcast_in_dim3A_2630] : memref<336x17xf32, #tpu.memory_space<vmem>>[vector<16xi32>, vector<16xi32>], vector<16xf32>,
      %add3A_2632 = arith.addf %gather3A_2628, %gather3A_2631 : vector<16xf32>
      %broadcast_in_dim3A_2633 = arith.constant 2 : i32
      %broadcast_in_dim3A_2634 = vector.broadcast %broadcast_in_dim3A_2633 : i32 to vector<16xi32>
      %gather3A_2635 = tpu.vector_load_idx %arg12[%add3A_2625, %broadcast_in_dim3A_2634] : memref<336x17xf32, #tpu.memory_space<vmem>>[vector<16xi32>, vector<16xi32>], vector<16xf32>,
      %add3A_2636 = arith.addf %add3A_2632, %gather3A_2635 : vector<16xf32>
      %broadcast_in_dim3A_2637 = arith.constant 3 : i32
      %broadcast_in_dim3A_2638 = vector.broadcast %broadcast_in_dim3A_2637 : i32 to vector<16xi32>
      %gather3A_2639 = tpu.vector_load_idx %arg12[%add3A_2625, %broadcast_in_dim3A_2638] : memref<336x17xf32, #tpu.memory_space<vmem>>[vector<16xi32>, vector<16xi32>], vector<16xf32>,
      %add3A_2640 = arith.addf %add3A_2636, %gather3A_2639 : vector<16xf32>
      %broadcast_in_dim3A_2641 = arith.constant 4 : i32
      %broadcast_in_dim3A_2642 = vector.broadcast %broadcast_in_dim3A_2641 : i32 to vector<16xi32>
      %gather3A_2643 = tpu.vector_load_idx %arg12[%add3A_2625, %broadcast_in_dim3A_2642] : memref<336x17xf32, #tpu.memory_space<vmem>>[vector<16xi32>, vector<16xi32>], vector<16xf32>,
      %add3A_2644 = arith.addf %add3A_2640, %gather3A_2643 : vector<16xf32>
      %broadcast_in_dim3A_2645 = arith.constant 5 : i32
      %broadcast_in_dim3A_2646 = vector.broadcast %broadcast_in_dim3A_2645 : i32 to vector<16xi32>
      %gather3A_2647 = tpu.vector_load_idx %arg12[%add3A_2625, %broadcast_in_dim3A_2646] : memref<336x17xf32, #tpu.memory_space<vmem>>[vector<16xi32>, vector<16xi32>], vector<16xf32>,
      %add3A_2648 = arith.addf %add3A_2644, %gather3A_2647 : vector<16xf32>
      %broadcast_in_dim3A_2649 = arith.constant 6 : i32
      %broadcast_in_dim3A_2650 = vector.broadcast %broadcast_in_dim3A_2649 : i32 to vector<16xi32>
      %gather3A_2651 = tpu.vector_load_idx %arg12[%add3A_2625, %broadcast_in_dim3A_2650] : memref<336x17xf32, #tpu.memory_space<vmem>>[vector<16xi32>, vector<16xi32>], vector<16xf32>,
      %add3A_2652 = arith.addf %add3A_2648, %gather3A_2651 : vector<16xf32>
      %broadcast_in_dim3A_2653 = arith.constant 7 : i32
      %broadcast_in_dim3A_2654 = vector.broadcast %broadcast_in_dim3A_2653 : i32 to vector<16xi32>
      %gather3A_2655 = tpu.vector_load_idx %arg12[%add3A_2625, %broadcast_in_dim3A_2654] : memref<336x17xf32, #tpu.memory_space<vmem>>[vector<16xi32>, vector<16xi32>], vector<16xf32>,
      %add3A_2656 = arith.addf %add3A_2652, %gather3A_2655 : vector<16xf32>
      %broadcast_in_dim3A_2657 = arith.constant 8 : i32
      %broadcast_in_dim3A_2658 = vector.broadcast %broadcast_in_dim3A_2657 : i32 to vector<16xi32>
      %gather3A_2659 = tpu.vector_load_idx %arg12[%add3A_2625, %broadcast_in_dim3A_2658] : memref<336x17xf32, #tpu.memory_space<vmem>>[vector<16xi32>, vector<16xi32>], vector<16xf32>,
      %add3A_2660 = arith.addf %add3A_2656, %gather3A_2659 : vector<16xf32>
      %broadcast_in_dim3A_2661 = arith.constant 9 : i32
      %broadcast_in_dim3A_2662 = vector.broadcast %broadcast_in_dim3A_2661 : i32 to vector<16xi32>
      %gather3A_2663 = tpu.vector_load_idx %arg12[%add3A_2625, %broadcast_in_dim3A_2662] : memref<336x17xf32, #tpu.memory_space<vmem>>[vector<16xi32>, vector<16xi32>], vector<16xf32>,
      %add3A_2664 = arith.addf %add3A_2660, %gather3A_2663 : vector<16xf32>
      %broadcast_in_dim3A_2665 = arith.constant 10 : i32
      %broadcast_in_dim3A_2666 = vector.broadcast %broadcast_in_dim3A_2665 : i32 to vector<16xi32>
      %gather3A_2667 = tpu.vector_load_idx %arg12[%add3A_2625, %broadcast_in_dim3A_2666] : memref<336x17xf32, #tpu.memory_space<vmem>>[vector<16xi32>, vector<16xi32>], vector<16xf32>,
      %add3A_2668 = arith.addf %add3A_2664, %gather3A_2667 : vector<16xf32>
      %broadcast_in_dim3A_2669 = arith.constant 11 : i32
      %broadcast_in_dim3A_2670 = vector.broadcast %broadcast_in_dim3A_2669 : i32 to vector<16xi32>
      %gather3A_2671 = tpu.vector_load_idx %arg12[%add3A_2625, %broadcast_in_dim3A_2670] : memref<336x17xf32, #tpu.memory_space<vmem>>[vector<16xi32>, vector<16xi32>], vector<16xf32>,
      %add3A_2672 = arith.addf %add3A_2668, %gather3A_2671 : vector<16xf32>
      %broadcast_in_dim3A_2673 = arith.constant 12 : i32
      %broadcast_in_dim3A_2674 = vector.broadcast %broadcast_in_dim3A_2673 : i32 to vector<16xi32>
      %gather3A_2675 = tpu.vector_load_idx %arg12[%add3A_2625, %broadcast_in_dim3A_2674] : memref<336x17xf32, #tpu.memory_space<vmem>>[vector<16xi32>, vector<16xi32>], vector<16xf32>,
      %add3A_2676 = arith.addf %add3A_2672, %gather3A_2675 : vector<16xf32>
      %broadcast_in_dim3A_2677 = arith.constant 13 : i32
      %broadcast_in_dim3A_2678 = vector.broadcast %broadcast_in_dim3A_2677 : i32 to vector<16xi32>
      %gather3A_2679 = tpu.vector_load_idx %arg12[%add3A_2625, %broadcast_in_dim3A_2678] : memref<336x17xf32, #tpu.memory_space<vmem>>[vector<16xi32>, vector<16xi32>], vector<16xf32>,
      %add3A_2680 = arith.addf %add3A_2676, %gather3A_2679 : vector<16xf32>
      %broadcast_in_dim3A_2681 = arith.constant 14 : i32
      %broadcast_in_dim3A_2682 = vector.broadcast %broadcast_in_dim3A_2681 : i32 to vector<16xi32>
      %gather3A_2683 = tpu.vector_load_idx %arg12[%add3A_2625, %broadcast_in_dim3A_2682] : memref<336x17xf32, #tpu.memory_space<vmem>>[vector<16xi32>, vector<16xi32>], vector<16xf32>,
      %add3A_2684 = arith.addf %add3A_2680, %gather3A_2683 : vector<16xf32>
      %broadcast_in_dim3A_2685 = arith.constant 15 : i32
      %broadcast_in_dim3A_2686 = vector.broadcast %broadcast_in_dim3A_2685 : i32 to vector<16xi32>
      %gather3A_2687 = tpu.vector_load_idx %arg12[%add3A_2625, %broadcast_in_dim3A_2686] : memref<336x17xf32, #tpu.memory_space<vmem>>[vector<16xi32>, vector<16xi32>], vector<16xf32>,
      %add3A_2688 = arith.addf %add3A_2684, %gather3A_2687 : vector<16xf32>
      %neg3A_2689 = arith.constant 0.000000e+00 : f32
      %neg3A_2690 = vector.broadcast %neg3A_2689 : f32 to vector<16xf32>
      %neg3A_2691 = arith.subf %neg3A_2690, %add3A_2688 : vector<16xf32>
      %exp3A_2692 = math.exp %neg3A_2691 : vector<16xf32>
      %add3A_2693 = arith.constant 1.000000e+00 : f32
      %add3A_2694 = vector.broadcast %add3A_2693 : f32 to vector<16xf32>
      %add3A_2695 = arith.addf %add3A_2694, %exp3A_2692 : vector<16xf32>
      %div3A_2696 = arith.constant 1.000000e+00 : f32
      %div3A_2697 = vector.broadcast %div3A_2696 : f32 to vector<16xf32>
      %div3A_2698 = arith.divf %div3A_2697, %add3A_2695 : vector<16xf32>
      %sub3A_2699 = arith.constant 1.000000e+00 : f32
      %sub3A_2700 = vector.broadcast %sub3A_2699 : f32 to vector<16xf32>
      %sub3A_2701 = arith.subf %sub3A_2700, %div3A_2698 : vector<16xf32>
      %add3A_2702 = arith.constant 1.000000e-10 : f32
      %add3A_2703 = vector.broadcast %add3A_2702 : f32 to vector<16xf32>
      %add3A_2704 = arith.addf %sub3A_2701, %add3A_2703 : vector<16xf32>
      %bitcast3A_2705 = vector.bitcast %add3A_2704 : vector<16xf32> to vector<16xi32>
      %shift_right_arithmetic3A_2706 = arith.constant 23 : i32
      %shift_right_arithmetic3A_2707 = vector.broadcast %shift_right_arithmetic3A_2706 : i32 to vector<16xi32>
      %shift_right_arithmetic3A_2708 = arith.shrsi %bitcast3A_2705, %shift_right_arithmetic3A_2707 : vector<16xi32>
      %sub3A_2709 = arith.constant 127 : i32
      %sub3A_2710 = vector.broadcast %sub3A_2709 : i32 to vector<16xi32>
      %sub3A_2711 = arith.subi %shift_right_arithmetic3A_2708, %sub3A_2710 : vector<16xi32>
      %and3A_2712 = arith.constant 8388607 : i32
      %and3A_2713 = vector.broadcast %and3A_2712 : i32 to vector<16xi32>
      %and3A_2714 = arith.andi %bitcast3A_2705, %and3A_2713 : vector<16xi32>
      %or3A_2715 = arith.constant 1065353216 : i32
      %or3A_2716 = vector.broadcast %or3A_2715 : i32 to vector<16xi32>
      %or3A_2717 = arith.ori %and3A_2714, %or3A_2716 : vector<16xi32>
      %bitcast3A_2718 = vector.bitcast %or3A_2717 : vector<16xi32> to vector<16xf32>
      %sub3A_2719 = arith.constant 1.000000e+00 : f32
      %sub3A_2720 = vector.broadcast %sub3A_2719 : f32 to vector<16xf32>
      %sub3A_2721 = arith.subf %bitcast3A_2718, %sub3A_2720 : vector<16xf32>
      %broadcast_in_dim3A_2722 = arith.constant -0.0248259846 : f32
      %broadcast_in_dim3A_2723 = vector.broadcast %broadcast_in_dim3A_2722 : f32 to vector<16xf32>
      %mul3A_2724 = arith.mulf %broadcast_in_dim3A_2723, %sub3A_2721 : vector<16xf32>
      %add3A_2725 = arith.constant 0.117906861 : f32
      %add3A_2726 = vector.broadcast %add3A_2725 : f32 to vector<16xf32>
      %add3A_2727 = arith.addf %mul3A_2724, %add3A_2726 : vector<16xf32>
      %mul3A_2728 = arith.mulf %add3A_2727, %sub3A_2721 : vector<16xf32>
      %add3A_2729 = arith.constant -0.272355825 : f32
      %add3A_2730 = vector.broadcast %add3A_2729 : f32 to vector<16xf32>
      %add3A_2731 = arith.addf %mul3A_2728, %add3A_2730 : vector<16xf32>
      %mul3A_2732 = arith.mulf %add3A_2731, %sub3A_2721 : vector<16xf32>
      %add3A_2733 = arith.constant 0.453858197 : f32
      %add3A_2734 = vector.broadcast %add3A_2733 : f32 to vector<16xf32>
      %add3A_2735 = arith.addf %mul3A_2732, %add3A_2734 : vector<16xf32>
      %mul3A_2736 = arith.mulf %add3A_2735, %sub3A_2721 : vector<16xf32>
      %add3A_2737 = arith.constant -0.71698755 : f32
      %add3A_2738 = vector.broadcast %add3A_2737 : f32 to vector<16xf32>
      %add3A_2739 = arith.addf %mul3A_2736, %add3A_2738 : vector<16xf32>
      %mul3A_2740 = arith.mulf %add3A_2739, %sub3A_2721 : vector<16xf32>
      %add3A_2741 = arith.constant 1.44239557 : f32
      %add3A_2742 = vector.broadcast %add3A_2741 : f32 to vector<16xf32>
      %add3A_2743 = arith.addf %mul3A_2740, %add3A_2742 : vector<16xf32>
      %mul3A_2744 = arith.mulf %add3A_2743, %sub3A_2721 : vector<16xf32>
      %add3A_2745 = arith.constant 5.06032802E-6 : f32
      %add3A_2746 = vector.broadcast %add3A_2745 : f32 to vector<16xf32>
      %add3A_2747 = arith.addf %mul3A_2744, %add3A_2746 : vector<16xf32>
      %convert_element_type3A_2748 = arith.sitofp %sub3A_2711 : vector<16xi32> to vector<16xf32>
      %add3A_2749 = arith.addf %convert_element_type3A_2748, %add3A_2747 : vector<16xf32>
      %mul3A_2750 = arith.constant 0.693147182 : f32
      %mul3A_2751 = vector.broadcast %mul3A_2750 : f32 to vector<16xf32>
      %mul3A_2752 = arith.mulf %add3A_2749, %mul3A_2751 : vector<16xf32>
      %add3A_2753 = arith.addf %add3A_2619, %mul3A_2752 : vector<16xf32>
      %mul3A_2754 = arith.constant 21 : i32
      %mul3A_2755 = vector.broadcast %mul3A_2754 : i32 to vector<16xi32>
      %mul3A_2756 = arith.muli %iota3A, %mul3A_2755 : vector<16xi32>
      %add3A_2757 = arith.constant 19 : i32
      %add3A_2758 = vector.broadcast %add3A_2757 : i32 to vector<16xi32>
      %add3A_2759 = arith.addi %mul3A_2756, %add3A_2758 : vector<16xi32>
      %broadcast_in_dim3A_2760 = arith.constant 0 : i32
      %broadcast_in_dim3A_2761 = vector.broadcast %broadcast_in_dim3A_2760 : i32 to vector<16xi32>
      %gather3A_2762 = tpu.vector_load_idx %arg12[%add3A_2759, %broadcast_in_dim3A_2761] : memref<336x17xf32, #tpu.memory_space<vmem>>[vector<16xi32>, vector<16xi32>], vector<16xf32>,
      %broadcast_in_dim3A_2763 = arith.constant 1 : i32
      %broadcast_in_dim3A_2764 = vector.broadcast %broadcast_in_dim3A_2763 : i32 to vector<16xi32>
      %gather3A_2765 = tpu.vector_load_idx %arg12[%add3A_2759, %broadcast_in_dim3A_2764] : memref<336x17xf32, #tpu.memory_space<vmem>>[vector<16xi32>, vector<16xi32>], vector<16xf32>,
      %add3A_2766 = arith.addf %gather3A_2762, %gather3A_2765 : vector<16xf32>
      %broadcast_in_dim3A_2767 = arith.constant 2 : i32
      %broadcast_in_dim3A_2768 = vector.broadcast %broadcast_in_dim3A_2767 : i32 to vector<16xi32>
      %gather3A_2769 = tpu.vector_load_idx %arg12[%add3A_2759, %broadcast_in_dim3A_2768] : memref<336x17xf32, #tpu.memory_space<vmem>>[vector<16xi32>, vector<16xi32>], vector<16xf32>,
      %add3A_2770 = arith.addf %add3A_2766, %gather3A_2769 : vector<16xf32>
      %broadcast_in_dim3A_2771 = arith.constant 3 : i32
      %broadcast_in_dim3A_2772 = vector.broadcast %broadcast_in_dim3A_2771 : i32 to vector<16xi32>
      %gather3A_2773 = tpu.vector_load_idx %arg12[%add3A_2759, %broadcast_in_dim3A_2772] : memref<336x17xf32, #tpu.memory_space<vmem>>[vector<16xi32>, vector<16xi32>], vector<16xf32>,
      %add3A_2774 = arith.addf %add3A_2770, %gather3A_2773 : vector<16xf32>
      %broadcast_in_dim3A_2775 = arith.constant 4 : i32
      %broadcast_in_dim3A_2776 = vector.broadcast %broadcast_in_dim3A_2775 : i32 to vector<16xi32>
      %gather3A_2777 = tpu.vector_load_idx %arg12[%add3A_2759, %broadcast_in_dim3A_2776] : memref<336x17xf32, #tpu.memory_space<vmem>>[vector<16xi32>, vector<16xi32>], vector<16xf32>,
      %add3A_2778 = arith.addf %add3A_2774, %gather3A_2777 : vector<16xf32>
      %broadcast_in_dim3A_2779 = arith.constant 5 : i32
      %broadcast_in_dim3A_2780 = vector.broadcast %broadcast_in_dim3A_2779 : i32 to vector<16xi32>
      %gather3A_2781 = tpu.vector_load_idx %arg12[%add3A_2759, %broadcast_in_dim3A_2780] : memref<336x17xf32, #tpu.memory_space<vmem>>[vector<16xi32>, vector<16xi32>], vector<16xf32>,
      %add3A_2782 = arith.addf %add3A_2778, %gather3A_2781 : vector<16xf32>
      %broadcast_in_dim3A_2783 = arith.constant 6 : i32
      %broadcast_in_dim3A_2784 = vector.broadcast %broadcast_in_dim3A_2783 : i32 to vector<16xi32>
      %gather3A_2785 = tpu.vector_load_idx %arg12[%add3A_2759, %broadcast_in_dim3A_2784] : memref<336x17xf32, #tpu.memory_space<vmem>>[vector<16xi32>, vector<16xi32>], vector<16xf32>,
      %add3A_2786 = arith.addf %add3A_2782, %gather3A_2785 : vector<16xf32>
      %broadcast_in_dim3A_2787 = arith.constant 7 : i32
      %broadcast_in_dim3A_2788 = vector.broadcast %broadcast_in_dim3A_2787 : i32 to vector<16xi32>
      %gather3A_2789 = tpu.vector_load_idx %arg12[%add3A_2759, %broadcast_in_dim3A_2788] : memref<336x17xf32, #tpu.memory_space<vmem>>[vector<16xi32>, vector<16xi32>], vector<16xf32>,
      %add3A_2790 = arith.addf %add3A_2786, %gather3A_2789 : vector<16xf32>
      %broadcast_in_dim3A_2791 = arith.constant 8 : i32
      %broadcast_in_dim3A_2792 = vector.broadcast %broadcast_in_dim3A_2791 : i32 to vector<16xi32>
      %gather3A_2793 = tpu.vector_load_idx %arg12[%add3A_2759, %broadcast_in_dim3A_2792] : memref<336x17xf32, #tpu.memory_space<vmem>>[vector<16xi32>, vector<16xi32>], vector<16xf32>,
      %add3A_2794 = arith.addf %add3A_2790, %gather3A_2793 : vector<16xf32>
      %broadcast_in_dim3A_2795 = arith.constant 9 : i32
      %broadcast_in_dim3A_2796 = vector.broadcast %broadcast_in_dim3A_2795 : i32 to vector<16xi32>
      %gather3A_2797 = tpu.vector_load_idx %arg12[%add3A_2759, %broadcast_in_dim3A_2796] : memref<336x17xf32, #tpu.memory_space<vmem>>[vector<16xi32>, vector<16xi32>], vector<16xf32>,
      %add3A_2798 = arith.addf %add3A_2794, %gather3A_2797 : vector<16xf32>
      %broadcast_in_dim3A_2799 = arith.constant 10 : i32
      %broadcast_in_dim3A_2800 = vector.broadcast %broadcast_in_dim3A_2799 : i32 to vector<16xi32>
      %gather3A_2801 = tpu.vector_load_idx %arg12[%add3A_2759, %broadcast_in_dim3A_2800] : memref<336x17xf32, #tpu.memory_space<vmem>>[vector<16xi32>, vector<16xi32>], vector<16xf32>,
      %add3A_2802 = arith.addf %add3A_2798, %gather3A_2801 : vector<16xf32>
      %broadcast_in_dim3A_2803 = arith.constant 11 : i32
      %broadcast_in_dim3A_2804 = vector.broadcast %broadcast_in_dim3A_2803 : i32 to vector<16xi32>
      %gather3A_2805 = tpu.vector_load_idx %arg12[%add3A_2759, %broadcast_in_dim3A_2804] : memref<336x17xf32, #tpu.memory_space<vmem>>[vector<16xi32>, vector<16xi32>], vector<16xf32>,
      %add3A_2806 = arith.addf %add3A_2802, %gather3A_2805 : vector<16xf32>
      %broadcast_in_dim3A_2807 = arith.constant 12 : i32
      %broadcast_in_dim3A_2808 = vector.broadcast %broadcast_in_dim3A_2807 : i32 to vector<16xi32>
      %gather3A_2809 = tpu.vector_load_idx %arg12[%add3A_2759, %broadcast_in_dim3A_2808] : memref<336x17xf32, #tpu.memory_space<vmem>>[vector<16xi32>, vector<16xi32>], vector<16xf32>,
      %add3A_2810 = arith.addf %add3A_2806, %gather3A_2809 : vector<16xf32>
      %broadcast_in_dim3A_2811 = arith.constant 13 : i32
      %broadcast_in_dim3A_2812 = vector.broadcast %broadcast_in_dim3A_2811 : i32 to vector<16xi32>
      %gather3A_2813 = tpu.vector_load_idx %arg12[%add3A_2759, %broadcast_in_dim3A_2812] : memref<336x17xf32, #tpu.memory_space<vmem>>[vector<16xi32>, vector<16xi32>], vector<16xf32>,
      %add3A_2814 = arith.addf %add3A_2810, %gather3A_2813 : vector<16xf32>
      %broadcast_in_dim3A_2815 = arith.constant 14 : i32
      %broadcast_in_dim3A_2816 = vector.broadcast %broadcast_in_dim3A_2815 : i32 to vector<16xi32>
      %gather3A_2817 = tpu.vector_load_idx %arg12[%add3A_2759, %broadcast_in_dim3A_2816] : memref<336x17xf32, #tpu.memory_space<vmem>>[vector<16xi32>, vector<16xi32>], vector<16xf32>,
      %add3A_2818 = arith.addf %add3A_2814, %gather3A_2817 : vector<16xf32>
      %broadcast_in_dim3A_2819 = arith.constant 15 : i32
      %broadcast_in_dim3A_2820 = vector.broadcast %broadcast_in_dim3A_2819 : i32 to vector<16xi32>
      %gather3A_2821 = tpu.vector_load_idx %arg12[%add3A_2759, %broadcast_in_dim3A_2820] : memref<336x17xf32, #tpu.memory_space<vmem>>[vector<16xi32>, vector<16xi32>], vector<16xf32>,
      %add3A_2822 = arith.addf %add3A_2818, %gather3A_2821 : vector<16xf32>
      %neg3A_2823 = arith.constant 0.000000e+00 : f32
      %neg3A_2824 = vector.broadcast %neg3A_2823 : f32 to vector<16xf32>
      %neg3A_2825 = arith.subf %neg3A_2824, %add3A_2822 : vector<16xf32>
      %exp3A_2826 = math.exp %neg3A_2825 : vector<16xf32>
      %add3A_2827 = arith.constant 1.000000e+00 : f32
      %add3A_2828 = vector.broadcast %add3A_2827 : f32 to vector<16xf32>
      %add3A_2829 = arith.addf %add3A_2828, %exp3A_2826 : vector<16xf32>
      %div3A_2830 = arith.constant 1.000000e+00 : f32
      %div3A_2831 = vector.broadcast %div3A_2830 : f32 to vector<16xf32>
      %div3A_2832 = arith.divf %div3A_2831, %add3A_2829 : vector<16xf32>
      %sub3A_2833 = arith.constant 1.000000e+00 : f32
      %sub3A_2834 = vector.broadcast %sub3A_2833 : f32 to vector<16xf32>
      %sub3A_2835 = arith.subf %sub3A_2834, %div3A_2832 : vector<16xf32>
      %add3A_2836 = arith.constant 1.000000e-10 : f32
      %add3A_2837 = vector.broadcast %add3A_2836 : f32 to vector<16xf32>
      %add3A_2838 = arith.addf %sub3A_2835, %add3A_2837 : vector<16xf32>
      %bitcast3A_2839 = vector.bitcast %add3A_2838 : vector<16xf32> to vector<16xi32>
      %shift_right_arithmetic3A_2840 = arith.constant 23 : i32
      %shift_right_arithmetic3A_2841 = vector.broadcast %shift_right_arithmetic3A_2840 : i32 to vector<16xi32>
      %shift_right_arithmetic3A_2842 = arith.shrsi %bitcast3A_2839, %shift_right_arithmetic3A_2841 : vector<16xi32>
      %sub3A_2843 = arith.constant 127 : i32
      %sub3A_2844 = vector.broadcast %sub3A_2843 : i32 to vector<16xi32>
      %sub3A_2845 = arith.subi %shift_right_arithmetic3A_2842, %sub3A_2844 : vector<16xi32>
      %and3A_2846 = arith.constant 8388607 : i32
      %and3A_2847 = vector.broadcast %and3A_2846 : i32 to vector<16xi32>
      %and3A_2848 = arith.andi %bitcast3A_2839, %and3A_2847 : vector<16xi32>
      %or3A_2849 = arith.constant 1065353216 : i32
      %or3A_2850 = vector.broadcast %or3A_2849 : i32 to vector<16xi32>
      %or3A_2851 = arith.ori %and3A_2848, %or3A_2850 : vector<16xi32>
      %bitcast3A_2852 = vector.bitcast %or3A_2851 : vector<16xi32> to vector<16xf32>
      %sub3A_2853 = arith.constant 1.000000e+00 : f32
      %sub3A_2854 = vector.broadcast %sub3A_2853 : f32 to vector<16xf32>
      %sub3A_2855 = arith.subf %bitcast3A_2852, %sub3A_2854 : vector<16xf32>
      %broadcast_in_dim3A_2856 = arith.constant -0.0248259846 : f32
      %broadcast_in_dim3A_2857 = vector.broadcast %broadcast_in_dim3A_2856 : f32 to vector<16xf32>
      %mul3A_2858 = arith.mulf %broadcast_in_dim3A_2857, %sub3A_2855 : vector<16xf32>
      %add3A_2859 = arith.constant 0.117906861 : f32
      %add3A_2860 = vector.broadcast %add3A_2859 : f32 to vector<16xf32>
      %add3A_2861 = arith.addf %mul3A_2858, %add3A_2860 : vector<16xf32>
      %mul3A_2862 = arith.mulf %add3A_2861, %sub3A_2855 : vector<16xf32>
      %add3A_2863 = arith.constant -0.272355825 : f32
      %add3A_2864 = vector.broadcast %add3A_2863 : f32 to vector<16xf32>
      %add3A_2865 = arith.addf %mul3A_2862, %add3A_2864 : vector<16xf32>
      %mul3A_2866 = arith.mulf %add3A_2865, %sub3A_2855 : vector<16xf32>
      %add3A_2867 = arith.constant 0.453858197 : f32
      %add3A_2868 = vector.broadcast %add3A_2867 : f32 to vector<16xf32>
      %add3A_2869 = arith.addf %mul3A_2866, %add3A_2868 : vector<16xf32>
      %mul3A_2870 = arith.mulf %add3A_2869, %sub3A_2855 : vector<16xf32>
      %add3A_2871 = arith.constant -0.71698755 : f32
      %add3A_2872 = vector.broadcast %add3A_2871 : f32 to vector<16xf32>
      %add3A_2873 = arith.addf %mul3A_2870, %add3A_2872 : vector<16xf32>
      %mul3A_2874 = arith.mulf %add3A_2873, %sub3A_2855 : vector<16xf32>
      %add3A_2875 = arith.constant 1.44239557 : f32
      %add3A_2876 = vector.broadcast %add3A_2875 : f32 to vector<16xf32>
      %add3A_2877 = arith.addf %mul3A_2874, %add3A_2876 : vector<16xf32>
      %mul3A_2878 = arith.mulf %add3A_2877, %sub3A_2855 : vector<16xf32>
      %add3A_2879 = arith.constant 5.06032802E-6 : f32
      %add3A_2880 = vector.broadcast %add3A_2879 : f32 to vector<16xf32>
      %add3A_2881 = arith.addf %mul3A_2878, %add3A_2880 : vector<16xf32>
      %convert_element_type3A_2882 = arith.sitofp %sub3A_2845 : vector<16xi32> to vector<16xf32>
      %add3A_2883 = arith.addf %convert_element_type3A_2882, %add3A_2881 : vector<16xf32>
      %mul3A_2884 = arith.constant 0.693147182 : f32
      %mul3A_2885 = vector.broadcast %mul3A_2884 : f32 to vector<16xf32>
      %mul3A_2886 = arith.mulf %add3A_2883, %mul3A_2885 : vector<16xf32>
      %add3A_2887 = arith.addf %add3A_2753, %mul3A_2886 : vector<16xf32>
      %mul3A_2888 = arith.constant 21 : i32
      %mul3A_2889 = vector.broadcast %mul3A_2888 : i32 to vector<16xi32>
      %mul3A_2890 = arith.muli %iota3A, %mul3A_2889 : vector<16xi32>
      %add3A_2891 = arith.constant 20 : i32
      %add3A_2892 = vector.broadcast %add3A_2891 : i32 to vector<16xi32>
      %add3A_2893 = arith.addi %mul3A_2890, %add3A_2892 : vector<16xi32>
      %broadcast_in_dim3A_2894 = arith.constant 0 : i32
      %broadcast_in_dim3A_2895 = vector.broadcast %broadcast_in_dim3A_2894 : i32 to vector<16xi32>
      %gather3A_2896 = tpu.vector_load_idx %arg12[%add3A_2893, %broadcast_in_dim3A_2895] : memref<336x17xf32, #tpu.memory_space<vmem>>[vector<16xi32>, vector<16xi32>], vector<16xf32>,
      %broadcast_in_dim3A_2897 = arith.constant 1 : i32
      %broadcast_in_dim3A_2898 = vector.broadcast %broadcast_in_dim3A_2897 : i32 to vector<16xi32>
      %gather3A_2899 = tpu.vector_load_idx %arg12[%add3A_2893, %broadcast_in_dim3A_2898] : memref<336x17xf32, #tpu.memory_space<vmem>>[vector<16xi32>, vector<16xi32>], vector<16xf32>,
      %add3A_2900 = arith.addf %gather3A_2896, %gather3A_2899 : vector<16xf32>
      %broadcast_in_dim3A_2901 = arith.constant 2 : i32
      %broadcast_in_dim3A_2902 = vector.broadcast %broadcast_in_dim3A_2901 : i32 to vector<16xi32>
      %gather3A_2903 = tpu.vector_load_idx %arg12[%add3A_2893, %broadcast_in_dim3A_2902] : memref<336x17xf32, #tpu.memory_space<vmem>>[vector<16xi32>, vector<16xi32>], vector<16xf32>,
      %add3A_2904 = arith.addf %add3A_2900, %gather3A_2903 : vector<16xf32>
      %broadcast_in_dim3A_2905 = arith.constant 3 : i32
      %broadcast_in_dim3A_2906 = vector.broadcast %broadcast_in_dim3A_2905 : i32 to vector<16xi32>
      %gather3A_2907 = tpu.vector_load_idx %arg12[%add3A_2893, %broadcast_in_dim3A_2906] : memref<336x17xf32, #tpu.memory_space<vmem>>[vector<16xi32>, vector<16xi32>], vector<16xf32>,
      %add3A_2908 = arith.addf %add3A_2904, %gather3A_2907 : vector<16xf32>
      %broadcast_in_dim3A_2909 = arith.constant 4 : i32
      %broadcast_in_dim3A_2910 = vector.broadcast %broadcast_in_dim3A_2909 : i32 to vector<16xi32>
      %gather3A_2911 = tpu.vector_load_idx %arg12[%add3A_2893, %broadcast_in_dim3A_2910] : memref<336x17xf32, #tpu.memory_space<vmem>>[vector<16xi32>, vector<16xi32>], vector<16xf32>,
      %add3A_2912 = arith.addf %add3A_2908, %gather3A_2911 : vector<16xf32>
      %broadcast_in_dim3A_2913 = arith.constant 5 : i32
      %broadcast_in_dim3A_2914 = vector.broadcast %broadcast_in_dim3A_2913 : i32 to vector<16xi32>
      %gather3A_2915 = tpu.vector_load_idx %arg12[%add3A_2893, %broadcast_in_dim3A_2914] : memref<336x17xf32, #tpu.memory_space<vmem>>[vector<16xi32>, vector<16xi32>], vector<16xf32>,
      %add3A_2916 = arith.addf %add3A_2912, %gather3A_2915 : vector<16xf32>
      %broadcast_in_dim3A_2917 = arith.constant 6 : i32
      %broadcast_in_dim3A_2918 = vector.broadcast %broadcast_in_dim3A_2917 : i32 to vector<16xi32>
      %gather3A_2919 = tpu.vector_load_idx %arg12[%add3A_2893, %broadcast_in_dim3A_2918] : memref<336x17xf32, #tpu.memory_space<vmem>>[vector<16xi32>, vector<16xi32>], vector<16xf32>,
      %add3A_2920 = arith.addf %add3A_2916, %gather3A_2919 : vector<16xf32>
      %broadcast_in_dim3A_2921 = arith.constant 7 : i32
      %broadcast_in_dim3A_2922 = vector.broadcast %broadcast_in_dim3A_2921 : i32 to vector<16xi32>
      %gather3A_2923 = tpu.vector_load_idx %arg12[%add3A_2893, %broadcast_in_dim3A_2922] : memref<336x17xf32, #tpu.memory_space<vmem>>[vector<16xi32>, vector<16xi32>], vector<16xf32>,
      %add3A_2924 = arith.addf %add3A_2920, %gather3A_2923 : vector<16xf32>
      %broadcast_in_dim3A_2925 = arith.constant 8 : i32
      %broadcast_in_dim3A_2926 = vector.broadcast %broadcast_in_dim3A_2925 : i32 to vector<16xi32>
      %gather3A_2927 = tpu.vector_load_idx %arg12[%add3A_2893, %broadcast_in_dim3A_2926] : memref<336x17xf32, #tpu.memory_space<vmem>>[vector<16xi32>, vector<16xi32>], vector<16xf32>,
      %add3A_2928 = arith.addf %add3A_2924, %gather3A_2927 : vector<16xf32>
      %broadcast_in_dim3A_2929 = arith.constant 9 : i32
      %broadcast_in_dim3A_2930 = vector.broadcast %broadcast_in_dim3A_2929 : i32 to vector<16xi32>
      %gather3A_2931 = tpu.vector_load_idx %arg12[%add3A_2893, %broadcast_in_dim3A_2930] : memref<336x17xf32, #tpu.memory_space<vmem>>[vector<16xi32>, vector<16xi32>], vector<16xf32>,
      %add3A_2932 = arith.addf %add3A_2928, %gather3A_2931 : vector<16xf32>
      %broadcast_in_dim3A_2933 = arith.constant 10 : i32
      %broadcast_in_dim3A_2934 = vector.broadcast %broadcast_in_dim3A_2933 : i32 to vector<16xi32>
      %gather3A_2935 = tpu.vector_load_idx %arg12[%add3A_2893, %broadcast_in_dim3A_2934] : memref<336x17xf32, #tpu.memory_space<vmem>>[vector<16xi32>, vector<16xi32>], vector<16xf32>,
      %add3A_2936 = arith.addf %add3A_2932, %gather3A_2935 : vector<16xf32>
      %broadcast_in_dim3A_2937 = arith.constant 11 : i32
      %broadcast_in_dim3A_2938 = vector.broadcast %broadcast_in_dim3A_2937 : i32 to vector<16xi32>
      %gather3A_2939 = tpu.vector_load_idx %arg12[%add3A_2893, %broadcast_in_dim3A_2938] : memref<336x17xf32, #tpu.memory_space<vmem>>[vector<16xi32>, vector<16xi32>], vector<16xf32>,
      %add3A_2940 = arith.addf %add3A_2936, %gather3A_2939 : vector<16xf32>
      %broadcast_in_dim3A_2941 = arith.constant 12 : i32
      %broadcast_in_dim3A_2942 = vector.broadcast %broadcast_in_dim3A_2941 : i32 to vector<16xi32>
      %gather3A_2943 = tpu.vector_load_idx %arg12[%add3A_2893, %broadcast_in_dim3A_2942] : memref<336x17xf32, #tpu.memory_space<vmem>>[vector<16xi32>, vector<16xi32>], vector<16xf32>,
      %add3A_2944 = arith.addf %add3A_2940, %gather3A_2943 : vector<16xf32>
      %broadcast_in_dim3A_2945 = arith.constant 13 : i32
      %broadcast_in_dim3A_2946 = vector.broadcast %broadcast_in_dim3A_2945 : i32 to vector<16xi32>
      %gather3A_2947 = tpu.vector_load_idx %arg12[%add3A_2893, %broadcast_in_dim3A_2946] : memref<336x17xf32, #tpu.memory_space<vmem>>[vector<16xi32>, vector<16xi32>], vector<16xf32>,
      %add3A_2948 = arith.addf %add3A_2944, %gather3A_2947 : vector<16xf32>
      %broadcast_in_dim3A_2949 = arith.constant 14 : i32
      %broadcast_in_dim3A_2950 = vector.broadcast %broadcast_in_dim3A_2949 : i32 to vector<16xi32>
      %gather3A_2951 = tpu.vector_load_idx %arg12[%add3A_2893, %broadcast_in_dim3A_2950] : memref<336x17xf32, #tpu.memory_space<vmem>>[vector<16xi32>, vector<16xi32>], vector<16xf32>,
      %add3A_2952 = arith.addf %add3A_2948, %gather3A_2951 : vector<16xf32>
      %broadcast_in_dim3A_2953 = arith.constant 15 : i32
      %broadcast_in_dim3A_2954 = vector.broadcast %broadcast_in_dim3A_2953 : i32 to vector<16xi32>
      %gather3A_2955 = tpu.vector_load_idx %arg12[%add3A_2893, %broadcast_in_dim3A_2954] : memref<336x17xf32, #tpu.memory_space<vmem>>[vector<16xi32>, vector<16xi32>], vector<16xf32>,
      %add3A_2956 = arith.addf %add3A_2952, %gather3A_2955 : vector<16xf32>
      %neg3A_2957 = arith.constant 0.000000e+00 : f32
      %neg3A_2958 = vector.broadcast %neg3A_2957 : f32 to vector<16xf32>
      %neg3A_2959 = arith.subf %neg3A_2958, %add3A_2956 : vector<16xf32>
      %exp3A_2960 = math.exp %neg3A_2959 : vector<16xf32>
      %add3A_2961 = arith.constant 1.000000e+00 : f32
      %add3A_2962 = vector.broadcast %add3A_2961 : f32 to vector<16xf32>
      %add3A_2963 = arith.addf %add3A_2962, %exp3A_2960 : vector<16xf32>
      %div3A_2964 = arith.constant 1.000000e+00 : f32
      %div3A_2965 = vector.broadcast %div3A_2964 : f32 to vector<16xf32>
      %div3A_2966 = arith.divf %div3A_2965, %add3A_2963 : vector<16xf32>
      %sub3A_2967 = arith.constant 1.000000e+00 : f32
      %sub3A_2968 = vector.broadcast %sub3A_2967 : f32 to vector<16xf32>
      %sub3A_2969 = arith.subf %sub3A_2968, %div3A_2966 : vector<16xf32>
      %add3A_2970 = arith.constant 1.000000e-10 : f32
      %add3A_2971 = vector.broadcast %add3A_2970 : f32 to vector<16xf32>
      %add3A_2972 = arith.addf %sub3A_2969, %add3A_2971 : vector<16xf32>
      %bitcast3A_2973 = vector.bitcast %add3A_2972 : vector<16xf32> to vector<16xi32>
      %shift_right_arithmetic3A_2974 = arith.constant 23 : i32
      %shift_right_arithmetic3A_2975 = vector.broadcast %shift_right_arithmetic3A_2974 : i32 to vector<16xi32>
      %shift_right_arithmetic3A_2976 = arith.shrsi %bitcast3A_2973, %shift_right_arithmetic3A_2975 : vector<16xi32>
      %sub3A_2977 = arith.constant 127 : i32
      %sub3A_2978 = vector.broadcast %sub3A_2977 : i32 to vector<16xi32>
      %sub3A_2979 = arith.subi %shift_right_arithmetic3A_2976, %sub3A_2978 : vector<16xi32>
      %and3A_2980 = arith.constant 8388607 : i32
      %and3A_2981 = vector.broadcast %and3A_2980 : i32 to vector<16xi32>
      %and3A_2982 = arith.andi %bitcast3A_2973, %and3A_2981 : vector<16xi32>
      %or3A_2983 = arith.constant 1065353216 : i32
      %or3A_2984 = vector.broadcast %or3A_2983 : i32 to vector<16xi32>
      %or3A_2985 = arith.ori %and3A_2982, %or3A_2984 : vector<16xi32>
      %bitcast3A_2986 = vector.bitcast %or3A_2985 : vector<16xi32> to vector<16xf32>
      %sub3A_2987 = arith.constant 1.000000e+00 : f32
      %sub3A_2988 = vector.broadcast %sub3A_2987 : f32 to vector<16xf32>
      %sub3A_2989 = arith.subf %bitcast3A_2986, %sub3A_2988 : vector<16xf32>
      %broadcast_in_dim3A_2990 = arith.constant -0.0248259846 : f32
      %broadcast_in_dim3A_2991 = vector.broadcast %broadcast_in_dim3A_2990 : f32 to vector<16xf32>
      %mul3A_2992 = arith.mulf %broadcast_in_dim3A_2991, %sub3A_2989 : vector<16xf32>
      %add3A_2993 = arith.constant 0.117906861 : f32
      %add3A_2994 = vector.broadcast %add3A_2993 : f32 to vector<16xf32>
      %add3A_2995 = arith.addf %mul3A_2992, %add3A_2994 : vector<16xf32>
      %mul3A_2996 = arith.mulf %add3A_2995, %sub3A_2989 : vector<16xf32>
      %add3A_2997 = arith.constant -0.272355825 : f32
      %add3A_2998 = vector.broadcast %add3A_2997 : f32 to vector<16xf32>
      %add3A_2999 = arith.addf %mul3A_2996, %add3A_2998 : vector<16xf32>
      %mul3A_3000 = arith.mulf %add3A_2999, %sub3A_2989 : vector<16xf32>
      %add3A_3001 = arith.constant 0.453858197 : f32
      %add3A_3002 = vector.broadcast %add3A_3001 : f32 to vector<16xf32>
      %add3A_3003 = arith.addf %mul3A_3000, %add3A_3002 : vector<16xf32>
      %mul3A_3004 = arith.mulf %add3A_3003, %sub3A_2989 : vector<16xf32>
      %add3A_3005 = arith.constant -0.71698755 : f32
      %add3A_3006 = vector.broadcast %add3A_3005 : f32 to vector<16xf32>
      %add3A_3007 = arith.addf %mul3A_3004, %add3A_3006 : vector<16xf32>
      %mul3A_3008 = arith.mulf %add3A_3007, %sub3A_2989 : vector<16xf32>
      %add3A_3009 = arith.constant 1.44239557 : f32
      %add3A_3010 = vector.broadcast %add3A_3009 : f32 to vector<16xf32>
      %add3A_3011 = arith.addf %mul3A_3008, %add3A_3010 : vector<16xf32>
      %mul3A_3012 = arith.mulf %add3A_3011, %sub3A_2989 : vector<16xf32>
      %add3A_3013 = arith.constant 5.06032802E-6 : f32
      %add3A_3014 = vector.broadcast %add3A_3013 : f32 to vector<16xf32>
      %add3A_3015 = arith.addf %mul3A_3012, %add3A_3014 : vector<16xf32>
      %convert_element_type3A_3016 = arith.sitofp %sub3A_2979 : vector<16xi32> to vector<16xf32>
      %add3A_3017 = arith.addf %convert_element_type3A_3016, %add3A_3015 : vector<16xf32>
      %mul3A_3018 = arith.constant 0.693147182 : f32
      %mul3A_3019 = vector.broadcast %mul3A_3018 : f32 to vector<16xf32>
      %mul3A_3020 = arith.mulf %add3A_3017, %mul3A_3019 : vector<16xf32>
      %add3A_3021 = arith.addf %add3A_2887, %mul3A_3020 : vector<16xf32>
      %get3A_3022 = arith.constant 0 : index
      %get3A_3023 = tpu.vector_load %arg13[%get3A_3022] {strides = array<i32>} : memref<16xf32, #tpu.memory_space<vmem>>, vector<16xf32>,
      %add3A_3024 = arith.addf %get3A_3023, %add3A_3021 : vector<16xf32>
      %swap3A_3025 = arith.constant 0 : index
      %swap3A_3026 = tpu.vector_load %arg13[%swap3A_3025] {strides = array<i32>} : memref<16xf32, #tpu.memory_space<vmem>>, vector<16xf32>,
      tpu.vector_store %arg13[%swap3A_3025], %add3A_3024 {strides = array<i32>} : memref<16xf32, #tpu.memory_space<vmem>>, vector<16xf32>,
    }
    %scan3A_8 = arith.constant 32 : i32
    "tpu.region"() ({
      %run_scoped3A = tpu.sem_alloc : memref<!tpu.dma_semaphore, #tpu.memory_space<semaphore_mem>>
      %dma_start3A = arith.constant 0 : i32
      %dma_start3A_9 = tpu.memref_slice %arg6[%add3A, %dma_start3A] : memref<32x16xf32, #tpu.memory_space<hbm>> -> memref<1x16xf32, #tpu.memory_space<hbm>>
      %dma_start3A_10 = tpu.memref_squeeze %dma_start3A_9 : memref<1x16xf32, #tpu.memory_space<hbm>> -> memref<16xf32, #tpu.memory_space<hbm>>
      %dma_start3A_11 = arith.constant 0 : i32
      %dma_start3A_12 = tpu.memref_slice %arg6[%add3A, %dma_start3A_11] : memref<32x16xf32, #tpu.memory_space<hbm>> -> memref<1x16xf32, #tpu.memory_space<hbm>>
      %dma_start3A_13 = tpu.memref_squeeze %dma_start3A_12 : memref<1x16xf32, #tpu.memory_space<hbm>> -> memref<16xf32, #tpu.memory_space<hbm>>
      tpu.enqueue_dma source(%arg13 : memref<16xf32, #tpu.memory_space<vmem>>) target(%dma_start3A_13 : memref<16xf32, #tpu.memory_space<hbm>>) target_semaphore(%run_scoped3A : memref<!tpu.dma_semaphore, #tpu.memory_space<semaphore_mem>>)
      %dma_wait3A = arith.constant 0 : i32
      %dma_wait3A_14 = tpu.memref_slice %arg6[%add3A, %dma_wait3A] : memref<32x16xf32, #tpu.memory_space<hbm>> -> memref<1x16xf32, #tpu.memory_space<hbm>>
      %dma_wait3A_15 = tpu.memref_squeeze %dma_wait3A_14 : memref<1x16xf32, #tpu.memory_space<hbm>> -> memref<16xf32, #tpu.memory_space<hbm>>
      %dma_wait3A_16 = arith.constant 0 : i32
      %dma_wait3A_17 = tpu.memref_slice %arg6[%add3A, %dma_wait3A_16] : memref<32x16xf32, #tpu.memory_space<hbm>> -> memref<1x16xf32, #tpu.memory_space<hbm>>
      %dma_wait3A_18 = tpu.memref_squeeze %dma_wait3A_17 : memref<1x16xf32, #tpu.memory_space<hbm>> -> memref<16xf32, #tpu.memory_space<hbm>>
      tpu.wait_dma2 semaphore(%run_scoped3A : memref<!tpu.dma_semaphore, #tpu.memory_space<semaphore_mem>>) src(%arg13 : memref<16xf32, #tpu.memory_space<vmem>>) dst(%dma_wait3A_18 : memref<16xf32, #tpu.memory_space<hbm>>)
      tpu.yield
    }) : () -> ()
    return
  }
}

module attributes {stable_mosaic.version = 14 : i64} {
  func.func @_pack_body(%arg0: i32, %arg1: memref<64x512xf32, #tpu.memory_space<vmem>>, %arg2: memref<64x512xf32, #tpu.memory_space<vmem>>, %arg3: memref<512x128xf32, #tpu.memory_space<vmem>>) attributes {dimension_semantics = [#tpu.dimension_semantics<arbitrary>], iteration_bounds = array<i64: 977>, scalar_prefetch = 0 : i64, scratch_operands = 0 : i64, tpu.core_type = #tpu.core_type<tc>, window_params = [{transform_indices = @transform_0, window_bounds = array<i64: 64, 512>}, {transform_indices = @transform_1, window_bounds = array<i64: 64, 512>}, {transform_indices = @transform_2, window_bounds = array<i64: 512, 128>}]} {
    %get3A = arith.constant 0 : index
    %get3A_0 = arith.constant 0 : index
    %get3A_1 = vector.load %arg1[%get3A, %get3A_0] : memref<64x512xf32, #tpu.memory_space<vmem>>, vector<64x512xf32>
    %transpose3A = tpu.transpose %get3A_1, [1, 0] : vector<64x512xf32> -> vector<512x64xf32>
    %swap3A = arith.constant 0 : index
    %swap3A_2 = arith.constant 0 : index
    %swap3A_3 = vector.load %arg3[%swap3A, %swap3A_2] : memref<512x128xf32, #tpu.memory_space<vmem>>, vector<512x64xf32>
    tpu.vector_store %arg3[%swap3A, %swap3A_2], %transpose3A {strides = array<i32>} : memref<512x128xf32, #tpu.memory_space<vmem>>, vector<512x64xf32>,
    %get3A_4 = arith.constant 0 : index
    %get3A_5 = arith.constant 0 : index
    %get3A_6 = vector.load %arg2[%get3A_4, %get3A_5] : memref<64x512xf32, #tpu.memory_space<vmem>>, vector<64x512xf32>
    %transpose3A_7 = tpu.transpose %get3A_6, [1, 0] : vector<64x512xf32> -> vector<512x64xf32>
    %swap3A_8 = arith.constant 0 : index
    %swap3A_9 = arith.constant 64 : index
    %swap3A_10 = vector.load %arg3[%swap3A_8, %swap3A_9] : memref<512x128xf32, #tpu.memory_space<vmem>>, vector<512x64xf32>
    tpu.vector_store %arg3[%swap3A_8, %swap3A_9], %transpose3A_7 {strides = array<i32>} : memref<512x128xf32, #tpu.memory_space<vmem>>, vector<512x64xf32>,
    return
  }
  func.func @transform_0(%arg0: i32) -> (i32, i32) {
    %c0_i32 = arith.constant 0 : i32
    %c0_i32_0 = arith.constant 0 : i32
    return %c0_i32, %arg0 : i32, i32
  }
  func.func @transform_1(%arg0: i32) -> (i32, i32) {
    %add3A = arith.constant 977 : i32
    %add3A_0 = arith.addi %arg0, %add3A : i32
    %c0_i32 = arith.constant 0 : i32
    %c0_i32_1 = arith.constant 0 : i32
    return %c0_i32, %add3A_0 : i32, i32
  }
  func.func @transform_2(%arg0: i32) -> (i32, i32) {
    %c0_i32 = arith.constant 0 : i32
    %c0_i32_0 = arith.constant 0 : i32
    return %arg0, %c0_i32 : i32, i32
  }
}

module attributes {stable_mosaic.version = 14 : i64} {
  func.func @_tc_body(%arg0: memref<32x16xf32, #tpu.memory_space<vmem>>, %arg1: memref<1x1xf32, #tpu.memory_space<smem>>) attributes {dimension_semantics = [], scalar_prefetch = 0 : i64, scratch_operands = 0 : i64, tpu.core_type = #tpu.core_type<tc>} {
    %get3A = arith.constant 0 : index
    %get3A_0 = arith.constant 0 : index
    %get3A_1 = vector.load %arg0[%get3A, %get3A_0] : memref<32x16xf32, #tpu.memory_space<vmem>>, vector<32x16xf32>
    %reduce_sum3A = vector.shape_cast %get3A_1 : vector<32x16xf32> to vector<1x32x16xf32>
    %reduce_sum3A_2 = arith.constant dense<0.000000e+00> : vector<1xf32>
    %reduce_sum3A_3 = vector.multi_reduction <add>, %reduce_sum3A, %reduce_sum3A_2 [1, 2] : vector<1x32x16xf32> to vector<1xf32>
    %reduce_sum3A_4 = vector.shape_cast %reduce_sum3A_3 : vector<1xf32> to vector<1x1x1xf32>
    %reduce_sum3A_5 = vector.extract %reduce_sum3A_4[0, 0, 0] : f32 from vector<1x1x1xf32>
    %neg3A = arith.constant 0.000000e+00 : f32
    %neg3A_6 = arith.subf %neg3A, %reduce_sum3A_5 : f32
    %mul3A = arith.constant 6.10351563E-5 : f32
    %mul3A_7 = arith.mulf %neg3A_6, %mul3A : f32
    %swap3A = arith.constant 0 : index
    %swap3A_8 = arith.constant 0 : index
    %swap3A_9 = memref.load %arg1[%swap3A, %swap3A_8] : memref<1x1xf32, #tpu.memory_space<smem>>
    memref.store %mul3A_7, %arg1[%swap3A, %swap3A_8] : memref<1x1xf32, #tpu.memory_space<smem>>
    return
  }
}

</mosaic_0001>

<sc_bundles>
// kernel: kernel.5.cloned.1.call-start
scs
__scs_entry_jumppad:
0x0: {  	(pc) =	sbr.rel $0x88, $3  }
0x1: {  	(tag) =	ssettag $0x0;
	lr =	simm.s32 $0x1  }
0x2: {  	[smem:$0x3F9C] =	sst lr;
	_ =	strace $0xD0000000  }
0x3: {  	_ = 	snop  }
0x4: {  	_ = 	snop  }
0x5: {  	_ = 	snop  }
0x6: {  	_ = 	snop  }
0x7: {  	_ = 	snop  }
__scs_overlays_trampoline_lowered:
0x8: {  	[smem:$0x3FAB] =	sst s0  }
0x9: {  	[smem:$0x3FAC] =	sst s1  }
0xa: {  	[smem:$0x3FAD] =	sst s2  }
0xb: {  	[smem:$0x3FAE] =	sst s3  }
0xc: {  	[smem:$0x3FAF] =	sst s4  }
0xd: {  	[smem:$0x3FB0] =	sst s5  }
0xe: {  	[smem:$0x3FB1] =	sst s6  }
0xf: {  	[smem:$0x3FB2] =	sst s7  }
0x10: {  	[smem:$0x3FB3] =	sst s8  }
0x11: {  	[smem:$0x3FB4] =	sst s9;
	s0 =	simm.s32 @!p0 $0x0  }
0x12: {  	s1 =	sld [smem:$0x3F9A];
	s0 =	simm.s32 @p0 $0x1  }
0x13: {  	[smem:$0x3FB5] =	sst s0;
	s0 =	simm.s32 @!p1 $0x0  }
0x14: {  	s2 =	sld [smem:$0x3F99];
	s0 =	simm.s32 @p1 $0x1  }
0x15: {  	[smem:$0x3FB6] =	sst s0;
	s0 =	simm.s32 @!p2 $0x0  }
0x16: {  	s3 =	sld [smem:$0x3FDB];
	s0 =	simm.s32 @p2 $0x1  }
0x17: {  	s4 =	simm.s32 $0x1BF5;
	[smem:$0x3FB8] =	sst s0  }
0x18: {  	s0 =	sld [smem:$0x3F9B];
	_ =	swait.ge [sflag:s4], $0x0  }
0x19: {  	s7 =	sld [smem:$0x3F9C]  }
0x1a: {  	s8 =	sadd.s32 $0xFFFFE003, lr  }
0x1b: {  	s9 =	sadd.s32 $0xFFFFFEF7, lr;
	s5 =	simm.s32 $0xFFFFFFFF;
	p2 =	slt.u32 s8, $0xFFFFF086  }
0x1c: {  	p1 =	slt.u32 s9, $0xF7A;
	s5 =	simm.s32 @!p2 $0x0  }
0x1d: {  	s5 =	simm.s32 @p1 $0x1;
	p0 =	seq.s32 s7, s2  }
0x1e: {  	s7 =	smul.u32 @!p0 $0xF7A, s2;
	p2 =	seq.s32 @!p0 s5, $0x0  }
0x1f: {  	s9 =	smul.u32 $0xF7A, s1;
	s8 =	simm.s32 @!p0 $0x1BF5;
	p2 =	por !p2, p0  }
0x20: {  	[sflag:s8] =	ssyncset.s32 @!p0 $0xFFFFF086;
	s6 =	sadd.s32 @!p0 s3, s7;
	s7 =	simm.s32 @!p0 $0x108  }
0x21: {  	s3 =	sadd.s32 s3, s9;
	s6 =	sadd.s32 @!p0 $0x88, s6;
	s7 =	simm.s32 @p2 $0x1082  }
0x22: {  	[simem:s7], [sflag:s8] =	dma.local @!p0 [hbm:s6], $0xF7A  }
0x23: {  	s9 =	sor.u32 $0xD0000000, s2;
	s6 =	simm.s32 $0x108;
	_ =	swait.ge @!p0 [sflag:s8], $0x0  }
0x24: {  	s3 =	sadd.s32 $0x88, s3;
	s6 =	simm.s32 @!p1 $0x1082;
	[sflag:s4] =	ssyncset.s32 $0xFFFFF086  }
0x25: {  	[simem:s6], [sflag:s4] =	dma.local [hbm:s3], $0xF7A  }
0x26: {  	[smem:$0x3F9C] =	sst s1;
	(tag) =	ssettag s2;
	_ =	strace s9  }
0x27: {  	s1 =	sld [smem:$0x3FAC]  }
0x28: {  	s2 =	sld [smem:$0x3FAD]  }
0x29: {  	s4 =	sld [smem:$0x3FAF]  }
0x2a: {  	p0 =	seq.s32 s5, $0x0;
	s5 =	sld [smem:$0x3FB0]  }
0x2b: {  	s6 =	sld [smem:$0x3FB1]  }
0x2c: {  	s7 =	sld [smem:$0x3FB2]  }
0x2d: {  	s3 =	simm.s32 $0x108;
	s8 =	sld [smem:$0x3FB3]  }
0x2e: {  	s3 =	simm.s32 @!p0 $0x1082;
	s9 =	sld [smem:$0x3FB4]  }
0x2f: {  	lr =	sadd.s32 s0, s3;
	s0 =	sld [smem:$0x3FAB]  }
0x30: {  	s3 =	sld [smem:$0x3FAE]  }
0x31: {  	[smem:$0x3FB7] =	sst s10  }
0x32: {  	s10 =	sld [smem:$0x3FB5];
	_ =	sdelay $0x3  }
0x33: {  	p0 =	seq.s32 s10, $0x1;
	s10 =	sld [smem:$0x3FB7];
	_ =	sdelay $0x3  }
0x34: {  	[smem:$0x3FB7] =	sst s10  }
0x35: {  	s10 =	sld [smem:$0x3FB6];
	_ =	sdelay $0x3  }
0x36: {  	p1 =	seq.s32 s10, $0x1;
	s10 =	sld [smem:$0x3FB7];
	_ =	sdelay $0x3  }
0x37: {  	[smem:$0x3FB7] =	sst s10  }
0x38: {  	s10 =	sld [smem:$0x3FB8]  }
0x39: {  	_ = 	snop;
	(pc) =	sbr.ind lr, $3  }
0x3a: {  	_ = 	snop  }
0x3b: {  	_ = 	snop  }
0x3c: {  	p2 =	seq.s32 s10, $0x1;
	s10 =	sld [smem:$0x3FB7]  }
0x3d: {  	_ =	shalt  }
0x3e: {  	_ =	shalt  }
0x3f: {  	_ =	shalt  }
0x40: {  	_ =	shalt  }
0x41: {  	_ =	shalt  }
0x42: {  	_ =	shalt  }
0x43: {  	_ =	shalt  }
0x44: {  	_ =	shalt  }
0x45: {  	_ =	shalt  }
0x46: {  	_ =	shalt  }
0x47: {  	_ =	shalt  }
0x48: {  	_ =	shalt  }
0x49: {  	_ =	shalt  }
0x4a: {  	_ =	shalt  }
0x4b: {  	_ =	shalt  }
0x4c: {  	_ =	shalt  }
0x4d: {  	_ =	shalt  }
0x4e: {  	_ =	shalt  }
0x4f: {  	_ =	shalt  }
0x50: {  	_ =	shalt  }
0x51: {  	_ =	shalt  }
0x52: {  	_ =	shalt  }
0x53: {  	_ =	shalt  }
0x54: {  	_ =	shalt  }
0x55: {  	_ =	shalt  }
0x56: {  	_ =	shalt  }
0x57: {  	_ =	shalt  }
0x58: {  	_ =	shalt  }
0x59: {  	_ =	shalt  }
0x5a: {  	_ =	shalt  }
0x5b: {  	_ =	shalt  }
0x5c: {  	_ =	shalt  }
0x5d: {  	_ =	shalt  }
0x5e: {  	_ =	shalt  }
0x5f: {  	_ =	shalt  }
0x60: {  	_ =	shalt  }
0x61: {  	_ =	shalt  }
0x62: {  	_ =	shalt  }
0x63: {  	_ =	shalt  }
0x64: {  	_ =	shalt  }
0x65: {  	_ =	shalt  }
0x66: {  	_ =	shalt  }
0x67: {  	_ =	shalt  }
0x68: {  	_ =	shalt  }
0x69: {  	_ =	shalt  }
0x6a: {  	_ =	shalt  }
0x6b: {  	_ =	shalt  }
0x6c: {  	_ =	shalt  }
0x6d: {  	_ =	shalt  }
0x6e: {  	_ =	shalt  }
0x6f: {  	_ =	shalt  }
0x70: {  	_ =	shalt  }
0x71: {  	_ =	shalt  }
0x72: {  	_ =	shalt  }
0x73: {  	_ =	shalt  }
0x74: {  	_ =	shalt  }
0x75: {  	_ =	shalt  }
0x76: {  	_ =	shalt  }
0x77: {  	_ =	shalt  }
0x78: {  	_ =	shalt  }
0x79: {  	_ =	shalt  }
0x7a: {  	_ =	shalt  }
0x7b: {  	_ =	shalt  }
0x7c: {  	_ =	shalt  }
0x7d: {  	_ =	shalt  }
0x7e: {  	_ =	shalt  }
0x7f: {  	_ =	shalt  }
0x80: {  	_ =	shalt  }
0x81: {  	_ =	shalt  }
0x82: {  	_ =	shalt  }
0x83: {  	_ =	shalt  }
0x84: {  	_ =	shalt  }
0x85: {  	_ =	shalt  }
0x86: {  	_ =	shalt  }
0x87: {  	_ =	shalt  }
.Lfunc_end0:
.L_simem_size_0:
called_computation_lowered:
.L_overlay_start_0:
0x88: {  	s2 =	sld [smem:$0x3FD9]  }
0x89: {  	s3 =	sld [smem:$0x3FFE];
	_ =	sdelay $0x1  }
0x8a: {  	s1 =	srdreg.scid  }
0x8b: {  	s0 =	sand.u32 $0x1, s1  }
0x8c: {  	s16 =	sshll.u32 s0, $0xA;
	s2 =	sadd.s32 s3, s2  }
0x8d: {  	s2 =	sadd.s32 s2, s16  }
0x8e: {  	[smem:$0x3FC3] =	sst s2  }
0x8f: {  	_ = 	snop  }
0x90: {  	(tm) =	ssettm $0x1  }
0x91: {  	s17 =	sld [smem:$0x3FFB];
	_ =	sdelay $0x3  }
0x92: {  	_ =	strace s17  }
0x93: {  	s2 =	sld [smem:$0x3FFC];
	_ =	sdelay $0x3  }
0x94: {  	_ =	strace s2  }
0x95: {  	s2 =	sld [smem:$0x3FFD];
	_ =	sdelay $0x3  }
0x96: {  	_ =	strace s2  }
0x97: {  	_ =	strace $0x8FFFFFFF  }
0x98: {  	s18 =	sld [smem:$0x3FDB];
	_ =	sdelay $0x1  }
0x99: {  	s19 =	simm.s32 $_scs_section_size  }
0x9a: {  	s4 =	simm.s32 $_size__tile_overlayer_lowered;
	s5 =	simm.s32 $_tile_overlayer_lowered  }
0x9b: {  	s22 =	simm.s32 $0x1BFF;
	s21 =	sshll.u32 s5, $0x1;
	s2 =	sadd.s32 s19, s18  }
0x9c: {  	s6 =	simm.s32 $0x0;
	s20 =	sshll.u32 s4, $0x1;
	s4 =	sadd.s32 s21, s2  }
0x9d: {  	[timem:s6], [sflag:s22] =	dma.local [hbm:s4], s20  }
0x9e: {  	_ =	swait.ge [sflag:s22], s20  }
0x9f: {  	s3 =	ssub.s32 $0x0, s20;
	[sflag:s22] =	ssyncset.done $0x0  }
0xa0: {  	[sflag:s22] =	ssyncadd.s32 s3;
	_ =	sdelay $0x1  }
0xa1: {  	s23 =	simm.s32 $0x1B8B  }
0xa2: {  	_ =	swait.ge [sflag:s23], $0x1  }
0xa3: {  	[sflag:s23] =	ssyncset.done $0x0  }
0xa4: {  	s25 =	simm.s32 $0x1B8E;
	s24 =	sld [smem:$0x3FFE];
	[sflag:s23] =	ssyncadd.s32 $0xFFFFFFFF  }
0xa5: {  	s26 =	simm.s32 $execute0_lowered;
	[smem:$0x3FD2] =	sst s25  }
0xa6: {  	s4 =	sshll.u32 s26, $0x1;
	_ =	strace $0x80000046;
	[dreg:$0x1] =	wrdreg $0xFFFFFFFF  }
0xa7: {  	s28 =	simm.s32 $_size_execute0_lowered;
	s2 =	sadd.s32 s2, s4;
	[dreg:$0x0] =	wrdreg $0x0  }
0xa8: {  	s4 =	sshll.u32 s28, $0x1;
	[dreg:$0x2] =	wrdreg s2  }
0xa9: {  	[dreg:$0x3] =	wrdreg s4  }
0xaa: {  	[dreg:$0x4] =	wrdreg $0xC0  }
0xab: {  	_ =	task [dreg:s6], $0x5FFFF  }
0xac: {  	[dreg:$0x1] =	wrdreg $0xFFFFFFFF  }
0xad: {  	[dreg:$0x0] =	wrdreg $0x60  }
0xae: {  	[dreg:$0x2] =	wrdreg s24  }
0xaf: {  	[dreg:$0x3] =	wrdreg $0x9  }
0xb0: {  	_ =	task.clear_ibuf [dreg:s6], $0x4FFFF;
	_ =	strace $0x90000046  }
0xb1: {  	s29 =	simm.s32 $0x9;
	_ =	strace $0x80000048  }
0xb2: {  	_ =	swait.ge [sflag:s29], $0x1  }
0xb3: {  	[sflag:s29] =	ssyncadd.s32 $0xFFFFFFFF  }
0xb4: {  	_ =	strace $0x90000048  }
0xb5: {  	_ =	sfence  }
0xb6: {  	s30 =	sld [smem:$0x0];
	_ =	sdelay $0x2  }
0xb7: {  	s31 =	sshll.u32 s1, $0xD;
	s1 =	sshrl.u32 s1, $0x2  }
0xb8: {  	s3 =	sand.u32 $0x4000, s31;
	s1 =	sadd.s32 s1, s30  }
0xb9: {  	s0 =	sor.u32 s3, s0;
	s1 =	sshll.u32 s1, $0x11  }
0xba: {  	s0 =	sor.u32 s1, s0  }
0xbb: {  	s0 =	sadd.s32 $0x8F2B, s0  }
0xbc: {  	[sflag:s0] =	ssyncadd.remote.s32 $0x1  }
0xbd: {  	_ =	sfence.sel $0xFFFF  }
0xbe: {  	[dreg:$0x0] =	wrdreg $0xFFFFFFFF;
	(pc) =	sbr.abs _section_cstart, $3  }
0xbf: {  	[dreg:$0x1] =	wrdreg $0xFFFFFFFF  }
0xc0: {  	_ =	task.clear_ibuf [dreg:s6], $0x2FFFF;
	_ =	strace $0x9FFFFFFF  }
0xc1: {  	(tm) =	ssettm $0x7FFFFFFF  }
tec
execute0_lowered:
.L_overlay_start_1:
0x0: {  	(tag) =	ssettag $0x1  }
0x1: {  	v0 =	vlaneseq.u32  }
0x2: {  	v0 =	vmul.u32 $0x1F8, v0  }
0x3: {  	v2 =	vimm.s32 $0xFFF85E00  }
0x4: {  	v3 =	vimm.s32 $0x0;
	v1 =	vor.u32 $0x1, v0;
	v16 =	vadd.s32 $0xD, v0  }
0x5: {  	v17 =	vadd.s32 $0xE, v0;
	v18 =	vadd.s32 $0xF, v0;
	v19 =	vadd.s32 $0x18, v0  }
0x6: {  	v20 =	vadd.s32 $0x19, v0;
	v21 =	vadd.s32 $0x1A, v0;
	v22 =	vadd.s32 $0x1B, v0  }
0x7: {  	v23 =	vadd.s32 $0x1C, v0;
	v24 =	vadd.s32 $0x1D, v0;
	[tilespmem:$0x1FF40] =	vst v1;
	v1 =	vor.u32 $0x2, v0  }
0x8: {  	s0 =	rddreg [dreg:$0x0];
	s1 =	simm.s32 $0x0;
	v25 =	vadd.s32 $0x1E, v0;
	v26 =	vadd.s32 $0x1F, v0;
	[tilespmem:$0x1FF50] =	vst v1;
	v1 =	vor.u32 $0x3, v0  }
0x9: {  	s4 =	srdreg.scid;
	s29 =	stileid.u32;
	s11 =	simm.s32 $0xA0;
	v27 =	vadd.s32 $0x20, v0;
	v28 =	vadd.s32 $0x21, v0;
	[tilespmem:$0x1FF60] =	vst v1;
	v1 =	vor.u32 $0x4, v0  }
0xa: {  	s12 =	simm.s32 $0x50;
	s17 =	simm.s32 $0x70;
	s18 =	simm.s32 $0x5290;
	v29 =	vadd.s32 $0x22, v0;
	v30 =	vadd.s32 $0x23, v0;
	[tilespmem:$0x1FF70] =	vst v1;
	v1 =	vor.u32 $0x5, v0  }
0xb: {  	s19 =	simm.s32 $0x110;
	s20 =	simm.s32 $0x6E90;
	s21 =	simm.s32 $0x180;
	v31 =	vadd.s32 $0x24, v0;
	v32 =	vadd.s32 $0x25, v0;
	[tilespmem:$0x1FF80] =	vst v1;
	v1 =	vor.u32 $0x6, v0  }
0xc: {  	s22 =	simm.s32 $0x8A90;
	s24 =	simm.s32 $0xA690;
	[smem:$0x7FF] =	sst s1;
	v33 =	vadd.s32 $0x26, v0;
	v34 =	vadd.s32 $0x27, v0;
	[tilespmem:$0x1FF90] =	vst v1;
	v1 =	vor.u32 $0x7, v0  }
0xd: {  	s3 =	sadd.s32 $0x7AD200, s0;
	s6 =	sand.u32 $0x1, s4;
	s5 =	sshll.u32 s29, $0x1;
	v35 =	vadd.s32 $0x30, v0;
	v36 =	vadd.s32 $0x31, v0;
	[tilespmem:$0x1FFA0] =	vst v1;
	v1 =	vadd.s32 $0x8, v0  }
0xe: {  	s10 =	simm.s32 $0x2;
	s4 =	sadd.s32 $0x7A2A00, s0;
	s7 =	sor.u32 s6, s5;
	v37 =	vadd.s32 $0x32, v0;
	v38 =	vadd.s32 $0x33, v0;
	[tilespmem:$0x1FFB0] =	vst v1;
	v1 =	vadd.s32 $0x9, v0  }
0xf: {  	s5 =	sadd.s32 $0xA00, s0;
	s9 =	ssub.s32 $0x2, s6;
	s8 =	sshll.u32 s7, $0x1;
	v39 =	vadd.s32 $0x34, v0;
	v40 =	vadd.s32 $0x35, v0;
	[tilespmem:$0x1FFC0] =	vst v1;
	v1 =	vadd.s32 $0xA, v0  }
0x10: {  	s6 =	sadd.s32 $0xF42E00, s0;
	s30 =	sshrl.u32 s9, $0x1;
	v41 =	vadd.s32 $0x36, v0;
	v42 =	vadd.s32 $0x37, v0;
	s0 =	sadd.s32 s8, s0;
	[tilespmem:$0x1FFD0] =	vst v1;
	v1 =	vadd.s32 $0xB, v0  }
0x11: {  	s23 =	simm.s32 $0x1;
	v43 =	vadd.s32 $0x38, v0;
	v44 =	vadd.s32 $0x39, v0;
	v45 =	vadd.s32 $0x3A, v0;
	s9 =	ssub.s32 s9, s30;
	s0 =	sadd.s32 $0x7B2200, s0;
	[tilespmem:$0x1FFE0] =	vst v1  }
0x12: {  	v46 =	vadd.s32 $0x3B, v0;
	v47 =	vadd.s32 $0x3C, v0;
	s31 =	smax.u32 s9, $0x1;
	v1 =	vadd.s32 $0xC, v0;
	_ =	strace $0x80000047;
	[dreg:$0x2] =	wrdreg s0  }
0x13: {  	s1 =	simm.s32 $0x0;
	s7 =	sshll.u32 s7, $0x9;
	v48 =	vadd.s32 $0x3D, v0;
	v49 =	vadd.s32 $0x3E, v0;
	v50 =	vadd.s32 $0x3F, v0;
	[tilespmem:$0x1FFF0] =	vst v1;
	[dreg:$0x3] =	wrdreg s31  }
.LBB2_1:
0x14: {  	v1 =	vimm.f32 $0.0e+00  }
0x15: {  	[dreg:$0x4] =	wrdreg s1;
	s28 =	simm.s32 $0x0;
	[tilespmem:$0xC610] =	vst v1  }
.LBB2_2:
0x16: {  	s0 =	sshll.u32 s28, $0x4  }
0x17: {  	s0 =	sadd.s32 s7, s0  }
0x18: {  	s29 =	smul.u32 $0xA, s0;
	_ =	sdelay $0x1  }
0x19: {  	s29 =	sshrl.u32 s29, $0x3  }
0x1a: {  	s0 =	smul.u32 $0x15, s0;
	s30 =	sadd.s32 s3, s29;
	s29 =	simm.s32 $0x0  }
0x1b: {  	[tilespmem:s29], [sflag:$0x2] =	stream.linear.gather [hbm4b:s30+s29], $0xA0, $0x38;
	[tilespmem:$0xC620] =	vst v63  }
0x1c: {  	_ =	swait.ge [sflag:s10], $0xA0  }
0x1d: {  	s0 =	sshrl.u32 s0, $0x3;
	[sflag:s10] =	ssyncset.done $0x0  }
0x1e: {  	s0 =	sadd.s32 s4, s0;
	[sflag:s10] =	ssyncadd.s32 $0xFFFFFF60  }
0x1f: {  	[tilespmem:s11], [sflag:$0x2] =	stream.linear.gather [hbm4b:s0+s29], $0x150, $0x38;
	[tilespmem:$0xC620] =	vst v63  }
0x20: {  	_ =	swait.ge [sflag:s10], $0x150  }
0x21: {  	[sflag:s10] =	ssyncset.done $0x0  }
0x22: {  	[sflag:s10] =	ssyncadd.s32 $0xFFFFFEB0  }
0x23: {  	v51 =	vld [tilespmem:$0x0]  }
0x24: {  	v52 =	vld [tilespmem:$0x10]  }
0x25: {  	v53 =	vld [tilespmem:$0x20]  }
0x26: {  	v54 =	vld [tilespmem:$0x30]  }
0x27: {  	v55 =	vld [tilespmem:$0x40]  }
0x28: {  	v56 =	vld [tilespmem:$0x50];
	vm0 =	vlt.s32 v51, $0x7A200  }
0x29: {  	v58 =	vld [tilespmem:$0x60];
	vm7 =	vlt.s32 v52, $0x7A200;
	v57 =	vsel vm0, $0x0, v2  }
0x2a: {  	v59 =	vld [tilespmem:$0x70];
	vm8 =	vlt.s32 v53, $0x7A200;
	v60 =	vsel vm7, $0x0, v2;
	v51 =	vadd.s32 v51, v57  }
0x2b: {  	v63 =	vld [tilespmem:$0x80];
	vm9 =	vlt.s32 v54, $0x7A200;
	v62 =	vsel vm8, $0x0, v2;
	v61 =	vadd.s32 v52, v60;
	[tilespmem:$0x1F0] =	vst v51  }
0x2c: {  	v8 =	vld [tilespmem:$0x90];
	vm10 =	vlt.s32 v55, $0x7A200;
	v7 =	vsel vm9, $0x0, v2;
	v6 =	vadd.s32 v53, v62;
	[tilespmem:$0x200] =	vst v61  }
0x2d: {  	vm11 =	vlt.s32 v56, $0x7A200;
	v10 =	vsel vm10, $0x0, v2;
	v9 =	vadd.s32 v54, v7;
	[tilespmem:$0x210] =	vst v6  }
0x2e: {  	vm12 =	vlt.s32 v58, $0x7A200;
	v12 =	vsel vm11, $0x0, v2;
	v11 =	vadd.s32 v55, v10;
	[tilespmem:$0x220] =	vst v9  }
0x2f: {  	vm13 =	vlt.s32 v59, $0x7A200;
	v14 =	vsel vm12, $0x0, v2;
	v13 =	vadd.s32 v56, v12;
	[tilespmem:$0x230] =	vst v11  }
0x30: {  	vm14 =	vlt.s32 v63, $0x7A200;
	v56 =	vadd.s32 v58, v14;
	v58 =	vsel vm13, $0x0, v2;
	[tilespmem:$0x240] =	vst v13  }
0x31: {  	vm15 =	vlt.s32 v8, $0x7A200;
	v60 =	vsel vm14, $0x0, v2;
	[tilespmem:$0x250] =	vst v56;
	v59 =	vadd.s32 v59, v58  }
0x32: {  	v62 =	vsel vm15, $0x0, v2;
	v61 =	vadd.s32 v63, v60;
	[tilespmem:$0x260] =	vst v59  }
0x33: {  	v63 =	vadd.s32 v8, v62;
	[tilespmem:$0x270] =	vst v61  }
0x34: {  	s16 =	simm.s32 $0x1F0;
	s1 =	simm.s32 $0x290;
	[tilespmem:$0x280] =	vst v63  }
0x35: {  	[tilespmem:s1], [sflag:$0x1] =	stream.indirect.gather [hbm4b:s5+s12], $0x80, s16, s12, $0xb8;
	[tilespmem:$0xC620] =	vst v63  }
0x36: {  	s25 =	simm.s32 $0x240;
	s26 =	simm.s32 $0x2A90  }
0x37: {  	[tilespmem:s26], [sflag:$0x1] =	stream.indirect.gather [hbm4b:s5+s12], $0x80, s25, s12, $0xb8;
	[tilespmem:$0xC620] =	vst v63  }
0x38: {  	_ = 	snop  }
0x39: {  	[tilespmem:s18], [sflag:$0x1] =	stream.indirect.gather [hbm4b:s6+s17], $0x40, s11, s17, $0xb8;
	[tilespmem:$0xC620] =	vst v63  }
0x3a: {  	_ = 	snop  }
0x3b: {  	[tilespmem:s20], [sflag:$0x1] =	stream.indirect.gather [hbm4b:s6+s17], $0x40, s19, s17, $0xb8;
	[tilespmem:$0xC620] =	vst v63  }
0x3c: {  	_ = 	snop  }
0x3d: {  	[tilespmem:s22], [sflag:$0x1] =	stream.indirect.gather [hbm4b:s6+s17], $0x40, s21, s17, $0xb8;
	[tilespmem:$0xC620] =	vst v63  }
0x3e: {  	_ =	swait.ge [sflag:s23], $0x2800  }
0x3f: {  	[sflag:s23] =	ssyncset.done $0x0  }
0x40: {  	[sflag:s23] =	ssyncadd.s32 $0xFFFFD800  }
0x41: {  	_ =	swait.ge [sflag:s23], $0x2800  }
0x42: {  	[sflag:s23] =	ssyncset.done $0x0  }
0x43: {  	[sflag:s23] =	ssyncadd.s32 $0xFFFFD800  }
0x44: {  	_ =	swait.ge [sflag:s23], $0x1C00  }
0x45: {  	[sflag:s23] =	ssyncset.done $0x0  }
0x46: {  	[sflag:s23] =	ssyncadd.s32 $0xFFFFE400  }
0x47: {  	_ =	swait.ge [sflag:s23], $0x1C00  }
0x48: {  	[sflag:s23] =	ssyncset.done $0x0  }
0x49: {  	[sflag:s23] =	ssyncadd.s32 $0xFFFFE400  }
0x4a: {  	_ =	swait.ge [sflag:s23], $0x1C00  }
0x4b: {  	s31 =	simm.s32 $0x5530;
	[sflag:s23] =	ssyncset.done $0x0  }
0x4c: {  	s30 =	simm.s32 $0xA780;
	s0 =	simm.s32 $0x0;
	[sflag:s23] =	ssyncadd.s32 $0xFFFFE400  }
.LBB2_3:
0x4d: {  	v51 =	vld [tilespmem:s29+$0x0];
	_ =	sdelay $0x4  }
0x4e: {  	vm0 =	vgt.s32 v51, $0x7A1FF  }
0x4f: {  	s2 =	sshra.s32 s0, $0x2;
	v51 =	vsel vm0, $0x40, v3  }
0x50: {  	v51 =	vadd.s32 s2, v51  }
0x51: {  	(v2sf) =	vpush v51, $0x1;
	_ =	sdelay $0x2  }
0x52: {  	(v2sf) =	vpush v51, $0x0;
	_ =	sdelay $0x3  }
0x53: {  	(v2sf) =	vpush v51, $0x3;
	_ =	sdelay $0x2  }
0x54: {  	(v2sf) =	vpush v51, $0x2;
	_ =	sdelay $0x2  }
0x55: {  	(v2sf) =	vpush v51, $0x5;
	_ =	sdelay $0x1  }
0x56: {  	(v2sf) =	vpush v51, $0x4;
	s2 =	spop (v2sf)  }
0x57: {  	(v2sf) =	vpush v51, $0x7;
	v52 =	vld [tilespmem:s2+$0x310]  }
0x58: {  	(v2sf) =	vpush v51, $0x6;
	v62 =	vld [tilespmem:s2+$0x320]  }
0x59: {  	(v2sf) =	vpush v51, $0x9;
	s1 =	spop (v2sf);
	v11 =	vld [tilespmem:s2+$0x330]  }
0x5a: {  	(v2sf) =	vpush v51, $0x8;
	v51 =	vld [tilespmem:s1+$0x290]  }
0x5b: {  	v61 =	vld [tilespmem:s1+$0x2A0]  }
0x5c: {  	v10 =	vld [tilespmem:s1+$0x2B0]  }
0x5d: {  	s25 =	spop (v2sf);
	v14 =	vld [tilespmem:s1+$0x2C0]  }
0x5e: {  	v54 =	vld [tilespmem:s25+$0x410]  }
0x5f: {  	v1 =	vld [tilespmem:s25+$0x420]  }
0x60: {  	s8 =	spop (v2sf);
	v13 =	vld [tilespmem:s25+$0x430]  }
0x61: {  	v53 =	vld [tilespmem:s8+$0x390]  }
0x62: {  	v63 =	vld [tilespmem:s8+$0x3A0]  }
0x63: {  	s9 =	spop (v2sf);
	v12 =	vld [tilespmem:s8+$0x3B0]  }
0x64: {  	v56 =	vld [tilespmem:s9+$0x510]  }
0x65: {  	s26 =	spop (v2sf);
	v5 =	vld [tilespmem:s9+$0x520]  }
0x66: {  	v55 =	vld [tilespmem:s26+$0x490]  }
0x67: {  	s13 =	spop (v2sf);
	v4 =	vld [tilespmem:s26+$0x4A0]  }
0x68: {  	v58 =	vld [tilespmem:s13+$0x610]  }
0x69: {  	v7 =	vld [tilespmem:s13+$0x620]  }
0x6a: {  	v51 =	vadd.f32 v52, v51;
	v52 =	vld [tilespmem:s2+$0x340]  }
0x6b: {  	v61 =	vadd.f32 v62, v61;
	v62 =	vld [tilespmem:s26+$0x4B0]  }
0x6c: {  	s14 =	spop (v2sf);
	v10 =	vadd.f32 v11, v10;
	v11 =	vld [tilespmem:s8+$0x3C0]  }
0x6d: {  	v57 =	vld [tilespmem:s14+$0x590]  }
0x6e: {  	s15 =	spop (v2sf);
	v6 =	vld [tilespmem:s14+$0x5A0]  }
0x6f: {  	v60 =	vld [tilespmem:s15+$0x710]  }
0x70: {  	v9 =	vld [tilespmem:s15+$0x720]  }
0x71: {  	v51 =	vadd.f32 v53, v51;
	v53 =	vadd.f32 v63, v61;
	v61 =	vld [tilespmem:s9+$0x530]  }
0x72: {  	s16 =	spop (v2sf);
	v10 =	vadd.f32 v12, v10;
	v12 =	vld [tilespmem:s25+$0x440]  }
0x73: {  	v59 =	vld [tilespmem:s16+$0x690]  }
0x74: {  	v8 =	vld [tilespmem:s16+$0x6A0];
	v51 =	vadd.f32 v54, v51;
	v1 =	vadd.f32 v1, v53  }
0x75: {  	v10 =	vadd.f32 v13, v10;
	v13 =	vld [tilespmem:s26+$0x4C0];
	v14 =	vadd.f32 v52, v14  }
0x76: {  	v54 =	vld [tilespmem:s9+$0x540];
	v51 =	vadd.f32 v55, v51  }
0x77: {  	v52 =	vld [tilespmem:s14+$0x5B0];
	v1 =	vadd.f32 v4, v1;
	v4 =	vadd.f32 v11, v14  }
0x78: {  	v10 =	vadd.f32 v62, v10;
	v62 =	vld [tilespmem:s15+$0x740];
	v63 =	vadd.f32 v56, v51  }
0x79: {  	v11 =	vld [tilespmem:s13+$0x630];
	v1 =	vadd.f32 v5, v1;
	v4 =	vadd.f32 v12, v4  }
0x7a: {  	v10 =	vadd.f32 v61, v10;
	v56 =	vld [tilespmem:s14+$0x5C0];
	v55 =	vadd.f32 v57, v63  }
0x7b: {  	v5 =	vld [tilespmem:s16+$0x6B0];
	v1 =	vadd.f32 v6, v1;
	v4 =	vadd.f32 v13, v4  }
0x7c: {  	v10 =	vadd.f32 v52, v10;
	v12 =	vadd.f32 v58, v55;
	v58 =	vld [tilespmem:s13+$0x640]  }
0x7d: {  	v57 =	vld [tilespmem:s15+$0x730];
	v1 =	vadd.f32 v7, v1;
	v4 =	vadd.f32 v54, v4  }
0x7e: {  	v61 =	vld [tilespmem:s16+$0x6C0];
	v10 =	vadd.f32 v11, v10;
	v12 =	vadd.f32 v59, v12  }
0x7f: {  	v63 =	vld [tilespmem:s31+$0xFFFFFD60];
	v1 =	vadd.f32 v8, v1;
	v4 =	vadd.f32 v56, v4  }
0x80: {  	v5 =	vadd.f32 v5, v10;
	v56 =	vld [tilespmem:s31+$0xFFFFFD70];
	v12 =	vadd.f32 v60, v12  }
0x81: {  	v1 =	vadd.f32 v9, v1;
	v4 =	vadd.f32 v58, v4  }
0x82: {  	v5 =	vadd.f32 v57, v5;
	v57 =	vld [tilespmem:s31+$0xFFFFFD80]  }
0x83: {  	v51 =	vmul.f32 $1.000000010e-01, v12;
	v52 =	vmul.f32 $1.000000010e-01, v1;
	v1 =	vadd.f32 v61, v4  }
0x84: {  	v53 =	vmul.f32 $1.000000010e-01, v5;
	v4 =	vld [tilespmem:s31+$0xFFFFFD90]  }
0x85: {  	v5 =	vmul.f32 v63, v51;
	v58 =	vmul.f32 v56, v52;
	v1 =	vadd.f32 v62, v1;
	_ =	sdelay $0x1  }
0x86: {  	v54 =	vmul.f32 $1.000000010e-01, v1;
	v1 =	vadd.f32 v58, v5;
	v5 =	vmul.f32 v57, v53;
	_ =	sdelay $0x1  }
0x87: {  	v1 =	vadd.f32 v5, v1;
	v4 =	vmul.f32 v4, v54;
	_ =	sdelay $0x1  }
0x88: {  	v1 =	vadd.f32 v4, v1;
	_ =	sdelay $0x1  }
0x89: {  	[tilespmem:s30+$0xFFFFFF10] =	vst v1  }
0x8a: {  	v1 =	vld [tilespmem:s31+$0xFFFFFDA0]  }
0x8b: {  	v4 =	vld [tilespmem:s31+$0xFFFFFDB0];
	_ =	sdelay $0x1  }
0x8c: {  	v5 =	vld [tilespmem:s31+$0xFFFFFDC0];
	_ =	sdelay $0x1  }
0x8d: {  	v59 =	vld [tilespmem:s31+$0xFFFFFDD0]  }
0x8e: {  	v1 =	vmul.f32 v1, v51;
	v4 =	vmul.f32 v4, v52;
	_ =	sdelay $0x1  }
0x8f: {  	v1 =	vadd.f32 v4, v1;
	v4 =	vmul.f32 v5, v53;
	_ =	sdelay $0x1  }
0x90: {  	v1 =	vadd.f32 v4, v1;
	v4 =	vmul.f32 v59, v54;
	_ =	sdelay $0x1  }
0x91: {  	v1 =	vadd.f32 v4, v1;
	_ =	sdelay $0x1  }
0x92: {  	[tilespmem:s30+$0xFFFFFF28] =	vst v1  }
0x93: {  	v1 =	vld [tilespmem:s31+$0xFFFFFDE0]  }
0x94: {  	v4 =	vld [tilespmem:s31+$0xFFFFFDF0];
	_ =	sdelay $0x1  }
0x95: {  	v5 =	vld [tilespmem:s31+$0xFFFFFE00];
	_ =	sdelay $0x1  }
0x96: {  	v60 =	vld [tilespmem:s31+$0xFFFFFE10]  }
0x97: {  	v1 =	vmul.f32 v1, v51;
	v4 =	vmul.f32 v4, v52;
	_ =	sdelay $0x1  }
0x98: {  	v1 =	vadd.f32 v4, v1;
	v4 =	vmul.f32 v5, v53;
	_ =	sdelay $0x1  }
0x99: {  	v1 =	vadd.f32 v4, v1;
	v4 =	vmul.f32 v60, v54;
	_ =	sdelay $0x1  }
0x9a: {  	v1 =	vadd.f32 v4, v1;
	_ =	sdelay $0x1  }
0x9b: {  	[tilespmem:s30+$0xFFFFFF40] =	vst v1  }
0x9c: {  	v1 =	vld [tilespmem:s31+$0xFFFFFE20]  }
0x9d: {  	v4 =	vld [tilespmem:s31+$0xFFFFFE30];
	_ =	sdelay $0x1  }
0x9e: {  	v5 =	vld [tilespmem:s31+$0xFFFFFE40];
	_ =	sdelay $0x1  }
0x9f: {  	v61 =	vld [tilespmem:s31+$0xFFFFFE50]  }
0xa0: {  	v1 =	vmul.f32 v1, v51;
	v4 =	vmul.f32 v4, v52;
	_ =	sdelay $0x1  }
0xa1: {  	v1 =	vadd.f32 v4, v1;
	v4 =	vmul.f32 v5, v53;
	_ =	sdelay $0x1  }
0xa2: {  	v1 =	vadd.f32 v4, v1;
	v4 =	vmul.f32 v61, v54;
	_ =	sdelay $0x1  }
0xa3: {  	v1 =	vadd.f32 v4, v1;
	_ =	sdelay $0x1  }
0xa4: {  	[tilespmem:s30+$0xFFFFFF58] =	vst v1  }
0xa5: {  	v1 =	vld [tilespmem:s31+$0xFFFFFE60]  }
0xa6: {  	v4 =	vld [tilespmem:s31+$0xFFFFFE70];
	_ =	sdelay $0x1  }
0xa7: {  	v5 =	vld [tilespmem:s31+$0xFFFFFE80];
	_ =	sdelay $0x1  }
0xa8: {  	v62 =	vld [tilespmem:s31+$0xFFFFFE90]  }
0xa9: {  	v1 =	vmul.f32 v1, v51;
	v4 =	vmul.f32 v4, v52;
	_ =	sdelay $0x1  }
0xaa: {  	v1 =	vadd.f32 v4, v1;
	v4 =	vmul.f32 v5, v53;
	_ =	sdelay $0x1  }
0xab: {  	v1 =	vadd.f32 v4, v1;
	v4 =	vmul.f32 v62, v54;
	_ =	sdelay $0x1  }
0xac: {  	v1 =	vadd.f32 v4, v1;
	_ =	sdelay $0x1  }
0xad: {  	[tilespmem:s30+$0xFFFFFF70] =	vst v1  }
0xae: {  	v1 =	vld [tilespmem:s31+$0xFFFFFEA0]  }
0xaf: {  	v4 =	vld [tilespmem:s31+$0xFFFFFEB0];
	_ =	sdelay $0x1  }
0xb0: {  	v5 =	vld [tilespmem:s31+$0xFFFFFEC0];
	_ =	sdelay $0x1  }
0xb1: {  	v63 =	vld [tilespmem:s31+$0xFFFFFED0]  }
0xb2: {  	v1 =	vmul.f32 v1, v51;
	v4 =	vmul.f32 v4, v52;
	_ =	sdelay $0x1  }
0xb3: {  	v1 =	vadd.f32 v4, v1;
	v4 =	vmul.f32 v5, v53;
	_ =	sdelay $0x1  }
0xb4: {  	v1 =	vadd.f32 v4, v1;
	v4 =	vmul.f32 v63, v54;
	_ =	sdelay $0x1  }
0xb5: {  	v1 =	vadd.f32 v4, v1;
	_ =	sdelay $0x1  }
0xb6: {  	[tilespmem:s30+$0xFFFFFF88] =	vst v1  }
0xb7: {  	v1 =	vld [tilespmem:s31+$0xFFFFFEE0]  }
0xb8: {  	v4 =	vld [tilespmem:s31+$0xFFFFFEF0];
	_ =	sdelay $0x1  }
0xb9: {  	v5 =	vld [tilespmem:s31+$0xFFFFFF00];
	_ =	sdelay $0x1  }
0xba: {  	v9 =	vld [tilespmem:s31+$0xFFFFFF10]  }
0xbb: {  	v1 =	vmul.f32 v1, v51;
	v4 =	vmul.f32 v4, v52;
	_ =	sdelay $0x1  }
0xbc: {  	v1 =	vadd.f32 v4, v1;
	v4 =	vmul.f32 v5, v53;
	_ =	sdelay $0x1  }
0xbd: {  	v1 =	vadd.f32 v4, v1;
	v4 =	vmul.f32 v9, v54;
	_ =	sdelay $0x1  }
0xbe: {  	v1 =	vadd.f32 v4, v1;
	_ =	sdelay $0x1  }
0xbf: {  	[tilespmem:s30+$0xFFFFFFA0] =	vst v1  }
0xc0: {  	v1 =	vld [tilespmem:s31+$0xFFFFFF20]  }
0xc1: {  	v4 =	vld [tilespmem:s31+$0xFFFFFF30];
	_ =	sdelay $0x1  }
0xc2: {  	v5 =	vld [tilespmem:s31+$0xFFFFFF40];
	_ =	sdelay $0x1  }
0xc3: {  	v10 =	vld [tilespmem:s31+$0xFFFFFF50]  }
0xc4: {  	v1 =	vmul.f32 v1, v51;
	v4 =	vmul.f32 v4, v52;
	_ =	sdelay $0x1  }
0xc5: {  	v1 =	vadd.f32 v4, v1;
	v4 =	vmul.f32 v5, v53;
	_ =	sdelay $0x1  }
0xc6: {  	v1 =	vadd.f32 v4, v1;
	v4 =	vmul.f32 v10, v54;
	_ =	sdelay $0x1  }
0xc7: {  	v1 =	vadd.f32 v4, v1;
	_ =	sdelay $0x1  }
0xc8: {  	[tilespmem:s30+$0xFFFFFFB8] =	vst v1  }
0xc9: {  	v1 =	vld [tilespmem:s31+$0xFFFFFF60]  }
0xca: {  	v4 =	vld [tilespmem:s31+$0xFFFFFF70];
	_ =	sdelay $0x1  }
0xcb: {  	v5 =	vld [tilespmem:s31+$0xFFFFFF80];
	_ =	sdelay $0x1  }
0xcc: {  	v11 =	vld [tilespmem:s31+$0xFFFFFF90]  }
0xcd: {  	v1 =	vmul.f32 v1, v51;
	v4 =	vmul.f32 v4, v52;
	_ =	sdelay $0x1  }
0xce: {  	v1 =	vadd.f32 v4, v1;
	v4 =	vmul.f32 v5, v53;
	_ =	sdelay $0x1  }
0xcf: {  	v1 =	vadd.f32 v4, v1;
	v4 =	vmul.f32 v11, v54;
	_ =	sdelay $0x1  }
0xd0: {  	v1 =	vadd.f32 v4, v1;
	_ =	sdelay $0x1  }
0xd1: {  	[tilespmem:s30+$0xFFFFFFD0] =	vst v1  }
0xd2: {  	v1 =	vld [tilespmem:s31+$0xFFFFFFA0]  }
0xd3: {  	v4 =	vld [tilespmem:s31+$0xFFFFFFB0];
	_ =	sdelay $0x1  }
0xd4: {  	v5 =	vld [tilespmem:s31+$0xFFFFFFC0];
	_ =	sdelay $0x1  }
0xd5: {  	v12 =	vld [tilespmem:s31+$0xFFFFFFD0]  }
0xd6: {  	v1 =	vmul.f32 v1, v51;
	v4 =	vmul.f32 v4, v52;
	_ =	sdelay $0x1  }
0xd7: {  	v1 =	vadd.f32 v4, v1;
	v4 =	vmul.f32 v5, v53;
	_ =	sdelay $0x1  }
0xd8: {  	v1 =	vadd.f32 v4, v1;
	v4 =	vmul.f32 v12, v54;
	_ =	sdelay $0x1  }
0xd9: {  	v1 =	vadd.f32 v4, v1;
	_ =	sdelay $0x1  }
0xda: {  	[tilespmem:s30+$0xFFFFFFE8] =	vst v1  }
0xdb: {  	v1 =	vld [tilespmem:s31+$0xFFFFFFE0]  }
0xdc: {  	v4 =	vld [tilespmem:s31+$0xFFFFFFF0];
	_ =	sdelay $0x1  }
0xdd: {  	v5 =	vld [tilespmem:s31+$0x0];
	_ =	sdelay $0x1  }
0xde: {  	v13 =	vld [tilespmem:s31+$0x10]  }
0xdf: {  	v1 =	vmul.f32 v1, v51;
	v4 =	vmul.f32 v4, v52;
	_ =	sdelay $0x1  }
0xe0: {  	v1 =	vadd.f32 v4, v1;
	v4 =	vmul.f32 v5, v53;
	_ =	sdelay $0x1  }
0xe1: {  	v1 =	vadd.f32 v4, v1;
	v4 =	vmul.f32 v13, v54;
	_ =	sdelay $0x1  }
0xe2: {  	v1 =	vadd.f32 v4, v1;
	_ =	sdelay $0x1  }
0xe3: {  	[tilespmem:s30+$0x0] =	vst v1  }
0xe4: {  	v1 =	vld [tilespmem:s31+$0x20]  }
0xe5: {  	v4 =	vld [tilespmem:s31+$0x30];
	_ =	sdelay $0x1  }
0xe6: {  	v5 =	vld [tilespmem:s31+$0x40];
	_ =	sdelay $0x1  }
0xe7: {  	v14 =	vld [tilespmem:s31+$0x50]  }
0xe8: {  	v1 =	vmul.f32 v1, v51;
	v4 =	vmul.f32 v4, v52;
	_ =	sdelay $0x1  }
0xe9: {  	v1 =	vadd.f32 v4, v1;
	v4 =	vmul.f32 v5, v53;
	_ =	sdelay $0x1  }
0xea: {  	v1 =	vadd.f32 v4, v1;
	v4 =	vmul.f32 v14, v54;
	_ =	sdelay $0x1  }
0xeb: {  	v1 =	vadd.f32 v4, v1;
	_ =	sdelay $0x1  }
0xec: {  	[tilespmem:s30+$0x18] =	vst v1  }
0xed: {  	v1 =	vld [tilespmem:s31+$0x60]  }
0xee: {  	v4 =	vld [tilespmem:s31+$0x70];
	_ =	sdelay $0x1  }
0xef: {  	v5 =	vld [tilespmem:s31+$0x80];
	_ =	sdelay $0x1  }
0xf0: {  	v55 =	vld [tilespmem:s31+$0x90]  }
0xf1: {  	v1 =	vmul.f32 v1, v51;
	v4 =	vmul.f32 v4, v52;
	_ =	sdelay $0x1  }
0xf2: {  	v1 =	vadd.f32 v4, v1;
	v4 =	vmul.f32 v5, v53;
	_ =	sdelay $0x1  }
0xf3: {  	v1 =	vadd.f32 v4, v1;
	v4 =	vmul.f32 v55, v54;
	_ =	sdelay $0x1  }
0xf4: {  	v1 =	vadd.f32 v4, v1;
	_ =	sdelay $0x1  }
0xf5: {  	[tilespmem:s30+$0x30] =	vst v1  }
0xf6: {  	v1 =	vld [tilespmem:s31+$0xA0]  }
0xf7: {  	v4 =	vld [tilespmem:s31+$0xB0];
	_ =	sdelay $0x1  }
0xf8: {  	v5 =	vld [tilespmem:s31+$0xC0];
	_ =	sdelay $0x1  }
0xf9: {  	v56 =	vld [tilespmem:s31+$0xD0]  }
0xfa: {  	v1 =	vmul.f32 v1, v51;
	v4 =	vmul.f32 v4, v52;
	_ =	sdelay $0x1  }
0xfb: {  	v1 =	vadd.f32 v4, v1;
	v4 =	vmul.f32 v5, v53;
	_ =	sdelay $0x1  }
0xfc: {  	v1 =	vadd.f32 v4, v1;
	v4 =	vmul.f32 v56, v54;
	_ =	sdelay $0x1  }
0xfd: {  	v1 =	vadd.f32 v4, v1;
	_ =	sdelay $0x1  }
0xfe: {  	[tilespmem:s30+$0x48] =	vst v1  }
0xff: {  	v1 =	vld [tilespmem:s31+$0xE0]  }
0x100: {  	v4 =	vld [tilespmem:s31+$0xF0];
	_ =	sdelay $0x1  }
0x101: {  	v5 =	vld [tilespmem:s31+$0x100];
	_ =	sdelay $0x1  }
0x102: {  	v57 =	vld [tilespmem:s31+$0x110]  }
0x103: {  	v1 =	vmul.f32 v1, v51;
	v4 =	vmul.f32 v4, v52;
	_ =	sdelay $0x1  }
0x104: {  	v1 =	vadd.f32 v4, v1;
	v4 =	vmul.f32 v5, v53;
	_ =	sdelay $0x1  }
0x105: {  	v1 =	vadd.f32 v4, v1;
	v4 =	vmul.f32 v57, v54;
	_ =	sdelay $0x1  }
0x106: {  	v1 =	vadd.f32 v4, v1;
	_ =	sdelay $0x1  }
0x107: {  	[tilespmem:s30+$0x60] =	vst v1  }
0x108: {  	v1 =	vld [tilespmem:s31+$0x120]  }
0x109: {  	v4 =	vld [tilespmem:s31+$0x130];
	_ =	sdelay $0x1  }
0x10a: {  	v5 =	vld [tilespmem:s31+$0x140];
	_ =	sdelay $0x1  }
0x10b: {  	v58 =	vld [tilespmem:s31+$0x150]  }
0x10c: {  	v1 =	vmul.f32 v1, v51;
	v4 =	vmul.f32 v4, v52;
	_ =	sdelay $0x1  }
0x10d: {  	v1 =	vadd.f32 v4, v1;
	v4 =	vmul.f32 v5, v53;
	_ =	sdelay $0x1  }
0x10e: {  	v1 =	vadd.f32 v4, v1;
	v4 =	vmul.f32 v58, v54;
	_ =	sdelay $0x1  }
0x10f: {  	v1 =	vadd.f32 v4, v1;
	_ =	sdelay $0x1  }
0x110: {  	[tilespmem:s30+$0x78] =	vst v1  }
0x111: {  	v1 =	vld [tilespmem:s31+$0x160]  }
0x112: {  	v4 =	vld [tilespmem:s31+$0x170];
	_ =	sdelay $0x1  }
0x113: {  	v5 =	vld [tilespmem:s31+$0x180];
	_ =	sdelay $0x1  }
0x114: {  	v59 =	vld [tilespmem:s31+$0x190]  }
0x115: {  	v1 =	vmul.f32 v1, v51;
	v4 =	vmul.f32 v4, v52;
	_ =	sdelay $0x1  }
0x116: {  	v1 =	vadd.f32 v4, v1;
	v4 =	vmul.f32 v5, v53;
	_ =	sdelay $0x1  }
0x117: {  	v1 =	vadd.f32 v4, v1;
	v4 =	vmul.f32 v59, v54;
	_ =	sdelay $0x1  }
0x118: {  	v1 =	vadd.f32 v4, v1;
	_ =	sdelay $0x1  }
0x119: {  	[tilespmem:s30+$0x90] =	vst v1  }
0x11a: {  	v1 =	vld [tilespmem:s31+$0x1A0]  }
0x11b: {  	v4 =	vld [tilespmem:s31+$0x1B0];
	_ =	sdelay $0x1  }
0x11c: {  	v5 =	vld [tilespmem:s31+$0x1C0];
	_ =	sdelay $0x1  }
0x11d: {  	v60 =	vld [tilespmem:s31+$0x1D0]  }
0x11e: {  	v1 =	vmul.f32 v1, v51;
	v4 =	vmul.f32 v4, v52;
	_ =	sdelay $0x1  }
0x11f: {  	v1 =	vadd.f32 v4, v1;
	v4 =	vmul.f32 v5, v53;
	_ =	sdelay $0x1  }
0x120: {  	v1 =	vadd.f32 v4, v1;
	v4 =	vmul.f32 v60, v54;
	_ =	sdelay $0x1  }
0x121: {  	v1 =	vadd.f32 v4, v1;
	_ =	sdelay $0x1  }
0x122: {  	[tilespmem:s30+$0xA8] =	vst v1  }
0x123: {  	v1 =	vld [tilespmem:s31+$0x1E0]  }
0x124: {  	v4 =	vld [tilespmem:s31+$0x1F0];
	_ =	sdelay $0x1  }
0x125: {  	v5 =	vld [tilespmem:s31+$0x200];
	_ =	sdelay $0x1  }
0x126: {  	v61 =	vld [tilespmem:s31+$0x210]  }
0x127: {  	v1 =	vmul.f32 v1, v51;
	v4 =	vmul.f32 v4, v52;
	_ =	sdelay $0x1  }
0x128: {  	v1 =	vadd.f32 v4, v1;
	v4 =	vmul.f32 v5, v53;
	_ =	sdelay $0x1  }
0x129: {  	v1 =	vadd.f32 v4, v1;
	v4 =	vmul.f32 v61, v54;
	_ =	sdelay $0x1  }
0x12a: {  	v1 =	vadd.f32 v4, v1;
	_ =	sdelay $0x1  }
0x12b: {  	[tilespmem:s30+$0xC0] =	vst v1  }
0x12c: {  	v1 =	vld [tilespmem:s31+$0x220]  }
0x12d: {  	v4 =	vld [tilespmem:s31+$0x230];
	_ =	sdelay $0x1  }
0x12e: {  	v5 =	vld [tilespmem:s31+$0x240];
	_ =	sdelay $0x1  }
0x12f: {  	v62 =	vld [tilespmem:s31+$0x250]  }
0x130: {  	v1 =	vmul.f32 v1, v51;
	v4 =	vmul.f32 v4, v52;
	_ =	sdelay $0x1  }
0x131: {  	v1 =	vadd.f32 v4, v1;
	v4 =	vmul.f32 v5, v53;
	_ =	sdelay $0x1  }
0x132: {  	v1 =	vadd.f32 v4, v1;
	v4 =	vmul.f32 v62, v54;
	_ =	sdelay $0x1  }
0x133: {  	v1 =	vadd.f32 v4, v1;
	_ =	sdelay $0x1  }
0x134: {  	[tilespmem:s30+$0xD8] =	vst v1  }
0x135: {  	v1 =	vld [tilespmem:s31+$0x260]  }
0x136: {  	v4 =	vld [tilespmem:s31+$0x270];
	_ =	sdelay $0x1  }
0x137: {  	v5 =	vld [tilespmem:s31+$0x280];
	_ =	sdelay $0x1  }
0x138: {  	v63 =	vld [tilespmem:s31+$0x290]  }
0x139: {  	v1 =	vmul.f32 v1, v51;
	v4 =	vmul.f32 v4, v52;
	_ =	sdelay $0x1  }
0x13a: {  	v1 =	vadd.f32 v4, v1;
	v4 =	vmul.f32 v5, v53  }
0x13b: {  	p0 =	sne.s32 s0, $0x12C00  }
.Ltmp0:
0x13c: {  	v1 =	vadd.f32 v4, v1;
	v4 =	vmul.f32 v63, v54;
	(pc) =	sbr.rel @p0 .LBB2_3-.Ltmp0, $4  }
0x13d: {  	_ = 	snop  }
0x13e: {  	v1 =	vadd.f32 v4, v1  }
0x13f: {  	s29 =	sadd.s32 $0xA, s29  }
0x140: {  	s0 =	sadd.s32 $0x1400, s0;
	s31 =	sadd.s32 $0x540, s31;
	[tilespmem:s30+$0xF0] =	vst v1;
	s30 =	sadd.s32 $0x1F8, s30  }
0x141: {  	v4 =	vld [tilespmem:$0x1FF40];
	_ =	sdelay $0x5  }
0x142: {  	v1 =	vld.idx.msk [tilespmem:v0+s24+$0x0], $0xffff  }
0x143: {  	v5 =	vld [tilespmem:$0x1FF50]  }
0x144: {  	v4 =	vld.idx.msk [tilespmem:v4+s24+$0x0], $0xffff;
	_ =	sdelay $0x2  }
0x145: {  	v6 =	vld [tilespmem:$0x1FF60];
	_ =	sdelay $0x1  }
0x146: {  	v1 =	vadd.f32 v4, v1;
	v4 =	vld [tilespmem:$0x1FF70];
	_ =	sdelay $0x1  }
0x147: {  	v5 =	vld.idx.msk [tilespmem:v5+s24+$0x0], $0xffff;
	_ =	sdelay $0x2  }
0x148: {  	v59 =	vld [tilespmem:$0x1FF90]  }
0x149: {  	v6 =	vld.idx.msk [tilespmem:v6+s24+$0x0], $0xffff  }
0x14a: {  	v1 =	vadd.f32 v5, v1;
	v5 =	vld [tilespmem:$0x1FF80]  }
0x14b: {  	v4 =	vld.idx.msk [tilespmem:v4+s24+$0x0], $0xffff  }
0x14c: {  	v7 =	vld [tilespmem:$0x1FFA0]  }
0x14d: {  	v8 =	vld.idx.msk [tilespmem:v19+s24+$0x0], $0xffff  }
0x14e: {  	v9 =	vld [tilespmem:$0x1FFC0];
	v1 =	vadd.f32 v6, v1  }
0x14f: {  	v60 =	vld.idx.msk [tilespmem:v21+s24+$0x0], $0xffff  }
0x150: {  	v1 =	vadd.f32 v4, v1;
	v4 =	vld [tilespmem:$0x1FFB0]  }
0x151: {  	v10 =	vld [tilespmem:$0x1FFD0]  }
0x152: {  	v5 =	vld.idx.msk [tilespmem:v5+s24+$0x0], $0xffff  }
0x153: {  	v11 =	vld [tilespmem:$0x1FFE0]  }
0x154: {  	v6 =	vld.idx.msk [tilespmem:v59+s24+$0x0], $0xffff  }
0x155: {  	v62 =	vld [tilespmem:$0x1FFF0]  }
0x156: {  	v7 =	vld.idx.msk [tilespmem:v7+s24+$0x0], $0xffff  }
0x157: {  	v1 =	vadd.f32 v5, v1;
	v5 =	vld.idx.msk [tilespmem:v20+s24+$0x0], $0xffff  }
0x158: {  	v4 =	vld.idx.msk [tilespmem:v4+s24+$0x0], $0xffff  }
0x159: {  	v61 =	vld.idx.msk [tilespmem:v22+s24+$0x0], $0xffff;
	v1 =	vadd.f32 v6, v1  }
0x15a: {  	v9 =	vld.idx.msk [tilespmem:v9+s24+$0x0], $0xffff  }
0x15b: {  	v63 =	vld.idx.msk [tilespmem:v24+s24+$0x0], $0xffff;
	v1 =	vadd.f32 v7, v1  }
0x15c: {  	v10 =	vld.idx.msk [tilespmem:v10+s24+$0x0], $0xffff;
	v5 =	vadd.f32 v5, v8  }
0x15d: {  	v1 =	vadd.f32 v4, v1;
	v4 =	vld.idx.msk [tilespmem:v23+s24+$0x0], $0xffff  }
0x15e: {  	v11 =	vld.idx.msk [tilespmem:v11+s24+$0x0], $0xffff;
	v5 =	vadd.f32 v60, v5  }
0x15f: {  	v12 =	vld.idx.msk [tilespmem:v16+s24+$0x0], $0xffff;
	v1 =	vadd.f32 v9, v1  }
0x160: {  	v8 =	vld.idx.msk [tilespmem:v62+s24+$0x0], $0xffff;
	v5 =	vadd.f32 v61, v5  }
0x161: {  	v13 =	vld.idx.msk [tilespmem:v25+s24+$0x0], $0xffff;
	v1 =	vadd.f32 v10, v1  }
0x162: {  	v14 =	vld.idx.msk [tilespmem:v17+s24+$0x0], $0xffff;
	v4 =	vadd.f32 v4, v5  }
0x163: {  	v5 =	vld.idx.msk [tilespmem:v26+s24+$0x0], $0xffff;
	v1 =	vadd.f32 v11, v1  }
0x164: {  	v51 =	vld.idx.msk [tilespmem:v18+s24+$0x0], $0xffff;
	v4 =	vadd.f32 v63, v4  }
0x165: {  	v52 =	vld.idx.msk [tilespmem:v27+s24+$0x0], $0xffff;
	v1 =	vadd.f32 v8, v1  }
0x166: {  	v53 =	vld.idx.msk [tilespmem:v28+s24+$0x0], $0xffff;
	v4 =	vadd.f32 v13, v4  }
0x167: {  	v54 =	vld.idx.msk [tilespmem:v35+s24+$0x0], $0xffff;
	v1 =	vadd.f32 v12, v1  }
0x168: {  	v4 =	vadd.f32 v5, v4;
	v5 =	vld.idx.msk [tilespmem:v36+s24+$0x0], $0xffff  }
0x169: {  	v55 =	vld.idx.msk [tilespmem:v29+s24+$0x0], $0xffff;
	v1 =	vadd.f32 v14, v1  }
0x16a: {  	v56 =	vld.idx.msk [tilespmem:v37+s24+$0x0], $0xffff;
	v4 =	vadd.f32 v52, v4  }
0x16b: {  	v57 =	vld.idx.msk [tilespmem:v30+s24+$0x0], $0xffff;
	v1 =	vadd.f32 v51, v1  }
0x16c: {  	v58 =	vld.idx.msk [tilespmem:v38+s24+$0x0], $0xffff;
	v4 =	vadd.f32 v53, v4  }
0x16d: {  	v59 =	vld.idx.msk [tilespmem:v31+s24+$0x0], $0xffff;
	v1 =	vsub.f32 $0.0e+00, v1;
	v5 =	vadd.f32 v5, v54  }
0x16e: {  	v60 =	vld.idx.msk [tilespmem:v39+s24+$0x0], $0xffff;
	v4 =	vadd.f32 v55, v4  }
0x16f: {  	v61 =	vld.idx.msk [tilespmem:v32+s24+$0x0], $0xffff;
	v1 =	vmul.f32 $1.442695020e+00, v1;
	v5 =	vadd.f32 v56, v5  }
0x170: {  	v62 =	vld.idx.msk [tilespmem:v40+s24+$0x0], $0xffff;
	v4 =	vadd.f32 v57, v4  }
0x171: {  	(erf) = vpow2.f32 v1;
	v1 =	vld.idx.msk [tilespmem:v33+s24+$0x0], $0xffff;
	v5 =	vadd.f32 v58, v5  }
0x172: {  	v63 =	vld.idx.msk [tilespmem:v41+s24+$0x0], $0xffff;
	v13 =	vadd.s32 $0x48, v0;
	v4 =	vadd.f32 v59, v4  }
0x173: {  	v12 =	vld.idx.msk [tilespmem:v34+s24+$0x0], $0xffff;
	v5 =	vadd.f32 v60, v5  }
0x174: {  	v14 =	vld.idx.msk [tilespmem:v42+s24+$0x0], $0xffff;
	v51 =	vadd.s32 $0x49, v0;
	v4 =	vadd.f32 v61, v4  }
0x175: {  	v5 =	vadd.f32 v62, v5  }
0x176: {  	v1 =	vadd.f32 v1, v4;
	v4 =	vld.idx.msk [tilespmem:v43+s24+$0x0], $0xffff  }
0x177: {  	v52 =	vadd.s32 $0x4A, v0;
	v8 =	vld.idx.msk [tilespmem:v13+s24+$0x0], $0xffff;
	v5 =	vadd.f32 v63, v5  }
0x178: {  	v53 =	vld.idx.msk [tilespmem:v44+s24+$0x0], $0xffff;
	v54 =	vadd.s32 $0x4B, v0;
	v1 =	vadd.f32 v12, v1  }
0x179: {  	v55 =	vld.idx.msk [tilespmem:v51+s24+$0x0], $0xffff;
	v5 =	vadd.f32 v14, v5  }
0x17a: {  	v13 =	vadd.s32 $0x4C, v0;
	v12 =	vld.idx.msk [tilespmem:v45+s24+$0x0], $0xffff;
	v56 =	vpop (erf);
	v1 =	vsub.f32 $0.0e+00, v1  }
0x17b: {  	v57 =	vld.idx.msk [tilespmem:v46+s24+$0x0], $0xffff;
	v11 =	vadd.f32 $1.000000000e+00, v56;
	v4 =	vadd.f32 v4, v5  }
0x17c: {  	v5 =	vld.idx.msk [tilespmem:v52+s24+$0x0], $0xffff;
	v1 =	vmul.f32 $1.442695020e+00, v1  }
0x17d: {  	v58 =	vld.idx.msk [tilespmem:v54+s24+$0x0], $0xffff;
	v14 =	vadd.s32 $0x4D, v0;
	(erf) = vrcp.f32 v11;
	v4 =	vadd.f32 v53, v4  }
0x17e: {  	(erf) = vpow2.f32 v1;
	v1 =	vld.idx.msk [tilespmem:v47+s24+$0x0], $0xffff  }
0x17f: {  	v59 =	vadd.s32 $0x4E, v0;
	v60 =	vld.idx.msk [tilespmem:v13+s24+$0x0], $0xffff;
	v8 =	vadd.f32 v55, v8;
	v4 =	vadd.f32 v12, v4  }
0x180: {  	v61 =	vld.idx.msk [tilespmem:v48+s24+$0x0], $0xffff  }
0x181: {  	v51 =	vld.idx.msk [tilespmem:v49+s24+$0x0], $0xffff;
	v62 =	vadd.s32 $0x4F, v0;
	v5 =	vadd.f32 v5, v8;
	v4 =	vadd.f32 v57, v4  }
0x182: {  	v63 =	vld.idx.msk [tilespmem:v14+s24+$0x0], $0xffff  }
0x183: {  	v52 =	vadd.s32 $0x50, v0;
	v53 =	vld.idx.msk [tilespmem:v50+s24+$0x0], $0xffff;
	v5 =	vadd.f32 v58, v5;
	v1 =	vadd.f32 v1, v4  }
0x184: {  	v4 =	vld.idx.msk [tilespmem:v59+s24+$0x0], $0xffff  }
0x185: {  	v54 =	vadd.s32 $0x51, v0;
	v5 =	vadd.f32 v60, v5;
	v1 =	vadd.f32 v61, v1  }
0x186: {  	v8 =	vld.idx.msk [tilespmem:v62+s24+$0x0], $0xffff;
	v57 =	vadd.s32 $0x60, v0  }
0x187: {  	v55 =	vadd.s32 $0x52, v0;
	v5 =	vadd.f32 v63, v5;
	v1 =	vadd.f32 v51, v1  }
0x188: {  	v7 =	vld.idx.msk [tilespmem:v52+s24+$0x0], $0xffff;
	v59 =	vadd.s32 $0x61, v0;
	v61 =	vadd.s32 $0x62, v0;
	v56 =	vpop (erf)  }
0x189: {  	v58 =	vpop (erf);
	v4 =	vadd.f32 v4, v5;
	v5 =	vadd.s32 $0x53, v0;
	v1 =	vadd.f32 v53, v1  }
0x18a: {  	v60 =	vld.idx.msk [tilespmem:v54+s24+$0x0], $0xffff;
	v63 =	vadd.s32 $0x54, v0;
	v13 =	vadd.f32 $1.000000010e-10, v56;
	v14 =	vadd.f32 $1.000000000e+00, v58  }
0x18b: {  	v6 =	vld.idx.msk [tilespmem:v57+s24+$0x0], $0xffff;
	v57 =	vadd.s32 $0x55, v0;
	v4 =	vadd.f32 v8, v4;
	v1 =	vsub.f32 $0.0e+00, v1  }
0x18c: {  	v62 =	vld.idx.msk [tilespmem:v55+s24+$0x0], $0xffff;
	v51 =	vadd.s32 $0x63, v0;
	v56 =	vand.u32 $0x7FFFFF, v13;
	(erf) = vrcp.f32 v14  }
0x18d: {  	v12 =	vld.idx.msk [tilespmem:v59+s24+$0x0], $0xffff;
	v14 =	vor.u32 $0x3F800000, v56;
	v4 =	vadd.f32 v7, v4;
	v1 =	vmul.f32 $1.442695020e+00, v1  }
0x18e: {  	v52 =	vadd.s32 $0x64, v0;
	v14 =	vadd.f32 $-1.000000000e+00, v14;
	v5 =	vld.idx.msk [tilespmem:v5+s24+$0x0], $0xffff  }
0x18f: {  	v58 =	vadd.s32 $0x56, v0;
	v10 =	vld.idx.msk [tilespmem:v61+s24+$0x0], $0xffff;
	v4 =	vadd.f32 v60, v4;
	(erf) = vpow2.f32 v1  }
0x190: {  	v59 =	vadd.s32 $0x65, v0;
	v53 =	vmul.f32 $2.482598460e-02, v14;
	v1 =	vld.idx.msk [tilespmem:v63+s24+$0x0], $0xffff  }
0x191: {  	v51 =	vld.idx.msk [tilespmem:v51+s24+$0x0], $0xffff;
	v60 =	vadd.s32 $0x57, v0;
	v4 =	vadd.f32 v62, v4  }
0x192: {  	v61 =	vadd.s32 $0x66, v0;
	v7 =	vld.idx.msk [tilespmem:v57+s24+$0x0], $0xffff;
	v6 =	vadd.f32 v12, v6;
	v53 =	vsub.f32 $1.179068610e-01, v53  }
0x193: {  	v4 =	vadd.f32 v5, v4;
	v5 =	vld.idx.msk [tilespmem:v52+s24+$0x0], $0xffff  }
0x194: {  	v56 =	vadd.s32 $0x67, v0;
	v9 =	vld.idx.msk [tilespmem:v58+s24+$0x0], $0xffff;
	v6 =	vadd.f32 v10, v6;
	v62 =	vmul.f32 v53, v14  }
0x195: {  	v63 =	vpop (erf);
	v1 =	vadd.f32 v1, v4;
	v4 =	vld.idx.msk [tilespmem:v59+s24+$0x0], $0xffff  }
0x196: {  	v58 =	vadd.s32 $0x68, v0;
	v6 =	vadd.f32 v51, v6;
	v8 =	vld.idx.msk [tilespmem:v60+s24+$0x0], $0xffff;
	v53 =	vsub.f32 $1.000000000e+00, v63  }
0x197: {  	v57 =	vadd.f32 $-2.723558250e-01, v62;
	v59 =	vld.idx.msk [tilespmem:v61+s24+$0x0], $0xffff;
	v1 =	vadd.f32 v7, v1  }
0x198: {  	v60 =	vadd.s32 $0x69, v0;
	v52 =	vadd.f32 $1.000000010e-10, v53;
	v5 =	vadd.f32 v5, v6;
	v62 =	vpop (erf)  }
0x199: {  	v63 =	vld.idx.msk [tilespmem:v56+s24+$0x0], $0xffff;
	v1 =	vadd.f32 v9, v1;
	v53 =	vadd.f32 $1.000000000e+00, v62  }
0x19a: {  	v4 =	vadd.f32 v4, v5;
	v5 =	vadd.s32 $0x6A, v0  }
0x19b: {  	v54 =	vld.idx.msk [tilespmem:v58+s24+$0x0], $0xffff;
	v11 =	vmul.f32 v57, v14;
	v1 =	vadd.f32 v8, v1;
	(erf) = vrcp.f32 v53  }
0x19c: {  	v55 =	vadd.s32 $0x6B, v0;
	v4 =	vadd.f32 v59, v4  }
0x19d: {  	v11 =	vadd.f32 $4.538581970e-01, v11;
	v6 =	vld.idx.msk [tilespmem:v60+s24+$0x0], $0xffff;
	v1 =	vsub.f32 $0.0e+00, v1  }
0x19e: {  	v56 =	vadd.s32 $0x6C, v0;
	v4 =	vadd.f32 v63, v4  }
0x19f: {  	v57 =	vadd.s32 $0x6D, v0;
	v11 =	vmul.f32 v11, v14;
	v1 =	vmul.f32 $1.442695020e+00, v1;
	v5 =	vld.idx.msk [tilespmem:v5+s24+$0x0], $0xffff  }
0x1a0: {  	v61 =	vand.u32 $0x7FFFFF, v52;
	v60 =	vadd.s32 $0x79, v0;
	v4 =	vadd.f32 v54, v4  }
0x1a1: {  	v12 =	vor.u32 $0x3F800000, v61;
	v11 =	vadd.f32 $-7.169875500e-01, v11;
	(erf) = vpow2.f32 v1;
	v1 =	vld.idx.msk [tilespmem:v55+s24+$0x0], $0xffff  }
0x1a2: {  	v58 =	vadd.s32 $0x6E, v0;
	v10 =	vadd.f32 $-1.000000000e+00, v12;
	v4 =	vadd.f32 v6, v4  }
0x1a3: {  	v13 =	vshra.s32 v13, $0x17;
	v9 =	vld.idx.msk [tilespmem:v56+s24+$0x0], $0xffff;
	v59 =	vadd.s32 $0x78, v0;
	v11 =	vmul.f32 v11, v14  }
0x1a4: {  	v12 =	vmul.f32 $2.482598460e-02, v10;
	v4 =	vadd.f32 v5, v4;
	v5 =	vadd.s32 $0x6F, v0;
	v61 =	vpop (erf)  }
0x1a5: {  	v8 =	vld.idx.msk [tilespmem:v57+s24+$0x0], $0xffff;
	v11 =	vadd.f32 $1.442395570e+00, v11;
	v54 =	vadd.s32 $0x7A, v0;
	v53 =	vsub.f32 $1.000000000e+00, v61  }
0x1a6: {  	v62 =	vadd.s32 $0xFFFFFF81, v13;
	v57 =	vld.idx.msk [tilespmem:v60+s24+$0x0], $0xffff;
	v12 =	vsub.f32 $1.179068610e-01, v12;
	v1 =	vadd.f32 v1, v4  }
0x1a7: {  	v63 =	vadd.s32 $0x7B, v0;
	v11 =	vmul.f32 v11, v14;
	v4 =	vld.idx.msk [tilespmem:v58+s24+$0x0], $0xffff;
	v14 =	vadd.f32 $1.000000010e-10, v53  }
0x1a8: {  	v7 =	vcvt.s32.f32 v62;
	v12 =	vmul.f32 v12, v10;
	v6 =	vld.idx.msk [tilespmem:v59+s24+$0x0], $0xffff;
	v1 =	vadd.f32 v9, v1  }
0x1a9: {  	v62 =	vadd.s32 $0x7E, v0;
	v58 =	vadd.s32 $0x7C, v0;
	v5 =	vld.idx.msk [tilespmem:v5+s24+$0x0], $0xffff;
	v53 =	vand.u32 $0x7FFFFF, v14  }
0x1aa: {  	v12 =	vadd.f32 $-2.723558250e-01, v12;
	v59 =	vld.idx.msk [tilespmem:v54+s24+$0x0], $0xffff;
	v1 =	vadd.f32 v8, v1;
	v53 =	vor.u32 $0x3F800000, v53  }
0x1ab: {  	v11 =	vadd.f32 $5.060328020e-06, v11;
	v61 =	vadd.s32 $0x7D, v0;
	v55 =	vpop (erf);
	v53 =	vadd.f32 $-1.000000000e+00, v53  }
0x1ac: {  	v12 =	vmul.f32 v12, v10;
	v60 =	vadd.f32 $1.000000000e+00, v55;
	v1 =	vadd.f32 v4, v1;
	v4 =	vld.idx.msk [tilespmem:v63+s24+$0x0], $0xffff  }
0x1ad: {  	v7 =	vadd.f32 v7, v11;
	v6 =	vadd.f32 v57, v6;
	v63 =	vmul.f32 $2.482598460e-02, v53  }
0x1ae: {  	v12 =	vadd.f32 $4.538581970e-01, v12;
	(erf) = vrcp.f32 v60;
	v1 =	vadd.f32 v5, v1;
	v5 =	vld.idx.msk [tilespmem:v58+s24+$0x0], $0xffff  }
0x1af: {  	v54 =	vadd.s32 $0x7F, v0;
	v6 =	vadd.f32 v59, v6;
	v11 =	vsub.f32 $1.179068610e-01, v63  }
0x1b0: {  	v12 =	vmul.f32 v12, v10;
	v56 =	vld.idx.msk [tilespmem:v61+s24+$0x0], $0xffff;
	v1 =	vsub.f32 $0.0e+00, v1  }
0x1b1: {  	v57 =	vadd.s32 $0x80, v0;
	v4 =	vadd.f32 v4, v6;
	v11 =	vmul.f32 v11, v53  }
0x1b2: {  	v9 =	vld.idx.msk [tilespmem:v62+s24+$0x0], $0xffff;
	v12 =	vadd.f32 $-7.169875500e-01, v12;
	v1 =	vmul.f32 $1.442695020e+00, v1  }
0x1b3: {  	v4 =	vadd.f32 v5, v4;
	v5 =	vadd.s32 $0x81, v0;
	v11 =	vadd.f32 $-2.723558250e-01, v11  }
0x1b4: {  	v12 =	vmul.f32 v12, v10;
	(erf) = vpow2.f32 v1;
	v1 =	vld.idx.msk [tilespmem:v54+s24+$0x0], $0xffff  }
0x1b5: {  	v59 =	vadd.s32 $0x82, v0;
	v4 =	vadd.f32 v56, v4;
	v11 =	vmul.f32 v11, v53  }
0x1b6: {  	v61 =	vadd.s32 $0x83, v0;
	v58 =	vshra.s32 v52, $0x17;
	v12 =	vadd.f32 $1.442395570e+00, v12;
	v6 =	vld.idx.msk [tilespmem:v57+s24+$0x0], $0xffff  }
0x1b7: {  	v8 =	vadd.s32 $0xFFFFFF81, v58;
	v60 =	vpop (erf);
	v4 =	vadd.f32 v9, v4;
	v11 =	vadd.f32 $4.538581970e-01, v11  }
0x1b8: {  	v8 =	vcvt.s32.f32 v8;
	v10 =	vmul.f32 v12, v10;
	v12 =	vsub.f32 $1.000000000e+00, v60;
	v5 =	vld.idx.msk [tilespmem:v5+s24+$0x0], $0xffff  }
0x1b9: {  	v1 =	vadd.f32 v1, v4;
	v4 =	vadd.s32 $0x84, v0;
	v62 =	vmul.f32 v11, v53  }
0x1ba: {  	v63 =	vadd.s32 $0x85, v0;
	v10 =	vadd.f32 $5.060328020e-06, v10;
	v12 =	vadd.f32 $1.000000010e-10, v12;
	v11 =	vld.idx.msk [tilespmem:v59+s24+$0x0], $0xffff  }
0x1bb: {  	v7 =	vmul.f32 $6.931471820e-01, v7;
	v60 =	vadd.s32 $0x90, v0;
	v1 =	vadd.f32 v6, v1  }
0x1bc: {  	v8 =	vadd.f32 v8, v10;
	v9 =	vld.idx.msk [tilespmem:v61+s24+$0x0], $0xffff;
	v61 =	vadd.s32 $0x91, v0;
	v59 =	vand.u32 $0x7FFFFF, v12  }
0x1bd: {  	v10 =	vadd.f32 $-7.169875500e-01, v62;
	v1 =	vadd.f32 v5, v1;
	v5 =	vadd.s32 $0x86, v0;
	v62 =	vpop (erf)  }
0x1be: {  	v55 =	vadd.s32 $0x92, v0;
	v51 =	vor.u32 $0x3F800000, v59;
	v4 =	vld.idx.msk [tilespmem:v4+s24+$0x0], $0xffff;
	v54 =	vadd.f32 $1.000000000e+00, v62  }
0x1bf: {  	v51 =	vadd.f32 $-1.000000000e+00, v51;
	v1 =	vadd.f32 v11, v1;
	v11 =	vld.idx.msk [tilespmem:v63+s24+$0x0], $0xffff;
	v63 =	vadd.s32 $0x87, v0  }
0x1c0: {  	v6 =	vld.idx.msk [tilespmem:v60+s24+$0x0], $0xffff;
	v10 =	vmul.f32 v10, v53;
	(erf) = vrcp.f32 v54;
	v54 =	vadd.s32 $0x93, v0  }
0x1c1: {  	v14 =	vshra.s32 v14, $0x17;
	v60 =	vld.idx.msk [tilespmem:v61+s24+$0x0], $0xffff;
	v56 =	vmul.f32 $2.482598460e-02, v51;
	v1 =	vadd.f32 v9, v1  }
0x1c2: {  	v14 =	vadd.s32 $0xFFFFFF81, v14;
	v61 =	vadd.s32 $0x94, v0;
	v10 =	vadd.f32 $1.442395570e+00, v10;
	v5 =	vld.idx.msk [tilespmem:v5+s24+$0x0], $0xffff  }
0x1c3: {  	v14 =	vcvt.s32.f32 v14;
	v56 =	vsub.f32 $1.179068610e-01, v56;
	v1 =	vadd.f32 v4, v1;
	v4 =	vld.idx.msk [tilespmem:v55+s24+$0x0], $0xffff  }
0x1c4: {  	v52 =	vadd.s32 $0x9C, v0;
	v8 =	vmul.f32 $6.931471820e-01, v8;
	v13 =	vld.idx.msk [tilespmem:v63+s24+$0x0], $0xffff;
	v63 =	vadd.s32 $0x95, v0  }
0x1c5: {  	v10 =	vmul.f32 v10, v53;
	v62 =	vmul.f32 v56, v51;
	v1 =	vadd.f32 v11, v1;
	v56 =	vld.idx.msk [tilespmem:v54+s24+$0x0], $0xffff  }
0x1c6: {  	v57 =	vadd.s32 $0x96, v0;
	v7 =	vadd.f32 v8, v7;
	v6 =	vadd.f32 v60, v6  }
0x1c7: {  	v58 =	vadd.s32 $0x97, v0;
	v10 =	vadd.f32 $5.060328020e-06, v10;
	v1 =	vadd.f32 v5, v1;
	v5 =	vld.idx.msk [tilespmem:v61+s24+$0x0], $0xffff  }
0x1c8: {  	v12 =	vshra.s32 v12, $0x17;
	v8 =	vadd.f32 $-2.723558250e-01, v62;
	v4 =	vadd.f32 v4, v6  }
0x1c9: {  	v59 =	vadd.s32 $0x98, v0;
	v10 =	vadd.f32 v14, v10;
	v1 =	vadd.f32 v13, v1;
	v13 =	vld.idx.msk [tilespmem:v63+s24+$0x0], $0xffff;
	v60 =	vpop (erf)  }
0x1ca: {  	v55 =	vadd.s32 $0x9D, v0;
	v14 =	vsub.f32 $1.000000000e+00, v60;
	v4 =	vadd.f32 v56, v4  }
0x1cb: {  	v9 =	vld.idx.msk [tilespmem:v57+s24+$0x0], $0xffff;
	v8 =	vmul.f32 v8, v51;
	v61 =	vadd.s32 $0x99, v0;
	v1 =	vsub.f32 $0.0e+00, v1  }
0x1cc: {  	v11 =	vadd.s32 $0xAC, v0;
	v14 =	vadd.f32 $1.000000010e-10, v14;
	v4 =	vadd.f32 v5, v4  }
0x1cd: {  	v62 =	vadd.s32 $0x9A, v0;
	v8 =	vadd.f32 $4.538581970e-01, v8;
	v5 =	vld.idx.msk [tilespmem:v58+s24+$0x0], $0xffff;
	v1 =	vmul.f32 $1.442695020e+00, v1  }
0x1ce: {  	v52 =	vld.idx.msk [tilespmem:v52+s24+$0x0], $0xffff;
	v63 =	vadd.s32 $0x9B, v0;
	v60 =	vand.u32 $0x7FFFFF, v14;
	v4 =	vadd.f32 v13, v4  }
0x1cf: {  	v6 =	vld.idx.msk [tilespmem:v59+s24+$0x0], $0xffff;
	v8 =	vmul.f32 v8, v51;
	(erf) = vpow2.f32 v1;
	v56 =	vor.u32 $0x3F800000, v60  }
0x1d0: {  	v13 =	vld.idx.msk [tilespmem:v61+s24+$0x0], $0xffff;
	v61 =	vadd.s32 $0x9E, v0;
	v56 =	vadd.f32 $-1.000000000e+00, v56;
	v4 =	vadd.f32 v9, v4  }
0x1d1: {  	v12 =	vadd.s32 $0xFFFFFF81, v12;
	v11 =	vld.idx.msk [tilespmem:v11+s24+$0x0], $0xffff;
	v8 =	vadd.f32 $-7.169875500e-01, v8;
	v60 =	vadd.s32 $0xAA, v0  }
0x1d2: {  	v57 =	vadd.s32 $0xA9, v0;
	v1 =	vld.idx.msk [tilespmem:v62+s24+$0x0], $0xffff;
	v58 =	vmul.f32 $2.482598460e-02, v56;
	v4 =	vadd.f32 v5, v4  }
0x1d3: {  	v10 =	vmul.f32 $6.931471820e-01, v10;
	v8 =	vmul.f32 v8, v51;
	v9 =	vld.idx.msk [tilespmem:v63+s24+$0x0], $0xffff;
	v63 =	vadd.s32 $0xA8, v0  }
0x1d4: {  	v53 =	vadd.s32 $0xAB, v0;
	v5 =	vld.idx.msk [tilespmem:v55+s24+$0x0], $0xffff;
	v58 =	vsub.f32 $1.179068610e-01, v58;
	v4 =	vadd.f32 v6, v4  }
0x1d5: {  	v7 =	vadd.f32 v10, v7;
	v62 =	vadd.s32 $0x9F, v0;
	v8 =	vadd.f32 $1.442395570e+00, v8;
	v10 =	vld.idx.msk [tilespmem:v61+s24+$0x0], $0xffff  }
0x1d6: {  	v54 =	vadd.s32 $0xAD, v0;
	v55 =	vld.idx.msk [tilespmem:v60+s24+$0x0], $0xffff;
	v58 =	vmul.f32 v58, v56;
	v4 =	vadd.f32 v13, v4  }
0x1d7: {  	v12 =	vcvt.s32.f32 v12;
	v8 =	vmul.f32 v8, v51;
	v13 =	vld.idx.msk [tilespmem:v57+s24+$0x0], $0xffff;
	v57 =	vadd.s32 $0xAE, v0  }
0x1d8: {  	v59 =	vadd.s32 $0xAF, v0;
	v51 =	vld.idx.msk [tilespmem:v63+s24+$0x0], $0xffff;
	v60 =	vpop (erf);
	v58 =	vadd.f32 $-2.723558250e-01, v58;
	v1 =	vadd.f32 v1, v4  }
0x1d9: {  	v8 =	vadd.f32 $5.060328020e-06, v8;
	v4 =	vld.idx.msk [tilespmem:v53+s24+$0x0], $0xffff;
	v53 =	vadd.s32 $0xB0, v0;
	v60 =	vadd.f32 $1.000000000e+00, v60  }
0x1da: {  	v61 =	vadd.s32 $0xB1, v0;
	v6 =	vld.idx.msk [tilespmem:v62+s24+$0x0], $0xffff;
	v58 =	vmul.f32 v58, v56;
	v1 =	vadd.f32 v9, v1  }
0x1db: {  	v8 =	vadd.f32 v12, v8;
	v9 =	vld.idx.msk [tilespmem:v54+s24+$0x0], $0xffff;
	v54 =	vadd.s32 $0xB2, v0;
	(erf) = vrcp.f32 v60  }
0x1dc: {  	v12 =	vld.idx.msk [tilespmem:v57+s24+$0x0], $0xffff;
	v57 =	vadd.s32 $0xB3, v0;
	v58 =	vadd.f32 $4.538581970e-01, v58;
	v1 =	vadd.f32 v52, v1  }
0x1dd: {  	v14 =	vshra.s32 v14, $0x17;
	v13 =	vadd.f32 v13, v51;
	v52 =	vld.idx.msk [tilespmem:v59+s24+$0x0], $0xffff;
	v59 =	vadd.s32 $0xB4, v0  }
0x1de: {  	v51 =	vld.idx.msk [tilespmem:v53+s24+$0x0], $0xffff;
	v53 =	vadd.s32 $0xB5, v0;
	v58 =	vmul.f32 v58, v56;
	v1 =	vadd.f32 v5, v1  }
0x1df: {  	v8 =	vmul.f32 $6.931471820e-01, v8;
	v60 =	vadd.s32 $0xB6, v0;
	v5 =	vld.idx.msk [tilespmem:v61+s24+$0x0], $0xffff;
	v61 =	vadd.f32 v55, v13  }
0x1e0: {  	v13 =	vld.idx.msk [tilespmem:v54+s24+$0x0], $0xffff;
	v54 =	vadd.s32 $0xB7, v0;
	v62 =	vadd.f32 $-7.169875500e-01, v58;
	v1 =	vadd.f32 v10, v1  }
0x1e1: {  	v7 =	vadd.f32 v8, v7;
	v10 =	vld.idx.msk [tilespmem:v57+s24+$0x0], $0xffff;
	v57 =	vadd.s32 $0xC0, v0;
	v4 =	vadd.f32 v4, v61  }
0x1e2: {  	v58 =	vadd.s32 $0xC1, v0;
	v8 =	vld.idx.msk [tilespmem:v59+s24+$0x0], $0xffff;
	v55 =	vmul.f32 v62, v56;
	v1 =	vadd.f32 v6, v1  }
0x1e3: {  	v14 =	vadd.s32 $0xFFFFFF81, v14;
	v6 =	vld.idx.msk [tilespmem:v53+s24+$0x0], $0xffff;
	v53 =	vadd.s32 $0xC2, v0;
	v4 =	vadd.f32 v11, v4  }
0x1e4: {  	v59 =	vadd.s32 $0xC3, v0;
	v11 =	vld.idx.msk [tilespmem:v60+s24+$0x0], $0xffff;
	v60 =	vpop (erf);
	v55 =	vadd.f32 $1.442395570e+00, v55;
	v1 =	vsub.f32 $0.0e+00, v1  }
0x1e5: {  	v61 =	vadd.s32 $0xC4, v0;
	v54 =	vld.idx.msk [tilespmem:v54+s24+$0x0], $0xffff;
	v60 =	vsub.f32 $1.000000000e+00, v60;
	v4 =	vadd.f32 v9, v4  }
0x1e6: {  	v9 =	vld.idx.msk [tilespmem:v57+s24+$0x0], $0xffff;
	v57 =	vadd.s32 $0xC5, v0;
	v55 =	vmul.f32 v55, v56;
	v1 =	vmul.f32 $1.442695020e+00, v1  }
0x1e7: {  	v56 =	vld.idx.msk [tilespmem:v58+s24+$0x0], $0xffff;
	v58 =	vadd.s32 $0xC6, v0;
	v60 =	vadd.f32 $1.000000010e-10, v60;
	v4 =	vadd.f32 v12, v4  }
0x1e8: {  	v14 =	vcvt.s32.f32 v14;
	v12 =	vld.idx.msk [tilespmem:v53+s24+$0x0], $0xffff;
	v53 =	vadd.s32 $0xC7, v0;
	(erf) = vpow2.f32 v1  }
0x1e9: {  	v1 =	vld.idx.msk [tilespmem:v59+s24+$0x0], $0xffff;
	v59 =	vadd.s32 $0xC8, v0;
	v62 =	vand.u32 $0x7FFFFF, v60;
	v4 =	vadd.f32 v52, v4  }
0x1ea: {  	v61 =	vld.idx.msk [tilespmem:v61+s24+$0x0], $0xffff;
	v55 =	vadd.f32 $5.060328020e-06, v55;
	v52 =	vadd.s32 $0xC9, v0;
	v62 =	vor.u32 $0x3F800000, v62  }
0x1eb: {  	v63 =	vadd.s32 $0xCA, v0;
	v57 =	vld.idx.msk [tilespmem:v57+s24+$0x0], $0xffff;
	v62 =	vadd.f32 $-1.000000000e+00, v62;
	v4 =	vadd.f32 v51, v4  }
0x1ec: {  	v14 =	vadd.f32 v14, v55;
	v51 =	vld.idx.msk [tilespmem:v58+s24+$0x0], $0xffff;
	v58 =	vadd.s32 $0xCB, v0;
	v9 =	vadd.f32 v56, v9  }
0x1ed: {  	v55 =	vadd.s32 $0xCC, v0;
	v53 =	vld.idx.msk [tilespmem:v53+s24+$0x0], $0xffff;
	v56 =	vmul.f32 $2.482598460e-02, v62;
	v4 =	vadd.f32 v5, v4  }
0x1ee: {  	v15 =	vadd.s32 $0xCE, v0;
	v5 =	vld.idx.msk [tilespmem:v59+s24+$0x0], $0xffff;
	v59 =	vadd.s32 $0xCD, v0;
	v9 =	vadd.f32 v12, v9  }
0x1ef: {  	v14 =	vmul.f32 $6.931471820e-01, v14;
	v12 =	vld.idx.msk [tilespmem:v52+s24+$0x0], $0xffff;
	v56 =	vsub.f32 $1.179068610e-01, v56;
	v4 =	vadd.f32 v13, v4  }
0x1f0: {  	v13 =	vld.idx.msk [tilespmem:v63+s24+$0x0], $0xffff;
	v63 =	vadd.s32 $0xD8, v0;
	v1 =	vadd.f32 v1, v9;
	v9 =	vadd.s32 $0xD9, v0  }
0x1f1: {  	v52 =	vadd.f32 v14, v7;
	v7 =	vld.idx.msk [tilespmem:v58+s24+$0x0], $0xffff;
	v14 =	vmul.f32 v56, v62;
	v4 =	vadd.f32 v10, v4  }
0x1f2: {  	v10 =	vld.idx.msk [tilespmem:v55+s24+$0x0], $0xffff;
	v55 =	vadd.s32 $0xCF, v0;
	v1 =	vadd.f32 v61, v1  }
0x1f3: {  	v56 =	vpop (erf);
	v58 =	vld.idx.msk [tilespmem:v59+s24+$0x0], $0xffff;
	v59 =	vadd.s32 $0xDA, v0;
	v14 =	vadd.f32 $-2.723558250e-01, v14;
	v4 =	vadd.f32 v8, v4  }
0x1f4: {  	v8 =	vld.idx.msk [tilespmem:v15+s24+$0x0], $0xffff;
	v15 =	vadd.s32 $0xDB, v0;
	v56 =	vadd.f32 $1.000000000e+00, v56;
	v1 =	vadd.f32 v57, v1  }
0x1f5: {  	v57 =	vadd.s32 $0xDC, v0;
	v14 =	vmul.f32 v14, v62;
	v4 =	vadd.f32 v6, v4;
	v6 =	vld.idx.msk [tilespmem:v9+s24+$0x0], $0xffff  }
0x1f6: {  	v9 =	vadd.s32 $0xDD, v0;
	(erf) = vrcp.f32 v56;
	v56 =	vld.idx.msk [tilespmem:v63+s24+$0x0], $0xffff;
	v1 =	vadd.f32 v51, v1  }
0x1f7: {  	v60 =	vshra.s32 v60, $0x17;
	v55 =	vld.idx.msk [tilespmem:v55+s24+$0x0], $0xffff;
	v51 =	vadd.s32 $0xDE, v0;
	v4 =	vadd.f32 v11, v4  }
0x1f8: {  	v63 =	vadd.s32 $0xE0, v0;
	v14 =	vadd.f32 $4.538581970e-01, v14;
	v11 =	vld.idx.msk [tilespmem:v59+s24+$0x0], $0xffff;
	v1 =	vadd.f32 v53, v1  }
0x1f9: {  	v60 =	vadd.s32 $0xFFFFFF81, v60;
	v59 =	vadd.s32 $0xDF, v0;
	v15 =	vld.idx.msk [tilespmem:v15+s24+$0x0], $0xffff;
	v4 =	vadd.f32 v54, v4  }
0x1fa: {  	v61 =	vadd.s32 $0xE1, v0;
	v14 =	vmul.f32 v14, v62;
	v54 =	vld.idx.msk [tilespmem:v57+s24+$0x0], $0xffff;
	v1 =	vadd.f32 v5, v1  }
0x1fb: {  	v5 =	vadd.f32 v6, v56;
	v6 =	vld.idx.msk [tilespmem:v9+s24+$0x0], $0xffff;
	v9 =	vadd.s32 $0xE2, v0;
	v4 =	vsub.f32 $0.0e+00, v4  }
0x1fc: {  	v14 =	vadd.f32 $-7.169875500e-01, v14;
	v51 =	vld.idx.msk [tilespmem:v51+s24+$0x0], $0xffff;
	v56 =	vadd.s32 $0xE3, v0;
	v1 =	vadd.f32 v12, v1  }
0x1fd: {  	v53 =	vld.idx.msk [tilespmem:v63+s24+$0x0], $0xffff;
	v12 =	vadd.s32 $0xE4, v0;
	v5 =	vadd.f32 v11, v5;
	v4 =	vmul.f32 $1.442695020e+00, v4  }
0x1fe: {  	v11 =	vld.idx.msk [tilespmem:v59+s24+$0x0], $0xffff;
	v14 =	vmul.f32 v14, v62;
	v59 =	vadd.s32 $0xE5, v0;
	v1 =	vadd.f32 v13, v1  }
0x1ff: {  	v63 =	vpop (erf);
	v5 =	vadd.f32 v15, v5;
	v15 =	vld.idx.msk [tilespmem:v61+s24+$0x0], $0xffff;
	v61 =	vadd.s32 $0xF0, v0;
	(erf) = vpow2.f32 v4  }
0x200: {  	v14 =	vadd.f32 $1.442395570e+00, v14;
	v13 =	vsub.f32 $1.000000000e+00, v63;
	v4 =	vld.idx.msk [tilespmem:v9+s24+$0x0], $0xffff;
	v9 =	vadd.s32 $0xF1, v0  }
0x201: {  	v1 =	vadd.f32 v7, v1;
	v7 =	vld.idx.msk [tilespmem:v56+s24+$0x0], $0xffff;
	v5 =	vadd.f32 v54, v5;
	v54 =	vadd.s32 $0xE6, v0  }
0x202: {  	v56 =	vadd.s32 $0xF2, v0;
	v12 =	vld.idx.msk [tilespmem:v12+s24+$0x0], $0xffff;
	v14 =	vmul.f32 v14, v62;
	v13 =	vadd.f32 $1.000000010e-10, v13  }
0x203: {  	v1 =	vadd.f32 v10, v1;
	v10 =	vadd.s32 $0xE7, v0;
	v5 =	vadd.f32 v6, v5;
	v6 =	vld.idx.msk [tilespmem:v59+s24+$0x0], $0xffff  }
0x204: {  	v14 =	vadd.f32 $5.060328020e-06, v14;
	v59 =	vand.u32 $0x7FFFFF, v13;
	v57 =	vld.idx.msk [tilespmem:v61+s24+$0x0], $0xffff;
	v61 =	vadd.s32 $0xF3, v0  }
0x205: {  	v1 =	vadd.f32 v58, v1;
	v58 =	vadd.s32 $0xF4, v0;
	v5 =	vadd.f32 v51, v5;
	v9 =	vld.idx.msk [tilespmem:v9+s24+$0x0], $0xffff  }
0x206: {  	v13 =	vshra.s32 v13, $0x17;
	v63 =	vor.u32 $0x3F800000, v59;
	v59 =	vadd.s32 $0xF5, v0;
	v54 =	vld.idx.msk [tilespmem:v54+s24+$0x0], $0xffff  }
0x207: {  	v1 =	vadd.f32 v8, v1;
	v8 =	vld.idx.msk [tilespmem:v56+s24+$0x0], $0xffff;
	v5 =	vadd.f32 v11, v5;
	v11 =	vadd.s32 $0xF6, v0  }
0x208: {  	v56 =	vcvt.s32.f32 v60;
	v51 =	vadd.f32 $-1.000000000e+00, v63;
	v60 =	vadd.s32 $0xF7, v0;
	v10 =	vld.idx.msk [tilespmem:v10+s24+$0x0], $0xffff  }
0x209: {  	v1 =	vadd.f32 v55, v1;
	v55 =	vpop (erf);
	v5 =	vadd.f32 v53, v5;
	v53 =	vld.idx.msk [tilespmem:v61+s24+$0x0], $0xffff;
	v61 =	vadd.s32 $0xF8, v0  }
0x20a: {  	v55 =	vadd.f32 $1.000000000e+00, v55;
	v9 =	vadd.f32 v9, v57;
	v57 =	vld.idx.msk [tilespmem:v58+s24+$0x0], $0xffff;
	v58 =	vadd.s32 $0xF9, v0  }
0x20b: {  	v1 =	vsub.f32 $0.0e+00, v1;
	v5 =	vadd.f32 v15, v5;
	v15 =	vld.idx.msk [tilespmem:v59+s24+$0x0], $0xffff;
	v59 =	vadd.s32 $0xFA, v0  }
0x20c: {  	(erf) = vrcp.f32 v55;
	v8 =	vadd.f32 v8, v9;
	v9 =	vld.idx.msk [tilespmem:v11+s24+$0x0], $0xffff;
	v11 =	vadd.s32 $0xFB, v0  }
0x20d: {  	v55 =	vadd.s32 $0x108, v0;
	v1 =	vmul.f32 $1.442695020e+00, v1;
	v4 =	vadd.f32 v4, v5;
	v5 =	vld.idx.msk [tilespmem:v60+s24+$0x0], $0xffff  }
0x20e: {  	v60 =	vmul.f32 $2.482598460e-02, v51;
	v8 =	vadd.f32 v53, v8;
	v53 =	vld.idx.msk [tilespmem:v61+s24+$0x0], $0xffff;
	v61 =	vadd.s32 $0x109, v0  }
0x20f: {  	(erf) = vpow2.f32 v1;
	v1 =	vadd.f32 v7, v4;
	v4 =	vld.idx.msk [tilespmem:v58+s24+$0x0], $0xffff;
	v7 =	vadd.s32 $0xFC, v0  }
0x210: {  	v14 =	vadd.f32 v56, v14;
	v8 =	vadd.f32 v57, v8;
	v56 =	vld.idx.msk [tilespmem:v59+s24+$0x0], $0xffff;
	v57 =	vadd.s32 $0x10A, v0  }
0x211: {  	v63 =	vadd.s32 $0xFD, v0;
	v62 =	vsub.f32 $1.179068610e-01, v60;
	v1 =	vadd.f32 v12, v1;
	v11 =	vld.idx.msk [tilespmem:v11+s24+$0x0], $0xffff  }
0x212: {  	v14 =	vmul.f32 $6.931471820e-01, v14;
	v60 =	vadd.s32 $0x10B, v0;
	v8 =	vadd.f32 v15, v8;
	v15 =	vld.idx.msk [tilespmem:v55+s24+$0x0], $0xffff  }
0x213: {  	v58 =	vmul.f32 v62, v51;
	v12 =	vadd.s32 $0x10D, v0;
	v1 =	vadd.f32 v6, v1;
	v59 =	vld.idx.msk [tilespmem:v61+s24+$0x0], $0xffff  }
0x214: {  	v52 =	vadd.f32 v14, v52;
	v8 =	vadd.f32 v9, v8;
	v7 =	vld.idx.msk [tilespmem:v7+s24+$0x0], $0xffff;
	v9 =	vadd.s32 $0x10C, v0  }
0x215: {  	v6 =	vadd.s32 $0xFE, v0;
	v62 =	vadd.f32 $-2.723558250e-01, v58;
	v1 =	vadd.f32 v54, v1;
	v57 =	vld.idx.msk [tilespmem:v57+s24+$0x0], $0xffff  }
0x216: {  	v55 =	vadd.s32 $0x10E, v0;
	v54 =	vadd.s32 $0xFF, v0;
	v5 =	vadd.f32 v5, v8;
	v8 =	vld.idx.msk [tilespmem:v63+s24+$0x0], $0xffff  }
0x217: {  	v61 =	vadd.s32 $0x112, v0;
	v14 =	vmul.f32 v62, v51;
	v58 =	vpop (erf);
	v1 =	vadd.f32 v10, v1;
	v10 =	vld.idx.msk [tilespmem:v60+s24+$0x0], $0xffff  }
0x218: {  	v12 =	vld.idx.msk [tilespmem:v12+s24+$0x0], $0xffff;
	v60 =	vpop (erf);
	v5 =	vadd.f32 v53, v5;
	v15 =	vadd.f32 v59, v15;
	v53 =	vadd.s32 $0x10F, v0  }
0x219: {  	v63 =	vadd.s32 $0x111, v0;
	v59 =	vadd.f32 $1.000000000e+00, v60;
	v1 =	vsub.f32 $0.0e+00, v1;
	v9 =	vld.idx.msk [tilespmem:v9+s24+$0x0], $0xffff  }
0x21a: {  	v6 =	vld.idx.msk [tilespmem:v6+s24+$0x0], $0xffff;
	v60 =	vadd.s32 $0x110, v0;
	v4 =	vadd.f32 v4, v5;
	v15 =	vadd.f32 v57, v15  }
0x21b: {  	v14 =	vadd.f32 $4.538581970e-01, v14;
	v5 =	vld.idx.msk [tilespmem:v54+s24+$0x0], $0xffff;
	(erf) = vrcp.f32 v59;
	v1 =	vmul.f32 $1.442695020e+00, v1  }
0x21c: {  	v4 =	vadd.f32 v56, v4;
	v10 =	vadd.f32 v10, v15;
	v15 =	vld.idx.msk [tilespmem:v55+s24+$0x0], $0xffff;
	v55 =	vadd.s32 $0x113, v0  }
0x21d: {  	v14 =	vmul.f32 v14, v51;
	(erf) = vpow2.f32 v1;
	v1 =	vld.idx.msk [tilespmem:v53+s24+$0x0], $0xffff;
	v53 =	vadd.s32 $0x114, v0  }
0x21e: {  	v54 =	vld.idx.msk [tilespmem:v63+s24+$0x0], $0xffff;
	v4 =	vadd.f32 v11, v4;
	v9 =	vadd.f32 v9, v10;
	v11 =	vadd.s32 $0x120, v0  }
0x21f: {  	v13 =	vadd.s32 $0xFFFFFF81, v13;
	v62 =	vadd.s32 $0x121, v0;
	v14 =	vadd.f32 $-7.169875500e-01, v14;
	v10 =	vld.idx.msk [tilespmem:v60+s24+$0x0], $0xffff  }
0x220: {  	v60 =	vadd.s32 $0x115, v0;
	v4 =	vadd.f32 v7, v4;
	v63 =	vadd.f32 v12, v9;
	v9 =	vld.idx.msk [tilespmem:v61+s24+$0x0], $0xffff  }
0x221: {  	v14 =	vmul.f32 v14, v51;
	v61 =	vsub.f32 $1.000000000e+00, v58;
	v58 =	vadd.s32 $0x122, v0;
	v55 =	vld.idx.msk [tilespmem:v55+s24+$0x0], $0xffff  }
0x222: {  	v4 =	vadd.f32 v8, v4;
	v7 =	vadd.f32 v15, v63;
	v8 =	vld.idx.msk [tilespmem:v53+s24+$0x0], $0xffff;
	v15 =	vadd.s32 $0x116, v0  }
0x223: {  	v13 =	vcvt.s32.f32 v13;
	v57 =	vadd.s32 $0x123, v0;
	v14 =	vadd.f32 $1.442395570e+00, v14;
	v11 =	vld.idx.msk [tilespmem:v11+s24+$0x0], $0xffff  }
0x224: {  	v4 =	vadd.f32 v6, v4;
	v1 =	vadd.f32 v1, v7;
	v6 =	vadd.s32 $0x117, v0;
	v7 =	vld.idx.msk [tilespmem:v62+s24+$0x0], $0xffff  }
0x225: {  	v14 =	vmul.f32 v14, v51;
	v53 =	vadd.f32 $1.000000010e-10, v61;
	v59 =	vpop (erf);
	v12 =	vld.idx.msk [tilespmem:v60+s24+$0x0], $0xffff;
	v60 =	vadd.s32 $0x124, v0  }
0x226: {  	v61 =	vpop (erf);
	v4 =	vadd.f32 v5, v4;
	v1 =	vadd.f32 v10, v1;
	v5 =	vld.idx.msk [tilespmem:v58+s24+$0x0], $0xffff;
	v10 =	vadd.s32 $0x125, v0  }
0x227: {  	v56 =	vand.u32 $0x7FFFFF, v53;
	v58 =	vadd.f32 $1.000000000e+00, v61;
	v15 =	vld.idx.msk [tilespmem:v15+s24+$0x0], $0xffff;
	v61 =	vadd.s32 $0x126, v0  }
0x228: {  	v62 =	vadd.s32 $0x12C, v0;
	v4 =	vsub.f32 $0.0e+00, v4;
	v1 =	vadd.f32 v54, v1;
	v54 =	vld.idx.msk [tilespmem:v57+s24+$0x0], $0xffff  }
0x229: {  	v56 =	vor.u32 $0x3F800000, v56;
	v57 =	vadd.s32 $0x127, v0;
	v6 =	vld.idx.msk [tilespmem:v6+s24+$0x0], $0xffff;
	v7 =	vadd.f32 v7, v11  }
0x22a: {  	v11 =	vadd.s32 $0x128, v0;
	(erf) = vrcp.f32 v58;
	v58 =	vld.idx.msk [tilespmem:v60+s24+$0x0], $0xffff;
	v4 =	vmul.f32 $1.442695020e+00, v4  }
0x22b: {  	v60 =	vadd.s32 $0x129, v0;
	v1 =	vadd.f32 v9, v1;
	v5 =	vadd.f32 v5, v7;
	v7 =	vld.idx.msk [tilespmem:v10+s24+$0x0], $0xffff  }
0x22c: {  	v56 =	vadd.f32 $-1.000000000e+00, v56;
	v9 =	vadd.s32 $0x12A, v0;
	(erf) = vpow2.f32 v4;
	v4 =	vld.idx.msk [tilespmem:v61+s24+$0x0], $0xffff  }
0x22d: {  	v61 =	vadd.s32 $0x12B, v0;
	v1 =	vadd.f32 v55, v1;
	v55 =	vld.idx.msk [tilespmem:v62+s24+$0x0], $0xffff;
	v5 =	vadd.f32 v54, v5  }
0x22e: {  	v14 =	vadd.f32 $5.060328020e-06, v14;
	v10 =	vmul.f32 $2.482598460e-02, v56;
	v54 =	vld.idx.msk [tilespmem:v57+s24+$0x0], $0xffff;
	v57 =	vadd.s32 $0x138, v0  }
0x22f: {  	v51 =	vadd.s32 $0x12D, v0;
	v11 =	vld.idx.msk [tilespmem:v11+s24+$0x0], $0xffff;
	v1 =	vadd.f32 v8, v1;
	v5 =	vadd.f32 v58, v5  }
0x230: {  	v53 =	vshra.s32 v53, $0x17;
	v10 =	vsub.f32 $1.179068610e-01, v10;
	v8 =	vld.idx.msk [tilespmem:v60+s24+$0x0], $0xffff;
	v58 =	vadd.s32 $0x139, v0  }
0x231: {  	v9 =	vld.idx.msk [tilespmem:v9+s24+$0x0], $0xffff;
	v1 =	vadd.f32 v12, v1;
	v12 =	vadd.s32 $0x12E, v0;
	v5 =	vadd.f32 v7, v5  }
0x232: {  	v13 =	vadd.f32 v13, v14;
	v60 =	vadd.s32 $0x13A, v0;
	v10 =	vmul.f32 v10, v56;
	v7 =	vld.idx.msk [tilespmem:v61+s24+$0x0], $0xffff  }
0x233: {  	v1 =	vadd.f32 v15, v1;
	v15 =	vadd.s32 $0x12F, v0;
	v14 =	vld.idx.msk [tilespmem:v57+s24+$0x0], $0xffff;
	v4 =	vadd.f32 v4, v5  }
0x234: {  	v13 =	vmul.f32 $6.931471820e-01, v13;
	v10 =	vadd.f32 $-2.723558250e-01, v10;
	v57 =	vadd.s32 $0x13B, v0;
	v5 =	vld.idx.msk [tilespmem:v51+s24+$0x0], $0xffff;
	v51 =	vpop (erf)  }
0x235: {  	v1 =	vadd.f32 v6, v1;
	v6 =	vld.idx.msk [tilespmem:v58+s24+$0x0], $0xffff;
	v61 =	vpop (erf);
	v4 =	vadd.f32 v54, v4;
	v54 =	vadd.s32 $0x13C, v0  }
0x236: {  	v10 =	vmul.f32 v10, v56;
	v12 =	vld.idx.msk [tilespmem:v12+s24+$0x0], $0xffff;
	v58 =	vadd.f32 $1.000000000e+00, v61;
	v61 =	vadd.s32 $0x13D, v0  }
0x237: {  	v1 =	vsub.f32 $0.0e+00, v1;
	v4 =	vadd.f32 v11, v4;
	v11 =	vld.idx.msk [tilespmem:v60+s24+$0x0], $0xffff;
	v60 =	vadd.s32 $0x13E, v0  }
0x238: {  	v10 =	vadd.f32 $4.538581970e-01, v10;
	v15 =	vld.idx.msk [tilespmem:v15+s24+$0x0], $0xffff;
	(erf) = vrcp.f32 v58;
	v58 =	vadd.s32 $0x13F, v0  }
0x239: {  	v1 =	vmul.f32 $1.442695020e+00, v1;
	v4 =	vadd.f32 v8, v4;
	v8 =	vld.idx.msk [tilespmem:v57+s24+$0x0], $0xffff;
	v57 =	vadd.s32 $0x140, v0  }
0x23a: {  	v10 =	vmul.f32 v10, v56;
	v6 =	vadd.f32 v6, v14;
	v14 =	vld.idx.msk [tilespmem:v54+s24+$0x0], $0xffff;
	v54 =	vadd.s32 $0x141, v0  }
0x23b: {  	(erf) = vpow2.f32 v1;
	v1 =	vld.idx.msk [tilespmem:v61+s24+$0x0], $0xffff;
	v61 =	vadd.s32 $0x142, v0;
	v4 =	vadd.f32 v9, v4  }
0x23c: {  	v10 =	vadd.f32 $-7.169875500e-01, v10;
	v6 =	vadd.f32 v11, v6;
	v9 =	vld.idx.msk [tilespmem:v60+s24+$0x0], $0xffff;
	v11 =	vadd.s32 $0x143, v0  }
0x23d: {  	v13 =	vadd.f32 v13, v52;
	v52 =	vld.idx.msk [tilespmem:v58+s24+$0x0], $0xffff;
	v58 =	vadd.s32 $0x144, v0;
	v4 =	vadd.f32 v7, v4  }
0x23e: {  	v10 =	vmul.f32 v10, v56;
	v6 =	vadd.f32 v8, v6;
	v7 =	vld.idx.msk [tilespmem:v57+s24+$0x0], $0xffff;
	v8 =	vadd.s32 $0x150, v0  }
0x23f: {  	v63 =	vsub.f32 $1.000000000e+00, v59;
	v60 =	vadd.s32 $0x151, v0;
	v57 =	vld.idx.msk [tilespmem:v54+s24+$0x0], $0xffff;
	v4 =	vadd.f32 v55, v4  }
0x240: {  	v10 =	vadd.f32 $1.442395570e+00, v10;
	v55 =	vadd.s32 $0x145, v0;
	v6 =	vadd.f32 v14, v6;
	v14 =	vld.idx.msk [tilespmem:v61+s24+$0x0], $0xffff  }
0x241: {  	v61 =	vadd.s32 $0xFFFFFF81, v53;
	v53 =	vadd.s32 $0x152, v0;
	v11 =	vld.idx.msk [tilespmem:v11+s24+$0x0], $0xffff;
	v4 =	vadd.f32 v5, v4  }
0x242: {  	v10 =	vmul.f32 v10, v56;
	v1 =	vadd.f32 v1, v6;
	v5 =	vld.idx.msk [tilespmem:v58+s24+$0x0], $0xffff;
	v6 =	vadd.s32 $0x146, v0  }
0x243: {  	v56 =	vadd.f32 $1.000000010e-10, v63;
	v54 =	vpop (erf);
	v58 =	vadd.s32 $0x153, v0;
	v8 =	vld.idx.msk [tilespmem:v8+s24+$0x0], $0xffff;
	v4 =	vadd.f32 v12, v4  }
0x244: {  	v10 =	vadd.f32 $5.060328020e-06, v10;
	v62 =	vpop (erf);
	v12 =	vld.idx.msk [tilespmem:v60+s24+$0x0], $0xffff;
	v1 =	vadd.f32 v9, v1;
	v9 =	vadd.s32 $0x147, v0  }
0x245: {  	v60 =	vadd.s32 $0x154, v0;
	v59 =	vadd.f32 $1.000000000e+00, v62;
	v55 =	vld.idx.msk [tilespmem:v55+s24+$0x0], $0xffff;
	v4 =	vadd.f32 v15, v4  }
0x246: {  	v63 =	vand.u32 $0x7FFFFF, v56;
	v15 =	vld.idx.msk [tilespmem:v53+s24+$0x0], $0xffff;
	v1 =	vadd.f32 v52, v1;
	v52 =	vadd.s32 $0x155, v0  }
0x247: {  	(erf) = vrcp.f32 v59;
	v59 =	vadd.s32 $0x156, v0;
	v6 =	vld.idx.msk [tilespmem:v6+s24+$0x0], $0xffff;
	v4 =	vsub.f32 $0.0e+00, v4  }
0x248: {  	v53 =	vor.u32 $0x3F800000, v63;
	v1 =	vadd.f32 v7, v1;
	v7 =	vld.idx.msk [tilespmem:v58+s24+$0x0], $0xffff;
	v58 =	vadd.s32 $0x157, v0  }
0x249: {  	v8 =	vadd.f32 v12, v8;
	v12 =	vadd.s32 $0x158, v0;
	v9 =	vld.idx.msk [tilespmem:v9+s24+$0x0], $0xffff;
	v4 =	vmul.f32 $1.442695020e+00, v4  }
0x24a: {  	v53 =	vadd.f32 $-1.000000000e+00, v53;
	v1 =	vadd.f32 v57, v1;
	v57 =	vld.idx.msk [tilespmem:v60+s24+$0x0], $0xffff;
	v60 =	vadd.s32 $0x159, v0  }
0x24b: {  	v8 =	vadd.f32 v15, v8;
	v15 =	vld.idx.msk [tilespmem:v52+s24+$0x0], $0xffff;
	v52 =	vadd.s32 $0x168, v0;
	(erf) = vpow2.f32 v4  }
0x24c: {  	v4 =	vld.idx.msk [tilespmem:v59+s24+$0x0], $0xffff;
	v59 =	vmul.f32 $2.482598460e-02, v53;
	v1 =	vadd.f32 v14, v1;
	v14 =	vadd.s32 $0x169, v0  }
0x24d: {  	v61 =	vcvt.s32.f32 v61;
	v7 =	vadd.f32 v7, v8;
	v8 =	vld.idx.msk [tilespmem:v58+s24+$0x0], $0xffff;
	v58 =	vadd.s32 $0x15A, v0  }
0x24e: {  	v59 =	vsub.f32 $1.179068610e-01, v59;
	v1 =	vadd.f32 v11, v1;
	v11 =	vld.idx.msk [tilespmem:v12+s24+$0x0], $0xffff;
	v12 =	vadd.s32 $0x16A, v0  }
0x24f: {  	v10 =	vadd.f32 v61, v10;
	v7 =	vadd.f32 v57, v7;
	v57 =	vld.idx.msk [tilespmem:v60+s24+$0x0], $0xffff;
	v60 =	vadd.s32 $0x15B, v0  }
0x250: {  	v59 =	vmul.f32 v59, v53;
	v1 =	vadd.f32 v5, v1;
	v5 =	vld.idx.msk [tilespmem:v52+s24+$0x0], $0xffff;
	v52 =	vadd.s32 $0x16B, v0  }
0x251: {  	v10 =	vmul.f32 $6.931471820e-01, v10;
	v7 =	vadd.f32 v15, v7;
	v15 =	vadd.s32 $0x15C, v0;
	v14 =	vld.idx.msk [tilespmem:v14+s24+$0x0], $0xffff  }
0x252: {  	v61 =	vadd.s32 $0x16C, v0;
	v59 =	vadd.f32 $-2.723558250e-01, v59;
	v1 =	vadd.f32 v55, v1;
	v58 =	vld.idx.msk [tilespmem:v58+s24+$0x0], $0xffff  }
0x253: {  	v55 =	vadd.f32 v10, v13;
	v10 =	vadd.s32 $0x16D, v0;
	v4 =	vadd.f32 v4, v7;
	v12 =	vld.idx.msk [tilespmem:v12+s24+$0x0], $0xffff  }
0x254: {  	v7 =	vadd.s32 $0x15D, v0;
	v1 =	vadd.f32 v6, v1;
	v6 =	vld.idx.msk [tilespmem:v60+s24+$0x0], $0xffff;
	v60 =	vmul.f32 v59, v53  }
0x255: {  	v4 =	vadd.f32 v8, v4;
	v8 =	vadd.s32 $0x15E, v0;
	v59 =	vld.idx.msk [tilespmem:v52+s24+$0x0], $0xffff  }
0x256: {  	v1 =	vadd.f32 v9, v1;
	v9 =	vld.idx.msk [tilespmem:v15+s24+$0x0], $0xffff;
	v5 =	vadd.f32 v14, v5;
	v14 =	vadd.s32 $0x16E, v0  }
0x257: {  	v52 =	vpop (erf);
	v13 =	vadd.f32 $4.538581970e-01, v60;
	v15 =	vld.idx.msk [tilespmem:v61+s24+$0x0], $0xffff;
	v4 =	vadd.f32 v11, v4;
	v11 =	vadd.s32 $0x15F, v0  }
0x258: {  	v10 =	vld.idx.msk [tilespmem:v10+s24+$0x0], $0xffff;
	v60 =	vpop (erf);
	v1 =	vsub.f32 $0.0e+00, v1;
	v5 =	vadd.f32 v12, v5;
	v12 =	vadd.s32 $0x16F, v0  }
0x259: {  	v63 =	vadd.s32 $0x182, v0;
	v7 =	vld.idx.msk [tilespmem:v7+s24+$0x0], $0xffff;
	v60 =	vadd.f32 $1.000000000e+00, v60;
	v4 =	vadd.f32 v57, v4  }
0x25a: {  	v57 =	vadd.s32 $0x170, v0;
	v1 =	vmul.f32 $1.442695020e+00, v1;
	v8 =	vld.idx.msk [tilespmem:v8+s24+$0x0], $0xffff;
	v5 =	vadd.f32 v59, v5  }
0x25b: {  	v59 =	vadd.s32 $0x180, v0;
	(erf) = vrcp.f32 v60;
	v4 =	vadd.f32 v58, v4;
	v14 =	vld.idx.msk [tilespmem:v14+s24+$0x0], $0xffff  }
0x25c: {  	v58 =	vadd.s32 $0x181, v0;
	(erf) = vpow2.f32 v1;
	v1 =	vld.idx.msk [tilespmem:v11+s24+$0x0], $0xffff;
	v5 =	vadd.f32 v15, v5  }
0x25d: {  	v61 =	vadd.s32 $0x171, v0;
	v4 =	vadd.f32 v6, v4;
	v62 =	vld.idx.msk [tilespmem:v12+s24+$0x0], $0xffff  }
0x25e: {  	v51 =	vsub.f32 $1.000000000e+00, v51;
	v11 =	vadd.s32 $0x184, v0;
	v12 =	vld.idx.msk [tilespmem:v63+s24+$0x0], $0xffff;
	v5 =	vadd.f32 v10, v5  }
0x25f: {  	v13 =	vmul.f32 v13, v53;
	v60 =	vadd.s32 $0x172, v0;
	v10 =	vld.idx.msk [tilespmem:v57+s24+$0x0], $0xffff;
	v4 =	vadd.f32 v9, v4  }
0x260: {  	v15 =	vshra.s32 v56, $0x17;
	v9 =	vld.idx.msk [tilespmem:v59+s24+$0x0], $0xffff;
	v59 =	vadd.s32 $0x183, v0;
	v5 =	vadd.f32 v14, v5  }
0x261: {  	v56 =	vadd.f32 $1.000000010e-10, v51;
	v6 =	vadd.s32 $0x174, v0;
	v58 =	vld.idx.msk [tilespmem:v58+s24+$0x0], $0xffff;
	v4 =	vadd.f32 v7, v4  }
0x262: {  	v13 =	vadd.f32 $-7.169875500e-01, v13;
	v14 =	vadd.s32 $0x173, v0;
	v7 =	vld.idx.msk [tilespmem:v61+s24+$0x0], $0xffff;
	v5 =	vadd.f32 v62, v5  }
0x263: {  	v51 =	vand.u32 $0x7FFFFF, v56;
	v57 =	vadd.s32 $0x185, v0;
	v11 =	vld.idx.msk [tilespmem:v11+s24+$0x0], $0xffff;
	v4 =	vadd.f32 v8, v4  }
0x264: {  	v54 =	vsub.f32 $1.000000000e+00, v54;
	v8 =	vld.idx.msk [tilespmem:v60+s24+$0x0], $0xffff;
	v5 =	vadd.f32 v10, v5;
	v10 =	vadd.s32 $0x175, v0  }
0x265: {  	v13 =	vmul.f32 v13, v53;
	v15 =	vadd.s32 $0xFFFFFF81, v15;
	v60 =	vor.u32 $0x3F800000, v51;
	v59 =	vld.idx.msk [tilespmem:v59+s24+$0x0], $0xffff  }
0x266: {  	v6 =	vld.idx.msk [tilespmem:v6+s24+$0x0], $0xffff;
	v51 =	vpop (erf);
	v60 =	vadd.f32 $-1.000000000e+00, v60;
	v9 =	vadd.f32 v58, v9;
	v58 =	vadd.s32 $0x186, v0  }
0x267: {  	v1 =	vadd.f32 v1, v4;
	v14 =	vld.idx.msk [tilespmem:v14+s24+$0x0], $0xffff;
	v5 =	vadd.f32 v7, v5;
	v7 =	vadd.s32 $0x176, v0;
	v4 =	vpop (erf)  }
0x268: {  	v61 =	vadd.s32 $0x187, v0;
	v57 =	vld.idx.msk [tilespmem:v57+s24+$0x0], $0xffff;
	v9 =	vadd.f32 v12, v9;
	v4 =	vadd.f32 $1.000000000e+00, v4  }
0x269: {  	v1 =	vsub.f32 $0.0e+00, v1;
	v5 =	vadd.f32 v8, v5;
	v8 =	vld.idx.msk [tilespmem:v10+s24+$0x0], $0xffff;
	v10 =	vadd.s32 $0x188, v0  }
0x26a: {  	v9 =	vadd.f32 v59, v9;
	(erf) = vrcp.f32 v4;
	v4 =	vadd.s32 $0x177, v0  }
0x26b: {  	v13 =	vadd.f32 $1.442395570e+00, v13;
	v62 =	vmul.f32 $2.482598460e-02, v60;
	v1 =	vmul.f32 $1.442695020e+00, v1;
	v58 =	vld.idx.msk [tilespmem:v58+s24+$0x0], $0xffff  }
0x26c: {  	v5 =	vadd.f32 v14, v5;
	v7 =	vld.idx.msk [tilespmem:v7+s24+$0x0], $0xffff;
	v9 =	vadd.f32 v11, v9;
	v11 =	vadd.s32 $0x189, v0  }
0x26d: {  	v63 =	vsub.f32 $1.179068610e-01, v62;
	v59 =	vmul.f32 v13, v53;
	(erf) = vpow2.f32 v1;
	v1 =	vld.idx.msk [tilespmem:v61+s24+$0x0], $0xffff  }
0x26e: {  	v5 =	vadd.f32 v6, v5;
	v57 =	vadd.f32 v57, v9;
	v9 =	vadd.s32 $0x18A, v0;
	v10 =	vld.idx.msk [tilespmem:v10+s24+$0x0], $0xffff  }
0x26f: {  	v61 =	vmul.f32 v63, v60;
	v63 =	vadd.s32 $0x198, v0;
	v12 =	vadd.f32 $5.060328020e-06, v59;
	v4 =	vld.idx.msk [tilespmem:v4+s24+$0x0], $0xffff  }
0x270: {  	v62 =	vadd.s32 $0x18B, v0;
	v5 =	vadd.f32 v8, v5;
	v6 =	vadd.f32 v58, v57  }
0x271: {  	v59 =	vadd.s32 $0x19D, v0;
	v13 =	vadd.f32 $-2.723558250e-01, v61;
	v57 =	vadd.s32 $0x199, v0;
	v11 =	vld.idx.msk [tilespmem:v11+s24+$0x0], $0xffff  }
0x272: {  	v5 =	vadd.f32 v7, v5;
	v1 =	vadd.f32 v1, v6;
	v6 =	vadd.s32 $0x18C, v0  }
0x273: {  	v61 =	vcvt.s32.f32 v15;
	v15 =	vadd.s32 $0x19A, v0;
	v13 =	vmul.f32 v13, v60;
	v9 =	vld.idx.msk [tilespmem:v9+s24+$0x0], $0xffff  }
0x274: {  	v8 =	vld.idx.msk [tilespmem:v63+s24+$0x0], $0xffff;
	v1 =	vadd.f32 v10, v1;
	v10 =	vadd.s32 $0x18D, v0;
	v4 =	vadd.f32 v4, v5  }
0x275: {  	v7 =	vadd.f32 v61, v12;
	v53 =	vpop (erf);
	v5 =	vld.idx.msk [tilespmem:v62+s24+$0x0], $0xffff;
	v62 =	vadd.f32 $4.538581970e-01, v13;
	v13 =	vadd.s32 $0x19B, v0  }
0x276: {  	v61 =	vadd.s32 $0x18E, v0;
	v63 =	vpop (erf);
	v57 =	vld.idx.msk [tilespmem:v57+s24+$0x0], $0xffff;
	v1 =	vadd.f32 v11, v1;
	v4 =	vsub.f32 $0.0e+00, v4  }
0x277: {  	v14 =	vadd.f32 $1.000000000e+00, v63;
	v12 =	vmul.f32 v62, v60;
	v6 =	vld.idx.msk [tilespmem:v6+s24+$0x0], $0xffff;
	v62 =	vadd.s32 $0x19C, v0  }
0x278: {  	v15 =	vld.idx.msk [tilespmem:v15+s24+$0x0], $0xffff;
	v63 =	vadd.s32 $0x18F, v0;
	v1 =	vadd.f32 v9, v1;
	v4 =	vmul.f32 $1.442695020e+00, v4  }
0x279: {  	v7 =	vmul.f32 $6.931471820e-01, v7;
	(erf) = vrcp.f32 v14;
	v10 =	vld.idx.msk [tilespmem:v10+s24+$0x0], $0xffff;
	v12 =	vadd.f32 $-7.169875500e-01, v12  }
0x27a: {  	v11 =	vadd.s32 $0x19E, v0;
	v1 =	vadd.f32 v5, v1;
	(erf) = vpow2.f32 v4;
	v4 =	vld.idx.msk [tilespmem:v13+s24+$0x0], $0xffff  }
0x27b: {  	v5 =	vadd.f32 v7, v55;
	v7 =	vld.idx.msk [tilespmem:v61+s24+$0x0], $0xffff;
	v8 =	vadd.f32 v57, v8;
	v12 =	vmul.f32 v12, v60  }
0x27c: {  	v61 =	vadd.s32 $0x19F, v0;
	v57 =	vadd.f32 $1.000000010e-10, v54;
	v1 =	vadd.f32 v6, v1;
	v6 =	vld.idx.msk [tilespmem:v62+s24+$0x0], $0xffff  }
0x27d: {  	v9 =	vld.idx.msk [tilespmem:v63+s24+$0x0], $0xffff;
	v8 =	vadd.f32 v15, v8;
	v15 =	vadd.s32 $0x1A0, v0;
	v12 =	vadd.f32 $1.442395570e+00, v12  }
0x27e: {  	v63 =	vadd.s32 $0x1B0, v0;
	v13 =	vadd.s32 $0x1A2, v0;
	v1 =	vadd.f32 v10, v1;
	v10 =	vld.idx.msk [tilespmem:v59+s24+$0x0], $0xffff  }
0x27f: {  	v54 =	vand.u32 $0x7FFFFF, v57;
	v12 =	vmul.f32 v12, v60;
	v4 =	vadd.f32 v4, v8  }
0x280: {  	v60 =	vor.u32 $0x3F800000, v54;
	v1 =	vadd.f32 v7, v1;
	v7 =	vld.idx.msk [tilespmem:v11+s24+$0x0], $0xffff;
	v11 =	vadd.s32 $0x1B1, v0  }
0x281: {  	v62 =	vadd.s32 $0x1A1, v0;
	v58 =	vadd.f32 $-1.000000000e+00, v60;
	v4 =	vadd.f32 v6, v4;
	v6 =	vld.idx.msk [tilespmem:v61+s24+$0x0], $0xffff  }
0x282: {  	v54 =	vpop (erf);
	v1 =	vadd.f32 v9, v1;
	v9 =	vld.idx.msk [tilespmem:v15+s24+$0x0], $0xffff;
	v15 =	vadd.s32 $0x1B2, v0  }
0x283: {  	v14 =	vadd.s32 $0x1A3, v0;
	v8 =	vld.idx.msk [tilespmem:v63+s24+$0x0], $0xffff;
	v60 =	vmul.f32 $2.482598460e-02, v58;
	v61 =	vpop (erf);
	v4 =	vadd.f32 v10, v4  }
0x284: {  	v59 =	vadd.s32 $0x1B3, v0;
	v13 =	vld.idx.msk [tilespmem:v13+s24+$0x0], $0xffff;
	v1 =	vsub.f32 $0.0e+00, v1;
	v55 =	vadd.f32 $1.000000000e+00, v61  }
0x285: {  	v60 =	vsub.f32 $1.179068610e-01, v60;
	v11 =	vld.idx.msk [tilespmem:v11+s24+$0x0], $0xffff;
	v4 =	vadd.f32 v7, v4;
	v7 =	vadd.s32 $0x1A4, v0  }
0x286: {  	v10 =	vld.idx.msk [tilespmem:v62+s24+$0x0], $0xffff;
	v1 =	vmul.f32 $1.442695020e+00, v1;
	(erf) = vrcp.f32 v55;
	v55 =	vadd.s32 $0x1B4, v0  }
0x287: {  	v15 =	vld.idx.msk [tilespmem:v15+s24+$0x0], $0xffff;
	v4 =	vadd.f32 v6, v4;
	v6 =	vadd.s32 $0x1A5, v0  }
0x288: {  	v60 =	vmul.f32 v60, v58;
	(erf) = vpow2.f32 v1;
	v1 =	vld.idx.msk [tilespmem:v14+s24+$0x0], $0xffff;
	v14 =	vadd.s32 $0x1B5, v0  }
0x289: {  	v56 =	vshra.s32 v56, $0x17;
	v59 =	vld.idx.msk [tilespmem:v59+s24+$0x0], $0xffff;
	v4 =	vadd.f32 v9, v4;
	v9 =	vadd.s32 $0x1A6, v0  }
0x28a: {  	v60 =	vadd.f32 $-2.723558250e-01, v60;
	v8 =	vadd.f32 v11, v8;
	v11 =	vadd.s32 $0x1B6, v0;
	v7 =	vld.idx.msk [tilespmem:v7+s24+$0x0], $0xffff  }
0x28b: {  	v56 =	vadd.s32 $0xFFFFFF81, v56;
	v4 =	vadd.f32 v10, v4;
	v10 =	vadd.s32 $0x1A7, v0;
	v55 =	vld.idx.msk [tilespmem:v55+s24+$0x0], $0xffff  }
0x28c: {  	v60 =	vmul.f32 v60, v58;
	v8 =	vadd.f32 v15, v8;
	v15 =	vadd.s32 $0x1B7, v0;
	v6 =	vld.idx.msk [tilespmem:v6+s24+$0x0], $0xffff  }
0x28d: {  	v56 =	vcvt.s32.f32 v56;
	v4 =	vadd.f32 v13, v4;
	v13 =	vld.idx.msk [tilespmem:v14+s24+$0x0], $0xffff;
	v14 =	vadd.s32 $0x1B8, v0  }
0x28e: {  	v60 =	vadd.f32 $4.538581970e-01, v60;
	v8 =	vadd.f32 v59, v8;
	v59 =	vadd.s32 $0x1C8, v0;
	v9 =	vld.idx.msk [tilespmem:v9+s24+$0x0], $0xffff  }
0x28f: {  	v12 =	vadd.f32 $5.060328020e-06, v12;
	v62 =	vadd.s32 $0x1C9, v0;
	v1 =	vadd.f32 v1, v4;
	v4 =	vld.idx.msk [tilespmem:v11+s24+$0x0], $0xffff  }
0x290: {  	v63 =	vadd.s32 $0x1B9, v0;
	v61 =	vmul.f32 v60, v58;
	v10 =	vld.idx.msk [tilespmem:v10+s24+$0x0], $0xffff;
	v8 =	vadd.f32 v55, v8  }
0x291: {  	v12 =	vadd.f32 v56, v12;
	v1 =	vadd.f32 v7, v1;
	v7 =	vld.idx.msk [tilespmem:v15+s24+$0x0], $0xffff;
	v15 =	vadd.s32 $0x1CA, v0  }
0x292: {  	v55 =	vadd.f32 $-7.169875500e-01, v61;
	v8 =	vadd.f32 v13, v8;
	v13 =	vld.idx.msk [tilespmem:v14+s24+$0x0], $0xffff;
	v14 =	vadd.s32 $0x1BA, v0  }
0x293: {  	v12 =	vmul.f32 $6.931471820e-01, v12;
	v1 =	vadd.f32 v6, v1;
	v6 =	vld.idx.msk [tilespmem:v59+s24+$0x0], $0xffff;
	v59 =	vadd.s32 $0x1CB, v0  }
0x294: {  	v52 =	vsub.f32 $1.000000000e+00, v52;
	v56 =	vadd.s32 $0x1CC, v0;
	v11 =	vld.idx.msk [tilespmem:v62+s24+$0x0], $0xffff;
	v4 =	vadd.f32 v4, v8  }
0x295: {  	v5 =	vadd.f32 v12, v5;
	v8 =	vadd.s32 $0x1BB, v0;
	v1 =	vadd.f32 v9, v1;
	v9 =	vld.idx.msk [tilespmem:v63+s24+$0x0], $0xffff  }
0x296: {  	v12 =	vmul.f32 v55, v58;
	v55 =	vpop (erf);
	v4 =	vadd.f32 v7, v4;
	v7 =	vadd.s32 $0x1BC, v0;
	v15 =	vld.idx.msk [tilespmem:v15+s24+$0x0], $0xffff  }
0x297: {  	v61 =	vadd.f32 $1.000000010e-10, v52;
	v60 =	vpop (erf);
	v1 =	vadd.f32 v10, v1;
	v10 =	vld.idx.msk [tilespmem:v14+s24+$0x0], $0xffff;
	v14 =	vadd.s32 $0x1CD, v0  }
0x298: {  	v60 =	vadd.f32 $1.000000000e+00, v60;
	v4 =	vadd.f32 v13, v4;
	v13 =	vadd.s32 $0x1BD, v0;
	v52 =	vld.idx.msk [tilespmem:v59+s24+$0x0], $0xffff  }
0x299: {  	v56 =	vld.idx.msk [tilespmem:v56+s24+$0x0], $0xffff;
	v62 =	vadd.s32 $0x1BE, v0;
	v6 =	vadd.f32 v11, v6;
	v11 =	vadd.s32 $0x1CE, v0  }
0x29a: {  	v63 =	vand.u32 $0x7FFFFF, v61;
	(erf) = vrcp.f32 v60;
	v8 =	vld.idx.msk [tilespmem:v8+s24+$0x0], $0xffff;
	v1 =	vsub.f32 $0.0e+00, v1  }
0x29b: {  	v4 =	vadd.f32 v9, v4;
	v7 =	vld.idx.msk [tilespmem:v7+s24+$0x0], $0xffff;
	v6 =	vadd.f32 v15, v6;
	v15 =	vadd.s32 $0x1CF, v0  }
0x29c: {  	v60 =	vadd.s32 $0x1BF, v0;
	v59 =	vor.u32 $0x3F800000, v63;
	v1 =	vmul.f32 $1.442695020e+00, v1;
	v14 =	vld.idx.msk [tilespmem:v14+s24+$0x0], $0xffff  }
0x29d: {  	v4 =	vadd.f32 v10, v4;
	v13 =	vld.idx.msk [tilespmem:v13+s24+$0x0], $0xffff;
	v6 =	vadd.f32 v52, v6;
	v52 =	vadd.s32 $0x1D0, v0  }
0x29e: {  	(erf) = vpow2.f32 v1;
	v1 =	vadd.f32 $1.442395570e+00, v12;
	v12 =	vadd.f32 $-1.000000000e+00, v59;
	v11 =	vld.idx.msk [tilespmem:v11+s24+$0x0], $0xffff  }
0x29f: {  	v9 =	vadd.s32 $0x1D1, v0;
	v4 =	vadd.f32 v8, v4;
	v8 =	vld.idx.msk [tilespmem:v62+s24+$0x0], $0xffff;
	v6 =	vadd.f32 v56, v6  }
0x2a0: {  	v62 =	vshra.s32 v57, $0x17;
	v1 =	vmul.f32 v1, v58;
	v63 =	vmul.f32 $2.482598460e-02, v12;
	v15 =	vld.idx.msk [tilespmem:v15+s24+$0x0], $0xffff  }
0x2a1: {  	v56 =	vadd.s32 $0xFFFFFF81, v62;
	v4 =	vadd.f32 v7, v4;
	v7 =	vld.idx.msk [tilespmem:v60+s24+$0x0], $0xffff;
	v6 =	vadd.f32 v14, v6  }
0x2a2: {  	v62 =	vadd.s32 $0x1D2, v0;
	v60 =	vsub.f32 $1.179068610e-01, v63;
	v14 =	vld.idx.msk [tilespmem:v52+s24+$0x0], $0xffff;
	v52 =	vcvt.s32.f32 v56  }
0x2a3: {  	v63 =	vadd.s32 $0x1D3, v0;
	v4 =	vadd.f32 v13, v4;
	v6 =	vadd.f32 v11, v6  }
0x2a4: {  	v9 =	vld.idx.msk [tilespmem:v9+s24+$0x0], $0xffff;
	v1 =	vadd.f32 $5.060328020e-06, v1;
	v10 =	vmul.f32 v60, v12;
	v60 =	vadd.s32 $0x1E0, v0  }
0x2a5: {  	v4 =	vadd.f32 v8, v4;
	v8 =	vadd.s32 $0x1E1, v0;
	v6 =	vadd.f32 v15, v6  }
0x2a6: {  	v1 =	vadd.f32 v52, v1;
	v52 =	vpop (erf)  }
0x2a7: {  	v4 =	vadd.f32 v7, v4;
	v7 =	vld.idx.msk [tilespmem:v62+s24+$0x0], $0xffff;
	v62 =	vadd.s32 $0x1E2, v0;
	v15 =	vpop (erf);
	v6 =	vadd.f32 v14, v6  }
0x2a8: {  	v11 =	vld.idx.msk [tilespmem:v63+s24+$0x0], $0xffff;
	v63 =	vadd.s32 $0x1D5, v0;
	v15 =	vadd.f32 $1.000000000e+00, v15  }
0x2a9: {  	v4 =	vsub.f32 $0.0e+00, v4;
	v6 =	vadd.f32 v9, v6;
	v9 =	vld.idx.msk [tilespmem:v60+s24+$0x0], $0xffff;
	v60 =	vadd.s32 $0x1E3, v0  }
0x2aa: {  	v13 =	vadd.s32 $0x1D4, v0;
	v8 =	vld.idx.msk [tilespmem:v8+s24+$0x0], $0xffff  }
0x2ab: {  	(erf) = vrcp.f32 v15;
	v4 =	vmul.f32 $1.442695020e+00, v4;
	v15 =	vadd.s32 $0x1E4, v0  }
0x2ac: {  	v6 =	vadd.f32 v7, v6;
	v7 =	vld.idx.msk [tilespmem:v62+s24+$0x0], $0xffff  }
0x2ad: {  	v51 =	vsub.f32 $1.000000000e+00, v51;
	v14 =	vadd.s32 $0x1E5, v0;
	(erf) = vpow2.f32 v4;
	v4 =	vld.idx.msk [tilespmem:v63+s24+$0x0], $0xffff  }
0x2ae: {  	v53 =	vsub.f32 $1.000000000e+00, v53;
	v10 =	vadd.f32 $-2.723558250e-01, v10;
	v63 =	vadd.s32 $0x1D6, v0;
	v56 =	vld.idx.msk [tilespmem:v60+s24+$0x0], $0xffff  }
0x2af: {  	v51 =	vadd.f32 $1.000000010e-10, v51;
	v13 =	vld.idx.msk [tilespmem:v13+s24+$0x0], $0xffff;
	v8 =	vadd.f32 v8, v9;
	v9 =	vadd.s32 $0x1E6, v0  }
0x2b0: {  	v53 =	vadd.f32 $1.000000010e-10, v53;
	v54 =	vsub.f32 $1.000000000e+00, v54;
	v10 =	vmul.f32 v10, v12;
	v15 =	vld.idx.msk [tilespmem:v15+s24+$0x0], $0xffff  }
0x2b1: {  	v62 =	vand.u32 $0x7FFFFF, v51;
	v7 =	vadd.f32 v7, v8;
	v8 =	vadd.s32 $0x1E7, v0  }
0x2b2: {  	v10 =	vadd.f32 $4.538581970e-01, v10;
	v57 =	vor.u32 $0x3F800000, v62;
	v62 =	vld.idx.msk [tilespmem:v14+s24+$0x0], $0xffff;
	v60 =	vadd.s32 $0x1D7, v0  }
0x2b3: {  	v6 =	vadd.f32 v11, v6;
	v11 =	vld.idx.msk [tilespmem:v63+s24+$0x0], $0xffff;
	v63 =	vadd.s32 $0x1E8, v0;
	v7 =	vadd.f32 v56, v7  }
0x2b4: {  	v1 =	vmul.f32 $6.931471820e-01, v1;
	v10 =	vmul.f32 v10, v12;
	v57 =	vadd.f32 $-1.000000000e+00, v57;
	v9 =	vld.idx.msk [tilespmem:v9+s24+$0x0], $0xffff  }
0x2b5: {  	v6 =	vadd.f32 v13, v6;
	v7 =	vadd.f32 v15, v7;
	v15 =	vadd.s32 $0x1E9, v0  }
0x2b6: {  	v1 =	vadd.f32 v1, v5;
	v10 =	vadd.f32 $-7.169875500e-01, v10;
	v5 =	vmul.f32 $2.482598460e-02, v57;
	v8 =	vld.idx.msk [tilespmem:v8+s24+$0x0], $0xffff  }
0x2b7: {  	v4 =	vadd.f32 v4, v6;
	v13 =	vld.idx.msk [tilespmem:v60+s24+$0x0], $0xffff;
	v6 =	vadd.f32 v62, v7;
	v7 =	vadd.s32 $0x1EA, v0  }
0x2b8: {  	v54 =	vadd.f32 $1.000000010e-10, v54;
	v10 =	vmul.f32 v10, v12;
	v5 =	vsub.f32 $1.179068610e-01, v5;
	v62 =	vld.idx.msk [tilespmem:v63+s24+$0x0], $0xffff  }
0x2b9: {  	v60 =	vshra.s32 v61, $0x17;
	v63 =	vadd.s32 $0x1EB, v0;
	v6 =	vadd.f32 v9, v6  }
0x2ba: {  	v10 =	vadd.f32 $1.442395570e+00, v10;
	v61 =	vand.u32 $0x7FFFFF, v53;
	v56 =	vadd.s32 $0xFFFFFF81, v60;
	v15 =	vld.idx.msk [tilespmem:v15+s24+$0x0], $0xffff  }
0x2bb: {  	v60 =	vadd.s32 $0x1EC, v0;
	v4 =	vadd.f32 v11, v4;
	v6 =	vadd.f32 v8, v6  }
0x2bc: {  	v5 =	vmul.f32 v5, v57;
	v10 =	vmul.f32 v10, v12;
	v12 =	vor.u32 $0x3F800000, v61;
	v7 =	vld.idx.msk [tilespmem:v7+s24+$0x0], $0xffff  }
0x2bd: {  	v61 =	vadd.s32 $0x1ED, v0;
	v4 =	vadd.f32 v13, v4;
	v6 =	vadd.f32 v62, v6  }
0x2be: {  	v14 =	vpop (erf);
	v5 =	vadd.f32 $-2.723558250e-01, v5;
	v12 =	vadd.f32 $-1.000000000e+00, v12;
	v9 =	vld.idx.msk [tilespmem:v63+s24+$0x0], $0xffff  }
0x2bf: {  	v59 =	vpop (erf);
	v4 =	vsub.f32 $0.0e+00, v4;
	v6 =	vadd.f32 v15, v6;
	v15 =	vadd.s32 $0x1EE, v0  }
0x2c0: {  	v10 =	vadd.f32 $5.060328020e-06, v10;
	v5 =	vmul.f32 v5, v57;
	v13 =	vadd.f32 $1.000000000e+00, v59;
	v8 =	vld.idx.msk [tilespmem:v60+s24+$0x0], $0xffff  }
0x2c1: {  	v4 =	vmul.f32 $1.442695020e+00, v4;
	v63 =	vadd.s32 $0x1EF, v0;
	v6 =	vadd.f32 v7, v6  }
0x2c2: {  	v5 =	vadd.f32 $4.538581970e-01, v5;
	v11 =	vld.idx.msk [tilespmem:v61+s24+$0x0], $0xffff;
	(erf) = vrcp.f32 v13;
	v62 =	vmul.f32 $2.482598460e-02, v12  }
0x2c3: {  	(erf) = vpow2.f32 v4;
	v4 =	vand.u32 $0x7FFFFF, v54;
	v6 =	vadd.f32 v9, v6  }
0x2c4: {  	v56 =	vcvt.s32.f32 v56;
	v13 =	vsub.f32 $1.179068610e-01, v62;
	v4 =	vor.u32 $0x3F800000, v4;
	v15 =	vld.idx.msk [tilespmem:v15+s24+$0x0], $0xffff  }
0x2c5: {  	v5 =	vmul.f32 v5, v57;
	v4 =	vadd.f32 $-1.000000000e+00, v4;
	v6 =	vadd.f32 v8, v6  }
0x2c6: {  	v10 =	vadd.f32 v56, v10;
	v13 =	vmul.f32 v13, v12;
	v7 =	vld.idx.msk [tilespmem:v63+s24+$0x0], $0xffff  }
0x2c7: {  	v5 =	vadd.f32 $-7.169875500e-01, v5;
	v59 =	vmul.f32 $2.482598460e-02, v4;
	v6 =	vadd.f32 v11, v6  }
0x2c8: {  	v10 =	vmul.f32 $6.931471820e-01, v10;
	v58 =	vadd.f32 $-2.723558250e-01, v13  }
0x2c9: {  	v5 =	vmul.f32 v5, v57;
	v61 =	vsub.f32 $1.179068610e-01, v59;
	v6 =	vadd.f32 v15, v6  }
0x2ca: {  	v1 =	vadd.f32 v10, v1;
	v62 =	vsub.f32 $1.000000000e+00, v55;
	v60 =	vmul.f32 v58, v12  }
0x2cb: {  	v5 =	vadd.f32 $1.442395570e+00, v5;
	v9 =	vmul.f32 v61, v4;
	v6 =	vadd.f32 v7, v6  }
0x2cc: {  	v51 =	vshra.s32 v51, $0x17;
	v13 =	vpop (erf);
	v8 =	vadd.f32 $4.538581970e-01, v60;
	v11 =	vadd.f32 $1.000000010e-10, v62  }
0x2cd: {  	v55 =	vadd.s32 $0xFFFFFF81, v51;
	v63 =	vpop (erf);
	v9 =	vadd.f32 $-2.723558250e-01, v9;
	v6 =	vsub.f32 $0.0e+00, v6  }
0x2ce: {  	v8 =	vmul.f32 v8, v12;
	v15 =	vand.u32 $0x7FFFFF, v11;
	v7 =	vadd.f32 $1.000000000e+00, v63  }
0x2cf: {  	v9 =	vmul.f32 v9, v4;
	v15 =	vor.u32 $0x3F800000, v15;
	v6 =	vmul.f32 $1.442695020e+00, v6  }
0x2d0: {  	v5 =	vmul.f32 v5, v57;
	v15 =	vadd.f32 $-1.000000000e+00, v15;
	(erf) = vrcp.f32 v7  }
0x2d1: {  	v8 =	vadd.f32 $-7.169875500e-01, v8;
	v9 =	vadd.f32 $4.538581970e-01, v9;
	(erf) = vpow2.f32 v6  }
0x2d2: {  	v5 =	vadd.f32 $5.060328020e-06, v5;
	v61 =	vsub.f32 $1.000000000e+00, v52;
	v56 =	vmul.f32 $2.482598460e-02, v15  }
0x2d3: {  	v62 =	vshra.s32 v54, $0x17;
	v8 =	vmul.f32 v8, v12;
	v9 =	vmul.f32 v9, v4  }
0x2d4: {  	v54 =	vsub.f32 $1.000000000e+00, v14;
	v7 =	vcvt.s32.f32 v55;
	v51 =	vsub.f32 $1.179068610e-01, v56  }
0x2d5: {  	v60 =	vshra.s32 v53, $0x17;
	v57 =	vadd.f32 $1.442395570e+00, v8;
	v58 =	vadd.f32 $-7.169875500e-01, v9  }
0x2d6: {  	v11 =	vshra.s32 v11, $0x17;
	v5 =	vadd.f32 v7, v5;
	v59 =	vmul.f32 v51, v15  }
0x2d7: {  	v11 =	vadd.s32 $0xFFFFFF81, v11;
	v6 =	vmul.f32 v57, v12;
	v8 =	vmul.f32 v58, v4  }
0x2d8: {  	v9 =	vadd.s32 $0xFFFFFF81, v60;
	v5 =	vmul.f32 $6.931471820e-01, v5;
	v7 =	vadd.f32 $-2.723558250e-01, v59  }
0x2d9: {  	v9 =	vcvt.s32.f32 v9;
	v6 =	vadd.f32 $5.060328020e-06, v6;
	v8 =	vadd.f32 $1.442395570e+00, v8;
	v63 =	vpop (erf)  }
0x2da: {  	v56 =	vsub.f32 $1.000000000e+00, v13;
	v1 =	vadd.f32 v5, v1;
	v5 =	vmul.f32 v7, v15;
	v51 =	vpop (erf)  }
0x2db: {  	v6 =	vadd.f32 v9, v6;
	v4 =	vmul.f32 v8, v4;
	v10 =	vadd.f32 $1.000000000e+00, v51  }
0x2dc: {  	v9 =	vadd.s32 $0xFFFFFF81, v62;
	v7 =	vadd.f32 $1.000000010e-10, v61;
	v5 =	vadd.f32 $4.538581970e-01, v5  }
0x2dd: {  	v9 =	vcvt.s32.f32 v9;
	v4 =	vadd.f32 $5.060328020e-06, v4;
	(erf) = vrcp.f32 v10  }
0x2de: {  	v12 =	vadd.f32 $1.000000010e-10, v56;
	v52 =	vand.u32 $0x7FFFFF, v7;
	v5 =	vmul.f32 v5, v15  }
0x2df: {  	v6 =	vmul.f32 $6.931471820e-01, v6;
	v53 =	vor.u32 $0x3F800000, v52;
	v4 =	vadd.f32 v9, v4  }
0x2e0: {  	v58 =	vand.u32 $0x7FFFFF, v12;
	v9 =	vadd.f32 $-1.000000000e+00, v53;
	v5 =	vadd.f32 $-7.169875500e-01, v5  }
0x2e1: {  	v1 =	vadd.f32 v6, v1;
	v6 =	vadd.f32 $1.000000010e-10, v54;
	v4 =	vmul.f32 $6.931471820e-01, v4  }
0x2e2: {  	v14 =	vor.u32 $0x3F800000, v58;
	v55 =	vmul.f32 $2.482598460e-02, v9;
	v5 =	vmul.f32 v5, v15  }
0x2e3: {  	v8 =	vsub.f32 $1.000000000e+00, v63;
	v1 =	vadd.f32 v4, v1;
	v4 =	vand.u32 $0x7FFFFF, v6  }
0x2e4: {  	v10 =	vsub.f32 $1.179068610e-01, v55;
	v5 =	vadd.f32 $1.442395570e+00, v5;
	v4 =	vor.u32 $0x3F800000, v4  }
0x2e5: {  	v11 =	vcvt.s32.f32 v11;
	v14 =	vadd.f32 $-1.000000000e+00, v14;
	v4 =	vadd.f32 $-1.000000000e+00, v4  }
0x2e6: {  	v8 =	vadd.f32 $1.000000010e-10, v8;
	v10 =	vmul.f32 v10, v9;
	v5 =	vmul.f32 v5, v15;
	v15 =	vpop (erf)  }
0x2e7: {  	v60 =	vmul.f32 $2.482598460e-02, v14;
	v57 =	vmul.f32 $2.482598460e-02, v4;
	v15 =	vsub.f32 $1.000000000e+00, v15  }
0x2e8: {  	v59 =	vand.u32 $0x7FFFFF, v8;
	v10 =	vadd.f32 $-2.723558250e-01, v10;
	v5 =	vadd.f32 $5.060328020e-06, v5  }
0x2e9: {  	v51 =	vor.u32 $0x3F800000, v59;
	v13 =	vsub.f32 $1.179068610e-01, v57;
	v15 =	vadd.f32 $1.000000010e-10, v15  }
0x2ea: {  	v7 =	vshra.s32 v7, $0x17;
	v51 =	vadd.f32 $-1.000000000e+00, v51;
	v10 =	vmul.f32 v10, v9  }
0x2eb: {  	v5 =	vadd.f32 v11, v5;
	v13 =	vmul.f32 v13, v4;
	v62 =	vand.u32 $0x7FFFFF, v15  }
0x2ec: {  	v11 =	vsub.f32 $1.179068610e-01, v60;
	v10 =	vadd.f32 $4.538581970e-01, v10;
	v53 =	vor.u32 $0x3F800000, v62  }
0x2ed: {  	v61 =	vmul.f32 $2.482598460e-02, v51;
	v13 =	vadd.f32 $-2.723558250e-01, v13;
	v53 =	vadd.f32 $-1.000000000e+00, v53  }
0x2ee: {  	v7 =	vadd.s32 $0xFFFFFF81, v7;
	v11 =	vmul.f32 v11, v14;
	v10 =	vmul.f32 v10, v9  }
0x2ef: {  	v52 =	vsub.f32 $1.179068610e-01, v61;
	v13 =	vmul.f32 v13, v4;
	v63 =	vmul.f32 $2.482598460e-02, v53  }
0x2f0: {  	v5 =	vmul.f32 $6.931471820e-01, v5;
	v57 =	vadd.f32 $-2.723558250e-01, v11;
	v10 =	vadd.f32 $-7.169875500e-01, v10  }
0x2f1: {  	v52 =	vmul.f32 v52, v51;
	v13 =	vadd.f32 $4.538581970e-01, v13;
	v60 =	vsub.f32 $1.179068610e-01, v63  }
0x2f2: {  	v1 =	vadd.f32 v5, v1;
	v5 =	vmul.f32 v10, v9;
	v10 =	vmul.f32 v57, v14  }
0x2f3: {  	v59 =	vadd.f32 $-2.723558250e-01, v52;
	v58 =	vmul.f32 v13, v4;
	v52 =	vmul.f32 v60, v53  }
0x2f4: {  	v7 =	vcvt.s32.f32 v7;
	v5 =	vadd.f32 $1.442395570e+00, v5;
	v61 =	vadd.f32 $4.538581970e-01, v10  }
0x2f5: {  	v13 =	vmul.f32 v59, v51;
	v11 =	vadd.f32 $-7.169875500e-01, v58;
	v52 =	vadd.f32 $-2.723558250e-01, v52  }
0x2f6: {  	v8 =	vshra.s32 v8, $0x17;
	v5 =	vmul.f32 v5, v9;
	v9 =	vmul.f32 v61, v14  }
0x2f7: {  	v63 =	vadd.f32 $4.538581970e-01, v13;
	v62 =	vmul.f32 v11, v4;
	v13 =	vmul.f32 v52, v53  }
0x2f8: {  	v6 =	vshra.s32 v6, $0x17;
	v5 =	vadd.f32 $5.060328020e-06, v5;
	v54 =	vadd.f32 $-7.169875500e-01, v9  }
0x2f9: {  	v11 =	vmul.f32 v63, v51;
	v10 =	vadd.f32 $1.442395570e+00, v62;
	v56 =	vadd.f32 $4.538581970e-01, v13  }
0x2fa: {  	v6 =	vadd.s32 $0xFFFFFF81, v6;
	v5 =	vadd.f32 v7, v5;
	v7 =	vmul.f32 v54, v14  }
0x2fb: {  	v55 =	vadd.f32 $-7.169875500e-01, v11;
	v4 =	vmul.f32 v10, v4;
	v10 =	vmul.f32 v56, v53  }
0x2fc: {  	v6 =	vcvt.s32.f32 v6;
	v5 =	vmul.f32 $6.931471820e-01, v5;
	v7 =	vadd.f32 $1.442395570e+00, v7  }
0x2fd: {  	v58 =	vshra.s32 v12, $0x17;
	v9 =	vmul.f32 v55, v51;
	v10 =	vadd.f32 $-7.169875500e-01, v10  }
0x2fe: {  	v4 =	vadd.f32 $5.060328020e-06, v4;
	v1 =	vadd.f32 v5, v1;
	v5 =	vmul.f32 v7, v14  }
0x2ff: {  	v7 =	vadd.s32 $0xFFFFFF81, v58;
	v9 =	vadd.f32 $1.442395570e+00, v9;
	v59 =	vmul.f32 v10, v53  }
0x300: {  	v7 =	vcvt.s32.f32 v7;
	v4 =	vadd.f32 v6, v4;
	v5 =	vadd.f32 $5.060328020e-06, v5  }
0x301: {  	v8 =	vadd.s32 $0xFFFFFF81, v8;
	v57 =	vmul.f32 v9, v51;
	v9 =	vadd.f32 $1.442395570e+00, v59  }
0x302: {  	v8 =	vcvt.s32.f32 v8;
	v4 =	vmul.f32 $6.931471820e-01, v4;
	v5 =	vadd.f32 v7, v5  }
0x303: {  	v61 =	vshra.s32 v15, $0x17;
	v6 =	vadd.f32 $5.060328020e-06, v57;
	v60 =	vmul.f32 v9, v53  }
0x304: {  	v62 =	vadd.s32 $0xFFFFFF81, v61;
	v1 =	vadd.f32 v4, v1;
	v5 =	vmul.f32 $6.931471820e-01, v5  }
0x305: {  	v4 =	vadd.f32 v8, v6;
	v6 =	vcvt.s32.f32 v62;
	v7 =	vadd.f32 $5.060328020e-06, v60;
	_ =	sdelay $0x1  }
0x306: {  	v1 =	vadd.f32 v5, v1;
	v4 =	vmul.f32 $6.931471820e-01, v4;
	v5 =	vadd.f32 v6, v7  }
0x307: {  	v63 =	vld [tilespmem:$0xC610]  }
0x308: {  	s28 =	sadd.s32 $0x1, s28;
	v1 =	vadd.f32 v4, v1;
	v4 =	vmul.f32 $6.931471820e-01, v5  }
0x309: {  	p0 =	sne.s32 s28, $0x20  }
.Ltmp1:
0x30a: {  	v1 =	vadd.f32 v4, v1;
	(pc) =	sbr.rel @p0 .LBB2_2-.Ltmp1, $3  }
0x30b: {  	_ = 	snop  }
0x30c: {  	v1 =	vadd.f32 v1, v63;
	_ =	sdelay $0x1  }
0x30d: {  	[tilespmem:$0xC610] =	vst v1  }
0x30e: {  	s0 =	simm.s32 $0x0;
	s1 =	rddreg [dreg:$0x2];
	s2 =	simm.s32 $0xC610  }
0x30f: {  	[hbm4b:s1+s0] =	stream.linear.scatter [tilespmem:s2], [sflag:$0x2], $0x10, $0x38;
	[tilespmem:$0xC620] =	vst v63  }
0x310: {  	_ =	swait.ge [sflag:s10], $0x10  }
0x311: {  	s30 =	rddreg [dreg:$0x4]  }
0x312: {  	s31 =	rddreg [dreg:$0x3];
	s1 =	sadd.s32 $0x1, s30  }
0x313: {  	p0 =	sne.s32 s1, s31  }
.Ltmp2:
0x314: {  	_ = 	snop;
	(pc) =	sbr.rel @p0 .LBB2_1-.Ltmp2, $3  }
0x315: {  	_ =	sdelay $0x1  }
0x316: {  	[sflag:s10] =	ssyncset.done $0x0  }
0x317: {  	[sflag:s10] =	ssyncadd.s32 $0xFFFFFFF0  }
0x318: {  	_ =	sfence.sel $0x180000  }
0x319: {  	[bflag:$0x0] =	sbarrier.arrive $0xFFFF  }
0x31a: {  	_ =	strace $0x90000047  }
0x31b: {  	s0 =	stileid.u32;
	[bflag:$0x2] =	sbarrier.arrive $0xFFFF  }
0x31c: {  	p0 =	sne.s32 s0, $0x0;
	s0 =	rddreg [dreg:$0x1]  }
0x31d: {  	s0 =	sadd.s32 @!p0 $0x100000, s0  }
0x31e: {  	[sflag:s0] =	ssyncadd.tile.s32 @!p0 $0x1;
	_ =	shalt  }
.Lfunc_end2:
_tile_overlayer_lowered:
.L_overlay_start_2:
0x31f: {  	(tag) =	ssettag $0x2  }
0x320: {  	s0 =	rddreg [dreg:$0x0];
	s2 =	stileid.u32  }
0x321: {  	s1 =	rddreg [dreg:$0x1];
	p0 =	sne.s32 s2, $0x0  }
0x322: {  	s3 =	rddreg [dreg:$0x2];
	[bflag:$0x3] =	sbarrier.arrive $0xFFFF;
	s2 =	simm.s32 @!p0 $0x1C02  }
0x323: {  	[timem:s3], [sflag:s2] =	dma.local @!p0 [hbm:s0], s1  }
0x324: {  	s0 =	simm.s32 @!p0 $0x2  }
0x325: {  	_ =	swait.ge @!p0 [sflag:s0], s1  }
0x326: {  	s1 =	ssub.s32 @!p0 $0x0, s1;
	[sflag:s0] =	ssyncset.done @!p0 $0x0  }
0x327: {  	[sflag:s0] =	ssyncadd.s32 @!p0 s1  }
0x328: {  	[bflag:$0x3] =	sbarrier.arrive $0xFFFF  }
0x329: {  	_ =	shalt  }

</sc_bundles>
